<compile_context>
chip_gen: v7x
topology: tpu7x:2x2x1
jax: 0.10.2.dev20260603
libtpu: 0.0.44.dev20260713+nightly
codegen_flags: <defaults>
</compile_context>

<pallas_src>
import jax
import jax.numpy as jnp
import numpy as np
from jax import lax
from jax.experimental import pallas as pl
from jax.experimental.pallas import tpu as pltpu
from jax.experimental.pallas import tpu_sc as plsc

F32 = jnp.float32

NC = 2
NS = 16
NW = NC * NS
LANE = 16
WIN = 128


def _sc_mesh():
    return plsc.VectorSubcoreMesh(
        core_axis_name="c", subcore_axis_name="s",
        num_cores=NC, num_subcores=NS)


def _deg_call(er, n_hist, uni):
    nwin = er.shape[1]
    rpt = n_hist // NS

    def body(er_hbm, deg_hbm, idx_v, ones_v, zbuf_v, hist_sh, sem0, sem1):
        c = lax.axis_index("c")
        s = lax.axis_index("s")
        wid = c * NS + s

        def _z(i, _):
            zbuf_v[pl.ds(i * LANE, LANE)] = jnp.zeros((LANE,), F32)
            return 0
        lax.fori_loop(0, rpt // LANE, _z, 0)
        for i in range(WIN // LANE):
            ones_v[pl.ds(i * LANE, LANE)] = jnp.ones((LANE,), F32)
        pltpu.sync_copy(zbuf_v, hist_sh.at[pl.ds(s * rpt, rpt)])
        pltpu.sync_copy(er_hbm.at[1, pl.ds(wid * uni, uni)], idx_v)
        plsc.subcore_barrier()

        def _w(i, _):
            w = 2 * i
            c0 = pltpu.async_copy(ones_v, hist_sh.at[idx_v.at[w]],
                                  sem0, add=True)
            c1 = pltpu.async_copy(ones_v, hist_sh.at[idx_v.at[w + 1]],
                                  sem1, add=True)
            c0.wait()
            c1.wait()
            return 0
        lax.fori_loop(0, uni // 2, _w, 0)
        t_base = NW * uni
        full_t = (nwin - t_base) // 8
        rem_w = nwin - t_base - full_t * 8
        if full_t:
            @pl.when(wid < full_t)
            def _():
                pltpu.sync_copy(er_hbm.at[1, pl.ds(t_base + 8 * wid, 8)],
                                idx_v.at[pl.ds(0, 8)])
                for w in range(8):
                    pltpu.sync_copy(ones_v, hist_sh.at[idx_v.at[w]],
                                    add=True)
        if rem_w:
            @pl.when(wid == full_t)
            def _():
                pltpu.sync_copy(
                    er_hbm.at[1, pl.ds(t_base + 8 * full_t, rem_w)],
                    idx_v.at[pl.ds(0, rem_w)])
                for w in range(rem_w):
                    pltpu.sync_copy(ones_v, hist_sh.at[idx_v.at[w]],
                                    add=True)
        plsc.subcore_barrier()
        pltpu.sync_copy(hist_sh.at[pl.ds(s * rpt, rpt)],
                        deg_hbm.at[c, pl.ds(s * rpt, rpt)])

    return pl.kernel(
        body,
        out_type=jax.ShapeDtypeStruct((NC, n_hist), F32),
        mesh=_sc_mesh(),
        scratch_types=[
            pltpu.VMEM((uni, WIN), jnp.int32),
            pltpu.VMEM((WIN,), F32),
            pltpu.VMEM((rpt,), F32),
            pltpu.VMEM_SHARED((n_hist,), F32),
            pltpu.SemaphoreType.DMA,
            pltpu.SemaphoreType.DMA,
        ],
    )(er)


def _scatter_call(hs, er, n_acc, uni, ch):
    d = hs.shape[1]
    nwin = er.shape[1]
    nch = uni // ch
    rpt = n_acc // NS

    def body(hs_hbm, er_hbm, p_hbm,
             ibs, ibd, rows0, rows1, acc_sh, gs0, gs1, ss0, ss1):
        c = lax.axis_index("c")
        s = lax.axis_index("s")
        wid = c * NS + s
        wb = wid * uni
        rows = (rows0, rows1)
        gsem = (gs0, gs1)
        ssem = (ss0, ss1)

        def _zr(i, _):
            def _zc(j, _):
                rows0[i, pl.ds(j * LANE, LANE)] = jnp.zeros((LANE,), F32)
                rows1[i, pl.ds(j * LANE, LANE)] = jnp.zeros((LANE,), F32)
                return 0
            lax.fori_loop(0, d // LANE, _zc, 0)
            return 0
        lax.fori_loop(0, WIN, _zr, 0)

        def _za(m, _):
            pltpu.sync_copy(rows0, acc_sh.at[pl.ds(s * rpt + m * WIN, WIN)])
            return 0
        lax.fori_loop(0, rpt // WIN, _za, 0)

        plsc.subcore_barrier()

        def _pipe_chunk(start, k):
            pltpu.sync_copy(er_hbm.at[0, pl.ds(start, k)],
                            ibs.at[pl.ds(0, k)])
            pltpu.sync_copy(er_hbm.at[1, pl.ds(start, k)],
                            ibd.at[pl.ds(0, k)])
            cps = [None, None]
            scs = [None, None]
            for w in range(k):
                p = w & 1
                if w >= 2:
                    scs[p].wait()
                cps[p] = pltpu.async_copy(
                    hs_hbm.at[ibs.at[w]], rows[p], gsem[p])
                if w >= 1:
                    cps[1 - p].wait()
                    scs[1 - p] = pltpu.async_copy(
                        rows[1 - p], acc_sh.at[ibd.at[w - 1]],
                        ssem[1 - p], add=True)
            pq = (k - 1) & 1
            cps[pq].wait()
            if k >= 2:
                scs[1 - pq].wait()
            sc = pltpu.async_copy(rows[pq], acc_sh.at[ibd.at[k - 1]],
                                  ssem[pq], add=True)
            sc.wait()

        def _chunk(cc, _):
            _pipe_chunk(wb + cc * ch, ch)
            return 0
        lax.fori_loop(0, nch, _chunk, 0)

        t_base = NW * uni
        full_t = (nwin - t_base) // 8
        rem_w = nwin - t_base - full_t * 8

        if full_t:
            @pl.when(wid < full_t)
            def _():
                _pipe_chunk(t_base + 8 * wid, 8)
        if rem_w:
            @pl.when(wid == full_t)
            def _():
                _pipe_chunk(t_base + 8 * full_t, rem_w)
        plsc.subcore_barrier()

        pltpu.sync_copy(acc_sh.at[pl.ds(s * rpt, rpt)],
                        p_hbm.at[c, pl.ds(s * rpt, rpt)])

    return pl.kernel(
        body,
        out_type=jax.ShapeDtypeStruct((NC, n_acc, d), F32),
        mesh=_sc_mesh(),
        scratch_types=[
            pltpu.VMEM((ch, WIN), jnp.int32),
            pltpu.VMEM((ch, WIN), jnp.int32),
            pltpu.VMEM((WIN, d), F32),
            pltpu.VMEM((WIN, d), F32),
            pltpu.VMEM_SHARED((n_acc, d), F32),
            pltpu.SemaphoreType.DMA,
            pltpu.SemaphoreType.DMA,
            pltpu.SemaphoreType.DMA,
            pltpu.SemaphoreType.DMA,
        ],
    )(hs, er)


_ROWS = 2000


def _mm_body(x_ref, w_ref, h_ref):
    h_ref[...] = jnp.dot(x_ref[...], w_ref[...], preferred_element_type=F32)


def _mm_call(x, W1):
    n, d = x.shape
    h = W1.shape[1]
    return pl.pallas_call(
        _mm_body,
        grid=(n // _ROWS,),
        in_specs=[
            pl.BlockSpec((_ROWS, d), lambda i: (i, 0)),
            pl.BlockSpec((d, h), lambda i: (0, 0)),
        ],
        out_specs=pl.BlockSpec((_ROWS, h), lambda i: (i, 0)),
        out_shape=jax.ShapeDtypeStruct((n, h), F32),
    )(x, W1)


def _comb_body(h_ref, d0_ref, d1_ref, hs_ref, dinv_ref):
    dinv = lax.rsqrt(d0_ref[...] + d1_ref[...] + 1.0)
    hs_ref[...] = h_ref[...] * dinv
    dinv_ref[...] = dinv


def _comb_call(h1, d0, d1):
    n, h = h1.shape
    return pl.pallas_call(
        _comb_body,
        grid=(n // _ROWS,),
        in_specs=[
            pl.BlockSpec((_ROWS, h), lambda i: (i, 0)),
            pl.BlockSpec((_ROWS, 1), lambda i: (i, 0)),
            pl.BlockSpec((_ROWS, 1), lambda i: (i, 0)),
        ],
        out_specs=[
            pl.BlockSpec((_ROWS, h), lambda i: (i, 0)),
            pl.BlockSpec((_ROWS, 1), lambda i: (i, 0)),
        ],
        out_shape=[
            jax.ShapeDtypeStruct((n, h), F32),
            jax.ShapeDtypeStruct((n, 1), F32),
        ],
    )(h1, d0, d1)


def _mid_body(p_ref, hs_ref, dinv_ref, b_ref, w_ref, hs2_ref):
    dinv = dinv_ref[...]
    z = jnp.maximum(
        dinv * (p_ref[0] + p_ref[1] + hs_ref[...]) + b_ref[...], 0.0)
    hs2_ref[...] = jnp.dot(z, w_ref[...], preferred_element_type=F32) * dinv


def _mid_call(P, hs1, dinv, b1, W2):
    n, h = hs1.shape
    return pl.pallas_call(
        _mid_body,
        grid=(n // _ROWS,),
        in_specs=[
            pl.BlockSpec((NC, _ROWS, h), lambda i: (0, i, 0)),
            pl.BlockSpec((_ROWS, h), lambda i: (i, 0)),
            pl.BlockSpec((_ROWS, 1), lambda i: (i, 0)),
            pl.BlockSpec((1, h), lambda i: (0, 0)),
            pl.BlockSpec((h, h), lambda i: (0, 0)),
        ],
        out_specs=pl.BlockSpec((_ROWS, h), lambda i: (i, 0)),
        out_shape=jax.ShapeDtypeStruct((n, h), F32),
    )(P, hs1, dinv, b1, W2)


def _fin_body(p_ref, hs_ref, dinv_ref, b_ref, o_ref):
    dinv = dinv_ref[...]
    o_ref[...] = jnp.maximum(
        dinv * (p_ref[0] + p_ref[1] + hs_ref[...]) + b_ref[...], 0.0)


def _fin_call(P, hs2, dinv, b2):
    n, h = hs2.shape
    return pl.pallas_call(
        _fin_body,
        grid=(n // _ROWS,),
        in_specs=[
            pl.BlockSpec((NC, _ROWS, h), lambda i: (0, i, 0)),
            pl.BlockSpec((_ROWS, h), lambda i: (i, 0)),
            pl.BlockSpec((_ROWS, 1), lambda i: (i, 0)),
            pl.BlockSpec((1, h), lambda i: (0, 0)),
        ],
        out_specs=pl.BlockSpec((_ROWS, h), lambda i: (i, 0)),
        out_shape=jax.ShapeDtypeStruct((n, h), F32),
    )(P, hs2, dinv, b2)


def _round_up(a, b):
    return -(-a // b) * b


def kernel(x, edge_index, W1, b1, W2, b2):
    n, d = x.shape
    h = W1.shape[1]
    e = edge_index.shape[1]

    n_acc = _round_up(n + 64, NS * WIN)
    e_pad = _round_up(e, WIN)
    if e_pad != e:
        pad_i = np.arange(e_pad - e, dtype=np.int32)
        edge_index = jnp.concatenate(
            [edge_index,
             jnp.stack([jnp.asarray(pad_i % n),
                        jnp.asarray(n + pad_i % (n_acc - n))])], axis=1)
    nwin = e_pad // WIN
    uni = (nwin // NW) & ~7
    ch = 8

    er = edge_index.reshape(2, nwin, WIN)

    deg = _deg_call(er, n_acc, uni)
    h1 = _mm_call(x, W1)
    hs1, dinv = _comb_call(h1, deg[0].reshape(n_acc, 1),
                           deg[1].reshape(n_acc, 1))
    P1 = _scatter_call(hs1, er, n_acc, uni, ch)
    hs2 = _mid_call(P1, hs1, dinv, b1.reshape(1, h), W2)
    P2 = _scatter_call(hs2, er, n_acc, uni, ch)
    return _fin_call(P2, hs2, dinv, b2.reshape(1, h))

# --- scband reference (transcript-rebuilt; emitter-appended) ---
"""Pipeline reference for scband-headed-gnn-20340965114257 (READ-ONLY COPY).

The authoritative reference and input builder live on the scoring server;
editing this copy changes nothing except your own understanding.
"""

import jax, jax.numpy as jnp
import numpy as np

N = 10000
E = 320000
D = 128
H = 128


def _gcn_conv(x, edge_index, W, b):
    # PyG GCNConv: linear transform, add self-loops, symmetric deg^-1/2 norm, scatter-add
    h = x @ W
    n = h.shape[0]
    loop = jnp.arange(n, dtype=edge_index.dtype)
    src = jnp.concatenate([edge_index[0], loop])
    dst = jnp.concatenate([edge_index[1], loop])
    deg = jax.ops.segment_sum(jnp.ones(src.shape[0], dtype=h.dtype), dst, num_segments=n)
    dinv = jax.lax.rsqrt(jnp.maximum(deg, 1.0))
    norm = dinv[src] * dinv[dst]
    msg = h[src] * norm[:, None]
    out = jax.ops.segment_sum(msg, dst, num_segments=n)
    return out + b


def setup_inputs(seed: int = 0) -> dict:
    key = jax.random.key(seed)
    k1, k2, k3, k4, k5, k6 = jax.random.split(key, 6)
    x = jax.random.normal(k1, (N, D), dtype=jnp.float32)
    edge_index = jax.random.randint(k2, (2, E), 0, N, dtype=jnp.int32)
    W1 = jax.random.normal(k3, (D, H), dtype=jnp.float32) * 0.05
    b1 = jnp.zeros((H,), dtype=jnp.float32)
    W2 = jax.random.normal(k4, (H, H), dtype=jnp.float32) * 0.05
    b2 = jnp.zeros((H,), dtype=jnp.float32)
    return {"x": x, "edge_index": edge_index, "W1": W1, "b1": b1, "W2": W2, "b2": b2}


def reference(x, edge_index, W1, b1, W2, b2):
    h = jax.nn.relu(_gcn_conv(x, edge_index, W1, b1))
    h = jax.nn.relu(_gcn_conv(h, edge_index, W2, b2))
    return h

if __name__ == "__main__":
    import jax
    _d = setup_inputs()
    print(jax.jit(kernel)(*tuple(_d.values())))

</pallas_src>

<mosaic_0001>
#map = affine_map<(d0, d1) -> (0, 0, 0)>
#map1 = affine_map<(d0, d1) -> (0, 0)>
module attributes {stable_mosaic.version = 14 : i64} {
  func.func @body(%arg0: i32, %arg1: i32, %arg2: memref<2x2500x128xi32, #tpu.memory_space<hbm>>, %arg3: memref<2x10240xf32, #tpu.memory_space<hbm>>, %arg4: memref<72x128xi32, #tpu.memory_space<vmem>>, %arg5: memref<128xf32, #tpu.memory_space<vmem>>, %arg6: memref<640xf32, #tpu.memory_space<vmem>>, %arg7: memref<10240xf32, #tpu.memory_space<vmem_shared>>, %arg8: memref<!tpu.dma_semaphore, #tpu.memory_space<semaphore_mem>>, %arg9: memref<!tpu.dma_semaphore, #tpu.memory_space<semaphore_mem>>) attributes {dimension_semantics = [#tpu.dimension_semantics<core_parallel>, #tpu.dimension_semantics<subcore_parallel>], iteration_bounds = array<i64: 2, 16>, scalar_prefetch = 0 : i64, scratch_operands = 6 : i64, tpu.core_type = #tpu.core_type<sc_vector_subcore>, window_params = [{transform_indices = #map}, {transform_indices = #map1}]} {
    %mul3A = arith.constant 16 : i32
    %mul3A_0 = arith.muli %arg0, %mul3A : i32
    %add3A = arith.addi %mul3A_0, %arg1 : i32
    %scan3A = arith.constant 0 : i32
    %scan3A_1 = arith.constant 0 : i32
    %scan3A_2 = arith.constant 40 : i32
    %scan3A_3 = arith.addi %scan3A_1, %scan3A_2 : i32
    %scan3A_4 = arith.constant 1 : i32
    %scan3A_5 = scf.for %scan3A_75 = %scan3A_1 to %scan3A_3 step %scan3A_4 iter_args(%scan3A_76 = %scan3A) -> (i32)  : i32 {
      %broadcast_in_dim3A_77 = arith.constant 0.000000e+00 : f32
      %broadcast_in_dim3A_78 = vector.broadcast %broadcast_in_dim3A_77 : f32 to vector<16xf32>
      %mul3A_79 = arith.constant 16 : i32
      %mul3A_80 = arith.muli %scan3A_75, %mul3A_79 : i32
      %swap3A_81 = arith.index_cast %mul3A_80 : i32 to index
      %swap3A_82 = tpu.vector_load %arg6[%swap3A_81] {strides = array<i32>} : memref<640xf32, #tpu.memory_space<vmem>>, vector<16xf32>,
      %swap3A_83 = vector.shape_cast %swap3A_82 : vector<16xf32> to vector<16xf32>
      %swap3A_84 = vector.shape_cast %broadcast_in_dim3A_78 : vector<16xf32> to vector<16xf32>
      tpu.vector_store %arg6[%swap3A_81], %swap3A_84 {strides = array<i32>} : memref<640xf32, #tpu.memory_space<vmem>>, vector<16xf32>,
      %scan3A_85 = arith.constant 0 : i32
      scf.yield %scan3A_85 : i32
    }
    %scan3A_6 = arith.constant 40 : i32
    %broadcast_in_dim3A = arith.constant 1.000000e+00 : f32
    %broadcast_in_dim3A_7 = vector.broadcast %broadcast_in_dim3A : f32 to vector<16xf32>
    %swap3A = arith.constant 0 : index
    %swap3A_8 = tpu.vector_load %arg5[%swap3A] {strides = array<i32>} : memref<128xf32, #tpu.memory_space<vmem>>, vector<16xf32>,
    %swap3A_9 = vector.shape_cast %swap3A_8 : vector<16xf32> to vector<16xf32>
    %swap3A_10 = vector.shape_cast %broadcast_in_dim3A_7 : vector<16xf32> to vector<16xf32>
    tpu.vector_store %arg5[%swap3A], %swap3A_10 {strides = array<i32>} : memref<128xf32, #tpu.memory_space<vmem>>, vector<16xf32>,
    %broadcast_in_dim3A_11 = arith.constant 1.000000e+00 : f32
    %broadcast_in_dim3A_12 = vector.broadcast %broadcast_in_dim3A_11 : f32 to vector<16xf32>
    %swap3A_13 = arith.constant 16 : index
    %swap3A_14 = tpu.vector_load %arg5[%swap3A_13] {strides = array<i32>} : memref<128xf32, #tpu.memory_space<vmem>>, vector<16xf32>,
    %swap3A_15 = vector.shape_cast %swap3A_14 : vector<16xf32> to vector<16xf32>
    %swap3A_16 = vector.shape_cast %broadcast_in_dim3A_12 : vector<16xf32> to vector<16xf32>
    tpu.vector_store %arg5[%swap3A_13], %swap3A_16 {strides = array<i32>} : memref<128xf32, #tpu.memory_space<vmem>>, vector<16xf32>,
    %broadcast_in_dim3A_17 = arith.constant 1.000000e+00 : f32
    %broadcast_in_dim3A_18 = vector.broadcast %broadcast_in_dim3A_17 : f32 to vector<16xf32>
    %swap3A_19 = arith.constant 32 : index
    %swap3A_20 = tpu.vector_load %arg5[%swap3A_19] {strides = array<i32>} : memref<128xf32, #tpu.memory_space<vmem>>, vector<16xf32>,
    %swap3A_21 = vector.shape_cast %swap3A_20 : vector<16xf32> to vector<16xf32>
    %swap3A_22 = vector.shape_cast %broadcast_in_dim3A_18 : vector<16xf32> to vector<16xf32>
    tpu.vector_store %arg5[%swap3A_19], %swap3A_22 {strides = array<i32>} : memref<128xf32, #tpu.memory_space<vmem>>, vector<16xf32>,
    %broadcast_in_dim3A_23 = arith.constant 1.000000e+00 : f32
    %broadcast_in_dim3A_24 = vector.broadcast %broadcast_in_dim3A_23 : f32 to vector<16xf32>
    %swap3A_25 = arith.constant 48 : index
    %swap3A_26 = tpu.vector_load %arg5[%swap3A_25] {strides = array<i32>} : memref<128xf32, #tpu.memory_space<vmem>>, vector<16xf32>,
    %swap3A_27 = vector.shape_cast %swap3A_26 : vector<16xf32> to vector<16xf32>
    %swap3A_28 = vector.shape_cast %broadcast_in_dim3A_24 : vector<16xf32> to vector<16xf32>
    tpu.vector_store %arg5[%swap3A_25], %swap3A_28 {strides = array<i32>} : memref<128xf32, #tpu.memory_space<vmem>>, vector<16xf32>,
    %broadcast_in_dim3A_29 = arith.constant 1.000000e+00 : f32
    %broadcast_in_dim3A_30 = vector.broadcast %broadcast_in_dim3A_29 : f32 to vector<16xf32>
    %swap3A_31 = arith.constant 64 : index
    %swap3A_32 = tpu.vector_load %arg5[%swap3A_31] {strides = array<i32>} : memref<128xf32, #tpu.memory_space<vmem>>, vector<16xf32>,
    %swap3A_33 = vector.shape_cast %swap3A_32 : vector<16xf32> to vector<16xf32>
    %swap3A_34 = vector.shape_cast %broadcast_in_dim3A_30 : vector<16xf32> to vector<16xf32>
    tpu.vector_store %arg5[%swap3A_31], %swap3A_34 {strides = array<i32>} : memref<128xf32, #tpu.memory_space<vmem>>, vector<16xf32>,
    %broadcast_in_dim3A_35 = arith.constant 1.000000e+00 : f32
    %broadcast_in_dim3A_36 = vector.broadcast %broadcast_in_dim3A_35 : f32 to vector<16xf32>
    %swap3A_37 = arith.constant 80 : index
    %swap3A_38 = tpu.vector_load %arg5[%swap3A_37] {strides = array<i32>} : memref<128xf32, #tpu.memory_space<vmem>>, vector<16xf32>,
    %swap3A_39 = vector.shape_cast %swap3A_38 : vector<16xf32> to vector<16xf32>
    %swap3A_40 = vector.shape_cast %broadcast_in_dim3A_36 : vector<16xf32> to vector<16xf32>
    tpu.vector_store %arg5[%swap3A_37], %swap3A_40 {strides = array<i32>} : memref<128xf32, #tpu.memory_space<vmem>>, vector<16xf32>,
    %broadcast_in_dim3A_41 = arith.constant 1.000000e+00 : f32
    %broadcast_in_dim3A_42 = vector.broadcast %broadcast_in_dim3A_41 : f32 to vector<16xf32>
    %swap3A_43 = arith.constant 96 : index
    %swap3A_44 = tpu.vector_load %arg5[%swap3A_43] {strides = array<i32>} : memref<128xf32, #tpu.memory_space<vmem>>, vector<16xf32>,
    %swap3A_45 = vector.shape_cast %swap3A_44 : vector<16xf32> to vector<16xf32>
    %swap3A_46 = vector.shape_cast %broadcast_in_dim3A_42 : vector<16xf32> to vector<16xf32>
    tpu.vector_store %arg5[%swap3A_43], %swap3A_46 {strides = array<i32>} : memref<128xf32, #tpu.memory_space<vmem>>, vector<16xf32>,
    %broadcast_in_dim3A_47 = arith.constant 1.000000e+00 : f32
    %broadcast_in_dim3A_48 = vector.broadcast %broadcast_in_dim3A_47 : f32 to vector<16xf32>
    %swap3A_49 = arith.constant 112 : index
    %swap3A_50 = tpu.vector_load %arg5[%swap3A_49] {strides = array<i32>} : memref<128xf32, #tpu.memory_space<vmem>>, vector<16xf32>,
    %swap3A_51 = vector.shape_cast %swap3A_50 : vector<16xf32> to vector<16xf32>
    %swap3A_52 = vector.shape_cast %broadcast_in_dim3A_48 : vector<16xf32> to vector<16xf32>
    tpu.vector_store %arg5[%swap3A_49], %swap3A_52 {strides = array<i32>} : memref<128xf32, #tpu.memory_space<vmem>>, vector<16xf32>,
    %mul3A_53 = arith.constant 640 : i32
    %mul3A_54 = arith.muli %arg1, %mul3A_53 : i32
    "tpu.region"() ({
      %run_scoped3A_75 = tpu.sem_alloc : memref<!tpu.dma_semaphore, #tpu.memory_space<semaphore_mem>>
      %dma_start3A = tpu.memref_slice %arg7[%mul3A_54] : memref<10240xf32, #tpu.memory_space<vmem_shared>> -> memref<640xf32, #tpu.memory_space<vmem_shared>>
      %dma_start3A_76 = tpu.memref_slice %arg7[%mul3A_54] : memref<10240xf32, #tpu.memory_space<vmem_shared>> -> memref<640xf32, #tpu.memory_space<vmem_shared>>
      tpu.enqueue_dma source(%arg6 : memref<640xf32, #tpu.memory_space<vmem>>) target(%dma_start3A_76 : memref<640xf32, #tpu.memory_space<vmem_shared>>) target_semaphore(%run_scoped3A_75 : memref<!tpu.dma_semaphore, #tpu.memory_space<semaphore_mem>>)
      %dma_wait3A = tpu.memref_slice %arg7[%mul3A_54] : memref<10240xf32, #tpu.memory_space<vmem_shared>> -> memref<640xf32, #tpu.memory_space<vmem_shared>>
      %dma_wait3A_77 = tpu.memref_slice %arg7[%mul3A_54] : memref<10240xf32, #tpu.memory_space<vmem_shared>> -> memref<640xf32, #tpu.memory_space<vmem_shared>>
      tpu.wait_dma2 semaphore(%run_scoped3A_75 : memref<!tpu.dma_semaphore, #tpu.memory_space<semaphore_mem>>) src(%arg6 : memref<640xf32, #tpu.memory_space<vmem>>) dst(%dma_wait3A_77 : memref<640xf32, #tpu.memory_space<vmem_shared>>)
      tpu.yield
    }) : () -> ()
    %mul3A_55 = arith.constant 72 : i32
    %mul3A_56 = arith.muli %add3A, %mul3A_55 : i32
    %run_scoped3A = arith.constant 1 : i32
    "tpu.region"() ({
      %run_scoped3A_75 = tpu.sem_alloc : memref<!tpu.dma_semaphore, #tpu.memory_space<semaphore_mem>>
      %dma_start3A = arith.constant 0 : i32
      %dma_start3A_76 = tpu.memref_slice %arg2[%run_scoped3A, %mul3A_56, %dma_start3A] : memref<2x2500x128xi32, #tpu.memory_space<hbm>> -> memref<1x72x128xi32, #tpu.memory_space<hbm>>
      %dma_start3A_77 = tpu.memref_squeeze %dma_start3A_76 : memref<1x72x128xi32, #tpu.memory_space<hbm>> -> memref<72x128xi32, #tpu.memory_space<hbm>>
      %dma_start3A_78 = arith.constant 0 : i32
      %dma_start3A_79 = tpu.memref_slice %arg2[%run_scoped3A, %mul3A_56, %dma_start3A_78] : memref<2x2500x128xi32, #tpu.memory_space<hbm>> -> memref<1x72x128xi32, #tpu.memory_space<hbm>>
      %dma_start3A_80 = tpu.memref_squeeze %dma_start3A_79 : memref<1x72x128xi32, #tpu.memory_space<hbm>> -> memref<72x128xi32, #tpu.memory_space<hbm>>
      tpu.enqueue_dma source(%dma_start3A_80 : memref<72x128xi32, #tpu.memory_space<hbm>>) target(%arg4 : memref<72x128xi32, #tpu.memory_space<vmem>>) target_semaphore(%run_scoped3A_75 : memref<!tpu.dma_semaphore, #tpu.memory_space<semaphore_mem>>)
      %dma_wait3A = arith.constant 0 : i32
      %dma_wait3A_81 = tpu.memref_slice %arg2[%run_scoped3A, %mul3A_56, %dma_wait3A] : memref<2x2500x128xi32, #tpu.memory_space<hbm>> -> memref<1x72x128xi32, #tpu.memory_space<hbm>>
      %dma_wait3A_82 = tpu.memref_squeeze %dma_wait3A_81 : memref<1x72x128xi32, #tpu.memory_space<hbm>> -> memref<72x128xi32, #tpu.memory_space<hbm>>
      %dma_wait3A_83 = arith.constant 0 : i32
      %dma_wait3A_84 = tpu.memref_slice %arg2[%run_scoped3A, %mul3A_56, %dma_wait3A_83] : memref<2x2500x128xi32, #tpu.memory_space<hbm>> -> memref<1x72x128xi32, #tpu.memory_space<hbm>>
      %dma_wait3A_85 = tpu.memref_squeeze %dma_wait3A_84 : memref<1x72x128xi32, #tpu.memory_space<hbm>> -> memref<72x128xi32, #tpu.memory_space<hbm>>
      tpu.wait_dma2 semaphore(%run_scoped3A_75 : memref<!tpu.dma_semaphore, #tpu.memory_space<semaphore_mem>>) src(%dma_wait3A_85 : memref<72x128xi32, #tpu.memory_space<hbm>>) dst(%arg4 : memref<72x128xi32, #tpu.memory_space<vmem>>)
      tpu.yield
    }) : () -> ()
    %barrier3A = arith.constant 0 : index
    tpu.barrier barrier_id(%barrier3A)
    %scan3A_57 = arith.constant 0 : i32
    %scan3A_58 = arith.constant 0 : i32
    %scan3A_59 = arith.constant 36 : i32
    %scan3A_60 = arith.addi %scan3A_58, %scan3A_59 : i32
    %scan3A_61 = arith.constant 1 : i32
    %scan3A_62 = scf.for %scan3A_75 = %scan3A_58 to %scan3A_60 step %scan3A_61 iter_args(%scan3A_76 = %scan3A_57) -> (i32)  : i32 {
      %mul3A_77 = arith.constant 2 : i32
      %mul3A_78 = arith.muli %mul3A_77, %scan3A_75 : i32
      %dma_start3A = arith.constant 0 : i32
      %dma_start3A_79 = tpu.memref_slice %arg4[%mul3A_78, %dma_start3A] : memref<72x128xi32, #tpu.memory_space<vmem>> -> memref<1x128xi32, #tpu.memory_space<vmem>>
      %dma_start3A_80 = tpu.memref_squeeze %dma_start3A_79 : memref<1x128xi32, #tpu.memory_space<vmem>> -> memref<128xi32, #tpu.memory_space<vmem>>
      %dma_start3A_81 = arith.constant 0 : i32
      %dma_start3A_82 = tpu.memref_slice %arg7[%dma_start3A_81] : memref<10240xf32, #tpu.memory_space<vmem_shared>> -> memref<10240xf32, #tpu.memory_space<vmem_shared>>
      tpu.enqueue_indirect_dma source(%arg5 : memref<128xf32, #tpu.memory_space<vmem>>) target(%dma_start3A_82 : memref<10240xf32, #tpu.memory_space<vmem_shared>>) offsets(%dma_start3A_80 : memref<128xi32, #tpu.memory_space<vmem>>) semaphore(%arg8 : memref<!tpu.dma_semaphore, #tpu.memory_space<semaphore_mem>>) {add = true}
      %add3A_83 = arith.constant 1 : i32
      %add3A_84 = arith.addi %mul3A_78, %add3A_83 : i32
      %dma_start3A_85 = arith.constant 0 : i32
      %dma_start3A_86 = tpu.memref_slice %arg4[%add3A_84, %dma_start3A_85] : memref<72x128xi32, #tpu.memory_space<vmem>> -> memref<1x128xi32, #tpu.memory_space<vmem>>
      %dma_start3A_87 = tpu.memref_squeeze %dma_start3A_86 : memref<1x128xi32, #tpu.memory_space<vmem>> -> memref<128xi32, #tpu.memory_space<vmem>>
      %dma_start3A_88 = arith.constant 0 : i32
      %dma_start3A_89 = tpu.memref_slice %arg7[%dma_start3A_88] : memref<10240xf32, #tpu.memory_space<vmem_shared>> -> memref<10240xf32, #tpu.memory_space<vmem_shared>>
      tpu.enqueue_indirect_dma source(%arg5 : memref<128xf32, #tpu.memory_space<vmem>>) target(%dma_start3A_89 : memref<10240xf32, #tpu.memory_space<vmem_shared>>) offsets(%dma_start3A_87 : memref<128xi32, #tpu.memory_space<vmem>>) semaphore(%arg9 : memref<!tpu.dma_semaphore, #tpu.memory_space<semaphore_mem>>) {add = true}
      %dma_wait3A = arith.constant 0 : i32
      %dma_wait3A_90 = tpu.memref_slice %arg4[%mul3A_78, %dma_wait3A] : memref<72x128xi32, #tpu.memory_space<vmem>> -> memref<1x128xi32, #tpu.memory_space<vmem>>
      %dma_wait3A_91 = tpu.memref_squeeze %dma_wait3A_90 : memref<1x128xi32, #tpu.memory_space<vmem>> -> memref<128xi32, #tpu.memory_space<vmem>>
      %dma_wait3A_92 = arith.constant 0 : i32
      %dma_wait3A_93 = tpu.memref_slice %arg7[%dma_wait3A_92] : memref<10240xf32, #tpu.memory_space<vmem_shared>> -> memref<10240xf32, #tpu.memory_space<vmem_shared>>
      tpu.wait_indirect_dma semaphore(%arg8 : memref<!tpu.dma_semaphore, #tpu.memory_space<semaphore_mem>>) src(%arg5 : memref<128xf32, #tpu.memory_space<vmem>>) dst(%dma_wait3A_93 : memref<10240xf32, #tpu.memory_space<vmem_shared>>)
      %dma_wait3A_94 = arith.constant 0 : i32
      %dma_wait3A_95 = tpu.memref_slice %arg4[%add3A_84, %dma_wait3A_94] : memref<72x128xi32, #tpu.memory_space<vmem>> -> memref<1x128xi32, #tpu.memory_space<vmem>>
      %dma_wait3A_96 = tpu.memref_squeeze %dma_wait3A_95 : memref<1x128xi32, #tpu.memory_space<vmem>> -> memref<128xi32, #tpu.memory_space<vmem>>
      %dma_wait3A_97 = arith.constant 0 : i32
      %dma_wait3A_98 = tpu.memref_slice %arg7[%dma_wait3A_97] : memref<10240xf32, #tpu.memory_space<vmem_shared>> -> memref<10240xf32, #tpu.memory_space<vmem_shared>>
      tpu.wait_indirect_dma semaphore(%arg9 : memref<!tpu.dma_semaphore, #tpu.memory_space<semaphore_mem>>) src(%arg5 : memref<128xf32, #tpu.memory_space<vmem>>) dst(%dma_wait3A_98 : memref<10240xf32, #tpu.memory_space<vmem_shared>>)
      %scan3A_99 = arith.constant 0 : i32
      scf.yield %scan3A_99 : i32
    }
    %scan3A_63 = arith.constant 36 : i32
    %lt3A = arith.constant 24 : i32
    %lt3A_64 = arith.cmpi slt, %add3A, %lt3A : i32
    %convert_element_type3A = arith.extui %lt3A_64 : i1 to i32
    %cond3A = arith.constant 0 : i32
    %cond3A_65 = arith.cmpi ne, %convert_element_type3A, %cond3A : i32
    scf.if %cond3A_65 {
      %mul3A_75 = arith.constant 8 : i32
      %mul3A_76 = arith.muli %mul3A_75, %add3A : i32
      %add3A_77 = arith.constant 2304 : i32
      %add3A_78 = arith.addi %add3A_77, %mul3A_76 : i32
      %run_scoped3A_79 = arith.constant 1 : i32
      "tpu.region"() ({
        %run_scoped3A_88 = tpu.sem_alloc : memref<!tpu.dma_semaphore, #tpu.memory_space<semaphore_mem>>
        %dma_start3A = arith.constant 0 : i32
        %dma_start3A_89 = arith.constant 0 : i32
        %dma_start3A_90 = tpu.memref_slice %arg4[%dma_start3A, %dma_start3A_89] : memref<72x128xi32, #tpu.memory_space<vmem>> -> memref<8x128xi32, #tpu.memory_space<vmem>>
        %dma_start3A_91 = arith.constant 0 : i32
        %dma_start3A_92 = tpu.memref_slice %arg2[%run_scoped3A_79, %add3A_78, %dma_start3A_91] : memref<2x2500x128xi32, #tpu.memory_space<hbm>> -> memref<1x8x128xi32, #tpu.memory_space<hbm>>
        %dma_start3A_93 = tpu.memref_squeeze %dma_start3A_92 : memref<1x8x128xi32, #tpu.memory_space<hbm>> -> memref<8x128xi32, #tpu.memory_space<hbm>>
        %dma_start3A_94 = arith.constant 0 : i32
        %dma_start3A_95 = arith.constant 0 : i32
        %dma_start3A_96 = tpu.memref_slice %arg4[%dma_start3A_94, %dma_start3A_95] : memref<72x128xi32, #tpu.memory_space<vmem>> -> memref<8x128xi32, #tpu.memory_space<vmem>>
        %dma_start3A_97 = arith.constant 0 : i32
        %dma_start3A_98 = tpu.memref_slice %arg2[%run_scoped3A_79, %add3A_78, %dma_start3A_97] : memref<2x2500x128xi32, #tpu.memory_space<hbm>> -> memref<1x8x128xi32, #tpu.memory_space<hbm>>
        %dma_start3A_99 = tpu.memref_squeeze %dma_start3A_98 : memref<1x8x128xi32, #tpu.memory_space<hbm>> -> memref<8x128xi32, #tpu.memory_space<hbm>>
        tpu.enqueue_dma source(%dma_start3A_99 : memref<8x128xi32, #tpu.memory_space<hbm>>) target(%dma_start3A_96 : memref<8x128xi32, #tpu.memory_space<vmem>>) target_semaphore(%run_scoped3A_88 : memref<!tpu.dma_semaphore, #tpu.memory_space<semaphore_mem>>)
        %dma_wait3A = arith.constant 0 : i32
        %dma_wait3A_100 = arith.constant 0 : i32
        %dma_wait3A_101 = tpu.memref_slice %arg4[%dma_wait3A, %dma_wait3A_100] : memref<72x128xi32, #tpu.memory_space<vmem>> -> memref<8x128xi32, #tpu.memory_space<vmem>>
        %dma_wait3A_102 = arith.constant 0 : i32
        %dma_wait3A_103 = tpu.memref_slice %arg2[%run_scoped3A_79, %add3A_78, %dma_wait3A_102] : memref<2x2500x128xi32, #tpu.memory_space<hbm>> -> memref<1x8x128xi32, #tpu.memory_space<hbm>>
        %dma_wait3A_104 = tpu.memref_squeeze %dma_wait3A_103 : memref<1x8x128xi32, #tpu.memory_space<hbm>> -> memref<8x128xi32, #tpu.memory_space<hbm>>
        %dma_wait3A_105 = arith.constant 0 : i32
        %dma_wait3A_106 = arith.constant 0 : i32
        %dma_wait3A_107 = tpu.memref_slice %arg4[%dma_wait3A_105, %dma_wait3A_106] : memref<72x128xi32, #tpu.memory_space<vmem>> -> memref<8x128xi32, #tpu.memory_space<vmem>>
        %dma_wait3A_108 = arith.constant 0 : i32
        %dma_wait3A_109 = tpu.memref_slice %arg2[%run_scoped3A_79, %add3A_78, %dma_wait3A_108] : memref<2x2500x128xi32, #tpu.memory_space<hbm>> -> memref<1x8x128xi32, #tpu.memory_space<hbm>>
        %dma_wait3A_110 = tpu.memref_squeeze %dma_wait3A_109 : memref<1x8x128xi32, #tpu.memory_space<hbm>> -> memref<8x128xi32, #tpu.memory_space<hbm>>
        tpu.wait_dma2 semaphore(%run_scoped3A_88 : memref<!tpu.dma_semaphore, #tpu.memory_space<semaphore_mem>>) src(%dma_wait3A_110 : memref<8x128xi32, #tpu.memory_space<hbm>>) dst(%dma_wait3A_107 : memref<8x128xi32, #tpu.memory_space<vmem>>)
        tpu.yield
      }) : () -> ()
      %run_scoped3A_80 = arith.constant 0 : i32
      "tpu.region"() ({
        %run_scoped3A_88 = tpu.sem_alloc : memref<!tpu.dma_semaphore, #tpu.memory_space<semaphore_mem>>
        %dma_start3A = arith.constant 0 : i32
        %dma_start3A_89 = tpu.memref_slice %arg4[%run_scoped3A_80, %dma_start3A] : memref<72x128xi32, #tpu.memory_space<vmem>> -> memref<1x128xi32, #tpu.memory_space<vmem>>
        %dma_start3A_90 = tpu.memref_squeeze %dma_start3A_89 : memref<1x128xi32, #tpu.memory_space<vmem>> -> memref<128xi32, #tpu.memory_space<vmem>>
        %dma_start3A_91 = arith.constant 0 : i32
        %dma_start3A_92 = tpu.memref_slice %arg7[%dma_start3A_91] : memref<10240xf32, #tpu.memory_space<vmem_shared>> -> memref<10240xf32, #tpu.memory_space<vmem_shared>>
        tpu.enqueue_indirect_dma source(%arg5 : memref<128xf32, #tpu.memory_space<vmem>>) target(%dma_start3A_92 : memref<10240xf32, #tpu.memory_space<vmem_shared>>) offsets(%dma_start3A_90 : memref<128xi32, #tpu.memory_space<vmem>>) semaphore(%run_scoped3A_88 : memref<!tpu.dma_semaphore, #tpu.memory_space<semaphore_mem>>) {add = true}
        %dma_wait3A = arith.constant 0 : i32
        %dma_wait3A_93 = tpu.memref_slice %arg4[%run_scoped3A_80, %dma_wait3A] : memref<72x128xi32, #tpu.memory_space<vmem>> -> memref<1x128xi32, #tpu.memory_space<vmem>>
        %dma_wait3A_94 = tpu.memref_squeeze %dma_wait3A_93 : memref<1x128xi32, #tpu.memory_space<vmem>> -> memref<128xi32, #tpu.memory_space<vmem>>
        %dma_wait3A_95 = arith.constant 0 : i32
        %dma_wait3A_96 = tpu.memref_slice %arg7[%dma_wait3A_95] : memref<10240xf32, #tpu.memory_space<vmem_shared>> -> memref<10240xf32, #tpu.memory_space<vmem_shared>>
        tpu.wait_indirect_dma semaphore(%run_scoped3A_88 : memref<!tpu.dma_semaphore, #tpu.memory_space<semaphore_mem>>) src(%arg5 : memref<128xf32, #tpu.memory_space<vmem>>) dst(%dma_wait3A_96 : memref<10240xf32, #tpu.memory_space<vmem_shared>>)
        tpu.yield
      }) : () -> ()
      %run_scoped3A_81 = arith.constant 1 : i32
      "tpu.region"() ({
        %run_scoped3A_88 = tpu.sem_alloc : memref<!tpu.dma_semaphore, #tpu.memory_space<semaphore_mem>>
        %dma_start3A = arith.constant 0 : i32
        %dma_start3A_89 = tpu.memref_slice %arg4[%run_scoped3A_81, %dma_start3A] : memref<72x128xi32, #tpu.memory_space<vmem>> -> memref<1x128xi32, #tpu.memory_space<vmem>>
        %dma_start3A_90 = tpu.memref_squeeze %dma_start3A_89 : memref<1x128xi32, #tpu.memory_space<vmem>> -> memref<128xi32, #tpu.memory_space<vmem>>
        %dma_start3A_91 = arith.constant 0 : i32
        %dma_start3A_92 = tpu.memref_slice %arg7[%dma_start3A_91] : memref<10240xf32, #tpu.memory_space<vmem_shared>> -> memref<10240xf32, #tpu.memory_space<vmem_shared>>
        tpu.enqueue_indirect_dma source(%arg5 : memref<128xf32, #tpu.memory_space<vmem>>) target(%dma_start3A_92 : memref<10240xf32, #tpu.memory_space<vmem_shared>>) offsets(%dma_start3A_90 : memref<128xi32, #tpu.memory_space<vmem>>) semaphore(%run_scoped3A_88 : memref<!tpu.dma_semaphore, #tpu.memory_space<semaphore_mem>>) {add = true}
        %dma_wait3A = arith.constant 0 : i32
        %dma_wait3A_93 = tpu.memref_slice %arg4[%run_scoped3A_81, %dma_wait3A] : memref<72x128xi32, #tpu.memory_space<vmem>> -> memref<1x128xi32, #tpu.memory_space<vmem>>
        %dma_wait3A_94 = tpu.memref_squeeze %dma_wait3A_93 : memref<1x128xi32, #tpu.memory_space<vmem>> -> memref<128xi32, #tpu.memory_space<vmem>>
        %dma_wait3A_95 = arith.constant 0 : i32
        %dma_wait3A_96 = tpu.memref_slice %arg7[%dma_wait3A_95] : memref<10240xf32, #tpu.memory_space<vmem_shared>> -> memref<10240xf32, #tpu.memory_space<vmem_shared>>
        tpu.wait_indirect_dma semaphore(%run_scoped3A_88 : memref<!tpu.dma_semaphore, #tpu.memory_space<semaphore_mem>>) src(%arg5 : memref<128xf32, #tpu.memory_space<vmem>>) dst(%dma_wait3A_96 : memref<10240xf32, #tpu.memory_space<vmem_shared>>)
        tpu.yield
      }) : () -> ()
      %run_scoped3A_82 = arith.constant 2 : i32
      "tpu.region"() ({
        %run_scoped3A_88 = tpu.sem_alloc : memref<!tpu.dma_semaphore, #tpu.memory_space<semaphore_mem>>
        %dma_start3A = arith.constant 0 : i32
        %dma_start3A_89 = tpu.memref_slice %arg4[%run_scoped3A_82, %dma_start3A] : memref<72x128xi32, #tpu.memory_space<vmem>> -> memref<1x128xi32, #tpu.memory_space<vmem>>
        %dma_start3A_90 = tpu.memref_squeeze %dma_start3A_89 : memref<1x128xi32, #tpu.memory_space<vmem>> -> memref<128xi32, #tpu.memory_space<vmem>>
        %dma_start3A_91 = arith.constant 0 : i32
        %dma_start3A_92 = tpu.memref_slice %arg7[%dma_start3A_91] : memref<10240xf32, #tpu.memory_space<vmem_shared>> -> memref<10240xf32, #tpu.memory_space<vmem_shared>>
        tpu.enqueue_indirect_dma source(%arg5 : memref<128xf32, #tpu.memory_space<vmem>>) target(%dma_start3A_92 : memref<10240xf32, #tpu.memory_space<vmem_shared>>) offsets(%dma_start3A_90 : memref<128xi32, #tpu.memory_space<vmem>>) semaphore(%run_scoped3A_88 : memref<!tpu.dma_semaphore, #tpu.memory_space<semaphore_mem>>) {add = true}
        %dma_wait3A = arith.constant 0 : i32
        %dma_wait3A_93 = tpu.memref_slice %arg4[%run_scoped3A_82, %dma_wait3A] : memref<72x128xi32, #tpu.memory_space<vmem>> -> memref<1x128xi32, #tpu.memory_space<vmem>>
        %dma_wait3A_94 = tpu.memref_squeeze %dma_wait3A_93 : memref<1x128xi32, #tpu.memory_space<vmem>> -> memref<128xi32, #tpu.memory_space<vmem>>
        %dma_wait3A_95 = arith.constant 0 : i32
        %dma_wait3A_96 = tpu.memref_slice %arg7[%dma_wait3A_95] : memref<10240xf32, #tpu.memory_space<vmem_shared>> -> memref<10240xf32, #tpu.memory_space<vmem_shared>>
        tpu.wait_indirect_dma semaphore(%run_scoped3A_88 : memref<!tpu.dma_semaphore, #tpu.memory_space<semaphore_mem>>) src(%arg5 : memref<128xf32, #tpu.memory_space<vmem>>) dst(%dma_wait3A_96 : memref<10240xf32, #tpu.memory_space<vmem_shared>>)
        tpu.yield
      }) : () -> ()
      %run_scoped3A_83 = arith.constant 3 : i32
      "tpu.region"() ({
        %run_scoped3A_88 = tpu.sem_alloc : memref<!tpu.dma_semaphore, #tpu.memory_space<semaphore_mem>>
        %dma_start3A = arith.constant 0 : i32
        %dma_start3A_89 = tpu.memref_slice %arg4[%run_scoped3A_83, %dma_start3A] : memref<72x128xi32, #tpu.memory_space<vmem>> -> memref<1x128xi32, #tpu.memory_space<vmem>>
        %dma_start3A_90 = tpu.memref_squeeze %dma_start3A_89 : memref<1x128xi32, #tpu.memory_space<vmem>> -> memref<128xi32, #tpu.memory_space<vmem>>
        %dma_start3A_91 = arith.constant 0 : i32
        %dma_start3A_92 = tpu.memref_slice %arg7[%dma_start3A_91] : memref<10240xf32, #tpu.memory_space<vmem_shared>> -> memref<10240xf32, #tpu.memory_space<vmem_shared>>
        tpu.enqueue_indirect_dma source(%arg5 : memref<128xf32, #tpu.memory_space<vmem>>) target(%dma_start3A_92 : memref<10240xf32, #tpu.memory_space<vmem_shared>>) offsets(%dma_start3A_90 : memref<128xi32, #tpu.memory_space<vmem>>) semaphore(%run_scoped3A_88 : memref<!tpu.dma_semaphore, #tpu.memory_space<semaphore_mem>>) {add = true}
        %dma_wait3A = arith.constant 0 : i32
        %dma_wait3A_93 = tpu.memref_slice %arg4[%run_scoped3A_83, %dma_wait3A] : memref<72x128xi32, #tpu.memory_space<vmem>> -> memref<1x128xi32, #tpu.memory_space<vmem>>
        %dma_wait3A_94 = tpu.memref_squeeze %dma_wait3A_93 : memref<1x128xi32, #tpu.memory_space<vmem>> -> memref<128xi32, #tpu.memory_space<vmem>>
        %dma_wait3A_95 = arith.constant 0 : i32
        %dma_wait3A_96 = tpu.memref_slice %arg7[%dma_wait3A_95] : memref<10240xf32, #tpu.memory_space<vmem_shared>> -> memref<10240xf32, #tpu.memory_space<vmem_shared>>
        tpu.wait_indirect_dma semaphore(%run_scoped3A_88 : memref<!tpu.dma_semaphore, #tpu.memory_space<semaphore_mem>>) src(%arg5 : memref<128xf32, #tpu.memory_space<vmem>>) dst(%dma_wait3A_96 : memref<10240xf32, #tpu.memory_space<vmem_shared>>)
        tpu.yield
      }) : () -> ()
      %run_scoped3A_84 = arith.constant 4 : i32
      "tpu.region"() ({
        %run_scoped3A_88 = tpu.sem_alloc : memref<!tpu.dma_semaphore, #tpu.memory_space<semaphore_mem>>
        %dma_start3A = arith.constant 0 : i32
        %dma_start3A_89 = tpu.memref_slice %arg4[%run_scoped3A_84, %dma_start3A] : memref<72x128xi32, #tpu.memory_space<vmem>> -> memref<1x128xi32, #tpu.memory_space<vmem>>
        %dma_start3A_90 = tpu.memref_squeeze %dma_start3A_89 : memref<1x128xi32, #tpu.memory_space<vmem>> -> memref<128xi32, #tpu.memory_space<vmem>>
        %dma_start3A_91 = arith.constant 0 : i32
        %dma_start3A_92 = tpu.memref_slice %arg7[%dma_start3A_91] : memref<10240xf32, #tpu.memory_space<vmem_shared>> -> memref<10240xf32, #tpu.memory_space<vmem_shared>>
        tpu.enqueue_indirect_dma source(%arg5 : memref<128xf32, #tpu.memory_space<vmem>>) target(%dma_start3A_92 : memref<10240xf32, #tpu.memory_space<vmem_shared>>) offsets(%dma_start3A_90 : memref<128xi32, #tpu.memory_space<vmem>>) semaphore(%run_scoped3A_88 : memref<!tpu.dma_semaphore, #tpu.memory_space<semaphore_mem>>) {add = true}
        %dma_wait3A = arith.constant 0 : i32
        %dma_wait3A_93 = tpu.memref_slice %arg4[%run_scoped3A_84, %dma_wait3A] : memref<72x128xi32, #tpu.memory_space<vmem>> -> memref<1x128xi32, #tpu.memory_space<vmem>>
        %dma_wait3A_94 = tpu.memref_squeeze %dma_wait3A_93 : memref<1x128xi32, #tpu.memory_space<vmem>> -> memref<128xi32, #tpu.memory_space<vmem>>
        %dma_wait3A_95 = arith.constant 0 : i32
        %dma_wait3A_96 = tpu.memref_slice %arg7[%dma_wait3A_95] : memref<10240xf32, #tpu.memory_space<vmem_shared>> -> memref<10240xf32, #tpu.memory_space<vmem_shared>>
        tpu.wait_indirect_dma semaphore(%run_scoped3A_88 : memref<!tpu.dma_semaphore, #tpu.memory_space<semaphore_mem>>) src(%arg5 : memref<128xf32, #tpu.memory_space<vmem>>) dst(%dma_wait3A_96 : memref<10240xf32, #tpu.memory_space<vmem_shared>>)
        tpu.yield
      }) : () -> ()
      %run_scoped3A_85 = arith.constant 5 : i32
      "tpu.region"() ({
        %run_scoped3A_88 = tpu.sem_alloc : memref<!tpu.dma_semaphore, #tpu.memory_space<semaphore_mem>>
        %dma_start3A = arith.constant 0 : i32
        %dma_start3A_89 = tpu.memref_slice %arg4[%run_scoped3A_85, %dma_start3A] : memref<72x128xi32, #tpu.memory_space<vmem>> -> memref<1x128xi32, #tpu.memory_space<vmem>>
        %dma_start3A_90 = tpu.memref_squeeze %dma_start3A_89 : memref<1x128xi32, #tpu.memory_space<vmem>> -> memref<128xi32, #tpu.memory_space<vmem>>
        %dma_start3A_91 = arith.constant 0 : i32
        %dma_start3A_92 = tpu.memref_slice %arg7[%dma_start3A_91] : memref<10240xf32, #tpu.memory_space<vmem_shared>> -> memref<10240xf32, #tpu.memory_space<vmem_shared>>
        tpu.enqueue_indirect_dma source(%arg5 : memref<128xf32, #tpu.memory_space<vmem>>) target(%dma_start3A_92 : memref<10240xf32, #tpu.memory_space<vmem_shared>>) offsets(%dma_start3A_90 : memref<128xi32, #tpu.memory_space<vmem>>) semaphore(%run_scoped3A_88 : memref<!tpu.dma_semaphore, #tpu.memory_space<semaphore_mem>>) {add = true}
        %dma_wait3A = arith.constant 0 : i32
        %dma_wait3A_93 = tpu.memref_slice %arg4[%run_scoped3A_85, %dma_wait3A] : memref<72x128xi32, #tpu.memory_space<vmem>> -> memref<1x128xi32, #tpu.memory_space<vmem>>
        %dma_wait3A_94 = tpu.memref_squeeze %dma_wait3A_93 : memref<1x128xi32, #tpu.memory_space<vmem>> -> memref<128xi32, #tpu.memory_space<vmem>>
        %dma_wait3A_95 = arith.constant 0 : i32
        %dma_wait3A_96 = tpu.memref_slice %arg7[%dma_wait3A_95] : memref<10240xf32, #tpu.memory_space<vmem_shared>> -> memref<10240xf32, #tpu.memory_space<vmem_shared>>
        tpu.wait_indirect_dma semaphore(%run_scoped3A_88 : memref<!tpu.dma_semaphore, #tpu.memory_space<semaphore_mem>>) src(%arg5 : memref<128xf32, #tpu.memory_space<vmem>>) dst(%dma_wait3A_96 : memref<10240xf32, #tpu.memory_space<vmem_shared>>)
        tpu.yield
      }) : () -> ()
      %run_scoped3A_86 = arith.constant 6 : i32
      "tpu.region"() ({
        %run_scoped3A_88 = tpu.sem_alloc : memref<!tpu.dma_semaphore, #tpu.memory_space<semaphore_mem>>
        %dma_start3A = arith.constant 0 : i32
        %dma_start3A_89 = tpu.memref_slice %arg4[%run_scoped3A_86, %dma_start3A] : memref<72x128xi32, #tpu.memory_space<vmem>> -> memref<1x128xi32, #tpu.memory_space<vmem>>
        %dma_start3A_90 = tpu.memref_squeeze %dma_start3A_89 : memref<1x128xi32, #tpu.memory_space<vmem>> -> memref<128xi32, #tpu.memory_space<vmem>>
        %dma_start3A_91 = arith.constant 0 : i32
        %dma_start3A_92 = tpu.memref_slice %arg7[%dma_start3A_91] : memref<10240xf32, #tpu.memory_space<vmem_shared>> -> memref<10240xf32, #tpu.memory_space<vmem_shared>>
        tpu.enqueue_indirect_dma source(%arg5 : memref<128xf32, #tpu.memory_space<vmem>>) target(%dma_start3A_92 : memref<10240xf32, #tpu.memory_space<vmem_shared>>) offsets(%dma_start3A_90 : memref<128xi32, #tpu.memory_space<vmem>>) semaphore(%run_scoped3A_88 : memref<!tpu.dma_semaphore, #tpu.memory_space<semaphore_mem>>) {add = true}
        %dma_wait3A = arith.constant 0 : i32
        %dma_wait3A_93 = tpu.memref_slice %arg4[%run_scoped3A_86, %dma_wait3A] : memref<72x128xi32, #tpu.memory_space<vmem>> -> memref<1x128xi32, #tpu.memory_space<vmem>>
        %dma_wait3A_94 = tpu.memref_squeeze %dma_wait3A_93 : memref<1x128xi32, #tpu.memory_space<vmem>> -> memref<128xi32, #tpu.memory_space<vmem>>
        %dma_wait3A_95 = arith.constant 0 : i32
        %dma_wait3A_96 = tpu.memref_slice %arg7[%dma_wait3A_95] : memref<10240xf32, #tpu.memory_space<vmem_shared>> -> memref<10240xf32, #tpu.memory_space<vmem_shared>>
        tpu.wait_indirect_dma semaphore(%run_scoped3A_88 : memref<!tpu.dma_semaphore, #tpu.memory_space<semaphore_mem>>) src(%arg5 : memref<128xf32, #tpu.memory_space<vmem>>) dst(%dma_wait3A_96 : memref<10240xf32, #tpu.memory_space<vmem_shared>>)
        tpu.yield
      }) : () -> ()
      %run_scoped3A_87 = arith.constant 7 : i32
      "tpu.region"() ({
        %run_scoped3A_88 = tpu.sem_alloc : memref<!tpu.dma_semaphore, #tpu.memory_space<semaphore_mem>>
        %dma_start3A = arith.constant 0 : i32
        %dma_start3A_89 = tpu.memref_slice %arg4[%run_scoped3A_87, %dma_start3A] : memref<72x128xi32, #tpu.memory_space<vmem>> -> memref<1x128xi32, #tpu.memory_space<vmem>>
        %dma_start3A_90 = tpu.memref_squeeze %dma_start3A_89 : memref<1x128xi32, #tpu.memory_space<vmem>> -> memref<128xi32, #tpu.memory_space<vmem>>
        %dma_start3A_91 = arith.constant 0 : i32
        %dma_start3A_92 = tpu.memref_slice %arg7[%dma_start3A_91] : memref<10240xf32, #tpu.memory_space<vmem_shared>> -> memref<10240xf32, #tpu.memory_space<vmem_shared>>
        tpu.enqueue_indirect_dma source(%arg5 : memref<128xf32, #tpu.memory_space<vmem>>) target(%dma_start3A_92 : memref<10240xf32, #tpu.memory_space<vmem_shared>>) offsets(%dma_start3A_90 : memref<128xi32, #tpu.memory_space<vmem>>) semaphore(%run_scoped3A_88 : memref<!tpu.dma_semaphore, #tpu.memory_space<semaphore_mem>>) {add = true}
        %dma_wait3A = arith.constant 0 : i32
        %dma_wait3A_93 = tpu.memref_slice %arg4[%run_scoped3A_87, %dma_wait3A] : memref<72x128xi32, #tpu.memory_space<vmem>> -> memref<1x128xi32, #tpu.memory_space<vmem>>
        %dma_wait3A_94 = tpu.memref_squeeze %dma_wait3A_93 : memref<1x128xi32, #tpu.memory_space<vmem>> -> memref<128xi32, #tpu.memory_space<vmem>>
        %dma_wait3A_95 = arith.constant 0 : i32
        %dma_wait3A_96 = tpu.memref_slice %arg7[%dma_wait3A_95] : memref<10240xf32, #tpu.memory_space<vmem_shared>> -> memref<10240xf32, #tpu.memory_space<vmem_shared>>
        tpu.wait_indirect_dma semaphore(%run_scoped3A_88 : memref<!tpu.dma_semaphore, #tpu.memory_space<semaphore_mem>>) src(%arg5 : memref<128xf32, #tpu.memory_space<vmem>>) dst(%dma_wait3A_96 : memref<10240xf32, #tpu.memory_space<vmem_shared>>)
        tpu.yield
      }) : () -> ()
    } else {
    }
    %eq3A = arith.constant 24 : i32
    %eq3A_66 = arith.cmpi eq, %add3A, %eq3A : i32
    %convert_element_type3A_67 = arith.extui %eq3A_66 : i1 to i32
    %cond3A_68 = arith.constant 0 : i32
    %cond3A_69 = arith.cmpi ne, %convert_element_type3A_67, %cond3A_68 : i32
    scf.if %cond3A_69 {
      %run_scoped3A_75 = arith.constant 1 : i32
      "tpu.region"() ({
        %run_scoped3A_80 = tpu.sem_alloc : memref<!tpu.dma_semaphore, #tpu.memory_space<semaphore_mem>>
        %dma_start3A = arith.constant 0 : i32
        %dma_start3A_81 = arith.constant 0 : i32
        %dma_start3A_82 = tpu.memref_slice %arg4[%dma_start3A, %dma_start3A_81] : memref<72x128xi32, #tpu.memory_space<vmem>> -> memref<4x128xi32, #tpu.memory_space<vmem>>
        %dma_start3A_83 = arith.constant 2496 : i32
        %dma_start3A_84 = arith.constant 0 : i32
        %dma_start3A_85 = tpu.memref_slice %arg2[%run_scoped3A_75, %dma_start3A_83, %dma_start3A_84] : memref<2x2500x128xi32, #tpu.memory_space<hbm>> -> memref<1x4x128xi32, #tpu.memory_space<hbm>>
        %dma_start3A_86 = tpu.memref_squeeze %dma_start3A_85 : memref<1x4x128xi32, #tpu.memory_space<hbm>> -> memref<4x128xi32, #tpu.memory_space<hbm>>
        %dma_start3A_87 = arith.constant 0 : i32
        %dma_start3A_88 = arith.constant 0 : i32
        %dma_start3A_89 = tpu.memref_slice %arg4[%dma_start3A_87, %dma_start3A_88] : memref<72x128xi32, #tpu.memory_space<vmem>> -> memref<4x128xi32, #tpu.memory_space<vmem>>
        %dma_start3A_90 = arith.constant 2496 : i32
        %dma_start3A_91 = arith.constant 0 : i32
        %dma_start3A_92 = tpu.memref_slice %arg2[%run_scoped3A_75, %dma_start3A_90, %dma_start3A_91] : memref<2x2500x128xi32, #tpu.memory_space<hbm>> -> memref<1x4x128xi32, #tpu.memory_space<hbm>>
        %dma_start3A_93 = tpu.memref_squeeze %dma_start3A_92 : memref<1x4x128xi32, #tpu.memory_space<hbm>> -> memref<4x128xi32, #tpu.memory_space<hbm>>
        tpu.enqueue_dma source(%dma_start3A_93 : memref<4x128xi32, #tpu.memory_space<hbm>>) target(%dma_start3A_89 : memref<4x128xi32, #tpu.memory_space<vmem>>) target_semaphore(%run_scoped3A_80 : memref<!tpu.dma_semaphore, #tpu.memory_space<semaphore_mem>>)
        %dma_wait3A = arith.constant 0 : i32
        %dma_wait3A_94 = arith.constant 0 : i32
        %dma_wait3A_95 = tpu.memref_slice %arg4[%dma_wait3A, %dma_wait3A_94] : memref<72x128xi32, #tpu.memory_space<vmem>> -> memref<4x128xi32, #tpu.memory_space<vmem>>
        %dma_wait3A_96 = arith.constant 2496 : i32
        %dma_wait3A_97 = arith.constant 0 : i32
        %dma_wait3A_98 = tpu.memref_slice %arg2[%run_scoped3A_75, %dma_wait3A_96, %dma_wait3A_97] : memref<2x2500x128xi32, #tpu.memory_space<hbm>> -> memref<1x4x128xi32, #tpu.memory_space<hbm>>
        %dma_wait3A_99 = tpu.memref_squeeze %dma_wait3A_98 : memref<1x4x128xi32, #tpu.memory_space<hbm>> -> memref<4x128xi32, #tpu.memory_space<hbm>>
        %dma_wait3A_100 = arith.constant 0 : i32
        %dma_wait3A_101 = arith.constant 0 : i32
        %dma_wait3A_102 = tpu.memref_slice %arg4[%dma_wait3A_100, %dma_wait3A_101] : memref<72x128xi32, #tpu.memory_space<vmem>> -> memref<4x128xi32, #tpu.memory_space<vmem>>
        %dma_wait3A_103 = arith.constant 2496 : i32
        %dma_wait3A_104 = arith.constant 0 : i32
        %dma_wait3A_105 = tpu.memref_slice %arg2[%run_scoped3A_75, %dma_wait3A_103, %dma_wait3A_104] : memref<2x2500x128xi32, #tpu.memory_space<hbm>> -> memref<1x4x128xi32, #tpu.memory_space<hbm>>
        %dma_wait3A_106 = tpu.memref_squeeze %dma_wait3A_105 : memref<1x4x128xi32, #tpu.memory_space<hbm>> -> memref<4x128xi32, #tpu.memory_space<hbm>>
        tpu.wait_dma2 semaphore(%run_scoped3A_80 : memref<!tpu.dma_semaphore, #tpu.memory_space<semaphore_mem>>) src(%dma_wait3A_106 : memref<4x128xi32, #tpu.memory_space<hbm>>) dst(%dma_wait3A_102 : memref<4x128xi32, #tpu.memory_space<vmem>>)
        tpu.yield
      }) : () -> ()
      %run_scoped3A_76 = arith.constant 0 : i32
      "tpu.region"() ({
        %run_scoped3A_80 = tpu.sem_alloc : memref<!tpu.dma_semaphore, #tpu.memory_space<semaphore_mem>>
        %dma_start3A = arith.constant 0 : i32
        %dma_start3A_81 = tpu.memref_slice %arg4[%run_scoped3A_76, %dma_start3A] : memref<72x128xi32, #tpu.memory_space<vmem>> -> memref<1x128xi32, #tpu.memory_space<vmem>>
        %dma_start3A_82 = tpu.memref_squeeze %dma_start3A_81 : memref<1x128xi32, #tpu.memory_space<vmem>> -> memref<128xi32, #tpu.memory_space<vmem>>
        %dma_start3A_83 = arith.constant 0 : i32
        %dma_start3A_84 = tpu.memref_slice %arg7[%dma_start3A_83] : memref<10240xf32, #tpu.memory_space<vmem_shared>> -> memref<10240xf32, #tpu.memory_space<vmem_shared>>
        tpu.enqueue_indirect_dma source(%arg5 : memref<128xf32, #tpu.memory_space<vmem>>) target(%dma_start3A_84 : memref<10240xf32, #tpu.memory_space<vmem_shared>>) offsets(%dma_start3A_82 : memref<128xi32, #tpu.memory_space<vmem>>) semaphore(%run_scoped3A_80 : memref<!tpu.dma_semaphore, #tpu.memory_space<semaphore_mem>>) {add = true}
        %dma_wait3A = arith.constant 0 : i32
        %dma_wait3A_85 = tpu.memref_slice %arg4[%run_scoped3A_76, %dma_wait3A] : memref<72x128xi32, #tpu.memory_space<vmem>> -> memref<1x128xi32, #tpu.memory_space<vmem>>
        %dma_wait3A_86 = tpu.memref_squeeze %dma_wait3A_85 : memref<1x128xi32, #tpu.memory_space<vmem>> -> memref<128xi32, #tpu.memory_space<vmem>>
        %dma_wait3A_87 = arith.constant 0 : i32
        %dma_wait3A_88 = tpu.memref_slice %arg7[%dma_wait3A_87] : memref<10240xf32, #tpu.memory_space<vmem_shared>> -> memref<10240xf32, #tpu.memory_space<vmem_shared>>
        tpu.wait_indirect_dma semaphore(%run_scoped3A_80 : memref<!tpu.dma_semaphore, #tpu.memory_space<semaphore_mem>>) src(%arg5 : memref<128xf32, #tpu.memory_space<vmem>>) dst(%dma_wait3A_88 : memref<10240xf32, #tpu.memory_space<vmem_shared>>)
        tpu.yield
      }) : () -> ()
      %run_scoped3A_77 = arith.constant 1 : i32
      "tpu.region"() ({
        %run_scoped3A_80 = tpu.sem_alloc : memref<!tpu.dma_semaphore, #tpu.memory_space<semaphore_mem>>
        %dma_start3A = arith.constant 0 : i32
        %dma_start3A_81 = tpu.memref_slice %arg4[%run_scoped3A_77, %dma_start3A] : memref<72x128xi32, #tpu.memory_space<vmem>> -> memref<1x128xi32, #tpu.memory_space<vmem>>
        %dma_start3A_82 = tpu.memref_squeeze %dma_start3A_81 : memref<1x128xi32, #tpu.memory_space<vmem>> -> memref<128xi32, #tpu.memory_space<vmem>>
        %dma_start3A_83 = arith.constant 0 : i32
        %dma_start3A_84 = tpu.memref_slice %arg7[%dma_start3A_83] : memref<10240xf32, #tpu.memory_space<vmem_shared>> -> memref<10240xf32, #tpu.memory_space<vmem_shared>>
        tpu.enqueue_indirect_dma source(%arg5 : memref<128xf32, #tpu.memory_space<vmem>>) target(%dma_start3A_84 : memref<10240xf32, #tpu.memory_space<vmem_shared>>) offsets(%dma_start3A_82 : memref<128xi32, #tpu.memory_space<vmem>>) semaphore(%run_scoped3A_80 : memref<!tpu.dma_semaphore, #tpu.memory_space<semaphore_mem>>) {add = true}
        %dma_wait3A = arith.constant 0 : i32
        %dma_wait3A_85 = tpu.memref_slice %arg4[%run_scoped3A_77, %dma_wait3A] : memref<72x128xi32, #tpu.memory_space<vmem>> -> memref<1x128xi32, #tpu.memory_space<vmem>>
        %dma_wait3A_86 = tpu.memref_squeeze %dma_wait3A_85 : memref<1x128xi32, #tpu.memory_space<vmem>> -> memref<128xi32, #tpu.memory_space<vmem>>
        %dma_wait3A_87 = arith.constant 0 : i32
        %dma_wait3A_88 = tpu.memref_slice %arg7[%dma_wait3A_87] : memref<10240xf32, #tpu.memory_space<vmem_shared>> -> memref<10240xf32, #tpu.memory_space<vmem_shared>>
        tpu.wait_indirect_dma semaphore(%run_scoped3A_80 : memref<!tpu.dma_semaphore, #tpu.memory_space<semaphore_mem>>) src(%arg5 : memref<128xf32, #tpu.memory_space<vmem>>) dst(%dma_wait3A_88 : memref<10240xf32, #tpu.memory_space<vmem_shared>>)
        tpu.yield
      }) : () -> ()
      %run_scoped3A_78 = arith.constant 2 : i32
      "tpu.region"() ({
        %run_scoped3A_80 = tpu.sem_alloc : memref<!tpu.dma_semaphore, #tpu.memory_space<semaphore_mem>>
        %dma_start3A = arith.constant 0 : i32
        %dma_start3A_81 = tpu.memref_slice %arg4[%run_scoped3A_78, %dma_start3A] : memref<72x128xi32, #tpu.memory_space<vmem>> -> memref<1x128xi32, #tpu.memory_space<vmem>>
        %dma_start3A_82 = tpu.memref_squeeze %dma_start3A_81 : memref<1x128xi32, #tpu.memory_space<vmem>> -> memref<128xi32, #tpu.memory_space<vmem>>
        %dma_start3A_83 = arith.constant 0 : i32
        %dma_start3A_84 = tpu.memref_slice %arg7[%dma_start3A_83] : memref<10240xf32, #tpu.memory_space<vmem_shared>> -> memref<10240xf32, #tpu.memory_space<vmem_shared>>
        tpu.enqueue_indirect_dma source(%arg5 : memref<128xf32, #tpu.memory_space<vmem>>) target(%dma_start3A_84 : memref<10240xf32, #tpu.memory_space<vmem_shared>>) offsets(%dma_start3A_82 : memref<128xi32, #tpu.memory_space<vmem>>) semaphore(%run_scoped3A_80 : memref<!tpu.dma_semaphore, #tpu.memory_space<semaphore_mem>>) {add = true}
        %dma_wait3A = arith.constant 0 : i32
        %dma_wait3A_85 = tpu.memref_slice %arg4[%run_scoped3A_78, %dma_wait3A] : memref<72x128xi32, #tpu.memory_space<vmem>> -> memref<1x128xi32, #tpu.memory_space<vmem>>
        %dma_wait3A_86 = tpu.memref_squeeze %dma_wait3A_85 : memref<1x128xi32, #tpu.memory_space<vmem>> -> memref<128xi32, #tpu.memory_space<vmem>>
        %dma_wait3A_87 = arith.constant 0 : i32
        %dma_wait3A_88 = tpu.memref_slice %arg7[%dma_wait3A_87] : memref<10240xf32, #tpu.memory_space<vmem_shared>> -> memref<10240xf32, #tpu.memory_space<vmem_shared>>
        tpu.wait_indirect_dma semaphore(%run_scoped3A_80 : memref<!tpu.dma_semaphore, #tpu.memory_space<semaphore_mem>>) src(%arg5 : memref<128xf32, #tpu.memory_space<vmem>>) dst(%dma_wait3A_88 : memref<10240xf32, #tpu.memory_space<vmem_shared>>)
        tpu.yield
      }) : () -> ()
      %run_scoped3A_79 = arith.constant 3 : i32
      "tpu.region"() ({
        %run_scoped3A_80 = tpu.sem_alloc : memref<!tpu.dma_semaphore, #tpu.memory_space<semaphore_mem>>
        %dma_start3A = arith.constant 0 : i32
        %dma_start3A_81 = tpu.memref_slice %arg4[%run_scoped3A_79, %dma_start3A] : memref<72x128xi32, #tpu.memory_space<vmem>> -> memref<1x128xi32, #tpu.memory_space<vmem>>
        %dma_start3A_82 = tpu.memref_squeeze %dma_start3A_81 : memref<1x128xi32, #tpu.memory_space<vmem>> -> memref<128xi32, #tpu.memory_space<vmem>>
        %dma_start3A_83 = arith.constant 0 : i32
        %dma_start3A_84 = tpu.memref_slice %arg7[%dma_start3A_83] : memref<10240xf32, #tpu.memory_space<vmem_shared>> -> memref<10240xf32, #tpu.memory_space<vmem_shared>>
        tpu.enqueue_indirect_dma source(%arg5 : memref<128xf32, #tpu.memory_space<vmem>>) target(%dma_start3A_84 : memref<10240xf32, #tpu.memory_space<vmem_shared>>) offsets(%dma_start3A_82 : memref<128xi32, #tpu.memory_space<vmem>>) semaphore(%run_scoped3A_80 : memref<!tpu.dma_semaphore, #tpu.memory_space<semaphore_mem>>) {add = true}
        %dma_wait3A = arith.constant 0 : i32
        %dma_wait3A_85 = tpu.memref_slice %arg4[%run_scoped3A_79, %dma_wait3A] : memref<72x128xi32, #tpu.memory_space<vmem>> -> memref<1x128xi32, #tpu.memory_space<vmem>>
        %dma_wait3A_86 = tpu.memref_squeeze %dma_wait3A_85 : memref<1x128xi32, #tpu.memory_space<vmem>> -> memref<128xi32, #tpu.memory_space<vmem>>
        %dma_wait3A_87 = arith.constant 0 : i32
        %dma_wait3A_88 = tpu.memref_slice %arg7[%dma_wait3A_87] : memref<10240xf32, #tpu.memory_space<vmem_shared>> -> memref<10240xf32, #tpu.memory_space<vmem_shared>>
        tpu.wait_indirect_dma semaphore(%run_scoped3A_80 : memref<!tpu.dma_semaphore, #tpu.memory_space<semaphore_mem>>) src(%arg5 : memref<128xf32, #tpu.memory_space<vmem>>) dst(%dma_wait3A_88 : memref<10240xf32, #tpu.memory_space<vmem_shared>>)
        tpu.yield
      }) : () -> ()
    } else {
    }
    %barrier3A_70 = arith.constant 0 : index
    tpu.barrier barrier_id(%barrier3A_70)
    %mul3A_71 = arith.constant 640 : i32
    %mul3A_72 = arith.muli %arg1, %mul3A_71 : i32
    %mul3A_73 = arith.constant 640 : i32
    %mul3A_74 = arith.muli %arg1, %mul3A_73 : i32
    "tpu.region"() ({
      %run_scoped3A_75 = tpu.sem_alloc : memref<!tpu.dma_semaphore, #tpu.memory_space<semaphore_mem>>
      %dma_start3A = tpu.memref_slice %arg3[%arg0, %mul3A_74] : memref<2x10240xf32, #tpu.memory_space<hbm>> -> memref<1x640xf32, #tpu.memory_space<hbm>>
      %dma_start3A_76 = tpu.memref_squeeze %dma_start3A : memref<1x640xf32, #tpu.memory_space<hbm>> -> memref<640xf32, #tpu.memory_space<hbm>>
      %dma_start3A_77 = tpu.memref_slice %arg7[%mul3A_72] : memref<10240xf32, #tpu.memory_space<vmem_shared>> -> memref<640xf32, #tpu.memory_space<vmem_shared>>
      tpu.enqueue_dma source(%dma_start3A_77 : memref<640xf32, #tpu.memory_space<vmem_shared>>) target(%dma_start3A_76 : memref<640xf32, #tpu.memory_space<hbm>>) target_semaphore(%run_scoped3A_75 : memref<!tpu.dma_semaphore, #tpu.memory_space<semaphore_mem>>)
      %dma_wait3A = tpu.memref_slice %arg3[%arg0, %mul3A_74] : memref<2x10240xf32, #tpu.memory_space<hbm>> -> memref<1x640xf32, #tpu.memory_space<hbm>>
      %dma_wait3A_78 = tpu.memref_squeeze %dma_wait3A : memref<1x640xf32, #tpu.memory_space<hbm>> -> memref<640xf32, #tpu.memory_space<hbm>>
      %dma_wait3A_79 = tpu.memref_slice %arg7[%mul3A_72] : memref<10240xf32, #tpu.memory_space<vmem_shared>> -> memref<640xf32, #tpu.memory_space<vmem_shared>>
      tpu.wait_dma2 semaphore(%run_scoped3A_75 : memref<!tpu.dma_semaphore, #tpu.memory_space<semaphore_mem>>) src(%dma_wait3A_79 : memref<640xf32, #tpu.memory_space<vmem_shared>>) dst(%dma_wait3A_78 : memref<640xf32, #tpu.memory_space<hbm>>)
      tpu.yield
    }) : () -> ()
    return
  }
}

#map = affine_map<(d0, d1) -> (0, 0)>
#map1 = affine_map<(d0, d1) -> (0, 0, 0)>
module attributes {stable_mosaic.version = 14 : i64} {
  func.func @body(%arg0: i32, %arg1: i32, %arg2: memref<10000x128xf32, #tpu.memory_space<hbm>>, %arg3: memref<2x2500x128xi32, #tpu.memory_space<hbm>>, %arg4: memref<2x10240x128xf32, #tpu.memory_space<hbm>>, %arg5: memref<8x128xi32, #tpu.memory_space<vmem>>, %arg6: memref<8x128xi32, #tpu.memory_space<vmem>>, %arg7: memref<128x128xf32, #tpu.memory_space<vmem>>, %arg8: memref<128x128xf32, #tpu.memory_space<vmem>>, %arg9: memref<10240x128xf32, #tpu.memory_space<vmem_shared>>, %arg10: memref<!tpu.dma_semaphore, #tpu.memory_space<semaphore_mem>>, %arg11: memref<!tpu.dma_semaphore, #tpu.memory_space<semaphore_mem>>, %arg12: memref<!tpu.dma_semaphore, #tpu.memory_space<semaphore_mem>>, %arg13: memref<!tpu.dma_semaphore, #tpu.memory_space<semaphore_mem>>) attributes {dimension_semantics = [#tpu.dimension_semantics<core_parallel>, #tpu.dimension_semantics<subcore_parallel>], iteration_bounds = array<i64: 2, 16>, scalar_prefetch = 0 : i64, scratch_operands = 9 : i64, tpu.core_type = #tpu.core_type<sc_vector_subcore>, window_params = [{transform_indices = #map}, {transform_indices = #map1}, {transform_indices = #map1}]} {
    %mul3A = arith.constant 16 : i32
    %mul3A_0 = arith.muli %arg0, %mul3A : i32
    %add3A = arith.addi %mul3A_0, %arg1 : i32
    %mul3A_1 = arith.constant 72 : i32
    %mul3A_2 = arith.muli %add3A, %mul3A_1 : i32
    %scan3A = arith.constant 0 : i32
    %scan3A_3 = arith.constant 0 : i32
    %scan3A_4 = arith.constant 128 : i32
    %scan3A_5 = arith.addi %scan3A_3, %scan3A_4 : i32
    %scan3A_6 = arith.constant 1 : i32
    %scan3A_7 = scf.for %scan3A_34 = %scan3A_3 to %scan3A_5 step %scan3A_6 iter_args(%scan3A_35 = %scan3A) -> (i32)  : i32 {
      %scan3A_36 = arith.constant 0 : i32
      %scan3A_37 = arith.constant 0 : i32
      %scan3A_38 = arith.constant 8 : i32
      %scan3A_39 = arith.addi %scan3A_37, %scan3A_38 : i32
      %scan3A_40 = arith.constant 1 : i32
      %scan3A_41 = scf.for %scan3A_44 = %scan3A_37 to %scan3A_39 step %scan3A_40 iter_args(%scan3A_45 = %scan3A_36) -> (i32)  : i32 {
        %broadcast_in_dim3A = arith.constant 0.000000e+00 : f32
        %broadcast_in_dim3A_46 = vector.broadcast %broadcast_in_dim3A : f32 to vector<16xf32>
        %mul3A_47 = arith.constant 16 : i32
        %mul3A_48 = arith.muli %scan3A_44, %mul3A_47 : i32
        %swap3A = arith.index_cast %scan3A_34 : i32 to index
        %swap3A_49 = arith.index_cast %mul3A_48 : i32 to index
        %swap3A_50 = tpu.vector_load %arg7[%swap3A, %swap3A_49] {strides = array<i32>} : memref<128x128xf32, #tpu.memory_space<vmem>>, vector<1x16xf32>,
        %swap3A_51 = vector.shape_cast %swap3A_50 : vector<1x16xf32> to vector<16xf32>
        %swap3A_52 = vector.shape_cast %broadcast_in_dim3A_46 : vector<16xf32> to vector<1x16xf32>
        tpu.vector_store %arg7[%swap3A, %swap3A_49], %swap3A_52 {strides = array<i32>} : memref<128x128xf32, #tpu.memory_space<vmem>>, vector<1x16xf32>,
        %broadcast_in_dim3A_53 = arith.constant 0.000000e+00 : f32
        %broadcast_in_dim3A_54 = vector.broadcast %broadcast_in_dim3A_53 : f32 to vector<16xf32>
        %mul3A_55 = arith.constant 16 : i32
        %mul3A_56 = arith.muli %scan3A_44, %mul3A_55 : i32
        %swap3A_57 = arith.index_cast %scan3A_34 : i32 to index
        %swap3A_58 = arith.index_cast %mul3A_56 : i32 to index
        %swap3A_59 = tpu.vector_load %arg8[%swap3A_57, %swap3A_58] {strides = array<i32>} : memref<128x128xf32, #tpu.memory_space<vmem>>, vector<1x16xf32>,
        %swap3A_60 = vector.shape_cast %swap3A_59 : vector<1x16xf32> to vector<16xf32>
        %swap3A_61 = vector.shape_cast %broadcast_in_dim3A_54 : vector<16xf32> to vector<1x16xf32>
        tpu.vector_store %arg8[%swap3A_57, %swap3A_58], %swap3A_61 {strides = array<i32>} : memref<128x128xf32, #tpu.memory_space<vmem>>, vector<1x16xf32>,
        %scan3A_62 = arith.constant 0 : i32
        scf.yield %scan3A_62 : i32
      }
      %scan3A_42 = arith.constant 8 : i32
      %scan3A_43 = arith.constant 0 : i32
      scf.yield %scan3A_43 : i32
    }
    %scan3A_8 = arith.constant 128 : i32
    %scan3A_9 = arith.constant 0 : i32
    %scan3A_10 = arith.constant 0 : i32
    %scan3A_11 = arith.constant 5 : i32
    %scan3A_12 = arith.addi %scan3A_10, %scan3A_11 : i32
    %scan3A_13 = arith.constant 1 : i32
    %scan3A_14 = scf.for %scan3A_34 = %scan3A_10 to %scan3A_12 step %scan3A_13 iter_args(%scan3A_35 = %scan3A_9) -> (i32)  : i32 {
      %mul3A_36 = arith.constant 640 : i32
      %mul3A_37 = arith.muli %arg1, %mul3A_36 : i32
      %mul3A_38 = arith.constant 128 : i32
      %mul3A_39 = arith.muli %scan3A_34, %mul3A_38 : i32
      %add3A_40 = arith.addi %mul3A_37, %mul3A_39 : i32
      "tpu.region"() ({
        %run_scoped3A = tpu.sem_alloc : memref<!tpu.dma_semaphore, #tpu.memory_space<semaphore_mem>>
        %dma_start3A = arith.constant 0 : i32
        %dma_start3A_42 = tpu.memref_slice %arg9[%add3A_40, %dma_start3A] : memref<10240x128xf32, #tpu.memory_space<vmem_shared>> -> memref<128x128xf32, #tpu.memory_space<vmem_shared>>
        %dma_start3A_43 = arith.constant 0 : i32
        %dma_start3A_44 = tpu.memref_slice %arg9[%add3A_40, %dma_start3A_43] : memref<10240x128xf32, #tpu.memory_space<vmem_shared>> -> memref<128x128xf32, #tpu.memory_space<vmem_shared>>
        tpu.enqueue_dma source(%arg7 : memref<128x128xf32, #tpu.memory_space<vmem>>) target(%dma_start3A_44 : memref<128x128xf32, #tpu.memory_space<vmem_shared>>) target_semaphore(%run_scoped3A : memref<!tpu.dma_semaphore, #tpu.memory_space<semaphore_mem>>)
        %dma_wait3A = arith.constant 0 : i32
        %dma_wait3A_45 = tpu.memref_slice %arg9[%add3A_40, %dma_wait3A] : memref<10240x128xf32, #tpu.memory_space<vmem_shared>> -> memref<128x128xf32, #tpu.memory_space<vmem_shared>>
        %dma_wait3A_46 = arith.constant 0 : i32
        %dma_wait3A_47 = tpu.memref_slice %arg9[%add3A_40, %dma_wait3A_46] : memref<10240x128xf32, #tpu.memory_space<vmem_shared>> -> memref<128x128xf32, #tpu.memory_space<vmem_shared>>
        tpu.wait_dma2 semaphore(%run_scoped3A : memref<!tpu.dma_semaphore, #tpu.memory_space<semaphore_mem>>) src(%arg7 : memref<128x128xf32, #tpu.memory_space<vmem>>) dst(%dma_wait3A_47 : memref<128x128xf32, #tpu.memory_space<vmem_shared>>)
        tpu.yield
      }) : () -> ()
      %scan3A_41 = arith.constant 0 : i32
      scf.yield %scan3A_41 : i32
    }
    %scan3A_15 = arith.constant 5 : i32
    %barrier3A = arith.constant 0 : index
    tpu.barrier barrier_id(%barrier3A)
    %scan3A_16 = arith.constant 0 : i32
    %scan3A_17 = arith.constant 0 : i32
    %scan3A_18 = arith.constant 9 : i32
    %scan3A_19 = arith.addi %scan3A_17, %scan3A_18 : i32
    %scan3A_20 = arith.constant 1 : i32
    %scan3A_21 = scf.for %scan3A_34 = %scan3A_17 to %scan3A_19 step %scan3A_20 iter_args(%scan3A_35 = %scan3A_16) -> (i32)  : i32 {
      %mul3A_36 = arith.constant 8 : i32
      %mul3A_37 = arith.muli %scan3A_34, %mul3A_36 : i32
      %add3A_38 = arith.addi %mul3A_2, %mul3A_37 : i32
      %run_scoped3A = arith.constant 0 : i32
      "tpu.region"() ({
        %run_scoped3A_263 = tpu.sem_alloc : memref<!tpu.dma_semaphore, #tpu.memory_space<semaphore_mem>>
        %dma_start3A_264 = arith.constant 0 : i32
        %dma_start3A_265 = arith.constant 0 : i32
        %dma_start3A_266 = tpu.memref_slice %arg5[%dma_start3A_264, %dma_start3A_265] : memref<8x128xi32, #tpu.memory_space<vmem>> -> memref<8x128xi32, #tpu.memory_space<vmem>>
        %dma_start3A_267 = arith.constant 0 : i32
        %dma_start3A_268 = tpu.memref_slice %arg3[%run_scoped3A, %add3A_38, %dma_start3A_267] : memref<2x2500x128xi32, #tpu.memory_space<hbm>> -> memref<1x8x128xi32, #tpu.memory_space<hbm>>
        %dma_start3A_269 = tpu.memref_squeeze %dma_start3A_268 : memref<1x8x128xi32, #tpu.memory_space<hbm>> -> memref<8x128xi32, #tpu.memory_space<hbm>>
        %dma_start3A_270 = arith.constant 0 : i32
        %dma_start3A_271 = arith.constant 0 : i32
        %dma_start3A_272 = tpu.memref_slice %arg5[%dma_start3A_270, %dma_start3A_271] : memref<8x128xi32, #tpu.memory_space<vmem>> -> memref<8x128xi32, #tpu.memory_space<vmem>>
        %dma_start3A_273 = arith.constant 0 : i32
        %dma_start3A_274 = tpu.memref_slice %arg3[%run_scoped3A, %add3A_38, %dma_start3A_273] : memref<2x2500x128xi32, #tpu.memory_space<hbm>> -> memref<1x8x128xi32, #tpu.memory_space<hbm>>
        %dma_start3A_275 = tpu.memref_squeeze %dma_start3A_274 : memref<1x8x128xi32, #tpu.memory_space<hbm>> -> memref<8x128xi32, #tpu.memory_space<hbm>>
        tpu.enqueue_dma source(%dma_start3A_275 : memref<8x128xi32, #tpu.memory_space<hbm>>) target(%dma_start3A_272 : memref<8x128xi32, #tpu.memory_space<vmem>>) target_semaphore(%run_scoped3A_263 : memref<!tpu.dma_semaphore, #tpu.memory_space<semaphore_mem>>)
        %dma_wait3A_276 = arith.constant 0 : i32
        %dma_wait3A_277 = arith.constant 0 : i32
        %dma_wait3A_278 = tpu.memref_slice %arg5[%dma_wait3A_276, %dma_wait3A_277] : memref<8x128xi32, #tpu.memory_space<vmem>> -> memref<8x128xi32, #tpu.memory_space<vmem>>
        %dma_wait3A_279 = arith.constant 0 : i32
        %dma_wait3A_280 = tpu.memref_slice %arg3[%run_scoped3A, %add3A_38, %dma_wait3A_279] : memref<2x2500x128xi32, #tpu.memory_space<hbm>> -> memref<1x8x128xi32, #tpu.memory_space<hbm>>
        %dma_wait3A_281 = tpu.memref_squeeze %dma_wait3A_280 : memref<1x8x128xi32, #tpu.memory_space<hbm>> -> memref<8x128xi32, #tpu.memory_space<hbm>>
        %dma_wait3A_282 = arith.constant 0 : i32
        %dma_wait3A_283 = arith.constant 0 : i32
        %dma_wait3A_284 = tpu.memref_slice %arg5[%dma_wait3A_282, %dma_wait3A_283] : memref<8x128xi32, #tpu.memory_space<vmem>> -> memref<8x128xi32, #tpu.memory_space<vmem>>
        %dma_wait3A_285 = arith.constant 0 : i32
        %dma_wait3A_286 = tpu.memref_slice %arg3[%run_scoped3A, %add3A_38, %dma_wait3A_285] : memref<2x2500x128xi32, #tpu.memory_space<hbm>> -> memref<1x8x128xi32, #tpu.memory_space<hbm>>
        %dma_wait3A_287 = tpu.memref_squeeze %dma_wait3A_286 : memref<1x8x128xi32, #tpu.memory_space<hbm>> -> memref<8x128xi32, #tpu.memory_space<hbm>>
        tpu.wait_dma2 semaphore(%run_scoped3A_263 : memref<!tpu.dma_semaphore, #tpu.memory_space<semaphore_mem>>) src(%dma_wait3A_287 : memref<8x128xi32, #tpu.memory_space<hbm>>) dst(%dma_wait3A_284 : memref<8x128xi32, #tpu.memory_space<vmem>>)
        tpu.yield
      }) : () -> ()
      %run_scoped3A_39 = arith.constant 1 : i32
      "tpu.region"() ({
        %run_scoped3A_263 = tpu.sem_alloc : memref<!tpu.dma_semaphore, #tpu.memory_space<semaphore_mem>>
        %dma_start3A_264 = arith.constant 0 : i32
        %dma_start3A_265 = arith.constant 0 : i32
        %dma_start3A_266 = tpu.memref_slice %arg6[%dma_start3A_264, %dma_start3A_265] : memref<8x128xi32, #tpu.memory_space<vmem>> -> memref<8x128xi32, #tpu.memory_space<vmem>>
        %dma_start3A_267 = arith.constant 0 : i32
        %dma_start3A_268 = tpu.memref_slice %arg3[%run_scoped3A_39, %add3A_38, %dma_start3A_267] : memref<2x2500x128xi32, #tpu.memory_space<hbm>> -> memref<1x8x128xi32, #tpu.memory_space<hbm>>
        %dma_start3A_269 = tpu.memref_squeeze %dma_start3A_268 : memref<1x8x128xi32, #tpu.memory_space<hbm>> -> memref<8x128xi32, #tpu.memory_space<hbm>>
        %dma_start3A_270 = arith.constant 0 : i32
        %dma_start3A_271 = arith.constant 0 : i32
        %dma_start3A_272 = tpu.memref_slice %arg6[%dma_start3A_270, %dma_start3A_271] : memref<8x128xi32, #tpu.memory_space<vmem>> -> memref<8x128xi32, #tpu.memory_space<vmem>>
        %dma_start3A_273 = arith.constant 0 : i32
        %dma_start3A_274 = tpu.memref_slice %arg3[%run_scoped3A_39, %add3A_38, %dma_start3A_273] : memref<2x2500x128xi32, #tpu.memory_space<hbm>> -> memref<1x8x128xi32, #tpu.memory_space<hbm>>
        %dma_start3A_275 = tpu.memref_squeeze %dma_start3A_274 : memref<1x8x128xi32, #tpu.memory_space<hbm>> -> memref<8x128xi32, #tpu.memory_space<hbm>>
        tpu.enqueue_dma source(%dma_start3A_275 : memref<8x128xi32, #tpu.memory_space<hbm>>) target(%dma_start3A_272 : memref<8x128xi32, #tpu.memory_space<vmem>>) target_semaphore(%run_scoped3A_263 : memref<!tpu.dma_semaphore, #tpu.memory_space<semaphore_mem>>)
        %dma_wait3A_276 = arith.constant 0 : i32
        %dma_wait3A_277 = arith.constant 0 : i32
        %dma_wait3A_278 = tpu.memref_slice %arg6[%dma_wait3A_276, %dma_wait3A_277] : memref<8x128xi32, #tpu.memory_space<vmem>> -> memref<8x128xi32, #tpu.memory_space<vmem>>
        %dma_wait3A_279 = arith.constant 0 : i32
        %dma_wait3A_280 = tpu.memref_slice %arg3[%run_scoped3A_39, %add3A_38, %dma_wait3A_279] : memref<2x2500x128xi32, #tpu.memory_space<hbm>> -> memref<1x8x128xi32, #tpu.memory_space<hbm>>
        %dma_wait3A_281 = tpu.memref_squeeze %dma_wait3A_280 : memref<1x8x128xi32, #tpu.memory_space<hbm>> -> memref<8x128xi32, #tpu.memory_space<hbm>>
        %dma_wait3A_282 = arith.constant 0 : i32
        %dma_wait3A_283 = arith.constant 0 : i32
        %dma_wait3A_284 = tpu.memref_slice %arg6[%dma_wait3A_282, %dma_wait3A_283] : memref<8x128xi32, #tpu.memory_space<vmem>> -> memref<8x128xi32, #tpu.memory_space<vmem>>
        %dma_wait3A_285 = arith.constant 0 : i32
        %dma_wait3A_286 = tpu.memref_slice %arg3[%run_scoped3A_39, %add3A_38, %dma_wait3A_285] : memref<2x2500x128xi32, #tpu.memory_space<hbm>> -> memref<1x8x128xi32, #tpu.memory_space<hbm>>
        %dma_wait3A_287 = tpu.memref_squeeze %dma_wait3A_286 : memref<1x8x128xi32, #tpu.memory_space<hbm>> -> memref<8x128xi32, #tpu.memory_space<hbm>>
        tpu.wait_dma2 semaphore(%run_scoped3A_263 : memref<!tpu.dma_semaphore, #tpu.memory_space<semaphore_mem>>) src(%dma_wait3A_287 : memref<8x128xi32, #tpu.memory_space<hbm>>) dst(%dma_wait3A_284 : memref<8x128xi32, #tpu.memory_space<vmem>>)
        tpu.yield
      }) : () -> ()
      %dma_start3A = arith.constant 0 : i32
      %dma_start3A_40 = arith.constant 0 : i32
      %dma_start3A_41 = tpu.memref_slice %arg5[%dma_start3A, %dma_start3A_40] : memref<8x128xi32, #tpu.memory_space<vmem>> -> memref<1x128xi32, #tpu.memory_space<vmem>>
      %dma_start3A_42 = tpu.memref_squeeze %dma_start3A_41 : memref<1x128xi32, #tpu.memory_space<vmem>> -> memref<128xi32, #tpu.memory_space<vmem>>
      %dma_start3A_43 = arith.constant 0 : i32
      %dma_start3A_44 = arith.constant 0 : i32
      %dma_start3A_45 = tpu.memref_slice %arg2[%dma_start3A_43, %dma_start3A_44] : memref<10000x128xf32, #tpu.memory_space<hbm>> -> memref<10000x128xf32, #tpu.memory_space<hbm>>
      tpu.enqueue_indirect_dma source(%dma_start3A_45 : memref<10000x128xf32, #tpu.memory_space<hbm>>) target(%arg7 : memref<128x128xf32, #tpu.memory_space<vmem>>) offsets(%dma_start3A_42 : memref<128xi32, #tpu.memory_space<vmem>>) semaphore(%arg10 : memref<!tpu.dma_semaphore, #tpu.memory_space<semaphore_mem>>)
      %dma_start3A_46 = arith.constant 1 : i32
      %dma_start3A_47 = arith.constant 0 : i32
      %dma_start3A_48 = tpu.memref_slice %arg5[%dma_start3A_46, %dma_start3A_47] : memref<8x128xi32, #tpu.memory_space<vmem>> -> memref<1x128xi32, #tpu.memory_space<vmem>>
      %dma_start3A_49 = tpu.memref_squeeze %dma_start3A_48 : memref<1x128xi32, #tpu.memory_space<vmem>> -> memref<128xi32, #tpu.memory_space<vmem>>
      %dma_start3A_50 = arith.constant 0 : i32
      %dma_start3A_51 = arith.constant 0 : i32
      %dma_start3A_52 = tpu.memref_slice %arg2[%dma_start3A_50, %dma_start3A_51] : memref<10000x128xf32, #tpu.memory_space<hbm>> -> memref<10000x128xf32, #tpu.memory_space<hbm>>
      tpu.enqueue_indirect_dma source(%dma_start3A_52 : memref<10000x128xf32, #tpu.memory_space<hbm>>) target(%arg8 : memref<128x128xf32, #tpu.memory_space<vmem>>) offsets(%dma_start3A_49 : memref<128xi32, #tpu.memory_space<vmem>>) semaphore(%arg11 : memref<!tpu.dma_semaphore, #tpu.memory_space<semaphore_mem>>)
      %dma_wait3A = arith.constant 0 : i32
      %dma_wait3A_53 = arith.constant 0 : i32
      %dma_wait3A_54 = tpu.memref_slice %arg5[%dma_wait3A, %dma_wait3A_53] : memref<8x128xi32, #tpu.memory_space<vmem>> -> memref<1x128xi32, #tpu.memory_space<vmem>>
      %dma_wait3A_55 = tpu.memref_squeeze %dma_wait3A_54 : memref<1x128xi32, #tpu.memory_space<vmem>> -> memref<128xi32, #tpu.memory_space<vmem>>
      %dma_wait3A_56 = arith.constant 0 : i32
      %dma_wait3A_57 = arith.constant 0 : i32
      %dma_wait3A_58 = tpu.memref_slice %arg2[%dma_wait3A_56, %dma_wait3A_57] : memref<10000x128xf32, #tpu.memory_space<hbm>> -> memref<10000x128xf32, #tpu.memory_space<hbm>>
      tpu.wait_indirect_dma semaphore(%arg10 : memref<!tpu.dma_semaphore, #tpu.memory_space<semaphore_mem>>) src(%dma_wait3A_58 : memref<10000x128xf32, #tpu.memory_space<hbm>>) dst(%arg7 : memref<128x128xf32, #tpu.memory_space<vmem>>)
      %dma_start3A_59 = arith.constant 0 : i32
      %dma_start3A_60 = arith.constant 0 : i32
      %dma_start3A_61 = tpu.memref_slice %arg6[%dma_start3A_59, %dma_start3A_60] : memref<8x128xi32, #tpu.memory_space<vmem>> -> memref<1x128xi32, #tpu.memory_space<vmem>>
      %dma_start3A_62 = tpu.memref_squeeze %dma_start3A_61 : memref<1x128xi32, #tpu.memory_space<vmem>> -> memref<128xi32, #tpu.memory_space<vmem>>
      %dma_start3A_63 = arith.constant 0 : i32
      %dma_start3A_64 = arith.constant 0 : i32
      %dma_start3A_65 = tpu.memref_slice %arg9[%dma_start3A_63, %dma_start3A_64] : memref<10240x128xf32, #tpu.memory_space<vmem_shared>> -> memref<10240x128xf32, #tpu.memory_space<vmem_shared>>
      tpu.enqueue_indirect_dma source(%arg7 : memref<128x128xf32, #tpu.memory_space<vmem>>) target(%dma_start3A_65 : memref<10240x128xf32, #tpu.memory_space<vmem_shared>>) offsets(%dma_start3A_62 : memref<128xi32, #tpu.memory_space<vmem>>) semaphore(%arg12 : memref<!tpu.dma_semaphore, #tpu.memory_space<semaphore_mem>>) {add = true}
      %dma_wait3A_66 = arith.constant 0 : i32
      %dma_wait3A_67 = arith.constant 0 : i32
      %dma_wait3A_68 = tpu.memref_slice %arg6[%dma_wait3A_66, %dma_wait3A_67] : memref<8x128xi32, #tpu.memory_space<vmem>> -> memref<1x128xi32, #tpu.memory_space<vmem>>
      %dma_wait3A_69 = tpu.memref_squeeze %dma_wait3A_68 : memref<1x128xi32, #tpu.memory_space<vmem>> -> memref<128xi32, #tpu.memory_space<vmem>>
      %dma_wait3A_70 = arith.constant 0 : i32
      %dma_wait3A_71 = arith.constant 0 : i32
      %dma_wait3A_72 = tpu.memref_slice %arg9[%dma_wait3A_70, %dma_wait3A_71] : memref<10240x128xf32, #tpu.memory_space<vmem_shared>> -> memref<10240x128xf32, #tpu.memory_space<vmem_shared>>
      tpu.wait_indirect_dma semaphore(%arg12 : memref<!tpu.dma_semaphore, #tpu.memory_space<semaphore_mem>>) src(%arg7 : memref<128x128xf32, #tpu.memory_space<vmem>>) dst(%dma_wait3A_72 : memref<10240x128xf32, #tpu.memory_space<vmem_shared>>)
      %dma_start3A_73 = arith.constant 2 : i32
      %dma_start3A_74 = arith.constant 0 : i32
      %dma_start3A_75 = tpu.memref_slice %arg5[%dma_start3A_73, %dma_start3A_74] : memref<8x128xi32, #tpu.memory_space<vmem>> -> memref<1x128xi32, #tpu.memory_space<vmem>>
      %dma_start3A_76 = tpu.memref_squeeze %dma_start3A_75 : memref<1x128xi32, #tpu.memory_space<vmem>> -> memref<128xi32, #tpu.memory_space<vmem>>
      %dma_start3A_77 = arith.constant 0 : i32
      %dma_start3A_78 = arith.constant 0 : i32
      %dma_start3A_79 = tpu.memref_slice %arg2[%dma_start3A_77, %dma_start3A_78] : memref<10000x128xf32, #tpu.memory_space<hbm>> -> memref<10000x128xf32, #tpu.memory_space<hbm>>
      tpu.enqueue_indirect_dma source(%dma_start3A_79 : memref<10000x128xf32, #tpu.memory_space<hbm>>) target(%arg7 : memref<128x128xf32, #tpu.memory_space<vmem>>) offsets(%dma_start3A_76 : memref<128xi32, #tpu.memory_space<vmem>>) semaphore(%arg10 : memref<!tpu.dma_semaphore, #tpu.memory_space<semaphore_mem>>)
      %dma_wait3A_80 = arith.constant 1 : i32
      %dma_wait3A_81 = arith.constant 0 : i32
      %dma_wait3A_82 = tpu.memref_slice %arg5[%dma_wait3A_80, %dma_wait3A_81] : memref<8x128xi32, #tpu.memory_space<vmem>> -> memref<1x128xi32, #tpu.memory_space<vmem>>
      %dma_wait3A_83 = tpu.memref_squeeze %dma_wait3A_82 : memref<1x128xi32, #tpu.memory_space<vmem>> -> memref<128xi32, #tpu.memory_space<vmem>>
      %dma_wait3A_84 = arith.constant 0 : i32
      %dma_wait3A_85 = arith.constant 0 : i32
      %dma_wait3A_86 = tpu.memref_slice %arg2[%dma_wait3A_84, %dma_wait3A_85] : memref<10000x128xf32, #tpu.memory_space<hbm>> -> memref<10000x128xf32, #tpu.memory_space<hbm>>
      tpu.wait_indirect_dma semaphore(%arg11 : memref<!tpu.dma_semaphore, #tpu.memory_space<semaphore_mem>>) src(%dma_wait3A_86 : memref<10000x128xf32, #tpu.memory_space<hbm>>) dst(%arg8 : memref<128x128xf32, #tpu.memory_space<vmem>>)
      %dma_start3A_87 = arith.constant 1 : i32
      %dma_start3A_88 = arith.constant 0 : i32
      %dma_start3A_89 = tpu.memref_slice %arg6[%dma_start3A_87, %dma_start3A_88] : memref<8x128xi32, #tpu.memory_space<vmem>> -> memref<1x128xi32, #tpu.memory_space<vmem>>
      %dma_start3A_90 = tpu.memref_squeeze %dma_start3A_89 : memref<1x128xi32, #tpu.memory_space<vmem>> -> memref<128xi32, #tpu.memory_space<vmem>>
      %dma_start3A_91 = arith.constant 0 : i32
      %dma_start3A_92 = arith.constant 0 : i32
      %dma_start3A_93 = tpu.memref_slice %arg9[%dma_start3A_91, %dma_start3A_92] : memref<10240x128xf32, #tpu.memory_space<vmem_shared>> -> memref<10240x128xf32, #tpu.memory_space<vmem_shared>>
      tpu.enqueue_indirect_dma source(%arg8 : memref<128x128xf32, #tpu.memory_space<vmem>>) target(%dma_start3A_93 : memref<10240x128xf32, #tpu.memory_space<vmem_shared>>) offsets(%dma_start3A_90 : memref<128xi32, #tpu.memory_space<vmem>>) semaphore(%arg13 : memref<!tpu.dma_semaphore, #tpu.memory_space<semaphore_mem>>) {add = true}
      %dma_wait3A_94 = arith.constant 1 : i32
      %dma_wait3A_95 = arith.constant 0 : i32
      %dma_wait3A_96 = tpu.memref_slice %arg6[%dma_wait3A_94, %dma_wait3A_95] : memref<8x128xi32, #tpu.memory_space<vmem>> -> memref<1x128xi32, #tpu.memory_space<vmem>>
      %dma_wait3A_97 = tpu.memref_squeeze %dma_wait3A_96 : memref<1x128xi32, #tpu.memory_space<vmem>> -> memref<128xi32, #tpu.memory_space<vmem>>
      %dma_wait3A_98 = arith.constant 0 : i32
      %dma_wait3A_99 = arith.constant 0 : i32
      %dma_wait3A_100 = tpu.memref_slice %arg9[%dma_wait3A_98, %dma_wait3A_99] : memref<10240x128xf32, #tpu.memory_space<vmem_shared>> -> memref<10240x128xf32, #tpu.memory_space<vmem_shared>>
      tpu.wait_indirect_dma semaphore(%arg13 : memref<!tpu.dma_semaphore, #tpu.memory_space<semaphore_mem>>) src(%arg8 : memref<128x128xf32, #tpu.memory_space<vmem>>) dst(%dma_wait3A_100 : memref<10240x128xf32, #tpu.memory_space<vmem_shared>>)
      %dma_start3A_101 = arith.constant 3 : i32
      %dma_start3A_102 = arith.constant 0 : i32
      %dma_start3A_103 = tpu.memref_slice %arg5[%dma_start3A_101, %dma_start3A_102] : memref<8x128xi32, #tpu.memory_space<vmem>> -> memref<1x128xi32, #tpu.memory_space<vmem>>
      %dma_start3A_104 = tpu.memref_squeeze %dma_start3A_103 : memref<1x128xi32, #tpu.memory_space<vmem>> -> memref<128xi32, #tpu.memory_space<vmem>>
      %dma_start3A_105 = arith.constant 0 : i32
      %dma_start3A_106 = arith.constant 0 : i32
      %dma_start3A_107 = tpu.memref_slice %arg2[%dma_start3A_105, %dma_start3A_106] : memref<10000x128xf32, #tpu.memory_space<hbm>> -> memref<10000x128xf32, #tpu.memory_space<hbm>>
      tpu.enqueue_indirect_dma source(%dma_start3A_107 : memref<10000x128xf32, #tpu.memory_space<hbm>>) target(%arg8 : memref<128x128xf32, #tpu.memory_space<vmem>>) offsets(%dma_start3A_104 : memref<128xi32, #tpu.memory_space<vmem>>) semaphore(%arg11 : memref<!tpu.dma_semaphore, #tpu.memory_space<semaphore_mem>>)
      %dma_wait3A_108 = arith.constant 2 : i32
      %dma_wait3A_109 = arith.constant 0 : i32
      %dma_wait3A_110 = tpu.memref_slice %arg5[%dma_wait3A_108, %dma_wait3A_109] : memref<8x128xi32, #tpu.memory_space<vmem>> -> memref<1x128xi32, #tpu.memory_space<vmem>>
      %dma_wait3A_111 = tpu.memref_squeeze %dma_wait3A_110 : memref<1x128xi32, #tpu.memory_space<vmem>> -> memref<128xi32, #tpu.memory_space<vmem>>
      %dma_wait3A_112 = arith.constant 0 : i32
      %dma_wait3A_113 = arith.constant 0 : i32
      %dma_wait3A_114 = tpu.memref_slice %arg2[%dma_wait3A_112, %dma_wait3A_113] : memref<10000x128xf32, #tpu.memory_space<hbm>> -> memref<10000x128xf32, #tpu.memory_space<hbm>>
      tpu.wait_indirect_dma semaphore(%arg10 : memref<!tpu.dma_semaphore, #tpu.memory_space<semaphore_mem>>) src(%dma_wait3A_114 : memref<10000x128xf32, #tpu.memory_space<hbm>>) dst(%arg7 : memref<128x128xf32, #tpu.memory_space<vmem>>)
      %dma_start3A_115 = arith.constant 2 : i32
      %dma_start3A_116 = arith.constant 0 : i32
      %dma_start3A_117 = tpu.memref_slice %arg6[%dma_start3A_115, %dma_start3A_116] : memref<8x128xi32, #tpu.memory_space<vmem>> -> memref<1x128xi32, #tpu.memory_space<vmem>>
      %dma_start3A_118 = tpu.memref_squeeze %dma_start3A_117 : memref<1x128xi32, #tpu.memory_space<vmem>> -> memref<128xi32, #tpu.memory_space<vmem>>
      %dma_start3A_119 = arith.constant 0 : i32
      %dma_start3A_120 = arith.constant 0 : i32
      %dma_start3A_121 = tpu.memref_slice %arg9[%dma_start3A_119, %dma_start3A_120] : memref<10240x128xf32, #tpu.memory_space<vmem_shared>> -> memref<10240x128xf32, #tpu.memory_space<vmem_shared>>
      tpu.enqueue_indirect_dma source(%arg7 : memref<128x128xf32, #tpu.memory_space<vmem>>) target(%dma_start3A_121 : memref<10240x128xf32, #tpu.memory_space<vmem_shared>>) offsets(%dma_start3A_118 : memref<128xi32, #tpu.memory_space<vmem>>) semaphore(%arg12 : memref<!tpu.dma_semaphore, #tpu.memory_space<semaphore_mem>>) {add = true}
      %dma_wait3A_122 = arith.constant 2 : i32
      %dma_wait3A_123 = arith.constant 0 : i32
      %dma_wait3A_124 = tpu.memref_slice %arg6[%dma_wait3A_122, %dma_wait3A_123] : memref<8x128xi32, #tpu.memory_space<vmem>> -> memref<1x128xi32, #tpu.memory_space<vmem>>
      %dma_wait3A_125 = tpu.memref_squeeze %dma_wait3A_124 : memref<1x128xi32, #tpu.memory_space<vmem>> -> memref<128xi32, #tpu.memory_space<vmem>>
      %dma_wait3A_126 = arith.constant 0 : i32
      %dma_wait3A_127 = arith.constant 0 : i32
      %dma_wait3A_128 = tpu.memref_slice %arg9[%dma_wait3A_126, %dma_wait3A_127] : memref<10240x128xf32, #tpu.memory_space<vmem_shared>> -> memref<10240x128xf32, #tpu.memory_space<vmem_shared>>
      tpu.wait_indirect_dma semaphore(%arg12 : memref<!tpu.dma_semaphore, #tpu.memory_space<semaphore_mem>>) src(%arg7 : memref<128x128xf32, #tpu.memory_space<vmem>>) dst(%dma_wait3A_128 : memref<10240x128xf32, #tpu.memory_space<vmem_shared>>)
      %dma_start3A_129 = arith.constant 4 : i32
      %dma_start3A_130 = arith.constant 0 : i32
      %dma_start3A_131 = tpu.memref_slice %arg5[%dma_start3A_129, %dma_start3A_130] : memref<8x128xi32, #tpu.memory_space<vmem>> -> memref<1x128xi32, #tpu.memory_space<vmem>>
      %dma_start3A_132 = tpu.memref_squeeze %dma_start3A_131 : memref<1x128xi32, #tpu.memory_space<vmem>> -> memref<128xi32, #tpu.memory_space<vmem>>
      %dma_start3A_133 = arith.constant 0 : i32
      %dma_start3A_134 = arith.constant 0 : i32
      %dma_start3A_135 = tpu.memref_slice %arg2[%dma_start3A_133, %dma_start3A_134] : memref<10000x128xf32, #tpu.memory_space<hbm>> -> memref<10000x128xf32, #tpu.memory_space<hbm>>
      tpu.enqueue_indirect_dma source(%dma_start3A_135 : memref<10000x128xf32, #tpu.memory_space<hbm>>) target(%arg7 : memref<128x128xf32, #tpu.memory_space<vmem>>) offsets(%dma_start3A_132 : memref<128xi32, #tpu.memory_space<vmem>>) semaphore(%arg10 : memref<!tpu.dma_semaphore, #tpu.memory_space<semaphore_mem>>)
      %dma_wait3A_136 = arith.constant 3 : i32
      %dma_wait3A_137 = arith.constant 0 : i32
      %dma_wait3A_138 = tpu.memref_slice %arg5[%dma_wait3A_136, %dma_wait3A_137] : memref<8x128xi32, #tpu.memory_space<vmem>> -> memref<1x128xi32, #tpu.memory_space<vmem>>
      %dma_wait3A_139 = tpu.memref_squeeze %dma_wait3A_138 : memref<1x128xi32, #tpu.memory_space<vmem>> -> memref<128xi32, #tpu.memory_space<vmem>>
      %dma_wait3A_140 = arith.constant 0 : i32
      %dma_wait3A_141 = arith.constant 0 : i32
      %dma_wait3A_142 = tpu.memref_slice %arg2[%dma_wait3A_140, %dma_wait3A_141] : memref<10000x128xf32, #tpu.memory_space<hbm>> -> memref<10000x128xf32, #tpu.memory_space<hbm>>
      tpu.wait_indirect_dma semaphore(%arg11 : memref<!tpu.dma_semaphore, #tpu.memory_space<semaphore_mem>>) src(%dma_wait3A_142 : memref<10000x128xf32, #tpu.memory_space<hbm>>) dst(%arg8 : memref<128x128xf32, #tpu.memory_space<vmem>>)
      %dma_start3A_143 = arith.constant 3 : i32
      %dma_start3A_144 = arith.constant 0 : i32
      %dma_start3A_145 = tpu.memref_slice %arg6[%dma_start3A_143, %dma_start3A_144] : memref<8x128xi32, #tpu.memory_space<vmem>> -> memref<1x128xi32, #tpu.memory_space<vmem>>
      %dma_start3A_146 = tpu.memref_squeeze %dma_start3A_145 : memref<1x128xi32, #tpu.memory_space<vmem>> -> memref<128xi32, #tpu.memory_space<vmem>>
      %dma_start3A_147 = arith.constant 0 : i32
      %dma_start3A_148 = arith.constant 0 : i32
      %dma_start3A_149 = tpu.memref_slice %arg9[%dma_start3A_147, %dma_start3A_148] : memref<10240x128xf32, #tpu.memory_space<vmem_shared>> -> memref<10240x128xf32, #tpu.memory_space<vmem_shared>>
      tpu.enqueue_indirect_dma source(%arg8 : memref<128x128xf32, #tpu.memory_space<vmem>>) target(%dma_start3A_149 : memref<10240x128xf32, #tpu.memory_space<vmem_shared>>) offsets(%dma_start3A_146 : memref<128xi32, #tpu.memory_space<vmem>>) semaphore(%arg13 : memref<!tpu.dma_semaphore, #tpu.memory_space<semaphore_mem>>) {add = true}
      %dma_wait3A_150 = arith.constant 3 : i32
      %dma_wait3A_151 = arith.constant 0 : i32
      %dma_wait3A_152 = tpu.memref_slice %arg6[%dma_wait3A_150, %dma_wait3A_151] : memref<8x128xi32, #tpu.memory_space<vmem>> -> memref<1x128xi32, #tpu.memory_space<vmem>>
      %dma_wait3A_153 = tpu.memref_squeeze %dma_wait3A_152 : memref<1x128xi32, #tpu.memory_space<vmem>> -> memref<128xi32, #tpu.memory_space<vmem>>
      %dma_wait3A_154 = arith.constant 0 : i32
      %dma_wait3A_155 = arith.constant 0 : i32
      %dma_wait3A_156 = tpu.memref_slice %arg9[%dma_wait3A_154, %dma_wait3A_155] : memref<10240x128xf32, #tpu.memory_space<vmem_shared>> -> memref<10240x128xf32, #tpu.memory_space<vmem_shared>>
      tpu.wait_indirect_dma semaphore(%arg13 : memref<!tpu.dma_semaphore, #tpu.memory_space<semaphore_mem>>) src(%arg8 : memref<128x128xf32, #tpu.memory_space<vmem>>) dst(%dma_wait3A_156 : memref<10240x128xf32, #tpu.memory_space<vmem_shared>>)
      %dma_start3A_157 = arith.constant 5 : i32
      %dma_start3A_158 = arith.constant 0 : i32
      %dma_start3A_159 = tpu.memref_slice %arg5[%dma_start3A_157, %dma_start3A_158] : memref<8x128xi32, #tpu.memory_space<vmem>> -> memref<1x128xi32, #tpu.memory_space<vmem>>
      %dma_start3A_160 = tpu.memref_squeeze %dma_start3A_159 : memref<1x128xi32, #tpu.memory_space<vmem>> -> memref<128xi32, #tpu.memory_space<vmem>>
      %dma_start3A_161 = arith.constant 0 : i32
      %dma_start3A_162 = arith.constant 0 : i32
      %dma_start3A_163 = tpu.memref_slice %arg2[%dma_start3A_161, %dma_start3A_162] : memref<10000x128xf32, #tpu.memory_space<hbm>> -> memref<10000x128xf32, #tpu.memory_space<hbm>>
      tpu.enqueue_indirect_dma source(%dma_start3A_163 : memref<10000x128xf32, #tpu.memory_space<hbm>>) target(%arg8 : memref<128x128xf32, #tpu.memory_space<vmem>>) offsets(%dma_start3A_160 : memref<128xi32, #tpu.memory_space<vmem>>) semaphore(%arg11 : memref<!tpu.dma_semaphore, #tpu.memory_space<semaphore_mem>>)
      %dma_wait3A_164 = arith.constant 4 : i32
      %dma_wait3A_165 = arith.constant 0 : i32
      %dma_wait3A_166 = tpu.memref_slice %arg5[%dma_wait3A_164, %dma_wait3A_165] : memref<8x128xi32, #tpu.memory_space<vmem>> -> memref<1x128xi32, #tpu.memory_space<vmem>>
      %dma_wait3A_167 = tpu.memref_squeeze %dma_wait3A_166 : memref<1x128xi32, #tpu.memory_space<vmem>> -> memref<128xi32, #tpu.memory_space<vmem>>
      %dma_wait3A_168 = arith.constant 0 : i32
      %dma_wait3A_169 = arith.constant 0 : i32
      %dma_wait3A_170 = tpu.memref_slice %arg2[%dma_wait3A_168, %dma_wait3A_169] : memref<10000x128xf32, #tpu.memory_space<hbm>> -> memref<10000x128xf32, #tpu.memory_space<hbm>>
      tpu.wait_indirect_dma semaphore(%arg10 : memref<!tpu.dma_semaphore, #tpu.memory_space<semaphore_mem>>) src(%dma_wait3A_170 : memref<10000x128xf32, #tpu.memory_space<hbm>>) dst(%arg7 : memref<128x128xf32, #tpu.memory_space<vmem>>)
      %dma_start3A_171 = arith.constant 4 : i32
      %dma_start3A_172 = arith.constant 0 : i32
      %dma_start3A_173 = tpu.memref_slice %arg6[%dma_start3A_171, %dma_start3A_172] : memref<8x128xi32, #tpu.memory_space<vmem>> -> memref<1x128xi32, #tpu.memory_space<vmem>>
      %dma_start3A_174 = tpu.memref_squeeze %dma_start3A_173 : memref<1x128xi32, #tpu.memory_space<vmem>> -> memref<128xi32, #tpu.memory_space<vmem>>
      %dma_start3A_175 = arith.constant 0 : i32
      %dma_start3A_176 = arith.constant 0 : i32
      %dma_start3A_177 = tpu.memref_slice %arg9[%dma_start3A_175, %dma_start3A_176] : memref<10240x128xf32, #tpu.memory_space<vmem_shared>> -> memref<10240x128xf32, #tpu.memory_space<vmem_shared>>
      tpu.enqueue_indirect_dma source(%arg7 : memref<128x128xf32, #tpu.memory_space<vmem>>) target(%dma_start3A_177 : memref<10240x128xf32, #tpu.memory_space<vmem_shared>>) offsets(%dma_start3A_174 : memref<128xi32, #tpu.memory_space<vmem>>) semaphore(%arg12 : memref<!tpu.dma_semaphore, #tpu.memory_space<semaphore_mem>>) {add = true}
      %dma_wait3A_178 = arith.constant 4 : i32
      %dma_wait3A_179 = arith.constant 0 : i32
      %dma_wait3A_180 = tpu.memref_slice %arg6[%dma_wait3A_178, %dma_wait3A_179] : memref<8x128xi32, #tpu.memory_space<vmem>> -> memref<1x128xi32, #tpu.memory_space<vmem>>
      %dma_wait3A_181 = tpu.memref_squeeze %dma_wait3A_180 : memref<1x128xi32, #tpu.memory_space<vmem>> -> memref<128xi32, #tpu.memory_space<vmem>>
      %dma_wait3A_182 = arith.constant 0 : i32
      %dma_wait3A_183 = arith.constant 0 : i32
      %dma_wait3A_184 = tpu.memref_slice %arg9[%dma_wait3A_182, %dma_wait3A_183] : memref<10240x128xf32, #tpu.memory_space<vmem_shared>> -> memref<10240x128xf32, #tpu.memory_space<vmem_shared>>
      tpu.wait_indirect_dma semaphore(%arg12 : memref<!tpu.dma_semaphore, #tpu.memory_space<semaphore_mem>>) src(%arg7 : memref<128x128xf32, #tpu.memory_space<vmem>>) dst(%dma_wait3A_184 : memref<10240x128xf32, #tpu.memory_space<vmem_shared>>)
      %dma_start3A_185 = arith.constant 6 : i32
      %dma_start3A_186 = arith.constant 0 : i32
      %dma_start3A_187 = tpu.memref_slice %arg5[%dma_start3A_185, %dma_start3A_186] : memref<8x128xi32, #tpu.memory_space<vmem>> -> memref<1x128xi32, #tpu.memory_space<vmem>>
      %dma_start3A_188 = tpu.memref_squeeze %dma_start3A_187 : memref<1x128xi32, #tpu.memory_space<vmem>> -> memref<128xi32, #tpu.memory_space<vmem>>
      %dma_start3A_189 = arith.constant 0 : i32
      %dma_start3A_190 = arith.constant 0 : i32
      %dma_start3A_191 = tpu.memref_slice %arg2[%dma_start3A_189, %dma_start3A_190] : memref<10000x128xf32, #tpu.memory_space<hbm>> -> memref<10000x128xf32, #tpu.memory_space<hbm>>
      tpu.enqueue_indirect_dma source(%dma_start3A_191 : memref<10000x128xf32, #tpu.memory_space<hbm>>) target(%arg7 : memref<128x128xf32, #tpu.memory_space<vmem>>) offsets(%dma_start3A_188 : memref<128xi32, #tpu.memory_space<vmem>>) semaphore(%arg10 : memref<!tpu.dma_semaphore, #tpu.memory_space<semaphore_mem>>)
      %dma_wait3A_192 = arith.constant 5 : i32
      %dma_wait3A_193 = arith.constant 0 : i32
      %dma_wait3A_194 = tpu.memref_slice %arg5[%dma_wait3A_192, %dma_wait3A_193] : memref<8x128xi32, #tpu.memory_space<vmem>> -> memref<1x128xi32, #tpu.memory_space<vmem>>
      %dma_wait3A_195 = tpu.memref_squeeze %dma_wait3A_194 : memref<1x128xi32, #tpu.memory_space<vmem>> -> memref<128xi32, #tpu.memory_space<vmem>>
      %dma_wait3A_196 = arith.constant 0 : i32
      %dma_wait3A_197 = arith.constant 0 : i32
      %dma_wait3A_198 = tpu.memref_slice %arg2[%dma_wait3A_196, %dma_wait3A_197] : memref<10000x128xf32, #tpu.memory_space<hbm>> -> memref<10000x128xf32, #tpu.memory_space<hbm>>
      tpu.wait_indirect_dma semaphore(%arg11 : memref<!tpu.dma_semaphore, #tpu.memory_space<semaphore_mem>>) src(%dma_wait3A_198 : memref<10000x128xf32, #tpu.memory_space<hbm>>) dst(%arg8 : memref<128x128xf32, #tpu.memory_space<vmem>>)
      %dma_start3A_199 = arith.constant 5 : i32
      %dma_start3A_200 = arith.constant 0 : i32
      %dma_start3A_201 = tpu.memref_slice %arg6[%dma_start3A_199, %dma_start3A_200] : memref<8x128xi32, #tpu.memory_space<vmem>> -> memref<1x128xi32, #tpu.memory_space<vmem>>
      %dma_start3A_202 = tpu.memref_squeeze %dma_start3A_201 : memref<1x128xi32, #tpu.memory_space<vmem>> -> memref<128xi32, #tpu.memory_space<vmem>>
      %dma_start3A_203 = arith.constant 0 : i32
      %dma_start3A_204 = arith.constant 0 : i32
      %dma_start3A_205 = tpu.memref_slice %arg9[%dma_start3A_203, %dma_start3A_204] : memref<10240x128xf32, #tpu.memory_space<vmem_shared>> -> memref<10240x128xf32, #tpu.memory_space<vmem_shared>>
      tpu.enqueue_indirect_dma source(%arg8 : memref<128x128xf32, #tpu.memory_space<vmem>>) target(%dma_start3A_205 : memref<10240x128xf32, #tpu.memory_space<vmem_shared>>) offsets(%dma_start3A_202 : memref<128xi32, #tpu.memory_space<vmem>>) semaphore(%arg13 : memref<!tpu.dma_semaphore, #tpu.memory_space<semaphore_mem>>) {add = true}
      %dma_wait3A_206 = arith.constant 5 : i32
      %dma_wait3A_207 = arith.constant 0 : i32
      %dma_wait3A_208 = tpu.memref_slice %arg6[%dma_wait3A_206, %dma_wait3A_207] : memref<8x128xi32, #tpu.memory_space<vmem>> -> memref<1x128xi32, #tpu.memory_space<vmem>>
      %dma_wait3A_209 = tpu.memref_squeeze %dma_wait3A_208 : memref<1x128xi32, #tpu.memory_space<vmem>> -> memref<128xi32, #tpu.memory_space<vmem>>
      %dma_wait3A_210 = arith.constant 0 : i32
      %dma_wait3A_211 = arith.constant 0 : i32
      %dma_wait3A_212 = tpu.memref_slice %arg9[%dma_wait3A_210, %dma_wait3A_211] : memref<10240x128xf32, #tpu.memory_space<vmem_shared>> -> memref<10240x128xf32, #tpu.memory_space<vmem_shared>>
      tpu.wait_indirect_dma semaphore(%arg13 : memref<!tpu.dma_semaphore, #tpu.memory_space<semaphore_mem>>) src(%arg8 : memref<128x128xf32, #tpu.memory_space<vmem>>) dst(%dma_wait3A_212 : memref<10240x128xf32, #tpu.memory_space<vmem_shared>>)
      %dma_start3A_213 = arith.constant 7 : i32
      %dma_start3A_214 = arith.constant 0 : i32
      %dma_start3A_215 = tpu.memref_slice %arg5[%dma_start3A_213, %dma_start3A_214] : memref<8x128xi32, #tpu.memory_space<vmem>> -> memref<1x128xi32, #tpu.memory_space<vmem>>
      %dma_start3A_216 = tpu.memref_squeeze %dma_start3A_215 : memref<1x128xi32, #tpu.memory_space<vmem>> -> memref<128xi32, #tpu.memory_space<vmem>>
      %dma_start3A_217 = arith.constant 0 : i32
      %dma_start3A_218 = arith.constant 0 : i32
      %dma_start3A_219 = tpu.memref_slice %arg2[%dma_start3A_217, %dma_start3A_218] : memref<10000x128xf32, #tpu.memory_space<hbm>> -> memref<10000x128xf32, #tpu.memory_space<hbm>>
      tpu.enqueue_indirect_dma source(%dma_start3A_219 : memref<10000x128xf32, #tpu.memory_space<hbm>>) target(%arg8 : memref<128x128xf32, #tpu.memory_space<vmem>>) offsets(%dma_start3A_216 : memref<128xi32, #tpu.memory_space<vmem>>) semaphore(%arg11 : memref<!tpu.dma_semaphore, #tpu.memory_space<semaphore_mem>>)
      %dma_wait3A_220 = arith.constant 6 : i32
      %dma_wait3A_221 = arith.constant 0 : i32
      %dma_wait3A_222 = tpu.memref_slice %arg5[%dma_wait3A_220, %dma_wait3A_221] : memref<8x128xi32, #tpu.memory_space<vmem>> -> memref<1x128xi32, #tpu.memory_space<vmem>>
      %dma_wait3A_223 = tpu.memref_squeeze %dma_wait3A_222 : memref<1x128xi32, #tpu.memory_space<vmem>> -> memref<128xi32, #tpu.memory_space<vmem>>
      %dma_wait3A_224 = arith.constant 0 : i32
      %dma_wait3A_225 = arith.constant 0 : i32
      %dma_wait3A_226 = tpu.memref_slice %arg2[%dma_wait3A_224, %dma_wait3A_225] : memref<10000x128xf32, #tpu.memory_space<hbm>> -> memref<10000x128xf32, #tpu.memory_space<hbm>>
      tpu.wait_indirect_dma semaphore(%arg10 : memref<!tpu.dma_semaphore, #tpu.memory_space<semaphore_mem>>) src(%dma_wait3A_226 : memref<10000x128xf32, #tpu.memory_space<hbm>>) dst(%arg7 : memref<128x128xf32, #tpu.memory_space<vmem>>)
      %dma_start3A_227 = arith.constant 6 : i32
      %dma_start3A_228 = arith.constant 0 : i32
      %dma_start3A_229 = tpu.memref_slice %arg6[%dma_start3A_227, %dma_start3A_228] : memref<8x128xi32, #tpu.memory_space<vmem>> -> memref<1x128xi32, #tpu.memory_space<vmem>>
      %dma_start3A_230 = tpu.memref_squeeze %dma_start3A_229 : memref<1x128xi32, #tpu.memory_space<vmem>> -> memref<128xi32, #tpu.memory_space<vmem>>
      %dma_start3A_231 = arith.constant 0 : i32
      %dma_start3A_232 = arith.constant 0 : i32
      %dma_start3A_233 = tpu.memref_slice %arg9[%dma_start3A_231, %dma_start3A_232] : memref<10240x128xf32, #tpu.memory_space<vmem_shared>> -> memref<10240x128xf32, #tpu.memory_space<vmem_shared>>
      tpu.enqueue_indirect_dma source(%arg7 : memref<128x128xf32, #tpu.memory_space<vmem>>) target(%dma_start3A_233 : memref<10240x128xf32, #tpu.memory_space<vmem_shared>>) offsets(%dma_start3A_230 : memref<128xi32, #tpu.memory_space<vmem>>) semaphore(%arg12 : memref<!tpu.dma_semaphore, #tpu.memory_space<semaphore_mem>>) {add = true}
      %dma_wait3A_234 = arith.constant 7 : i32
      %dma_wait3A_235 = arith.constant 0 : i32
      %dma_wait3A_236 = tpu.memref_slice %arg5[%dma_wait3A_234, %dma_wait3A_235] : memref<8x128xi32, #tpu.memory_space<vmem>> -> memref<1x128xi32, #tpu.memory_space<vmem>>
      %dma_wait3A_237 = tpu.memref_squeeze %dma_wait3A_236 : memref<1x128xi32, #tpu.memory_space<vmem>> -> memref<128xi32, #tpu.memory_space<vmem>>
      %dma_wait3A_238 = arith.constant 0 : i32
      %dma_wait3A_239 = arith.constant 0 : i32
      %dma_wait3A_240 = tpu.memref_slice %arg2[%dma_wait3A_238, %dma_wait3A_239] : memref<10000x128xf32, #tpu.memory_space<hbm>> -> memref<10000x128xf32, #tpu.memory_space<hbm>>
      tpu.wait_indirect_dma semaphore(%arg11 : memref<!tpu.dma_semaphore, #tpu.memory_space<semaphore_mem>>) src(%dma_wait3A_240 : memref<10000x128xf32, #tpu.memory_space<hbm>>) dst(%arg8 : memref<128x128xf32, #tpu.memory_space<vmem>>)
      %dma_wait3A_241 = arith.constant 6 : i32
      %dma_wait3A_242 = arith.constant 0 : i32
      %dma_wait3A_243 = tpu.memref_slice %arg6[%dma_wait3A_241, %dma_wait3A_242] : memref<8x128xi32, #tpu.memory_space<vmem>> -> memref<1x128xi32, #tpu.memory_space<vmem>>
      %dma_wait3A_244 = tpu.memref_squeeze %dma_wait3A_243 : memref<1x128xi32, #tpu.memory_space<vmem>> -> memref<128xi32, #tpu.memory_space<vmem>>
      %dma_wait3A_245 = arith.constant 0 : i32
      %dma_wait3A_246 = arith.constant 0 : i32
      %dma_wait3A_247 = tpu.memref_slice %arg9[%dma_wait3A_245, %dma_wait3A_246] : memref<10240x128xf32, #tpu.memory_space<vmem_shared>> -> memref<10240x128xf32, #tpu.memory_space<vmem_shared>>
      tpu.wait_indirect_dma semaphore(%arg12 : memref<!tpu.dma_semaphore, #tpu.memory_space<semaphore_mem>>) src(%arg7 : memref<128x128xf32, #tpu.memory_space<vmem>>) dst(%dma_wait3A_247 : memref<10240x128xf32, #tpu.memory_space<vmem_shared>>)
      %dma_start3A_248 = arith.constant 7 : i32
      %dma_start3A_249 = arith.constant 0 : i32
      %dma_start3A_250 = tpu.memref_slice %arg6[%dma_start3A_248, %dma_start3A_249] : memref<8x128xi32, #tpu.memory_space<vmem>> -> memref<1x128xi32, #tpu.memory_space<vmem>>
      %dma_start3A_251 = tpu.memref_squeeze %dma_start3A_250 : memref<1x128xi32, #tpu.memory_space<vmem>> -> memref<128xi32, #tpu.memory_space<vmem>>
      %dma_start3A_252 = arith.constant 0 : i32
      %dma_start3A_253 = arith.constant 0 : i32
      %dma_start3A_254 = tpu.memref_slice %arg9[%dma_start3A_252, %dma_start3A_253] : memref<10240x128xf32, #tpu.memory_space<vmem_shared>> -> memref<10240x128xf32, #tpu.memory_space<vmem_shared>>
      tpu.enqueue_indirect_dma source(%arg8 : memref<128x128xf32, #tpu.memory_space<vmem>>) target(%dma_start3A_254 : memref<10240x128xf32, #tpu.memory_space<vmem_shared>>) offsets(%dma_start3A_251 : memref<128xi32, #tpu.memory_space<vmem>>) semaphore(%arg13 : memref<!tpu.dma_semaphore, #tpu.memory_space<semaphore_mem>>) {add = true}
      %dma_wait3A_255 = arith.constant 7 : i32
      %dma_wait3A_256 = arith.constant 0 : i32
      %dma_wait3A_257 = tpu.memref_slice %arg6[%dma_wait3A_255, %dma_wait3A_256] : memref<8x128xi32, #tpu.memory_space<vmem>> -> memref<1x128xi32, #tpu.memory_space<vmem>>
      %dma_wait3A_258 = tpu.memref_squeeze %dma_wait3A_257 : memref<1x128xi32, #tpu.memory_space<vmem>> -> memref<128xi32, #tpu.memory_space<vmem>>
      %dma_wait3A_259 = arith.constant 0 : i32
      %dma_wait3A_260 = arith.constant 0 : i32
      %dma_wait3A_261 = tpu.memref_slice %arg9[%dma_wait3A_259, %dma_wait3A_260] : memref<10240x128xf32, #tpu.memory_space<vmem_shared>> -> memref<10240x128xf32, #tpu.memory_space<vmem_shared>>
      tpu.wait_indirect_dma semaphore(%arg13 : memref<!tpu.dma_semaphore, #tpu.memory_space<semaphore_mem>>) src(%arg8 : memref<128x128xf32, #tpu.memory_space<vmem>>) dst(%dma_wait3A_261 : memref<10240x128xf32, #tpu.memory_space<vmem_shared>>)
      %scan3A_262 = arith.constant 0 : i32
      scf.yield %scan3A_262 : i32
    }
    %scan3A_22 = arith.constant 9 : i32
    %lt3A = arith.constant 24 : i32
    %lt3A_23 = arith.cmpi slt, %add3A, %lt3A : i32
    %convert_element_type3A = arith.extui %lt3A_23 : i1 to i32
    %cond3A = arith.constant 0 : i32
    %cond3A_24 = arith.cmpi ne, %convert_element_type3A, %cond3A : i32
    scf.if %cond3A_24 {
      %mul3A_34 = arith.constant 8 : i32
      %mul3A_35 = arith.muli %mul3A_34, %add3A : i32
      %add3A_36 = arith.constant 2304 : i32
      %add3A_37 = arith.addi %add3A_36, %mul3A_35 : i32
      %run_scoped3A = arith.constant 0 : i32
      "tpu.region"() ({
        %run_scoped3A_261 = tpu.sem_alloc : memref<!tpu.dma_semaphore, #tpu.memory_space<semaphore_mem>>
        %dma_start3A_262 = arith.constant 0 : i32
        %dma_start3A_263 = arith.constant 0 : i32
        %dma_start3A_264 = tpu.memref_slice %arg5[%dma_start3A_262, %dma_start3A_263] : memref<8x128xi32, #tpu.memory_space<vmem>> -> memref<8x128xi32, #tpu.memory_space<vmem>>
        %dma_start3A_265 = arith.constant 0 : i32
        %dma_start3A_266 = tpu.memref_slice %arg3[%run_scoped3A, %add3A_37, %dma_start3A_265] : memref<2x2500x128xi32, #tpu.memory_space<hbm>> -> memref<1x8x128xi32, #tpu.memory_space<hbm>>
        %dma_start3A_267 = tpu.memref_squeeze %dma_start3A_266 : memref<1x8x128xi32, #tpu.memory_space<hbm>> -> memref<8x128xi32, #tpu.memory_space<hbm>>
        %dma_start3A_268 = arith.constant 0 : i32
        %dma_start3A_269 = arith.constant 0 : i32
        %dma_start3A_270 = tpu.memref_slice %arg5[%dma_start3A_268, %dma_start3A_269] : memref<8x128xi32, #tpu.memory_space<vmem>> -> memref<8x128xi32, #tpu.memory_space<vmem>>
        %dma_start3A_271 = arith.constant 0 : i32
        %dma_start3A_272 = tpu.memref_slice %arg3[%run_scoped3A, %add3A_37, %dma_start3A_271] : memref<2x2500x128xi32, #tpu.memory_space<hbm>> -> memref<1x8x128xi32, #tpu.memory_space<hbm>>
        %dma_start3A_273 = tpu.memref_squeeze %dma_start3A_272 : memref<1x8x128xi32, #tpu.memory_space<hbm>> -> memref<8x128xi32, #tpu.memory_space<hbm>>
        tpu.enqueue_dma source(%dma_start3A_273 : memref<8x128xi32, #tpu.memory_space<hbm>>) target(%dma_start3A_270 : memref<8x128xi32, #tpu.memory_space<vmem>>) target_semaphore(%run_scoped3A_261 : memref<!tpu.dma_semaphore, #tpu.memory_space<semaphore_mem>>)
        %dma_wait3A_274 = arith.constant 0 : i32
        %dma_wait3A_275 = arith.constant 0 : i32
        %dma_wait3A_276 = tpu.memref_slice %arg5[%dma_wait3A_274, %dma_wait3A_275] : memref<8x128xi32, #tpu.memory_space<vmem>> -> memref<8x128xi32, #tpu.memory_space<vmem>>
        %dma_wait3A_277 = arith.constant 0 : i32
        %dma_wait3A_278 = tpu.memref_slice %arg3[%run_scoped3A, %add3A_37, %dma_wait3A_277] : memref<2x2500x128xi32, #tpu.memory_space<hbm>> -> memref<1x8x128xi32, #tpu.memory_space<hbm>>
        %dma_wait3A_279 = tpu.memref_squeeze %dma_wait3A_278 : memref<1x8x128xi32, #tpu.memory_space<hbm>> -> memref<8x128xi32, #tpu.memory_space<hbm>>
        %dma_wait3A_280 = arith.constant 0 : i32
        %dma_wait3A_281 = arith.constant 0 : i32
        %dma_wait3A_282 = tpu.memref_slice %arg5[%dma_wait3A_280, %dma_wait3A_281] : memref<8x128xi32, #tpu.memory_space<vmem>> -> memref<8x128xi32, #tpu.memory_space<vmem>>
        %dma_wait3A_283 = arith.constant 0 : i32
        %dma_wait3A_284 = tpu.memref_slice %arg3[%run_scoped3A, %add3A_37, %dma_wait3A_283] : memref<2x2500x128xi32, #tpu.memory_space<hbm>> -> memref<1x8x128xi32, #tpu.memory_space<hbm>>
        %dma_wait3A_285 = tpu.memref_squeeze %dma_wait3A_284 : memref<1x8x128xi32, #tpu.memory_space<hbm>> -> memref<8x128xi32, #tpu.memory_space<hbm>>
        tpu.wait_dma2 semaphore(%run_scoped3A_261 : memref<!tpu.dma_semaphore, #tpu.memory_space<semaphore_mem>>) src(%dma_wait3A_285 : memref<8x128xi32, #tpu.memory_space<hbm>>) dst(%dma_wait3A_282 : memref<8x128xi32, #tpu.memory_space<vmem>>)
        tpu.yield
      }) : () -> ()
      %run_scoped3A_38 = arith.constant 1 : i32
      "tpu.region"() ({
        %run_scoped3A_261 = tpu.sem_alloc : memref<!tpu.dma_semaphore, #tpu.memory_space<semaphore_mem>>
        %dma_start3A_262 = arith.constant 0 : i32
        %dma_start3A_263 = arith.constant 0 : i32
        %dma_start3A_264 = tpu.memref_slice %arg6[%dma_start3A_262, %dma_start3A_263] : memref<8x128xi32, #tpu.memory_space<vmem>> -> memref<8x128xi32, #tpu.memory_space<vmem>>
        %dma_start3A_265 = arith.constant 0 : i32
        %dma_start3A_266 = tpu.memref_slice %arg3[%run_scoped3A_38, %add3A_37, %dma_start3A_265] : memref<2x2500x128xi32, #tpu.memory_space<hbm>> -> memref<1x8x128xi32, #tpu.memory_space<hbm>>
        %dma_start3A_267 = tpu.memref_squeeze %dma_start3A_266 : memref<1x8x128xi32, #tpu.memory_space<hbm>> -> memref<8x128xi32, #tpu.memory_space<hbm>>
        %dma_start3A_268 = arith.constant 0 : i32
        %dma_start3A_269 = arith.constant 0 : i32
        %dma_start3A_270 = tpu.memref_slice %arg6[%dma_start3A_268, %dma_start3A_269] : memref<8x128xi32, #tpu.memory_space<vmem>> -> memref<8x128xi32, #tpu.memory_space<vmem>>
        %dma_start3A_271 = arith.constant 0 : i32
        %dma_start3A_272 = tpu.memref_slice %arg3[%run_scoped3A_38, %add3A_37, %dma_start3A_271] : memref<2x2500x128xi32, #tpu.memory_space<hbm>> -> memref<1x8x128xi32, #tpu.memory_space<hbm>>
        %dma_start3A_273 = tpu.memref_squeeze %dma_start3A_272 : memref<1x8x128xi32, #tpu.memory_space<hbm>> -> memref<8x128xi32, #tpu.memory_space<hbm>>
        tpu.enqueue_dma source(%dma_start3A_273 : memref<8x128xi32, #tpu.memory_space<hbm>>) target(%dma_start3A_270 : memref<8x128xi32, #tpu.memory_space<vmem>>) target_semaphore(%run_scoped3A_261 : memref<!tpu.dma_semaphore, #tpu.memory_space<semaphore_mem>>)
        %dma_wait3A_274 = arith.constant 0 : i32
        %dma_wait3A_275 = arith.constant 0 : i32
        %dma_wait3A_276 = tpu.memref_slice %arg6[%dma_wait3A_274, %dma_wait3A_275] : memref<8x128xi32, #tpu.memory_space<vmem>> -> memref<8x128xi32, #tpu.memory_space<vmem>>
        %dma_wait3A_277 = arith.constant 0 : i32
        %dma_wait3A_278 = tpu.memref_slice %arg3[%run_scoped3A_38, %add3A_37, %dma_wait3A_277] : memref<2x2500x128xi32, #tpu.memory_space<hbm>> -> memref<1x8x128xi32, #tpu.memory_space<hbm>>
        %dma_wait3A_279 = tpu.memref_squeeze %dma_wait3A_278 : memref<1x8x128xi32, #tpu.memory_space<hbm>> -> memref<8x128xi32, #tpu.memory_space<hbm>>
        %dma_wait3A_280 = arith.constant 0 : i32
        %dma_wait3A_281 = arith.constant 0 : i32
        %dma_wait3A_282 = tpu.memref_slice %arg6[%dma_wait3A_280, %dma_wait3A_281] : memref<8x128xi32, #tpu.memory_space<vmem>> -> memref<8x128xi32, #tpu.memory_space<vmem>>
        %dma_wait3A_283 = arith.constant 0 : i32
        %dma_wait3A_284 = tpu.memref_slice %arg3[%run_scoped3A_38, %add3A_37, %dma_wait3A_283] : memref<2x2500x128xi32, #tpu.memory_space<hbm>> -> memref<1x8x128xi32, #tpu.memory_space<hbm>>
        %dma_wait3A_285 = tpu.memref_squeeze %dma_wait3A_284 : memref<1x8x128xi32, #tpu.memory_space<hbm>> -> memref<8x128xi32, #tpu.memory_space<hbm>>
        tpu.wait_dma2 semaphore(%run_scoped3A_261 : memref<!tpu.dma_semaphore, #tpu.memory_space<semaphore_mem>>) src(%dma_wait3A_285 : memref<8x128xi32, #tpu.memory_space<hbm>>) dst(%dma_wait3A_282 : memref<8x128xi32, #tpu.memory_space<vmem>>)
        tpu.yield
      }) : () -> ()
      %dma_start3A = arith.constant 0 : i32
      %dma_start3A_39 = arith.constant 0 : i32
      %dma_start3A_40 = tpu.memref_slice %arg5[%dma_start3A, %dma_start3A_39] : memref<8x128xi32, #tpu.memory_space<vmem>> -> memref<1x128xi32, #tpu.memory_space<vmem>>
      %dma_start3A_41 = tpu.memref_squeeze %dma_start3A_40 : memref<1x128xi32, #tpu.memory_space<vmem>> -> memref<128xi32, #tpu.memory_space<vmem>>
      %dma_start3A_42 = arith.constant 0 : i32
      %dma_start3A_43 = arith.constant 0 : i32
      %dma_start3A_44 = tpu.memref_slice %arg2[%dma_start3A_42, %dma_start3A_43] : memref<10000x128xf32, #tpu.memory_space<hbm>> -> memref<10000x128xf32, #tpu.memory_space<hbm>>
      tpu.enqueue_indirect_dma source(%dma_start3A_44 : memref<10000x128xf32, #tpu.memory_space<hbm>>) target(%arg7 : memref<128x128xf32, #tpu.memory_space<vmem>>) offsets(%dma_start3A_41 : memref<128xi32, #tpu.memory_space<vmem>>) semaphore(%arg10 : memref<!tpu.dma_semaphore, #tpu.memory_space<semaphore_mem>>)
      %dma_start3A_45 = arith.constant 1 : i32
      %dma_start3A_46 = arith.constant 0 : i32
      %dma_start3A_47 = tpu.memref_slice %arg5[%dma_start3A_45, %dma_start3A_46] : memref<8x128xi32, #tpu.memory_space<vmem>> -> memref<1x128xi32, #tpu.memory_space<vmem>>
      %dma_start3A_48 = tpu.memref_squeeze %dma_start3A_47 : memref<1x128xi32, #tpu.memory_space<vmem>> -> memref<128xi32, #tpu.memory_space<vmem>>
      %dma_start3A_49 = arith.constant 0 : i32
      %dma_start3A_50 = arith.constant 0 : i32
      %dma_start3A_51 = tpu.memref_slice %arg2[%dma_start3A_49, %dma_start3A_50] : memref<10000x128xf32, #tpu.memory_space<hbm>> -> memref<10000x128xf32, #tpu.memory_space<hbm>>
      tpu.enqueue_indirect_dma source(%dma_start3A_51 : memref<10000x128xf32, #tpu.memory_space<hbm>>) target(%arg8 : memref<128x128xf32, #tpu.memory_space<vmem>>) offsets(%dma_start3A_48 : memref<128xi32, #tpu.memory_space<vmem>>) semaphore(%arg11 : memref<!tpu.dma_semaphore, #tpu.memory_space<semaphore_mem>>)
      %dma_wait3A = arith.constant 0 : i32
      %dma_wait3A_52 = arith.constant 0 : i32
      %dma_wait3A_53 = tpu.memref_slice %arg5[%dma_wait3A, %dma_wait3A_52] : memref<8x128xi32, #tpu.memory_space<vmem>> -> memref<1x128xi32, #tpu.memory_space<vmem>>
      %dma_wait3A_54 = tpu.memref_squeeze %dma_wait3A_53 : memref<1x128xi32, #tpu.memory_space<vmem>> -> memref<128xi32, #tpu.memory_space<vmem>>
      %dma_wait3A_55 = arith.constant 0 : i32
      %dma_wait3A_56 = arith.constant 0 : i32
      %dma_wait3A_57 = tpu.memref_slice %arg2[%dma_wait3A_55, %dma_wait3A_56] : memref<10000x128xf32, #tpu.memory_space<hbm>> -> memref<10000x128xf32, #tpu.memory_space<hbm>>
      tpu.wait_indirect_dma semaphore(%arg10 : memref<!tpu.dma_semaphore, #tpu.memory_space<semaphore_mem>>) src(%dma_wait3A_57 : memref<10000x128xf32, #tpu.memory_space<hbm>>) dst(%arg7 : memref<128x128xf32, #tpu.memory_space<vmem>>)
      %dma_start3A_58 = arith.constant 0 : i32
      %dma_start3A_59 = arith.constant 0 : i32
      %dma_start3A_60 = tpu.memref_slice %arg6[%dma_start3A_58, %dma_start3A_59] : memref<8x128xi32, #tpu.memory_space<vmem>> -> memref<1x128xi32, #tpu.memory_space<vmem>>
      %dma_start3A_61 = tpu.memref_squeeze %dma_start3A_60 : memref<1x128xi32, #tpu.memory_space<vmem>> -> memref<128xi32, #tpu.memory_space<vmem>>
      %dma_start3A_62 = arith.constant 0 : i32
      %dma_start3A_63 = arith.constant 0 : i32
      %dma_start3A_64 = tpu.memref_slice %arg9[%dma_start3A_62, %dma_start3A_63] : memref<10240x128xf32, #tpu.memory_space<vmem_shared>> -> memref<10240x128xf32, #tpu.memory_space<vmem_shared>>
      tpu.enqueue_indirect_dma source(%arg7 : memref<128x128xf32, #tpu.memory_space<vmem>>) target(%dma_start3A_64 : memref<10240x128xf32, #tpu.memory_space<vmem_shared>>) offsets(%dma_start3A_61 : memref<128xi32, #tpu.memory_space<vmem>>) semaphore(%arg12 : memref<!tpu.dma_semaphore, #tpu.memory_space<semaphore_mem>>) {add = true}
      %dma_wait3A_65 = arith.constant 0 : i32
      %dma_wait3A_66 = arith.constant 0 : i32
      %dma_wait3A_67 = tpu.memref_slice %arg6[%dma_wait3A_65, %dma_wait3A_66] : memref<8x128xi32, #tpu.memory_space<vmem>> -> memref<1x128xi32, #tpu.memory_space<vmem>>
      %dma_wait3A_68 = tpu.memref_squeeze %dma_wait3A_67 : memref<1x128xi32, #tpu.memory_space<vmem>> -> memref<128xi32, #tpu.memory_space<vmem>>
      %dma_wait3A_69 = arith.constant 0 : i32
      %dma_wait3A_70 = arith.constant 0 : i32
      %dma_wait3A_71 = tpu.memref_slice %arg9[%dma_wait3A_69, %dma_wait3A_70] : memref<10240x128xf32, #tpu.memory_space<vmem_shared>> -> memref<10240x128xf32, #tpu.memory_space<vmem_shared>>
      tpu.wait_indirect_dma semaphore(%arg12 : memref<!tpu.dma_semaphore, #tpu.memory_space<semaphore_mem>>) src(%arg7 : memref<128x128xf32, #tpu.memory_space<vmem>>) dst(%dma_wait3A_71 : memref<10240x128xf32, #tpu.memory_space<vmem_shared>>)
      %dma_start3A_72 = arith.constant 2 : i32
      %dma_start3A_73 = arith.constant 0 : i32
      %dma_start3A_74 = tpu.memref_slice %arg5[%dma_start3A_72, %dma_start3A_73] : memref<8x128xi32, #tpu.memory_space<vmem>> -> memref<1x128xi32, #tpu.memory_space<vmem>>
      %dma_start3A_75 = tpu.memref_squeeze %dma_start3A_74 : memref<1x128xi32, #tpu.memory_space<vmem>> -> memref<128xi32, #tpu.memory_space<vmem>>
      %dma_start3A_76 = arith.constant 0 : i32
      %dma_start3A_77 = arith.constant 0 : i32
      %dma_start3A_78 = tpu.memref_slice %arg2[%dma_start3A_76, %dma_start3A_77] : memref<10000x128xf32, #tpu.memory_space<hbm>> -> memref<10000x128xf32, #tpu.memory_space<hbm>>
      tpu.enqueue_indirect_dma source(%dma_start3A_78 : memref<10000x128xf32, #tpu.memory_space<hbm>>) target(%arg7 : memref<128x128xf32, #tpu.memory_space<vmem>>) offsets(%dma_start3A_75 : memref<128xi32, #tpu.memory_space<vmem>>) semaphore(%arg10 : memref<!tpu.dma_semaphore, #tpu.memory_space<semaphore_mem>>)
      %dma_wait3A_79 = arith.constant 1 : i32
      %dma_wait3A_80 = arith.constant 0 : i32
      %dma_wait3A_81 = tpu.memref_slice %arg5[%dma_wait3A_79, %dma_wait3A_80] : memref<8x128xi32, #tpu.memory_space<vmem>> -> memref<1x128xi32, #tpu.memory_space<vmem>>
      %dma_wait3A_82 = tpu.memref_squeeze %dma_wait3A_81 : memref<1x128xi32, #tpu.memory_space<vmem>> -> memref<128xi32, #tpu.memory_space<vmem>>
      %dma_wait3A_83 = arith.constant 0 : i32
      %dma_wait3A_84 = arith.constant 0 : i32
      %dma_wait3A_85 = tpu.memref_slice %arg2[%dma_wait3A_83, %dma_wait3A_84] : memref<10000x128xf32, #tpu.memory_space<hbm>> -> memref<10000x128xf32, #tpu.memory_space<hbm>>
      tpu.wait_indirect_dma semaphore(%arg11 : memref<!tpu.dma_semaphore, #tpu.memory_space<semaphore_mem>>) src(%dma_wait3A_85 : memref<10000x128xf32, #tpu.memory_space<hbm>>) dst(%arg8 : memref<128x128xf32, #tpu.memory_space<vmem>>)
      %dma_start3A_86 = arith.constant 1 : i32
      %dma_start3A_87 = arith.constant 0 : i32
      %dma_start3A_88 = tpu.memref_slice %arg6[%dma_start3A_86, %dma_start3A_87] : memref<8x128xi32, #tpu.memory_space<vmem>> -> memref<1x128xi32, #tpu.memory_space<vmem>>
      %dma_start3A_89 = tpu.memref_squeeze %dma_start3A_88 : memref<1x128xi32, #tpu.memory_space<vmem>> -> memref<128xi32, #tpu.memory_space<vmem>>
      %dma_start3A_90 = arith.constant 0 : i32
      %dma_start3A_91 = arith.constant 0 : i32
      %dma_start3A_92 = tpu.memref_slice %arg9[%dma_start3A_90, %dma_start3A_91] : memref<10240x128xf32, #tpu.memory_space<vmem_shared>> -> memref<10240x128xf32, #tpu.memory_space<vmem_shared>>
      tpu.enqueue_indirect_dma source(%arg8 : memref<128x128xf32, #tpu.memory_space<vmem>>) target(%dma_start3A_92 : memref<10240x128xf32, #tpu.memory_space<vmem_shared>>) offsets(%dma_start3A_89 : memref<128xi32, #tpu.memory_space<vmem>>) semaphore(%arg13 : memref<!tpu.dma_semaphore, #tpu.memory_space<semaphore_mem>>) {add = true}
      %dma_wait3A_93 = arith.constant 1 : i32
      %dma_wait3A_94 = arith.constant 0 : i32
      %dma_wait3A_95 = tpu.memref_slice %arg6[%dma_wait3A_93, %dma_wait3A_94] : memref<8x128xi32, #tpu.memory_space<vmem>> -> memref<1x128xi32, #tpu.memory_space<vmem>>
      %dma_wait3A_96 = tpu.memref_squeeze %dma_wait3A_95 : memref<1x128xi32, #tpu.memory_space<vmem>> -> memref<128xi32, #tpu.memory_space<vmem>>
      %dma_wait3A_97 = arith.constant 0 : i32
      %dma_wait3A_98 = arith.constant 0 : i32
      %dma_wait3A_99 = tpu.memref_slice %arg9[%dma_wait3A_97, %dma_wait3A_98] : memref<10240x128xf32, #tpu.memory_space<vmem_shared>> -> memref<10240x128xf32, #tpu.memory_space<vmem_shared>>
      tpu.wait_indirect_dma semaphore(%arg13 : memref<!tpu.dma_semaphore, #tpu.memory_space<semaphore_mem>>) src(%arg8 : memref<128x128xf32, #tpu.memory_space<vmem>>) dst(%dma_wait3A_99 : memref<10240x128xf32, #tpu.memory_space<vmem_shared>>)
      %dma_start3A_100 = arith.constant 3 : i32
      %dma_start3A_101 = arith.constant 0 : i32
      %dma_start3A_102 = tpu.memref_slice %arg5[%dma_start3A_100, %dma_start3A_101] : memref<8x128xi32, #tpu.memory_space<vmem>> -> memref<1x128xi32, #tpu.memory_space<vmem>>
      %dma_start3A_103 = tpu.memref_squeeze %dma_start3A_102 : memref<1x128xi32, #tpu.memory_space<vmem>> -> memref<128xi32, #tpu.memory_space<vmem>>
      %dma_start3A_104 = arith.constant 0 : i32
      %dma_start3A_105 = arith.constant 0 : i32
      %dma_start3A_106 = tpu.memref_slice %arg2[%dma_start3A_104, %dma_start3A_105] : memref<10000x128xf32, #tpu.memory_space<hbm>> -> memref<10000x128xf32, #tpu.memory_space<hbm>>
      tpu.enqueue_indirect_dma source(%dma_start3A_106 : memref<10000x128xf32, #tpu.memory_space<hbm>>) target(%arg8 : memref<128x128xf32, #tpu.memory_space<vmem>>) offsets(%dma_start3A_103 : memref<128xi32, #tpu.memory_space<vmem>>) semaphore(%arg11 : memref<!tpu.dma_semaphore, #tpu.memory_space<semaphore_mem>>)
      %dma_wait3A_107 = arith.constant 2 : i32
      %dma_wait3A_108 = arith.constant 0 : i32
      %dma_wait3A_109 = tpu.memref_slice %arg5[%dma_wait3A_107, %dma_wait3A_108] : memref<8x128xi32, #tpu.memory_space<vmem>> -> memref<1x128xi32, #tpu.memory_space<vmem>>
      %dma_wait3A_110 = tpu.memref_squeeze %dma_wait3A_109 : memref<1x128xi32, #tpu.memory_space<vmem>> -> memref<128xi32, #tpu.memory_space<vmem>>
      %dma_wait3A_111 = arith.constant 0 : i32
      %dma_wait3A_112 = arith.constant 0 : i32
      %dma_wait3A_113 = tpu.memref_slice %arg2[%dma_wait3A_111, %dma_wait3A_112] : memref<10000x128xf32, #tpu.memory_space<hbm>> -> memref<10000x128xf32, #tpu.memory_space<hbm>>
      tpu.wait_indirect_dma semaphore(%arg10 : memref<!tpu.dma_semaphore, #tpu.memory_space<semaphore_mem>>) src(%dma_wait3A_113 : memref<10000x128xf32, #tpu.memory_space<hbm>>) dst(%arg7 : memref<128x128xf32, #tpu.memory_space<vmem>>)
      %dma_start3A_114 = arith.constant 2 : i32
      %dma_start3A_115 = arith.constant 0 : i32
      %dma_start3A_116 = tpu.memref_slice %arg6[%dma_start3A_114, %dma_start3A_115] : memref<8x128xi32, #tpu.memory_space<vmem>> -> memref<1x128xi32, #tpu.memory_space<vmem>>
      %dma_start3A_117 = tpu.memref_squeeze %dma_start3A_116 : memref<1x128xi32, #tpu.memory_space<vmem>> -> memref<128xi32, #tpu.memory_space<vmem>>
      %dma_start3A_118 = arith.constant 0 : i32
      %dma_start3A_119 = arith.constant 0 : i32
      %dma_start3A_120 = tpu.memref_slice %arg9[%dma_start3A_118, %dma_start3A_119] : memref<10240x128xf32, #tpu.memory_space<vmem_shared>> -> memref<10240x128xf32, #tpu.memory_space<vmem_shared>>
      tpu.enqueue_indirect_dma source(%arg7 : memref<128x128xf32, #tpu.memory_space<vmem>>) target(%dma_start3A_120 : memref<10240x128xf32, #tpu.memory_space<vmem_shared>>) offsets(%dma_start3A_117 : memref<128xi32, #tpu.memory_space<vmem>>) semaphore(%arg12 : memref<!tpu.dma_semaphore, #tpu.memory_space<semaphore_mem>>) {add = true}
      %dma_wait3A_121 = arith.constant 2 : i32
      %dma_wait3A_122 = arith.constant 0 : i32
      %dma_wait3A_123 = tpu.memref_slice %arg6[%dma_wait3A_121, %dma_wait3A_122] : memref<8x128xi32, #tpu.memory_space<vmem>> -> memref<1x128xi32, #tpu.memory_space<vmem>>
      %dma_wait3A_124 = tpu.memref_squeeze %dma_wait3A_123 : memref<1x128xi32, #tpu.memory_space<vmem>> -> memref<128xi32, #tpu.memory_space<vmem>>
      %dma_wait3A_125 = arith.constant 0 : i32
      %dma_wait3A_126 = arith.constant 0 : i32
      %dma_wait3A_127 = tpu.memref_slice %arg9[%dma_wait3A_125, %dma_wait3A_126] : memref<10240x128xf32, #tpu.memory_space<vmem_shared>> -> memref<10240x128xf32, #tpu.memory_space<vmem_shared>>
      tpu.wait_indirect_dma semaphore(%arg12 : memref<!tpu.dma_semaphore, #tpu.memory_space<semaphore_mem>>) src(%arg7 : memref<128x128xf32, #tpu.memory_space<vmem>>) dst(%dma_wait3A_127 : memref<10240x128xf32, #tpu.memory_space<vmem_shared>>)
      %dma_start3A_128 = arith.constant 4 : i32
      %dma_start3A_129 = arith.constant 0 : i32
      %dma_start3A_130 = tpu.memref_slice %arg5[%dma_start3A_128, %dma_start3A_129] : memref<8x128xi32, #tpu.memory_space<vmem>> -> memref<1x128xi32, #tpu.memory_space<vmem>>
      %dma_start3A_131 = tpu.memref_squeeze %dma_start3A_130 : memref<1x128xi32, #tpu.memory_space<vmem>> -> memref<128xi32, #tpu.memory_space<vmem>>
      %dma_start3A_132 = arith.constant 0 : i32
      %dma_start3A_133 = arith.constant 0 : i32
      %dma_start3A_134 = tpu.memref_slice %arg2[%dma_start3A_132, %dma_start3A_133] : memref<10000x128xf32, #tpu.memory_space<hbm>> -> memref<10000x128xf32, #tpu.memory_space<hbm>>
      tpu.enqueue_indirect_dma source(%dma_start3A_134 : memref<10000x128xf32, #tpu.memory_space<hbm>>) target(%arg7 : memref<128x128xf32, #tpu.memory_space<vmem>>) offsets(%dma_start3A_131 : memref<128xi32, #tpu.memory_space<vmem>>) semaphore(%arg10 : memref<!tpu.dma_semaphore, #tpu.memory_space<semaphore_mem>>)
      %dma_wait3A_135 = arith.constant 3 : i32
      %dma_wait3A_136 = arith.constant 0 : i32
      %dma_wait3A_137 = tpu.memref_slice %arg5[%dma_wait3A_135, %dma_wait3A_136] : memref<8x128xi32, #tpu.memory_space<vmem>> -> memref<1x128xi32, #tpu.memory_space<vmem>>
      %dma_wait3A_138 = tpu.memref_squeeze %dma_wait3A_137 : memref<1x128xi32, #tpu.memory_space<vmem>> -> memref<128xi32, #tpu.memory_space<vmem>>
      %dma_wait3A_139 = arith.constant 0 : i32
      %dma_wait3A_140 = arith.constant 0 : i32
      %dma_wait3A_141 = tpu.memref_slice %arg2[%dma_wait3A_139, %dma_wait3A_140] : memref<10000x128xf32, #tpu.memory_space<hbm>> -> memref<10000x128xf32, #tpu.memory_space<hbm>>
      tpu.wait_indirect_dma semaphore(%arg11 : memref<!tpu.dma_semaphore, #tpu.memory_space<semaphore_mem>>) src(%dma_wait3A_141 : memref<10000x128xf32, #tpu.memory_space<hbm>>) dst(%arg8 : memref<128x128xf32, #tpu.memory_space<vmem>>)
      %dma_start3A_142 = arith.constant 3 : i32
      %dma_start3A_143 = arith.constant 0 : i32
      %dma_start3A_144 = tpu.memref_slice %arg6[%dma_start3A_142, %dma_start3A_143] : memref<8x128xi32, #tpu.memory_space<vmem>> -> memref<1x128xi32, #tpu.memory_space<vmem>>
      %dma_start3A_145 = tpu.memref_squeeze %dma_start3A_144 : memref<1x128xi32, #tpu.memory_space<vmem>> -> memref<128xi32, #tpu.memory_space<vmem>>
      %dma_start3A_146 = arith.constant 0 : i32
      %dma_start3A_147 = arith.constant 0 : i32
      %dma_start3A_148 = tpu.memref_slice %arg9[%dma_start3A_146, %dma_start3A_147] : memref<10240x128xf32, #tpu.memory_space<vmem_shared>> -> memref<10240x128xf32, #tpu.memory_space<vmem_shared>>
      tpu.enqueue_indirect_dma source(%arg8 : memref<128x128xf32, #tpu.memory_space<vmem>>) target(%dma_start3A_148 : memref<10240x128xf32, #tpu.memory_space<vmem_shared>>) offsets(%dma_start3A_145 : memref<128xi32, #tpu.memory_space<vmem>>) semaphore(%arg13 : memref<!tpu.dma_semaphore, #tpu.memory_space<semaphore_mem>>) {add = true}
      %dma_wait3A_149 = arith.constant 3 : i32
      %dma_wait3A_150 = arith.constant 0 : i32
      %dma_wait3A_151 = tpu.memref_slice %arg6[%dma_wait3A_149, %dma_wait3A_150] : memref<8x128xi32, #tpu.memory_space<vmem>> -> memref<1x128xi32, #tpu.memory_space<vmem>>
      %dma_wait3A_152 = tpu.memref_squeeze %dma_wait3A_151 : memref<1x128xi32, #tpu.memory_space<vmem>> -> memref<128xi32, #tpu.memory_space<vmem>>
      %dma_wait3A_153 = arith.constant 0 : i32
      %dma_wait3A_154 = arith.constant 0 : i32
      %dma_wait3A_155 = tpu.memref_slice %arg9[%dma_wait3A_153, %dma_wait3A_154] : memref<10240x128xf32, #tpu.memory_space<vmem_shared>> -> memref<10240x128xf32, #tpu.memory_space<vmem_shared>>
      tpu.wait_indirect_dma semaphore(%arg13 : memref<!tpu.dma_semaphore, #tpu.memory_space<semaphore_mem>>) src(%arg8 : memref<128x128xf32, #tpu.memory_space<vmem>>) dst(%dma_wait3A_155 : memref<10240x128xf32, #tpu.memory_space<vmem_shared>>)
      %dma_start3A_156 = arith.constant 5 : i32
      %dma_start3A_157 = arith.constant 0 : i32
      %dma_start3A_158 = tpu.memref_slice %arg5[%dma_start3A_156, %dma_start3A_157] : memref<8x128xi32, #tpu.memory_space<vmem>> -> memref<1x128xi32, #tpu.memory_space<vmem>>
      %dma_start3A_159 = tpu.memref_squeeze %dma_start3A_158 : memref<1x128xi32, #tpu.memory_space<vmem>> -> memref<128xi32, #tpu.memory_space<vmem>>
      %dma_start3A_160 = arith.constant 0 : i32
      %dma_start3A_161 = arith.constant 0 : i32
      %dma_start3A_162 = tpu.memref_slice %arg2[%dma_start3A_160, %dma_start3A_161] : memref<10000x128xf32, #tpu.memory_space<hbm>> -> memref<10000x128xf32, #tpu.memory_space<hbm>>
      tpu.enqueue_indirect_dma source(%dma_start3A_162 : memref<10000x128xf32, #tpu.memory_space<hbm>>) target(%arg8 : memref<128x128xf32, #tpu.memory_space<vmem>>) offsets(%dma_start3A_159 : memref<128xi32, #tpu.memory_space<vmem>>) semaphore(%arg11 : memref<!tpu.dma_semaphore, #tpu.memory_space<semaphore_mem>>)
      %dma_wait3A_163 = arith.constant 4 : i32
      %dma_wait3A_164 = arith.constant 0 : i32
      %dma_wait3A_165 = tpu.memref_slice %arg5[%dma_wait3A_163, %dma_wait3A_164] : memref<8x128xi32, #tpu.memory_space<vmem>> -> memref<1x128xi32, #tpu.memory_space<vmem>>
      %dma_wait3A_166 = tpu.memref_squeeze %dma_wait3A_165 : memref<1x128xi32, #tpu.memory_space<vmem>> -> memref<128xi32, #tpu.memory_space<vmem>>
      %dma_wait3A_167 = arith.constant 0 : i32
      %dma_wait3A_168 = arith.constant 0 : i32
      %dma_wait3A_169 = tpu.memref_slice %arg2[%dma_wait3A_167, %dma_wait3A_168] : memref<10000x128xf32, #tpu.memory_space<hbm>> -> memref<10000x128xf32, #tpu.memory_space<hbm>>
      tpu.wait_indirect_dma semaphore(%arg10 : memref<!tpu.dma_semaphore, #tpu.memory_space<semaphore_mem>>) src(%dma_wait3A_169 : memref<10000x128xf32, #tpu.memory_space<hbm>>) dst(%arg7 : memref<128x128xf32, #tpu.memory_space<vmem>>)
      %dma_start3A_170 = arith.constant 4 : i32
      %dma_start3A_171 = arith.constant 0 : i32
      %dma_start3A_172 = tpu.memref_slice %arg6[%dma_start3A_170, %dma_start3A_171] : memref<8x128xi32, #tpu.memory_space<vmem>> -> memref<1x128xi32, #tpu.memory_space<vmem>>
      %dma_start3A_173 = tpu.memref_squeeze %dma_start3A_172 : memref<1x128xi32, #tpu.memory_space<vmem>> -> memref<128xi32, #tpu.memory_space<vmem>>
      %dma_start3A_174 = arith.constant 0 : i32
      %dma_start3A_175 = arith.constant 0 : i32
      %dma_start3A_176 = tpu.memref_slice %arg9[%dma_start3A_174, %dma_start3A_175] : memref<10240x128xf32, #tpu.memory_space<vmem_shared>> -> memref<10240x128xf32, #tpu.memory_space<vmem_shared>>
      tpu.enqueue_indirect_dma source(%arg7 : memref<128x128xf32, #tpu.memory_space<vmem>>) target(%dma_start3A_176 : memref<10240x128xf32, #tpu.memory_space<vmem_shared>>) offsets(%dma_start3A_173 : memref<128xi32, #tpu.memory_space<vmem>>) semaphore(%arg12 : memref<!tpu.dma_semaphore, #tpu.memory_space<semaphore_mem>>) {add = true}
      %dma_wait3A_177 = arith.constant 4 : i32
      %dma_wait3A_178 = arith.constant 0 : i32
      %dma_wait3A_179 = tpu.memref_slice %arg6[%dma_wait3A_177, %dma_wait3A_178] : memref<8x128xi32, #tpu.memory_space<vmem>> -> memref<1x128xi32, #tpu.memory_space<vmem>>
      %dma_wait3A_180 = tpu.memref_squeeze %dma_wait3A_179 : memref<1x128xi32, #tpu.memory_space<vmem>> -> memref<128xi32, #tpu.memory_space<vmem>>
      %dma_wait3A_181 = arith.constant 0 : i32
      %dma_wait3A_182 = arith.constant 0 : i32
      %dma_wait3A_183 = tpu.memref_slice %arg9[%dma_wait3A_181, %dma_wait3A_182] : memref<10240x128xf32, #tpu.memory_space<vmem_shared>> -> memref<10240x128xf32, #tpu.memory_space<vmem_shared>>
      tpu.wait_indirect_dma semaphore(%arg12 : memref<!tpu.dma_semaphore, #tpu.memory_space<semaphore_mem>>) src(%arg7 : memref<128x128xf32, #tpu.memory_space<vmem>>) dst(%dma_wait3A_183 : memref<10240x128xf32, #tpu.memory_space<vmem_shared>>)
      %dma_start3A_184 = arith.constant 6 : i32
      %dma_start3A_185 = arith.constant 0 : i32
      %dma_start3A_186 = tpu.memref_slice %arg5[%dma_start3A_184, %dma_start3A_185] : memref<8x128xi32, #tpu.memory_space<vmem>> -> memref<1x128xi32, #tpu.memory_space<vmem>>
      %dma_start3A_187 = tpu.memref_squeeze %dma_start3A_186 : memref<1x128xi32, #tpu.memory_space<vmem>> -> memref<128xi32, #tpu.memory_space<vmem>>
      %dma_start3A_188 = arith.constant 0 : i32
      %dma_start3A_189 = arith.constant 0 : i32
      %dma_start3A_190 = tpu.memref_slice %arg2[%dma_start3A_188, %dma_start3A_189] : memref<10000x128xf32, #tpu.memory_space<hbm>> -> memref<10000x128xf32, #tpu.memory_space<hbm>>
      tpu.enqueue_indirect_dma source(%dma_start3A_190 : memref<10000x128xf32, #tpu.memory_space<hbm>>) target(%arg7 : memref<128x128xf32, #tpu.memory_space<vmem>>) offsets(%dma_start3A_187 : memref<128xi32, #tpu.memory_space<vmem>>) semaphore(%arg10 : memref<!tpu.dma_semaphore, #tpu.memory_space<semaphore_mem>>)
      %dma_wait3A_191 = arith.constant 5 : i32
      %dma_wait3A_192 = arith.constant 0 : i32
      %dma_wait3A_193 = tpu.memref_slice %arg5[%dma_wait3A_191, %dma_wait3A_192] : memref<8x128xi32, #tpu.memory_space<vmem>> -> memref<1x128xi32, #tpu.memory_space<vmem>>
      %dma_wait3A_194 = tpu.memref_squeeze %dma_wait3A_193 : memref<1x128xi32, #tpu.memory_space<vmem>> -> memref<128xi32, #tpu.memory_space<vmem>>
      %dma_wait3A_195 = arith.constant 0 : i32
      %dma_wait3A_196 = arith.constant 0 : i32
      %dma_wait3A_197 = tpu.memref_slice %arg2[%dma_wait3A_195, %dma_wait3A_196] : memref<10000x128xf32, #tpu.memory_space<hbm>> -> memref<10000x128xf32, #tpu.memory_space<hbm>>
      tpu.wait_indirect_dma semaphore(%arg11 : memref<!tpu.dma_semaphore, #tpu.memory_space<semaphore_mem>>) src(%dma_wait3A_197 : memref<10000x128xf32, #tpu.memory_space<hbm>>) dst(%arg8 : memref<128x128xf32, #tpu.memory_space<vmem>>)
      %dma_start3A_198 = arith.constant 5 : i32
      %dma_start3A_199 = arith.constant 0 : i32
      %dma_start3A_200 = tpu.memref_slice %arg6[%dma_start3A_198, %dma_start3A_199] : memref<8x128xi32, #tpu.memory_space<vmem>> -> memref<1x128xi32, #tpu.memory_space<vmem>>
      %dma_start3A_201 = tpu.memref_squeeze %dma_start3A_200 : memref<1x128xi32, #tpu.memory_space<vmem>> -> memref<128xi32, #tpu.memory_space<vmem>>
      %dma_start3A_202 = arith.constant 0 : i32
      %dma_start3A_203 = arith.constant 0 : i32
      %dma_start3A_204 = tpu.memref_slice %arg9[%dma_start3A_202, %dma_start3A_203] : memref<10240x128xf32, #tpu.memory_space<vmem_shared>> -> memref<10240x128xf32, #tpu.memory_space<vmem_shared>>
      tpu.enqueue_indirect_dma source(%arg8 : memref<128x128xf32, #tpu.memory_space<vmem>>) target(%dma_start3A_204 : memref<10240x128xf32, #tpu.memory_space<vmem_shared>>) offsets(%dma_start3A_201 : memref<128xi32, #tpu.memory_space<vmem>>) semaphore(%arg13 : memref<!tpu.dma_semaphore, #tpu.memory_space<semaphore_mem>>) {add = true}
      %dma_wait3A_205 = arith.constant 5 : i32
      %dma_wait3A_206 = arith.constant 0 : i32
      %dma_wait3A_207 = tpu.memref_slice %arg6[%dma_wait3A_205, %dma_wait3A_206] : memref<8x128xi32, #tpu.memory_space<vmem>> -> memref<1x128xi32, #tpu.memory_space<vmem>>
      %dma_wait3A_208 = tpu.memref_squeeze %dma_wait3A_207 : memref<1x128xi32, #tpu.memory_space<vmem>> -> memref<128xi32, #tpu.memory_space<vmem>>
      %dma_wait3A_209 = arith.constant 0 : i32
      %dma_wait3A_210 = arith.constant 0 : i32
      %dma_wait3A_211 = tpu.memref_slice %arg9[%dma_wait3A_209, %dma_wait3A_210] : memref<10240x128xf32, #tpu.memory_space<vmem_shared>> -> memref<10240x128xf32, #tpu.memory_space<vmem_shared>>
      tpu.wait_indirect_dma semaphore(%arg13 : memref<!tpu.dma_semaphore, #tpu.memory_space<semaphore_mem>>) src(%arg8 : memref<128x128xf32, #tpu.memory_space<vmem>>) dst(%dma_wait3A_211 : memref<10240x128xf32, #tpu.memory_space<vmem_shared>>)
      %dma_start3A_212 = arith.constant 7 : i32
      %dma_start3A_213 = arith.constant 0 : i32
      %dma_start3A_214 = tpu.memref_slice %arg5[%dma_start3A_212, %dma_start3A_213] : memref<8x128xi32, #tpu.memory_space<vmem>> -> memref<1x128xi32, #tpu.memory_space<vmem>>
      %dma_start3A_215 = tpu.memref_squeeze %dma_start3A_214 : memref<1x128xi32, #tpu.memory_space<vmem>> -> memref<128xi32, #tpu.memory_space<vmem>>
      %dma_start3A_216 = arith.constant 0 : i32
      %dma_start3A_217 = arith.constant 0 : i32
      %dma_start3A_218 = tpu.memref_slice %arg2[%dma_start3A_216, %dma_start3A_217] : memref<10000x128xf32, #tpu.memory_space<hbm>> -> memref<10000x128xf32, #tpu.memory_space<hbm>>
      tpu.enqueue_indirect_dma source(%dma_start3A_218 : memref<10000x128xf32, #tpu.memory_space<hbm>>) target(%arg8 : memref<128x128xf32, #tpu.memory_space<vmem>>) offsets(%dma_start3A_215 : memref<128xi32, #tpu.memory_space<vmem>>) semaphore(%arg11 : memref<!tpu.dma_semaphore, #tpu.memory_space<semaphore_mem>>)
      %dma_wait3A_219 = arith.constant 6 : i32
      %dma_wait3A_220 = arith.constant 0 : i32
      %dma_wait3A_221 = tpu.memref_slice %arg5[%dma_wait3A_219, %dma_wait3A_220] : memref<8x128xi32, #tpu.memory_space<vmem>> -> memref<1x128xi32, #tpu.memory_space<vmem>>
      %dma_wait3A_222 = tpu.memref_squeeze %dma_wait3A_221 : memref<1x128xi32, #tpu.memory_space<vmem>> -> memref<128xi32, #tpu.memory_space<vmem>>
      %dma_wait3A_223 = arith.constant 0 : i32
      %dma_wait3A_224 = arith.constant 0 : i32
      %dma_wait3A_225 = tpu.memref_slice %arg2[%dma_wait3A_223, %dma_wait3A_224] : memref<10000x128xf32, #tpu.memory_space<hbm>> -> memref<10000x128xf32, #tpu.memory_space<hbm>>
      tpu.wait_indirect_dma semaphore(%arg10 : memref<!tpu.dma_semaphore, #tpu.memory_space<semaphore_mem>>) src(%dma_wait3A_225 : memref<10000x128xf32, #tpu.memory_space<hbm>>) dst(%arg7 : memref<128x128xf32, #tpu.memory_space<vmem>>)
      %dma_start3A_226 = arith.constant 6 : i32
      %dma_start3A_227 = arith.constant 0 : i32
      %dma_start3A_228 = tpu.memref_slice %arg6[%dma_start3A_226, %dma_start3A_227] : memref<8x128xi32, #tpu.memory_space<vmem>> -> memref<1x128xi32, #tpu.memory_space<vmem>>
      %dma_start3A_229 = tpu.memref_squeeze %dma_start3A_228 : memref<1x128xi32, #tpu.memory_space<vmem>> -> memref<128xi32, #tpu.memory_space<vmem>>
      %dma_start3A_230 = arith.constant 0 : i32
      %dma_start3A_231 = arith.constant 0 : i32
      %dma_start3A_232 = tpu.memref_slice %arg9[%dma_start3A_230, %dma_start3A_231] : memref<10240x128xf32, #tpu.memory_space<vmem_shared>> -> memref<10240x128xf32, #tpu.memory_space<vmem_shared>>
      tpu.enqueue_indirect_dma source(%arg7 : memref<128x128xf32, #tpu.memory_space<vmem>>) target(%dma_start3A_232 : memref<10240x128xf32, #tpu.memory_space<vmem_shared>>) offsets(%dma_start3A_229 : memref<128xi32, #tpu.memory_space<vmem>>) semaphore(%arg12 : memref<!tpu.dma_semaphore, #tpu.memory_space<semaphore_mem>>) {add = true}
      %dma_wait3A_233 = arith.constant 7 : i32
      %dma_wait3A_234 = arith.constant 0 : i32
      %dma_wait3A_235 = tpu.memref_slice %arg5[%dma_wait3A_233, %dma_wait3A_234] : memref<8x128xi32, #tpu.memory_space<vmem>> -> memref<1x128xi32, #tpu.memory_space<vmem>>
      %dma_wait3A_236 = tpu.memref_squeeze %dma_wait3A_235 : memref<1x128xi32, #tpu.memory_space<vmem>> -> memref<128xi32, #tpu.memory_space<vmem>>
      %dma_wait3A_237 = arith.constant 0 : i32
      %dma_wait3A_238 = arith.constant 0 : i32
      %dma_wait3A_239 = tpu.memref_slice %arg2[%dma_wait3A_237, %dma_wait3A_238] : memref<10000x128xf32, #tpu.memory_space<hbm>> -> memref<10000x128xf32, #tpu.memory_space<hbm>>
      tpu.wait_indirect_dma semaphore(%arg11 : memref<!tpu.dma_semaphore, #tpu.memory_space<semaphore_mem>>) src(%dma_wait3A_239 : memref<10000x128xf32, #tpu.memory_space<hbm>>) dst(%arg8 : memref<128x128xf32, #tpu.memory_space<vmem>>)
      %dma_wait3A_240 = arith.constant 6 : i32
      %dma_wait3A_241 = arith.constant 0 : i32
      %dma_wait3A_242 = tpu.memref_slice %arg6[%dma_wait3A_240, %dma_wait3A_241] : memref<8x128xi32, #tpu.memory_space<vmem>> -> memref<1x128xi32, #tpu.memory_space<vmem>>
      %dma_wait3A_243 = tpu.memref_squeeze %dma_wait3A_242 : memref<1x128xi32, #tpu.memory_space<vmem>> -> memref<128xi32, #tpu.memory_space<vmem>>
      %dma_wait3A_244 = arith.constant 0 : i32
      %dma_wait3A_245 = arith.constant 0 : i32
      %dma_wait3A_246 = tpu.memref_slice %arg9[%dma_wait3A_244, %dma_wait3A_245] : memref<10240x128xf32, #tpu.memory_space<vmem_shared>> -> memref<10240x128xf32, #tpu.memory_space<vmem_shared>>
      tpu.wait_indirect_dma semaphore(%arg12 : memref<!tpu.dma_semaphore, #tpu.memory_space<semaphore_mem>>) src(%arg7 : memref<128x128xf32, #tpu.memory_space<vmem>>) dst(%dma_wait3A_246 : memref<10240x128xf32, #tpu.memory_space<vmem_shared>>)
      %dma_start3A_247 = arith.constant 7 : i32
      %dma_start3A_248 = arith.constant 0 : i32
      %dma_start3A_249 = tpu.memref_slice %arg6[%dma_start3A_247, %dma_start3A_248] : memref<8x128xi32, #tpu.memory_space<vmem>> -> memref<1x128xi32, #tpu.memory_space<vmem>>
      %dma_start3A_250 = tpu.memref_squeeze %dma_start3A_249 : memref<1x128xi32, #tpu.memory_space<vmem>> -> memref<128xi32, #tpu.memory_space<vmem>>
      %dma_start3A_251 = arith.constant 0 : i32
      %dma_start3A_252 = arith.constant 0 : i32
      %dma_start3A_253 = tpu.memref_slice %arg9[%dma_start3A_251, %dma_start3A_252] : memref<10240x128xf32, #tpu.memory_space<vmem_shared>> -> memref<10240x128xf32, #tpu.memory_space<vmem_shared>>
      tpu.enqueue_indirect_dma source(%arg8 : memref<128x128xf32, #tpu.memory_space<vmem>>) target(%dma_start3A_253 : memref<10240x128xf32, #tpu.memory_space<vmem_shared>>) offsets(%dma_start3A_250 : memref<128xi32, #tpu.memory_space<vmem>>) semaphore(%arg13 : memref<!tpu.dma_semaphore, #tpu.memory_space<semaphore_mem>>) {add = true}
      %dma_wait3A_254 = arith.constant 7 : i32
      %dma_wait3A_255 = arith.constant 0 : i32
      %dma_wait3A_256 = tpu.memref_slice %arg6[%dma_wait3A_254, %dma_wait3A_255] : memref<8x128xi32, #tpu.memory_space<vmem>> -> memref<1x128xi32, #tpu.memory_space<vmem>>
      %dma_wait3A_257 = tpu.memref_squeeze %dma_wait3A_256 : memref<1x128xi32, #tpu.memory_space<vmem>> -> memref<128xi32, #tpu.memory_space<vmem>>
      %dma_wait3A_258 = arith.constant 0 : i32
      %dma_wait3A_259 = arith.constant 0 : i32
      %dma_wait3A_260 = tpu.memref_slice %arg9[%dma_wait3A_258, %dma_wait3A_259] : memref<10240x128xf32, #tpu.memory_space<vmem_shared>> -> memref<10240x128xf32, #tpu.memory_space<vmem_shared>>
      tpu.wait_indirect_dma semaphore(%arg13 : memref<!tpu.dma_semaphore, #tpu.memory_space<semaphore_mem>>) src(%arg8 : memref<128x128xf32, #tpu.memory_space<vmem>>) dst(%dma_wait3A_260 : memref<10240x128xf32, #tpu.memory_space<vmem_shared>>)
    } else {
    }
    %eq3A = arith.constant 24 : i32
    %eq3A_25 = arith.cmpi eq, %add3A, %eq3A : i32
    %convert_element_type3A_26 = arith.extui %eq3A_25 : i1 to i32
    %cond3A_27 = arith.constant 0 : i32
    %cond3A_28 = arith.cmpi ne, %convert_element_type3A_26, %cond3A_27 : i32
    scf.if %cond3A_28 {
      %run_scoped3A = arith.constant 0 : i32
      "tpu.region"() ({
        %run_scoped3A_145 = tpu.sem_alloc : memref<!tpu.dma_semaphore, #tpu.memory_space<semaphore_mem>>
        %dma_start3A_146 = arith.constant 0 : i32
        %dma_start3A_147 = arith.constant 0 : i32
        %dma_start3A_148 = tpu.memref_slice %arg5[%dma_start3A_146, %dma_start3A_147] : memref<8x128xi32, #tpu.memory_space<vmem>> -> memref<4x128xi32, #tpu.memory_space<vmem>>
        %dma_start3A_149 = arith.constant 2496 : i32
        %dma_start3A_150 = arith.constant 0 : i32
        %dma_start3A_151 = tpu.memref_slice %arg3[%run_scoped3A, %dma_start3A_149, %dma_start3A_150] : memref<2x2500x128xi32, #tpu.memory_space<hbm>> -> memref<1x4x128xi32, #tpu.memory_space<hbm>>
        %dma_start3A_152 = tpu.memref_squeeze %dma_start3A_151 : memref<1x4x128xi32, #tpu.memory_space<hbm>> -> memref<4x128xi32, #tpu.memory_space<hbm>>
        %dma_start3A_153 = arith.constant 0 : i32
        %dma_start3A_154 = arith.constant 0 : i32
        %dma_start3A_155 = tpu.memref_slice %arg5[%dma_start3A_153, %dma_start3A_154] : memref<8x128xi32, #tpu.memory_space<vmem>> -> memref<4x128xi32, #tpu.memory_space<vmem>>
        %dma_start3A_156 = arith.constant 2496 : i32
        %dma_start3A_157 = arith.constant 0 : i32
        %dma_start3A_158 = tpu.memref_slice %arg3[%run_scoped3A, %dma_start3A_156, %dma_start3A_157] : memref<2x2500x128xi32, #tpu.memory_space<hbm>> -> memref<1x4x128xi32, #tpu.memory_space<hbm>>
        %dma_start3A_159 = tpu.memref_squeeze %dma_start3A_158 : memref<1x4x128xi32, #tpu.memory_space<hbm>> -> memref<4x128xi32, #tpu.memory_space<hbm>>
        tpu.enqueue_dma source(%dma_start3A_159 : memref<4x128xi32, #tpu.memory_space<hbm>>) target(%dma_start3A_155 : memref<4x128xi32, #tpu.memory_space<vmem>>) target_semaphore(%run_scoped3A_145 : memref<!tpu.dma_semaphore, #tpu.memory_space<semaphore_mem>>)
        %dma_wait3A_160 = arith.constant 0 : i32
        %dma_wait3A_161 = arith.constant 0 : i32
        %dma_wait3A_162 = tpu.memref_slice %arg5[%dma_wait3A_160, %dma_wait3A_161] : memref<8x128xi32, #tpu.memory_space<vmem>> -> memref<4x128xi32, #tpu.memory_space<vmem>>
        %dma_wait3A_163 = arith.constant 2496 : i32
        %dma_wait3A_164 = arith.constant 0 : i32
        %dma_wait3A_165 = tpu.memref_slice %arg3[%run_scoped3A, %dma_wait3A_163, %dma_wait3A_164] : memref<2x2500x128xi32, #tpu.memory_space<hbm>> -> memref<1x4x128xi32, #tpu.memory_space<hbm>>
        %dma_wait3A_166 = tpu.memref_squeeze %dma_wait3A_165 : memref<1x4x128xi32, #tpu.memory_space<hbm>> -> memref<4x128xi32, #tpu.memory_space<hbm>>
        %dma_wait3A_167 = arith.constant 0 : i32
        %dma_wait3A_168 = arith.constant 0 : i32
        %dma_wait3A_169 = tpu.memref_slice %arg5[%dma_wait3A_167, %dma_wait3A_168] : memref<8x128xi32, #tpu.memory_space<vmem>> -> memref<4x128xi32, #tpu.memory_space<vmem>>
        %dma_wait3A_170 = arith.constant 2496 : i32
        %dma_wait3A_171 = arith.constant 0 : i32
        %dma_wait3A_172 = tpu.memref_slice %arg3[%run_scoped3A, %dma_wait3A_170, %dma_wait3A_171] : memref<2x2500x128xi32, #tpu.memory_space<hbm>> -> memref<1x4x128xi32, #tpu.memory_space<hbm>>
        %dma_wait3A_173 = tpu.memref_squeeze %dma_wait3A_172 : memref<1x4x128xi32, #tpu.memory_space<hbm>> -> memref<4x128xi32, #tpu.memory_space<hbm>>
        tpu.wait_dma2 semaphore(%run_scoped3A_145 : memref<!tpu.dma_semaphore, #tpu.memory_space<semaphore_mem>>) src(%dma_wait3A_173 : memref<4x128xi32, #tpu.memory_space<hbm>>) dst(%dma_wait3A_169 : memref<4x128xi32, #tpu.memory_space<vmem>>)
        tpu.yield
      }) : () -> ()
      %run_scoped3A_34 = arith.constant 1 : i32
      "tpu.region"() ({
        %run_scoped3A_145 = tpu.sem_alloc : memref<!tpu.dma_semaphore, #tpu.memory_space<semaphore_mem>>
        %dma_start3A_146 = arith.constant 0 : i32
        %dma_start3A_147 = arith.constant 0 : i32
        %dma_start3A_148 = tpu.memref_slice %arg6[%dma_start3A_146, %dma_start3A_147] : memref<8x128xi32, #tpu.memory_space<vmem>> -> memref<4x128xi32, #tpu.memory_space<vmem>>
        %dma_start3A_149 = arith.constant 2496 : i32
        %dma_start3A_150 = arith.constant 0 : i32
        %dma_start3A_151 = tpu.memref_slice %arg3[%run_scoped3A_34, %dma_start3A_149, %dma_start3A_150] : memref<2x2500x128xi32, #tpu.memory_space<hbm>> -> memref<1x4x128xi32, #tpu.memory_space<hbm>>
        %dma_start3A_152 = tpu.memref_squeeze %dma_start3A_151 : memref<1x4x128xi32, #tpu.memory_space<hbm>> -> memref<4x128xi32, #tpu.memory_space<hbm>>
        %dma_start3A_153 = arith.constant 0 : i32
        %dma_start3A_154 = arith.constant 0 : i32
        %dma_start3A_155 = tpu.memref_slice %arg6[%dma_start3A_153, %dma_start3A_154] : memref<8x128xi32, #tpu.memory_space<vmem>> -> memref<4x128xi32, #tpu.memory_space<vmem>>
        %dma_start3A_156 = arith.constant 2496 : i32
        %dma_start3A_157 = arith.constant 0 : i32
        %dma_start3A_158 = tpu.memref_slice %arg3[%run_scoped3A_34, %dma_start3A_156, %dma_start3A_157] : memref<2x2500x128xi32, #tpu.memory_space<hbm>> -> memref<1x4x128xi32, #tpu.memory_space<hbm>>
        %dma_start3A_159 = tpu.memref_squeeze %dma_start3A_158 : memref<1x4x128xi32, #tpu.memory_space<hbm>> -> memref<4x128xi32, #tpu.memory_space<hbm>>
        tpu.enqueue_dma source(%dma_start3A_159 : memref<4x128xi32, #tpu.memory_space<hbm>>) target(%dma_start3A_155 : memref<4x128xi32, #tpu.memory_space<vmem>>) target_semaphore(%run_scoped3A_145 : memref<!tpu.dma_semaphore, #tpu.memory_space<semaphore_mem>>)
        %dma_wait3A_160 = arith.constant 0 : i32
        %dma_wait3A_161 = arith.constant 0 : i32
        %dma_wait3A_162 = tpu.memref_slice %arg6[%dma_wait3A_160, %dma_wait3A_161] : memref<8x128xi32, #tpu.memory_space<vmem>> -> memref<4x128xi32, #tpu.memory_space<vmem>>
        %dma_wait3A_163 = arith.constant 2496 : i32
        %dma_wait3A_164 = arith.constant 0 : i32
        %dma_wait3A_165 = tpu.memref_slice %arg3[%run_scoped3A_34, %dma_wait3A_163, %dma_wait3A_164] : memref<2x2500x128xi32, #tpu.memory_space<hbm>> -> memref<1x4x128xi32, #tpu.memory_space<hbm>>
        %dma_wait3A_166 = tpu.memref_squeeze %dma_wait3A_165 : memref<1x4x128xi32, #tpu.memory_space<hbm>> -> memref<4x128xi32, #tpu.memory_space<hbm>>
        %dma_wait3A_167 = arith.constant 0 : i32
        %dma_wait3A_168 = arith.constant 0 : i32
        %dma_wait3A_169 = tpu.memref_slice %arg6[%dma_wait3A_167, %dma_wait3A_168] : memref<8x128xi32, #tpu.memory_space<vmem>> -> memref<4x128xi32, #tpu.memory_space<vmem>>
        %dma_wait3A_170 = arith.constant 2496 : i32
        %dma_wait3A_171 = arith.constant 0 : i32
        %dma_wait3A_172 = tpu.memref_slice %arg3[%run_scoped3A_34, %dma_wait3A_170, %dma_wait3A_171] : memref<2x2500x128xi32, #tpu.memory_space<hbm>> -> memref<1x4x128xi32, #tpu.memory_space<hbm>>
        %dma_wait3A_173 = tpu.memref_squeeze %dma_wait3A_172 : memref<1x4x128xi32, #tpu.memory_space<hbm>> -> memref<4x128xi32, #tpu.memory_space<hbm>>
        tpu.wait_dma2 semaphore(%run_scoped3A_145 : memref<!tpu.dma_semaphore, #tpu.memory_space<semaphore_mem>>) src(%dma_wait3A_173 : memref<4x128xi32, #tpu.memory_space<hbm>>) dst(%dma_wait3A_169 : memref<4x128xi32, #tpu.memory_space<vmem>>)
        tpu.yield
      }) : () -> ()
      %dma_start3A = arith.constant 0 : i32
      %dma_start3A_35 = arith.constant 0 : i32
      %dma_start3A_36 = tpu.memref_slice %arg5[%dma_start3A, %dma_start3A_35] : memref<8x128xi32, #tpu.memory_space<vmem>> -> memref<1x128xi32, #tpu.memory_space<vmem>>
      %dma_start3A_37 = tpu.memref_squeeze %dma_start3A_36 : memref<1x128xi32, #tpu.memory_space<vmem>> -> memref<128xi32, #tpu.memory_space<vmem>>
      %dma_start3A_38 = arith.constant 0 : i32
      %dma_start3A_39 = arith.constant 0 : i32
      %dma_start3A_40 = tpu.memref_slice %arg2[%dma_start3A_38, %dma_start3A_39] : memref<10000x128xf32, #tpu.memory_space<hbm>> -> memref<10000x128xf32, #tpu.memory_space<hbm>>
      tpu.enqueue_indirect_dma source(%dma_start3A_40 : memref<10000x128xf32, #tpu.memory_space<hbm>>) target(%arg7 : memref<128x128xf32, #tpu.memory_space<vmem>>) offsets(%dma_start3A_37 : memref<128xi32, #tpu.memory_space<vmem>>) semaphore(%arg10 : memref<!tpu.dma_semaphore, #tpu.memory_space<semaphore_mem>>)
      %dma_start3A_41 = arith.constant 1 : i32
      %dma_start3A_42 = arith.constant 0 : i32
      %dma_start3A_43 = tpu.memref_slice %arg5[%dma_start3A_41, %dma_start3A_42] : memref<8x128xi32, #tpu.memory_space<vmem>> -> memref<1x128xi32, #tpu.memory_space<vmem>>
      %dma_start3A_44 = tpu.memref_squeeze %dma_start3A_43 : memref<1x128xi32, #tpu.memory_space<vmem>> -> memref<128xi32, #tpu.memory_space<vmem>>
      %dma_start3A_45 = arith.constant 0 : i32
      %dma_start3A_46 = arith.constant 0 : i32
      %dma_start3A_47 = tpu.memref_slice %arg2[%dma_start3A_45, %dma_start3A_46] : memref<10000x128xf32, #tpu.memory_space<hbm>> -> memref<10000x128xf32, #tpu.memory_space<hbm>>
      tpu.enqueue_indirect_dma source(%dma_start3A_47 : memref<10000x128xf32, #tpu.memory_space<hbm>>) target(%arg8 : memref<128x128xf32, #tpu.memory_space<vmem>>) offsets(%dma_start3A_44 : memref<128xi32, #tpu.memory_space<vmem>>) semaphore(%arg11 : memref<!tpu.dma_semaphore, #tpu.memory_space<semaphore_mem>>)
      %dma_wait3A = arith.constant 0 : i32
      %dma_wait3A_48 = arith.constant 0 : i32
      %dma_wait3A_49 = tpu.memref_slice %arg5[%dma_wait3A, %dma_wait3A_48] : memref<8x128xi32, #tpu.memory_space<vmem>> -> memref<1x128xi32, #tpu.memory_space<vmem>>
      %dma_wait3A_50 = tpu.memref_squeeze %dma_wait3A_49 : memref<1x128xi32, #tpu.memory_space<vmem>> -> memref<128xi32, #tpu.memory_space<vmem>>
      %dma_wait3A_51 = arith.constant 0 : i32
      %dma_wait3A_52 = arith.constant 0 : i32
      %dma_wait3A_53 = tpu.memref_slice %arg2[%dma_wait3A_51, %dma_wait3A_52] : memref<10000x128xf32, #tpu.memory_space<hbm>> -> memref<10000x128xf32, #tpu.memory_space<hbm>>
      tpu.wait_indirect_dma semaphore(%arg10 : memref<!tpu.dma_semaphore, #tpu.memory_space<semaphore_mem>>) src(%dma_wait3A_53 : memref<10000x128xf32, #tpu.memory_space<hbm>>) dst(%arg7 : memref<128x128xf32, #tpu.memory_space<vmem>>)
      %dma_start3A_54 = arith.constant 0 : i32
      %dma_start3A_55 = arith.constant 0 : i32
      %dma_start3A_56 = tpu.memref_slice %arg6[%dma_start3A_54, %dma_start3A_55] : memref<8x128xi32, #tpu.memory_space<vmem>> -> memref<1x128xi32, #tpu.memory_space<vmem>>
      %dma_start3A_57 = tpu.memref_squeeze %dma_start3A_56 : memref<1x128xi32, #tpu.memory_space<vmem>> -> memref<128xi32, #tpu.memory_space<vmem>>
      %dma_start3A_58 = arith.constant 0 : i32
      %dma_start3A_59 = arith.constant 0 : i32
      %dma_start3A_60 = tpu.memref_slice %arg9[%dma_start3A_58, %dma_start3A_59] : memref<10240x128xf32, #tpu.memory_space<vmem_shared>> -> memref<10240x128xf32, #tpu.memory_space<vmem_shared>>
      tpu.enqueue_indirect_dma source(%arg7 : memref<128x128xf32, #tpu.memory_space<vmem>>) target(%dma_start3A_60 : memref<10240x128xf32, #tpu.memory_space<vmem_shared>>) offsets(%dma_start3A_57 : memref<128xi32, #tpu.memory_space<vmem>>) semaphore(%arg12 : memref<!tpu.dma_semaphore, #tpu.memory_space<semaphore_mem>>) {add = true}
      %dma_wait3A_61 = arith.constant 0 : i32
      %dma_wait3A_62 = arith.constant 0 : i32
      %dma_wait3A_63 = tpu.memref_slice %arg6[%dma_wait3A_61, %dma_wait3A_62] : memref<8x128xi32, #tpu.memory_space<vmem>> -> memref<1x128xi32, #tpu.memory_space<vmem>>
      %dma_wait3A_64 = tpu.memref_squeeze %dma_wait3A_63 : memref<1x128xi32, #tpu.memory_space<vmem>> -> memref<128xi32, #tpu.memory_space<vmem>>
      %dma_wait3A_65 = arith.constant 0 : i32
      %dma_wait3A_66 = arith.constant 0 : i32
      %dma_wait3A_67 = tpu.memref_slice %arg9[%dma_wait3A_65, %dma_wait3A_66] : memref<10240x128xf32, #tpu.memory_space<vmem_shared>> -> memref<10240x128xf32, #tpu.memory_space<vmem_shared>>
      tpu.wait_indirect_dma semaphore(%arg12 : memref<!tpu.dma_semaphore, #tpu.memory_space<semaphore_mem>>) src(%arg7 : memref<128x128xf32, #tpu.memory_space<vmem>>) dst(%dma_wait3A_67 : memref<10240x128xf32, #tpu.memory_space<vmem_shared>>)
      %dma_start3A_68 = arith.constant 2 : i32
      %dma_start3A_69 = arith.constant 0 : i32
      %dma_start3A_70 = tpu.memref_slice %arg5[%dma_start3A_68, %dma_start3A_69] : memref<8x128xi32, #tpu.memory_space<vmem>> -> memref<1x128xi32, #tpu.memory_space<vmem>>
      %dma_start3A_71 = tpu.memref_squeeze %dma_start3A_70 : memref<1x128xi32, #tpu.memory_space<vmem>> -> memref<128xi32, #tpu.memory_space<vmem>>
      %dma_start3A_72 = arith.constant 0 : i32
      %dma_start3A_73 = arith.constant 0 : i32
      %dma_start3A_74 = tpu.memref_slice %arg2[%dma_start3A_72, %dma_start3A_73] : memref<10000x128xf32, #tpu.memory_space<hbm>> -> memref<10000x128xf32, #tpu.memory_space<hbm>>
      tpu.enqueue_indirect_dma source(%dma_start3A_74 : memref<10000x128xf32, #tpu.memory_space<hbm>>) target(%arg7 : memref<128x128xf32, #tpu.memory_space<vmem>>) offsets(%dma_start3A_71 : memref<128xi32, #tpu.memory_space<vmem>>) semaphore(%arg10 : memref<!tpu.dma_semaphore, #tpu.memory_space<semaphore_mem>>)
      %dma_wait3A_75 = arith.constant 1 : i32
      %dma_wait3A_76 = arith.constant 0 : i32
      %dma_wait3A_77 = tpu.memref_slice %arg5[%dma_wait3A_75, %dma_wait3A_76] : memref<8x128xi32, #tpu.memory_space<vmem>> -> memref<1x128xi32, #tpu.memory_space<vmem>>
      %dma_wait3A_78 = tpu.memref_squeeze %dma_wait3A_77 : memref<1x128xi32, #tpu.memory_space<vmem>> -> memref<128xi32, #tpu.memory_space<vmem>>
      %dma_wait3A_79 = arith.constant 0 : i32
      %dma_wait3A_80 = arith.constant 0 : i32
      %dma_wait3A_81 = tpu.memref_slice %arg2[%dma_wait3A_79, %dma_wait3A_80] : memref<10000x128xf32, #tpu.memory_space<hbm>> -> memref<10000x128xf32, #tpu.memory_space<hbm>>
      tpu.wait_indirect_dma semaphore(%arg11 : memref<!tpu.dma_semaphore, #tpu.memory_space<semaphore_mem>>) src(%dma_wait3A_81 : memref<10000x128xf32, #tpu.memory_space<hbm>>) dst(%arg8 : memref<128x128xf32, #tpu.memory_space<vmem>>)
      %dma_start3A_82 = arith.constant 1 : i32
      %dma_start3A_83 = arith.constant 0 : i32
      %dma_start3A_84 = tpu.memref_slice %arg6[%dma_start3A_82, %dma_start3A_83] : memref<8x128xi32, #tpu.memory_space<vmem>> -> memref<1x128xi32, #tpu.memory_space<vmem>>
      %dma_start3A_85 = tpu.memref_squeeze %dma_start3A_84 : memref<1x128xi32, #tpu.memory_space<vmem>> -> memref<128xi32, #tpu.memory_space<vmem>>
      %dma_start3A_86 = arith.constant 0 : i32
      %dma_start3A_87 = arith.constant 0 : i32
      %dma_start3A_88 = tpu.memref_slice %arg9[%dma_start3A_86, %dma_start3A_87] : memref<10240x128xf32, #tpu.memory_space<vmem_shared>> -> memref<10240x128xf32, #tpu.memory_space<vmem_shared>>
      tpu.enqueue_indirect_dma source(%arg8 : memref<128x128xf32, #tpu.memory_space<vmem>>) target(%dma_start3A_88 : memref<10240x128xf32, #tpu.memory_space<vmem_shared>>) offsets(%dma_start3A_85 : memref<128xi32, #tpu.memory_space<vmem>>) semaphore(%arg13 : memref<!tpu.dma_semaphore, #tpu.memory_space<semaphore_mem>>) {add = true}
      %dma_wait3A_89 = arith.constant 1 : i32
      %dma_wait3A_90 = arith.constant 0 : i32
      %dma_wait3A_91 = tpu.memref_slice %arg6[%dma_wait3A_89, %dma_wait3A_90] : memref<8x128xi32, #tpu.memory_space<vmem>> -> memref<1x128xi32, #tpu.memory_space<vmem>>
      %dma_wait3A_92 = tpu.memref_squeeze %dma_wait3A_91 : memref<1x128xi32, #tpu.memory_space<vmem>> -> memref<128xi32, #tpu.memory_space<vmem>>
      %dma_wait3A_93 = arith.constant 0 : i32
      %dma_wait3A_94 = arith.constant 0 : i32
      %dma_wait3A_95 = tpu.memref_slice %arg9[%dma_wait3A_93, %dma_wait3A_94] : memref<10240x128xf32, #tpu.memory_space<vmem_shared>> -> memref<10240x128xf32, #tpu.memory_space<vmem_shared>>
      tpu.wait_indirect_dma semaphore(%arg13 : memref<!tpu.dma_semaphore, #tpu.memory_space<semaphore_mem>>) src(%arg8 : memref<128x128xf32, #tpu.memory_space<vmem>>) dst(%dma_wait3A_95 : memref<10240x128xf32, #tpu.memory_space<vmem_shared>>)
      %dma_start3A_96 = arith.constant 3 : i32
      %dma_start3A_97 = arith.constant 0 : i32
      %dma_start3A_98 = tpu.memref_slice %arg5[%dma_start3A_96, %dma_start3A_97] : memref<8x128xi32, #tpu.memory_space<vmem>> -> memref<1x128xi32, #tpu.memory_space<vmem>>
      %dma_start3A_99 = tpu.memref_squeeze %dma_start3A_98 : memref<1x128xi32, #tpu.memory_space<vmem>> -> memref<128xi32, #tpu.memory_space<vmem>>
      %dma_start3A_100 = arith.constant 0 : i32
      %dma_start3A_101 = arith.constant 0 : i32
      %dma_start3A_102 = tpu.memref_slice %arg2[%dma_start3A_100, %dma_start3A_101] : memref<10000x128xf32, #tpu.memory_space<hbm>> -> memref<10000x128xf32, #tpu.memory_space<hbm>>
      tpu.enqueue_indirect_dma source(%dma_start3A_102 : memref<10000x128xf32, #tpu.memory_space<hbm>>) target(%arg8 : memref<128x128xf32, #tpu.memory_space<vmem>>) offsets(%dma_start3A_99 : memref<128xi32, #tpu.memory_space<vmem>>) semaphore(%arg11 : memref<!tpu.dma_semaphore, #tpu.memory_space<semaphore_mem>>)
      %dma_wait3A_103 = arith.constant 2 : i32
      %dma_wait3A_104 = arith.constant 0 : i32
      %dma_wait3A_105 = tpu.memref_slice %arg5[%dma_wait3A_103, %dma_wait3A_104] : memref<8x128xi32, #tpu.memory_space<vmem>> -> memref<1x128xi32, #tpu.memory_space<vmem>>
      %dma_wait3A_106 = tpu.memref_squeeze %dma_wait3A_105 : memref<1x128xi32, #tpu.memory_space<vmem>> -> memref<128xi32, #tpu.memory_space<vmem>>
      %dma_wait3A_107 = arith.constant 0 : i32
      %dma_wait3A_108 = arith.constant 0 : i32
      %dma_wait3A_109 = tpu.memref_slice %arg2[%dma_wait3A_107, %dma_wait3A_108] : memref<10000x128xf32, #tpu.memory_space<hbm>> -> memref<10000x128xf32, #tpu.memory_space<hbm>>
      tpu.wait_indirect_dma semaphore(%arg10 : memref<!tpu.dma_semaphore, #tpu.memory_space<semaphore_mem>>) src(%dma_wait3A_109 : memref<10000x128xf32, #tpu.memory_space<hbm>>) dst(%arg7 : memref<128x128xf32, #tpu.memory_space<vmem>>)
      %dma_start3A_110 = arith.constant 2 : i32
      %dma_start3A_111 = arith.constant 0 : i32
      %dma_start3A_112 = tpu.memref_slice %arg6[%dma_start3A_110, %dma_start3A_111] : memref<8x128xi32, #tpu.memory_space<vmem>> -> memref<1x128xi32, #tpu.memory_space<vmem>>
      %dma_start3A_113 = tpu.memref_squeeze %dma_start3A_112 : memref<1x128xi32, #tpu.memory_space<vmem>> -> memref<128xi32, #tpu.memory_space<vmem>>
      %dma_start3A_114 = arith.constant 0 : i32
      %dma_start3A_115 = arith.constant 0 : i32
      %dma_start3A_116 = tpu.memref_slice %arg9[%dma_start3A_114, %dma_start3A_115] : memref<10240x128xf32, #tpu.memory_space<vmem_shared>> -> memref<10240x128xf32, #tpu.memory_space<vmem_shared>>
      tpu.enqueue_indirect_dma source(%arg7 : memref<128x128xf32, #tpu.memory_space<vmem>>) target(%dma_start3A_116 : memref<10240x128xf32, #tpu.memory_space<vmem_shared>>) offsets(%dma_start3A_113 : memref<128xi32, #tpu.memory_space<vmem>>) semaphore(%arg12 : memref<!tpu.dma_semaphore, #tpu.memory_space<semaphore_mem>>) {add = true}
      %dma_wait3A_117 = arith.constant 3 : i32
      %dma_wait3A_118 = arith.constant 0 : i32
      %dma_wait3A_119 = tpu.memref_slice %arg5[%dma_wait3A_117, %dma_wait3A_118] : memref<8x128xi32, #tpu.memory_space<vmem>> -> memref<1x128xi32, #tpu.memory_space<vmem>>
      %dma_wait3A_120 = tpu.memref_squeeze %dma_wait3A_119 : memref<1x128xi32, #tpu.memory_space<vmem>> -> memref<128xi32, #tpu.memory_space<vmem>>
      %dma_wait3A_121 = arith.constant 0 : i32
      %dma_wait3A_122 = arith.constant 0 : i32
      %dma_wait3A_123 = tpu.memref_slice %arg2[%dma_wait3A_121, %dma_wait3A_122] : memref<10000x128xf32, #tpu.memory_space<hbm>> -> memref<10000x128xf32, #tpu.memory_space<hbm>>
      tpu.wait_indirect_dma semaphore(%arg11 : memref<!tpu.dma_semaphore, #tpu.memory_space<semaphore_mem>>) src(%dma_wait3A_123 : memref<10000x128xf32, #tpu.memory_space<hbm>>) dst(%arg8 : memref<128x128xf32, #tpu.memory_space<vmem>>)
      %dma_wait3A_124 = arith.constant 2 : i32
      %dma_wait3A_125 = arith.constant 0 : i32
      %dma_wait3A_126 = tpu.memref_slice %arg6[%dma_wait3A_124, %dma_wait3A_125] : memref<8x128xi32, #tpu.memory_space<vmem>> -> memref<1x128xi32, #tpu.memory_space<vmem>>
      %dma_wait3A_127 = tpu.memref_squeeze %dma_wait3A_126 : memref<1x128xi32, #tpu.memory_space<vmem>> -> memref<128xi32, #tpu.memory_space<vmem>>
      %dma_wait3A_128 = arith.constant 0 : i32
      %dma_wait3A_129 = arith.constant 0 : i32
      %dma_wait3A_130 = tpu.memref_slice %arg9[%dma_wait3A_128, %dma_wait3A_129] : memref<10240x128xf32, #tpu.memory_space<vmem_shared>> -> memref<10240x128xf32, #tpu.memory_space<vmem_shared>>
      tpu.wait_indirect_dma semaphore(%arg12 : memref<!tpu.dma_semaphore, #tpu.memory_space<semaphore_mem>>) src(%arg7 : memref<128x128xf32, #tpu.memory_space<vmem>>) dst(%dma_wait3A_130 : memref<10240x128xf32, #tpu.memory_space<vmem_shared>>)
      %dma_start3A_131 = arith.constant 3 : i32
      %dma_start3A_132 = arith.constant 0 : i32
      %dma_start3A_133 = tpu.memref_slice %arg6[%dma_start3A_131, %dma_start3A_132] : memref<8x128xi32, #tpu.memory_space<vmem>> -> memref<1x128xi32, #tpu.memory_space<vmem>>
      %dma_start3A_134 = tpu.memref_squeeze %dma_start3A_133 : memref<1x128xi32, #tpu.memory_space<vmem>> -> memref<128xi32, #tpu.memory_space<vmem>>
      %dma_start3A_135 = arith.constant 0 : i32
      %dma_start3A_136 = arith.constant 0 : i32
      %dma_start3A_137 = tpu.memref_slice %arg9[%dma_start3A_135, %dma_start3A_136] : memref<10240x128xf32, #tpu.memory_space<vmem_shared>> -> memref<10240x128xf32, #tpu.memory_space<vmem_shared>>
      tpu.enqueue_indirect_dma source(%arg8 : memref<128x128xf32, #tpu.memory_space<vmem>>) target(%dma_start3A_137 : memref<10240x128xf32, #tpu.memory_space<vmem_shared>>) offsets(%dma_start3A_134 : memref<128xi32, #tpu.memory_space<vmem>>) semaphore(%arg13 : memref<!tpu.dma_semaphore, #tpu.memory_space<semaphore_mem>>) {add = true}
      %dma_wait3A_138 = arith.constant 3 : i32
      %dma_wait3A_139 = arith.constant 0 : i32
      %dma_wait3A_140 = tpu.memref_slice %arg6[%dma_wait3A_138, %dma_wait3A_139] : memref<8x128xi32, #tpu.memory_space<vmem>> -> memref<1x128xi32, #tpu.memory_space<vmem>>
      %dma_wait3A_141 = tpu.memref_squeeze %dma_wait3A_140 : memref<1x128xi32, #tpu.memory_space<vmem>> -> memref<128xi32, #tpu.memory_space<vmem>>
      %dma_wait3A_142 = arith.constant 0 : i32
      %dma_wait3A_143 = arith.constant 0 : i32
      %dma_wait3A_144 = tpu.memref_slice %arg9[%dma_wait3A_142, %dma_wait3A_143] : memref<10240x128xf32, #tpu.memory_space<vmem_shared>> -> memref<10240x128xf32, #tpu.memory_space<vmem_shared>>
      tpu.wait_indirect_dma semaphore(%arg13 : memref<!tpu.dma_semaphore, #tpu.memory_space<semaphore_mem>>) src(%arg8 : memref<128x128xf32, #tpu.memory_space<vmem>>) dst(%dma_wait3A_144 : memref<10240x128xf32, #tpu.memory_space<vmem_shared>>)
    } else {
    }
    %barrier3A_29 = arith.constant 0 : index
    tpu.barrier barrier_id(%barrier3A_29)
    %mul3A_30 = arith.constant 640 : i32
    %mul3A_31 = arith.muli %arg1, %mul3A_30 : i32
    %mul3A_32 = arith.constant 640 : i32
    %mul3A_33 = arith.muli %arg1, %mul3A_32 : i32
    "tpu.region"() ({
      %run_scoped3A = tpu.sem_alloc : memref<!tpu.dma_semaphore, #tpu.memory_space<semaphore_mem>>
      %dma_start3A = arith.constant 0 : i32
      %dma_start3A_34 = tpu.memref_slice %arg4[%arg0, %mul3A_33, %dma_start3A] : memref<2x10240x128xf32, #tpu.memory_space<hbm>> -> memref<1x640x128xf32, #tpu.memory_space<hbm>>
      %dma_start3A_35 = tpu.memref_squeeze %dma_start3A_34 : memref<1x640x128xf32, #tpu.memory_space<hbm>> -> memref<640x128xf32, #tpu.memory_space<hbm>>
      %dma_start3A_36 = arith.constant 0 : i32
      %dma_start3A_37 = tpu.memref_slice %arg9[%mul3A_31, %dma_start3A_36] : memref<10240x128xf32, #tpu.memory_space<vmem_shared>> -> memref<640x128xf32, #tpu.memory_space<vmem_shared>>
      tpu.enqueue_dma source(%dma_start3A_37 : memref<640x128xf32, #tpu.memory_space<vmem_shared>>) target(%dma_start3A_35 : memref<640x128xf32, #tpu.memory_space<hbm>>) target_semaphore(%run_scoped3A : memref<!tpu.dma_semaphore, #tpu.memory_space<semaphore_mem>>)
      %dma_wait3A = arith.constant 0 : i32
      %dma_wait3A_38 = tpu.memref_slice %arg4[%arg0, %mul3A_33, %dma_wait3A] : memref<2x10240x128xf32, #tpu.memory_space<hbm>> -> memref<1x640x128xf32, #tpu.memory_space<hbm>>
      %dma_wait3A_39 = tpu.memref_squeeze %dma_wait3A_38 : memref<1x640x128xf32, #tpu.memory_space<hbm>> -> memref<640x128xf32, #tpu.memory_space<hbm>>
      %dma_wait3A_40 = arith.constant 0 : i32
      %dma_wait3A_41 = tpu.memref_slice %arg9[%mul3A_31, %dma_wait3A_40] : memref<10240x128xf32, #tpu.memory_space<vmem_shared>> -> memref<640x128xf32, #tpu.memory_space<vmem_shared>>
      tpu.wait_dma2 semaphore(%run_scoped3A : memref<!tpu.dma_semaphore, #tpu.memory_space<semaphore_mem>>) src(%dma_wait3A_41 : memref<640x128xf32, #tpu.memory_space<vmem_shared>>) dst(%dma_wait3A_39 : memref<640x128xf32, #tpu.memory_space<hbm>>)
      tpu.yield
    }) : () -> ()
    return
  }
}

#map = affine_map<(d0, d1) -> (0, 0)>
#map1 = affine_map<(d0, d1) -> (0, 0, 0)>
module attributes {stable_mosaic.version = 14 : i64} {
  func.func @body(%arg0: i32, %arg1: i32, %arg2: memref<10000x128xf32, #tpu.memory_space<hbm>>, %arg3: memref<2x2500x128xi32, #tpu.memory_space<hbm>>, %arg4: memref<2x10240x128xf32, #tpu.memory_space<hbm>>, %arg5: memref<8x128xi32, #tpu.memory_space<vmem>>, %arg6: memref<8x128xi32, #tpu.memory_space<vmem>>, %arg7: memref<128x128xf32, #tpu.memory_space<vmem>>, %arg8: memref<128x128xf32, #tpu.memory_space<vmem>>, %arg9: memref<10240x128xf32, #tpu.memory_space<vmem_shared>>, %arg10: memref<!tpu.dma_semaphore, #tpu.memory_space<semaphore_mem>>, %arg11: memref<!tpu.dma_semaphore, #tpu.memory_space<semaphore_mem>>, %arg12: memref<!tpu.dma_semaphore, #tpu.memory_space<semaphore_mem>>, %arg13: memref<!tpu.dma_semaphore, #tpu.memory_space<semaphore_mem>>) attributes {dimension_semantics = [#tpu.dimension_semantics<core_parallel>, #tpu.dimension_semantics<subcore_parallel>], iteration_bounds = array<i64: 2, 16>, scalar_prefetch = 0 : i64, scratch_operands = 9 : i64, tpu.core_type = #tpu.core_type<sc_vector_subcore>, window_params = [{transform_indices = #map}, {transform_indices = #map1}, {transform_indices = #map1}]} {
    %mul3A = arith.constant 16 : i32
    %mul3A_0 = arith.muli %arg0, %mul3A : i32
    %add3A = arith.addi %mul3A_0, %arg1 : i32
    %mul3A_1 = arith.constant 72 : i32
    %mul3A_2 = arith.muli %add3A, %mul3A_1 : i32
    %scan3A = arith.constant 0 : i32
    %scan3A_3 = arith.constant 0 : i32
    %scan3A_4 = arith.constant 128 : i32
    %scan3A_5 = arith.addi %scan3A_3, %scan3A_4 : i32
    %scan3A_6 = arith.constant 1 : i32
    %scan3A_7 = scf.for %scan3A_34 = %scan3A_3 to %scan3A_5 step %scan3A_6 iter_args(%scan3A_35 = %scan3A) -> (i32)  : i32 {
      %scan3A_36 = arith.constant 0 : i32
      %scan3A_37 = arith.constant 0 : i32
      %scan3A_38 = arith.constant 8 : i32
      %scan3A_39 = arith.addi %scan3A_37, %scan3A_38 : i32
      %scan3A_40 = arith.constant 1 : i32
      %scan3A_41 = scf.for %scan3A_44 = %scan3A_37 to %scan3A_39 step %scan3A_40 iter_args(%scan3A_45 = %scan3A_36) -> (i32)  : i32 {
        %broadcast_in_dim3A = arith.constant 0.000000e+00 : f32
        %broadcast_in_dim3A_46 = vector.broadcast %broadcast_in_dim3A : f32 to vector<16xf32>
        %mul3A_47 = arith.constant 16 : i32
        %mul3A_48 = arith.muli %scan3A_44, %mul3A_47 : i32
        %swap3A = arith.index_cast %scan3A_34 : i32 to index
        %swap3A_49 = arith.index_cast %mul3A_48 : i32 to index
        %swap3A_50 = tpu.vector_load %arg7[%swap3A, %swap3A_49] {strides = array<i32>} : memref<128x128xf32, #tpu.memory_space<vmem>>, vector<1x16xf32>,
        %swap3A_51 = vector.shape_cast %swap3A_50 : vector<1x16xf32> to vector<16xf32>
        %swap3A_52 = vector.shape_cast %broadcast_in_dim3A_46 : vector<16xf32> to vector<1x16xf32>
        tpu.vector_store %arg7[%swap3A, %swap3A_49], %swap3A_52 {strides = array<i32>} : memref<128x128xf32, #tpu.memory_space<vmem>>, vector<1x16xf32>,
        %broadcast_in_dim3A_53 = arith.constant 0.000000e+00 : f32
        %broadcast_in_dim3A_54 = vector.broadcast %broadcast_in_dim3A_53 : f32 to vector<16xf32>
        %mul3A_55 = arith.constant 16 : i32
        %mul3A_56 = arith.muli %scan3A_44, %mul3A_55 : i32
        %swap3A_57 = arith.index_cast %scan3A_34 : i32 to index
        %swap3A_58 = arith.index_cast %mul3A_56 : i32 to index
        %swap3A_59 = tpu.vector_load %arg8[%swap3A_57, %swap3A_58] {strides = array<i32>} : memref<128x128xf32, #tpu.memory_space<vmem>>, vector<1x16xf32>,
        %swap3A_60 = vector.shape_cast %swap3A_59 : vector<1x16xf32> to vector<16xf32>
        %swap3A_61 = vector.shape_cast %broadcast_in_dim3A_54 : vector<16xf32> to vector<1x16xf32>
        tpu.vector_store %arg8[%swap3A_57, %swap3A_58], %swap3A_61 {strides = array<i32>} : memref<128x128xf32, #tpu.memory_space<vmem>>, vector<1x16xf32>,
        %scan3A_62 = arith.constant 0 : i32
        scf.yield %scan3A_62 : i32
      }
      %scan3A_42 = arith.constant 8 : i32
      %scan3A_43 = arith.constant 0 : i32
      scf.yield %scan3A_43 : i32
    }
    %scan3A_8 = arith.constant 128 : i32
    %scan3A_9 = arith.constant 0 : i32
    %scan3A_10 = arith.constant 0 : i32
    %scan3A_11 = arith.constant 5 : i32
    %scan3A_12 = arith.addi %scan3A_10, %scan3A_11 : i32
    %scan3A_13 = arith.constant 1 : i32
    %scan3A_14 = scf.for %scan3A_34 = %scan3A_10 to %scan3A_12 step %scan3A_13 iter_args(%scan3A_35 = %scan3A_9) -> (i32)  : i32 {
      %mul3A_36 = arith.constant 640 : i32
      %mul3A_37 = arith.muli %arg1, %mul3A_36 : i32
      %mul3A_38 = arith.constant 128 : i32
      %mul3A_39 = arith.muli %scan3A_34, %mul3A_38 : i32
      %add3A_40 = arith.addi %mul3A_37, %mul3A_39 : i32
      "tpu.region"() ({
        %run_scoped3A = tpu.sem_alloc : memref<!tpu.dma_semaphore, #tpu.memory_space<semaphore_mem>>
        %dma_start3A = arith.constant 0 : i32
        %dma_start3A_42 = tpu.memref_slice %arg9[%add3A_40, %dma_start3A] : memref<10240x128xf32, #tpu.memory_space<vmem_shared>> -> memref<128x128xf32, #tpu.memory_space<vmem_shared>>
        %dma_start3A_43 = arith.constant 0 : i32
        %dma_start3A_44 = tpu.memref_slice %arg9[%add3A_40, %dma_start3A_43] : memref<10240x128xf32, #tpu.memory_space<vmem_shared>> -> memref<128x128xf32, #tpu.memory_space<vmem_shared>>
        tpu.enqueue_dma source(%arg7 : memref<128x128xf32, #tpu.memory_space<vmem>>) target(%dma_start3A_44 : memref<128x128xf32, #tpu.memory_space<vmem_shared>>) target_semaphore(%run_scoped3A : memref<!tpu.dma_semaphore, #tpu.memory_space<semaphore_mem>>)
        %dma_wait3A = arith.constant 0 : i32
        %dma_wait3A_45 = tpu.memref_slice %arg9[%add3A_40, %dma_wait3A] : memref<10240x128xf32, #tpu.memory_space<vmem_shared>> -> memref<128x128xf32, #tpu.memory_space<vmem_shared>>
        %dma_wait3A_46 = arith.constant 0 : i32
        %dma_wait3A_47 = tpu.memref_slice %arg9[%add3A_40, %dma_wait3A_46] : memref<10240x128xf32, #tpu.memory_space<vmem_shared>> -> memref<128x128xf32, #tpu.memory_space<vmem_shared>>
        tpu.wait_dma2 semaphore(%run_scoped3A : memref<!tpu.dma_semaphore, #tpu.memory_space<semaphore_mem>>) src(%arg7 : memref<128x128xf32, #tpu.memory_space<vmem>>) dst(%dma_wait3A_47 : memref<128x128xf32, #tpu.memory_space<vmem_shared>>)
        tpu.yield
      }) : () -> ()
      %scan3A_41 = arith.constant 0 : i32
      scf.yield %scan3A_41 : i32
    }
    %scan3A_15 = arith.constant 5 : i32
    %barrier3A = arith.constant 0 : index
    tpu.barrier barrier_id(%barrier3A)
    %scan3A_16 = arith.constant 0 : i32
    %scan3A_17 = arith.constant 0 : i32
    %scan3A_18 = arith.constant 9 : i32
    %scan3A_19 = arith.addi %scan3A_17, %scan3A_18 : i32
    %scan3A_20 = arith.constant 1 : i32
    %scan3A_21 = scf.for %scan3A_34 = %scan3A_17 to %scan3A_19 step %scan3A_20 iter_args(%scan3A_35 = %scan3A_16) -> (i32)  : i32 {
      %mul3A_36 = arith.constant 8 : i32
      %mul3A_37 = arith.muli %scan3A_34, %mul3A_36 : i32
      %add3A_38 = arith.addi %mul3A_2, %mul3A_37 : i32
      %run_scoped3A = arith.constant 0 : i32
      "tpu.region"() ({
        %run_scoped3A_263 = tpu.sem_alloc : memref<!tpu.dma_semaphore, #tpu.memory_space<semaphore_mem>>
        %dma_start3A_264 = arith.constant 0 : i32
        %dma_start3A_265 = arith.constant 0 : i32
        %dma_start3A_266 = tpu.memref_slice %arg5[%dma_start3A_264, %dma_start3A_265] : memref<8x128xi32, #tpu.memory_space<vmem>> -> memref<8x128xi32, #tpu.memory_space<vmem>>
        %dma_start3A_267 = arith.constant 0 : i32
        %dma_start3A_268 = tpu.memref_slice %arg3[%run_scoped3A, %add3A_38, %dma_start3A_267] : memref<2x2500x128xi32, #tpu.memory_space<hbm>> -> memref<1x8x128xi32, #tpu.memory_space<hbm>>
        %dma_start3A_269 = tpu.memref_squeeze %dma_start3A_268 : memref<1x8x128xi32, #tpu.memory_space<hbm>> -> memref<8x128xi32, #tpu.memory_space<hbm>>
        %dma_start3A_270 = arith.constant 0 : i32
        %dma_start3A_271 = arith.constant 0 : i32
        %dma_start3A_272 = tpu.memref_slice %arg5[%dma_start3A_270, %dma_start3A_271] : memref<8x128xi32, #tpu.memory_space<vmem>> -> memref<8x128xi32, #tpu.memory_space<vmem>>
        %dma_start3A_273 = arith.constant 0 : i32
        %dma_start3A_274 = tpu.memref_slice %arg3[%run_scoped3A, %add3A_38, %dma_start3A_273] : memref<2x2500x128xi32, #tpu.memory_space<hbm>> -> memref<1x8x128xi32, #tpu.memory_space<hbm>>
        %dma_start3A_275 = tpu.memref_squeeze %dma_start3A_274 : memref<1x8x128xi32, #tpu.memory_space<hbm>> -> memref<8x128xi32, #tpu.memory_space<hbm>>
        tpu.enqueue_dma source(%dma_start3A_275 : memref<8x128xi32, #tpu.memory_space<hbm>>) target(%dma_start3A_272 : memref<8x128xi32, #tpu.memory_space<vmem>>) target_semaphore(%run_scoped3A_263 : memref<!tpu.dma_semaphore, #tpu.memory_space<semaphore_mem>>)
        %dma_wait3A_276 = arith.constant 0 : i32
        %dma_wait3A_277 = arith.constant 0 : i32
        %dma_wait3A_278 = tpu.memref_slice %arg5[%dma_wait3A_276, %dma_wait3A_277] : memref<8x128xi32, #tpu.memory_space<vmem>> -> memref<8x128xi32, #tpu.memory_space<vmem>>
        %dma_wait3A_279 = arith.constant 0 : i32
        %dma_wait3A_280 = tpu.memref_slice %arg3[%run_scoped3A, %add3A_38, %dma_wait3A_279] : memref<2x2500x128xi32, #tpu.memory_space<hbm>> -> memref<1x8x128xi32, #tpu.memory_space<hbm>>
        %dma_wait3A_281 = tpu.memref_squeeze %dma_wait3A_280 : memref<1x8x128xi32, #tpu.memory_space<hbm>> -> memref<8x128xi32, #tpu.memory_space<hbm>>
        %dma_wait3A_282 = arith.constant 0 : i32
        %dma_wait3A_283 = arith.constant 0 : i32
        %dma_wait3A_284 = tpu.memref_slice %arg5[%dma_wait3A_282, %dma_wait3A_283] : memref<8x128xi32, #tpu.memory_space<vmem>> -> memref<8x128xi32, #tpu.memory_space<vmem>>
        %dma_wait3A_285 = arith.constant 0 : i32
        %dma_wait3A_286 = tpu.memref_slice %arg3[%run_scoped3A, %add3A_38, %dma_wait3A_285] : memref<2x2500x128xi32, #tpu.memory_space<hbm>> -> memref<1x8x128xi32, #tpu.memory_space<hbm>>
        %dma_wait3A_287 = tpu.memref_squeeze %dma_wait3A_286 : memref<1x8x128xi32, #tpu.memory_space<hbm>> -> memref<8x128xi32, #tpu.memory_space<hbm>>
        tpu.wait_dma2 semaphore(%run_scoped3A_263 : memref<!tpu.dma_semaphore, #tpu.memory_space<semaphore_mem>>) src(%dma_wait3A_287 : memref<8x128xi32, #tpu.memory_space<hbm>>) dst(%dma_wait3A_284 : memref<8x128xi32, #tpu.memory_space<vmem>>)
        tpu.yield
      }) : () -> ()
      %run_scoped3A_39 = arith.constant 1 : i32
      "tpu.region"() ({
        %run_scoped3A_263 = tpu.sem_alloc : memref<!tpu.dma_semaphore, #tpu.memory_space<semaphore_mem>>
        %dma_start3A_264 = arith.constant 0 : i32
        %dma_start3A_265 = arith.constant 0 : i32
        %dma_start3A_266 = tpu.memref_slice %arg6[%dma_start3A_264, %dma_start3A_265] : memref<8x128xi32, #tpu.memory_space<vmem>> -> memref<8x128xi32, #tpu.memory_space<vmem>>
        %dma_start3A_267 = arith.constant 0 : i32
        %dma_start3A_268 = tpu.memref_slice %arg3[%run_scoped3A_39, %add3A_38, %dma_start3A_267] : memref<2x2500x128xi32, #tpu.memory_space<hbm>> -> memref<1x8x128xi32, #tpu.memory_space<hbm>>
        %dma_start3A_269 = tpu.memref_squeeze %dma_start3A_268 : memref<1x8x128xi32, #tpu.memory_space<hbm>> -> memref<8x128xi32, #tpu.memory_space<hbm>>
        %dma_start3A_270 = arith.constant 0 : i32
        %dma_start3A_271 = arith.constant 0 : i32
        %dma_start3A_272 = tpu.memref_slice %arg6[%dma_start3A_270, %dma_start3A_271] : memref<8x128xi32, #tpu.memory_space<vmem>> -> memref<8x128xi32, #tpu.memory_space<vmem>>
        %dma_start3A_273 = arith.constant 0 : i32
        %dma_start3A_274 = tpu.memref_slice %arg3[%run_scoped3A_39, %add3A_38, %dma_start3A_273] : memref<2x2500x128xi32, #tpu.memory_space<hbm>> -> memref<1x8x128xi32, #tpu.memory_space<hbm>>
        %dma_start3A_275 = tpu.memref_squeeze %dma_start3A_274 : memref<1x8x128xi32, #tpu.memory_space<hbm>> -> memref<8x128xi32, #tpu.memory_space<hbm>>
        tpu.enqueue_dma source(%dma_start3A_275 : memref<8x128xi32, #tpu.memory_space<hbm>>) target(%dma_start3A_272 : memref<8x128xi32, #tpu.memory_space<vmem>>) target_semaphore(%run_scoped3A_263 : memref<!tpu.dma_semaphore, #tpu.memory_space<semaphore_mem>>)
        %dma_wait3A_276 = arith.constant 0 : i32
        %dma_wait3A_277 = arith.constant 0 : i32
        %dma_wait3A_278 = tpu.memref_slice %arg6[%dma_wait3A_276, %dma_wait3A_277] : memref<8x128xi32, #tpu.memory_space<vmem>> -> memref<8x128xi32, #tpu.memory_space<vmem>>
        %dma_wait3A_279 = arith.constant 0 : i32
        %dma_wait3A_280 = tpu.memref_slice %arg3[%run_scoped3A_39, %add3A_38, %dma_wait3A_279] : memref<2x2500x128xi32, #tpu.memory_space<hbm>> -> memref<1x8x128xi32, #tpu.memory_space<hbm>>
        %dma_wait3A_281 = tpu.memref_squeeze %dma_wait3A_280 : memref<1x8x128xi32, #tpu.memory_space<hbm>> -> memref<8x128xi32, #tpu.memory_space<hbm>>
        %dma_wait3A_282 = arith.constant 0 : i32
        %dma_wait3A_283 = arith.constant 0 : i32
        %dma_wait3A_284 = tpu.memref_slice %arg6[%dma_wait3A_282, %dma_wait3A_283] : memref<8x128xi32, #tpu.memory_space<vmem>> -> memref<8x128xi32, #tpu.memory_space<vmem>>
        %dma_wait3A_285 = arith.constant 0 : i32
        %dma_wait3A_286 = tpu.memref_slice %arg3[%run_scoped3A_39, %add3A_38, %dma_wait3A_285] : memref<2x2500x128xi32, #tpu.memory_space<hbm>> -> memref<1x8x128xi32, #tpu.memory_space<hbm>>
        %dma_wait3A_287 = tpu.memref_squeeze %dma_wait3A_286 : memref<1x8x128xi32, #tpu.memory_space<hbm>> -> memref<8x128xi32, #tpu.memory_space<hbm>>
        tpu.wait_dma2 semaphore(%run_scoped3A_263 : memref<!tpu.dma_semaphore, #tpu.memory_space<semaphore_mem>>) src(%dma_wait3A_287 : memref<8x128xi32, #tpu.memory_space<hbm>>) dst(%dma_wait3A_284 : memref<8x128xi32, #tpu.memory_space<vmem>>)
        tpu.yield
      }) : () -> ()
      %dma_start3A = arith.constant 0 : i32
      %dma_start3A_40 = arith.constant 0 : i32
      %dma_start3A_41 = tpu.memref_slice %arg5[%dma_start3A, %dma_start3A_40] : memref<8x128xi32, #tpu.memory_space<vmem>> -> memref<1x128xi32, #tpu.memory_space<vmem>>
      %dma_start3A_42 = tpu.memref_squeeze %dma_start3A_41 : memref<1x128xi32, #tpu.memory_space<vmem>> -> memref<128xi32, #tpu.memory_space<vmem>>
      %dma_start3A_43 = arith.constant 0 : i32
      %dma_start3A_44 = arith.constant 0 : i32
      %dma_start3A_45 = tpu.memref_slice %arg2[%dma_start3A_43, %dma_start3A_44] : memref<10000x128xf32, #tpu.memory_space<hbm>> -> memref<10000x128xf32, #tpu.memory_space<hbm>>
      tpu.enqueue_indirect_dma source(%dma_start3A_45 : memref<10000x128xf32, #tpu.memory_space<hbm>>) target(%arg7 : memref<128x128xf32, #tpu.memory_space<vmem>>) offsets(%dma_start3A_42 : memref<128xi32, #tpu.memory_space<vmem>>) semaphore(%arg10 : memref<!tpu.dma_semaphore, #tpu.memory_space<semaphore_mem>>)
      %dma_start3A_46 = arith.constant 1 : i32
      %dma_start3A_47 = arith.constant 0 : i32
      %dma_start3A_48 = tpu.memref_slice %arg5[%dma_start3A_46, %dma_start3A_47] : memref<8x128xi32, #tpu.memory_space<vmem>> -> memref<1x128xi32, #tpu.memory_space<vmem>>
      %dma_start3A_49 = tpu.memref_squeeze %dma_start3A_48 : memref<1x128xi32, #tpu.memory_space<vmem>> -> memref<128xi32, #tpu.memory_space<vmem>>
      %dma_start3A_50 = arith.constant 0 : i32
      %dma_start3A_51 = arith.constant 0 : i32
      %dma_start3A_52 = tpu.memref_slice %arg2[%dma_start3A_50, %dma_start3A_51] : memref<10000x128xf32, #tpu.memory_space<hbm>> -> memref<10000x128xf32, #tpu.memory_space<hbm>>
      tpu.enqueue_indirect_dma source(%dma_start3A_52 : memref<10000x128xf32, #tpu.memory_space<hbm>>) target(%arg8 : memref<128x128xf32, #tpu.memory_space<vmem>>) offsets(%dma_start3A_49 : memref<128xi32, #tpu.memory_space<vmem>>) semaphore(%arg11 : memref<!tpu.dma_semaphore, #tpu.memory_space<semaphore_mem>>)
      %dma_wait3A = arith.constant 0 : i32
      %dma_wait3A_53 = arith.constant 0 : i32
      %dma_wait3A_54 = tpu.memref_slice %arg5[%dma_wait3A, %dma_wait3A_53] : memref<8x128xi32, #tpu.memory_space<vmem>> -> memref<1x128xi32, #tpu.memory_space<vmem>>
      %dma_wait3A_55 = tpu.memref_squeeze %dma_wait3A_54 : memref<1x128xi32, #tpu.memory_space<vmem>> -> memref<128xi32, #tpu.memory_space<vmem>>
      %dma_wait3A_56 = arith.constant 0 : i32
      %dma_wait3A_57 = arith.constant 0 : i32
      %dma_wait3A_58 = tpu.memref_slice %arg2[%dma_wait3A_56, %dma_wait3A_57] : memref<10000x128xf32, #tpu.memory_space<hbm>> -> memref<10000x128xf32, #tpu.memory_space<hbm>>
      tpu.wait_indirect_dma semaphore(%arg10 : memref<!tpu.dma_semaphore, #tpu.memory_space<semaphore_mem>>) src(%dma_wait3A_58 : memref<10000x128xf32, #tpu.memory_space<hbm>>) dst(%arg7 : memref<128x128xf32, #tpu.memory_space<vmem>>)
      %dma_start3A_59 = arith.constant 0 : i32
      %dma_start3A_60 = arith.constant 0 : i32
      %dma_start3A_61 = tpu.memref_slice %arg6[%dma_start3A_59, %dma_start3A_60] : memref<8x128xi32, #tpu.memory_space<vmem>> -> memref<1x128xi32, #tpu.memory_space<vmem>>
      %dma_start3A_62 = tpu.memref_squeeze %dma_start3A_61 : memref<1x128xi32, #tpu.memory_space<vmem>> -> memref<128xi32, #tpu.memory_space<vmem>>
      %dma_start3A_63 = arith.constant 0 : i32
      %dma_start3A_64 = arith.constant 0 : i32
      %dma_start3A_65 = tpu.memref_slice %arg9[%dma_start3A_63, %dma_start3A_64] : memref<10240x128xf32, #tpu.memory_space<vmem_shared>> -> memref<10240x128xf32, #tpu.memory_space<vmem_shared>>
      tpu.enqueue_indirect_dma source(%arg7 : memref<128x128xf32, #tpu.memory_space<vmem>>) target(%dma_start3A_65 : memref<10240x128xf32, #tpu.memory_space<vmem_shared>>) offsets(%dma_start3A_62 : memref<128xi32, #tpu.memory_space<vmem>>) semaphore(%arg12 : memref<!tpu.dma_semaphore, #tpu.memory_space<semaphore_mem>>) {add = true}
      %dma_wait3A_66 = arith.constant 0 : i32
      %dma_wait3A_67 = arith.constant 0 : i32
      %dma_wait3A_68 = tpu.memref_slice %arg6[%dma_wait3A_66, %dma_wait3A_67] : memref<8x128xi32, #tpu.memory_space<vmem>> -> memref<1x128xi32, #tpu.memory_space<vmem>>
      %dma_wait3A_69 = tpu.memref_squeeze %dma_wait3A_68 : memref<1x128xi32, #tpu.memory_space<vmem>> -> memref<128xi32, #tpu.memory_space<vmem>>
      %dma_wait3A_70 = arith.constant 0 : i32
      %dma_wait3A_71 = arith.constant 0 : i32
      %dma_wait3A_72 = tpu.memref_slice %arg9[%dma_wait3A_70, %dma_wait3A_71] : memref<10240x128xf32, #tpu.memory_space<vmem_shared>> -> memref<10240x128xf32, #tpu.memory_space<vmem_shared>>
      tpu.wait_indirect_dma semaphore(%arg12 : memref<!tpu.dma_semaphore, #tpu.memory_space<semaphore_mem>>) src(%arg7 : memref<128x128xf32, #tpu.memory_space<vmem>>) dst(%dma_wait3A_72 : memref<10240x128xf32, #tpu.memory_space<vmem_shared>>)
      %dma_start3A_73 = arith.constant 2 : i32
      %dma_start3A_74 = arith.constant 0 : i32
      %dma_start3A_75 = tpu.memref_slice %arg5[%dma_start3A_73, %dma_start3A_74] : memref<8x128xi32, #tpu.memory_space<vmem>> -> memref<1x128xi32, #tpu.memory_space<vmem>>
      %dma_start3A_76 = tpu.memref_squeeze %dma_start3A_75 : memref<1x128xi32, #tpu.memory_space<vmem>> -> memref<128xi32, #tpu.memory_space<vmem>>
      %dma_start3A_77 = arith.constant 0 : i32
      %dma_start3A_78 = arith.constant 0 : i32
      %dma_start3A_79 = tpu.memref_slice %arg2[%dma_start3A_77, %dma_start3A_78] : memref<10000x128xf32, #tpu.memory_space<hbm>> -> memref<10000x128xf32, #tpu.memory_space<hbm>>
      tpu.enqueue_indirect_dma source(%dma_start3A_79 : memref<10000x128xf32, #tpu.memory_space<hbm>>) target(%arg7 : memref<128x128xf32, #tpu.memory_space<vmem>>) offsets(%dma_start3A_76 : memref<128xi32, #tpu.memory_space<vmem>>) semaphore(%arg10 : memref<!tpu.dma_semaphore, #tpu.memory_space<semaphore_mem>>)
      %dma_wait3A_80 = arith.constant 1 : i32
      %dma_wait3A_81 = arith.constant 0 : i32
      %dma_wait3A_82 = tpu.memref_slice %arg5[%dma_wait3A_80, %dma_wait3A_81] : memref<8x128xi32, #tpu.memory_space<vmem>> -> memref<1x128xi32, #tpu.memory_space<vmem>>
      %dma_wait3A_83 = tpu.memref_squeeze %dma_wait3A_82 : memref<1x128xi32, #tpu.memory_space<vmem>> -> memref<128xi32, #tpu.memory_space<vmem>>
      %dma_wait3A_84 = arith.constant 0 : i32
      %dma_wait3A_85 = arith.constant 0 : i32
      %dma_wait3A_86 = tpu.memref_slice %arg2[%dma_wait3A_84, %dma_wait3A_85] : memref<10000x128xf32, #tpu.memory_space<hbm>> -> memref<10000x128xf32, #tpu.memory_space<hbm>>
      tpu.wait_indirect_dma semaphore(%arg11 : memref<!tpu.dma_semaphore, #tpu.memory_space<semaphore_mem>>) src(%dma_wait3A_86 : memref<10000x128xf32, #tpu.memory_space<hbm>>) dst(%arg8 : memref<128x128xf32, #tpu.memory_space<vmem>>)
      %dma_start3A_87 = arith.constant 1 : i32
      %dma_start3A_88 = arith.constant 0 : i32
      %dma_start3A_89 = tpu.memref_slice %arg6[%dma_start3A_87, %dma_start3A_88] : memref<8x128xi32, #tpu.memory_space<vmem>> -> memref<1x128xi32, #tpu.memory_space<vmem>>
      %dma_start3A_90 = tpu.memref_squeeze %dma_start3A_89 : memref<1x128xi32, #tpu.memory_space<vmem>> -> memref<128xi32, #tpu.memory_space<vmem>>
      %dma_start3A_91 = arith.constant 0 : i32
      %dma_start3A_92 = arith.constant 0 : i32
      %dma_start3A_93 = tpu.memref_slice %arg9[%dma_start3A_91, %dma_start3A_92] : memref<10240x128xf32, #tpu.memory_space<vmem_shared>> -> memref<10240x128xf32, #tpu.memory_space<vmem_shared>>
      tpu.enqueue_indirect_dma source(%arg8 : memref<128x128xf32, #tpu.memory_space<vmem>>) target(%dma_start3A_93 : memref<10240x128xf32, #tpu.memory_space<vmem_shared>>) offsets(%dma_start3A_90 : memref<128xi32, #tpu.memory_space<vmem>>) semaphore(%arg13 : memref<!tpu.dma_semaphore, #tpu.memory_space<semaphore_mem>>) {add = true}
      %dma_wait3A_94 = arith.constant 1 : i32
      %dma_wait3A_95 = arith.constant 0 : i32
      %dma_wait3A_96 = tpu.memref_slice %arg6[%dma_wait3A_94, %dma_wait3A_95] : memref<8x128xi32, #tpu.memory_space<vmem>> -> memref<1x128xi32, #tpu.memory_space<vmem>>
      %dma_wait3A_97 = tpu.memref_squeeze %dma_wait3A_96 : memref<1x128xi32, #tpu.memory_space<vmem>> -> memref<128xi32, #tpu.memory_space<vmem>>
      %dma_wait3A_98 = arith.constant 0 : i32
      %dma_wait3A_99 = arith.constant 0 : i32
      %dma_wait3A_100 = tpu.memref_slice %arg9[%dma_wait3A_98, %dma_wait3A_99] : memref<10240x128xf32, #tpu.memory_space<vmem_shared>> -> memref<10240x128xf32, #tpu.memory_space<vmem_shared>>
      tpu.wait_indirect_dma semaphore(%arg13 : memref<!tpu.dma_semaphore, #tpu.memory_space<semaphore_mem>>) src(%arg8 : memref<128x128xf32, #tpu.memory_space<vmem>>) dst(%dma_wait3A_100 : memref<10240x128xf32, #tpu.memory_space<vmem_shared>>)
      %dma_start3A_101 = arith.constant 3 : i32
      %dma_start3A_102 = arith.constant 0 : i32
      %dma_start3A_103 = tpu.memref_slice %arg5[%dma_start3A_101, %dma_start3A_102] : memref<8x128xi32, #tpu.memory_space<vmem>> -> memref<1x128xi32, #tpu.memory_space<vmem>>
      %dma_start3A_104 = tpu.memref_squeeze %dma_start3A_103 : memref<1x128xi32, #tpu.memory_space<vmem>> -> memref<128xi32, #tpu.memory_space<vmem>>
      %dma_start3A_105 = arith.constant 0 : i32
      %dma_start3A_106 = arith.constant 0 : i32
      %dma_start3A_107 = tpu.memref_slice %arg2[%dma_start3A_105, %dma_start3A_106] : memref<10000x128xf32, #tpu.memory_space<hbm>> -> memref<10000x128xf32, #tpu.memory_space<hbm>>
      tpu.enqueue_indirect_dma source(%dma_start3A_107 : memref<10000x128xf32, #tpu.memory_space<hbm>>) target(%arg8 : memref<128x128xf32, #tpu.memory_space<vmem>>) offsets(%dma_start3A_104 : memref<128xi32, #tpu.memory_space<vmem>>) semaphore(%arg11 : memref<!tpu.dma_semaphore, #tpu.memory_space<semaphore_mem>>)
      %dma_wait3A_108 = arith.constant 2 : i32
      %dma_wait3A_109 = arith.constant 0 : i32
      %dma_wait3A_110 = tpu.memref_slice %arg5[%dma_wait3A_108, %dma_wait3A_109] : memref<8x128xi32, #tpu.memory_space<vmem>> -> memref<1x128xi32, #tpu.memory_space<vmem>>
      %dma_wait3A_111 = tpu.memref_squeeze %dma_wait3A_110 : memref<1x128xi32, #tpu.memory_space<vmem>> -> memref<128xi32, #tpu.memory_space<vmem>>
      %dma_wait3A_112 = arith.constant 0 : i32
      %dma_wait3A_113 = arith.constant 0 : i32
      %dma_wait3A_114 = tpu.memref_slice %arg2[%dma_wait3A_112, %dma_wait3A_113] : memref<10000x128xf32, #tpu.memory_space<hbm>> -> memref<10000x128xf32, #tpu.memory_space<hbm>>
      tpu.wait_indirect_dma semaphore(%arg10 : memref<!tpu.dma_semaphore, #tpu.memory_space<semaphore_mem>>) src(%dma_wait3A_114 : memref<10000x128xf32, #tpu.memory_space<hbm>>) dst(%arg7 : memref<128x128xf32, #tpu.memory_space<vmem>>)
      %dma_start3A_115 = arith.constant 2 : i32
      %dma_start3A_116 = arith.constant 0 : i32
      %dma_start3A_117 = tpu.memref_slice %arg6[%dma_start3A_115, %dma_start3A_116] : memref<8x128xi32, #tpu.memory_space<vmem>> -> memref<1x128xi32, #tpu.memory_space<vmem>>
      %dma_start3A_118 = tpu.memref_squeeze %dma_start3A_117 : memref<1x128xi32, #tpu.memory_space<vmem>> -> memref<128xi32, #tpu.memory_space<vmem>>
      %dma_start3A_119 = arith.constant 0 : i32
      %dma_start3A_120 = arith.constant 0 : i32
      %dma_start3A_121 = tpu.memref_slice %arg9[%dma_start3A_119, %dma_start3A_120] : memref<10240x128xf32, #tpu.memory_space<vmem_shared>> -> memref<10240x128xf32, #tpu.memory_space<vmem_shared>>
      tpu.enqueue_indirect_dma source(%arg7 : memref<128x128xf32, #tpu.memory_space<vmem>>) target(%dma_start3A_121 : memref<10240x128xf32, #tpu.memory_space<vmem_shared>>) offsets(%dma_start3A_118 : memref<128xi32, #tpu.memory_space<vmem>>) semaphore(%arg12 : memref<!tpu.dma_semaphore, #tpu.memory_space<semaphore_mem>>) {add = true}
      %dma_wait3A_122 = arith.constant 2 : i32
      %dma_wait3A_123 = arith.constant 0 : i32
      %dma_wait3A_124 = tpu.memref_slice %arg6[%dma_wait3A_122, %dma_wait3A_123] : memref<8x128xi32, #tpu.memory_space<vmem>> -> memref<1x128xi32, #tpu.memory_space<vmem>>
      %dma_wait3A_125 = tpu.memref_squeeze %dma_wait3A_124 : memref<1x128xi32, #tpu.memory_space<vmem>> -> memref<128xi32, #tpu.memory_space<vmem>>
      %dma_wait3A_126 = arith.constant 0 : i32
      %dma_wait3A_127 = arith.constant 0 : i32
      %dma_wait3A_128 = tpu.memref_slice %arg9[%dma_wait3A_126, %dma_wait3A_127] : memref<10240x128xf32, #tpu.memory_space<vmem_shared>> -> memref<10240x128xf32, #tpu.memory_space<vmem_shared>>
      tpu.wait_indirect_dma semaphore(%arg12 : memref<!tpu.dma_semaphore, #tpu.memory_space<semaphore_mem>>) src(%arg7 : memref<128x128xf32, #tpu.memory_space<vmem>>) dst(%dma_wait3A_128 : memref<10240x128xf32, #tpu.memory_space<vmem_shared>>)
      %dma_start3A_129 = arith.constant 4 : i32
      %dma_start3A_130 = arith.constant 0 : i32
      %dma_start3A_131 = tpu.memref_slice %arg5[%dma_start3A_129, %dma_start3A_130] : memref<8x128xi32, #tpu.memory_space<vmem>> -> memref<1x128xi32, #tpu.memory_space<vmem>>
      %dma_start3A_132 = tpu.memref_squeeze %dma_start3A_131 : memref<1x128xi32, #tpu.memory_space<vmem>> -> memref<128xi32, #tpu.memory_space<vmem>>
      %dma_start3A_133 = arith.constant 0 : i32
      %dma_start3A_134 = arith.constant 0 : i32
      %dma_start3A_135 = tpu.memref_slice %arg2[%dma_start3A_133, %dma_start3A_134] : memref<10000x128xf32, #tpu.memory_space<hbm>> -> memref<10000x128xf32, #tpu.memory_space<hbm>>
      tpu.enqueue_indirect_dma source(%dma_start3A_135 : memref<10000x128xf32, #tpu.memory_space<hbm>>) target(%arg7 : memref<128x128xf32, #tpu.memory_space<vmem>>) offsets(%dma_start3A_132 : memref<128xi32, #tpu.memory_space<vmem>>) semaphore(%arg10 : memref<!tpu.dma_semaphore, #tpu.memory_space<semaphore_mem>>)
      %dma_wait3A_136 = arith.constant 3 : i32
      %dma_wait3A_137 = arith.constant 0 : i32
      %dma_wait3A_138 = tpu.memref_slice %arg5[%dma_wait3A_136, %dma_wait3A_137] : memref<8x128xi32, #tpu.memory_space<vmem>> -> memref<1x128xi32, #tpu.memory_space<vmem>>
      %dma_wait3A_139 = tpu.memref_squeeze %dma_wait3A_138 : memref<1x128xi32, #tpu.memory_space<vmem>> -> memref<128xi32, #tpu.memory_space<vmem>>
      %dma_wait3A_140 = arith.constant 0 : i32
      %dma_wait3A_141 = arith.constant 0 : i32
      %dma_wait3A_142 = tpu.memref_slice %arg2[%dma_wait3A_140, %dma_wait3A_141] : memref<10000x128xf32, #tpu.memory_space<hbm>> -> memref<10000x128xf32, #tpu.memory_space<hbm>>
      tpu.wait_indirect_dma semaphore(%arg11 : memref<!tpu.dma_semaphore, #tpu.memory_space<semaphore_mem>>) src(%dma_wait3A_142 : memref<10000x128xf32, #tpu.memory_space<hbm>>) dst(%arg8 : memref<128x128xf32, #tpu.memory_space<vmem>>)
      %dma_start3A_143 = arith.constant 3 : i32
      %dma_start3A_144 = arith.constant 0 : i32
      %dma_start3A_145 = tpu.memref_slice %arg6[%dma_start3A_143, %dma_start3A_144] : memref<8x128xi32, #tpu.memory_space<vmem>> -> memref<1x128xi32, #tpu.memory_space<vmem>>
      %dma_start3A_146 = tpu.memref_squeeze %dma_start3A_145 : memref<1x128xi32, #tpu.memory_space<vmem>> -> memref<128xi32, #tpu.memory_space<vmem>>
      %dma_start3A_147 = arith.constant 0 : i32
      %dma_start3A_148 = arith.constant 0 : i32
      %dma_start3A_149 = tpu.memref_slice %arg9[%dma_start3A_147, %dma_start3A_148] : memref<10240x128xf32, #tpu.memory_space<vmem_shared>> -> memref<10240x128xf32, #tpu.memory_space<vmem_shared>>
      tpu.enqueue_indirect_dma source(%arg8 : memref<128x128xf32, #tpu.memory_space<vmem>>) target(%dma_start3A_149 : memref<10240x128xf32, #tpu.memory_space<vmem_shared>>) offsets(%dma_start3A_146 : memref<128xi32, #tpu.memory_space<vmem>>) semaphore(%arg13 : memref<!tpu.dma_semaphore, #tpu.memory_space<semaphore_mem>>) {add = true}
      %dma_wait3A_150 = arith.constant 3 : i32
      %dma_wait3A_151 = arith.constant 0 : i32
      %dma_wait3A_152 = tpu.memref_slice %arg6[%dma_wait3A_150, %dma_wait3A_151] : memref<8x128xi32, #tpu.memory_space<vmem>> -> memref<1x128xi32, #tpu.memory_space<vmem>>
      %dma_wait3A_153 = tpu.memref_squeeze %dma_wait3A_152 : memref<1x128xi32, #tpu.memory_space<vmem>> -> memref<128xi32, #tpu.memory_space<vmem>>
      %dma_wait3A_154 = arith.constant 0 : i32
      %dma_wait3A_155 = arith.constant 0 : i32
      %dma_wait3A_156 = tpu.memref_slice %arg9[%dma_wait3A_154, %dma_wait3A_155] : memref<10240x128xf32, #tpu.memory_space<vmem_shared>> -> memref<10240x128xf32, #tpu.memory_space<vmem_shared>>
      tpu.wait_indirect_dma semaphore(%arg13 : memref<!tpu.dma_semaphore, #tpu.memory_space<semaphore_mem>>) src(%arg8 : memref<128x128xf32, #tpu.memory_space<vmem>>) dst(%dma_wait3A_156 : memref<10240x128xf32, #tpu.memory_space<vmem_shared>>)
      %dma_start3A_157 = arith.constant 5 : i32
      %dma_start3A_158 = arith.constant 0 : i32
      %dma_start3A_159 = tpu.memref_slice %arg5[%dma_start3A_157, %dma_start3A_158] : memref<8x128xi32, #tpu.memory_space<vmem>> -> memref<1x128xi32, #tpu.memory_space<vmem>>
      %dma_start3A_160 = tpu.memref_squeeze %dma_start3A_159 : memref<1x128xi32, #tpu.memory_space<vmem>> -> memref<128xi32, #tpu.memory_space<vmem>>
      %dma_start3A_161 = arith.constant 0 : i32
      %dma_start3A_162 = arith.constant 0 : i32
      %dma_start3A_163 = tpu.memref_slice %arg2[%dma_start3A_161, %dma_start3A_162] : memref<10000x128xf32, #tpu.memory_space<hbm>> -> memref<10000x128xf32, #tpu.memory_space<hbm>>
      tpu.enqueue_indirect_dma source(%dma_start3A_163 : memref<10000x128xf32, #tpu.memory_space<hbm>>) target(%arg8 : memref<128x128xf32, #tpu.memory_space<vmem>>) offsets(%dma_start3A_160 : memref<128xi32, #tpu.memory_space<vmem>>) semaphore(%arg11 : memref<!tpu.dma_semaphore, #tpu.memory_space<semaphore_mem>>)
      %dma_wait3A_164 = arith.constant 4 : i32
      %dma_wait3A_165 = arith.constant 0 : i32
      %dma_wait3A_166 = tpu.memref_slice %arg5[%dma_wait3A_164, %dma_wait3A_165] : memref<8x128xi32, #tpu.memory_space<vmem>> -> memref<1x128xi32, #tpu.memory_space<vmem>>
      %dma_wait3A_167 = tpu.memref_squeeze %dma_wait3A_166 : memref<1x128xi32, #tpu.memory_space<vmem>> -> memref<128xi32, #tpu.memory_space<vmem>>
      %dma_wait3A_168 = arith.constant 0 : i32
      %dma_wait3A_169 = arith.constant 0 : i32
      %dma_wait3A_170 = tpu.memref_slice %arg2[%dma_wait3A_168, %dma_wait3A_169] : memref<10000x128xf32, #tpu.memory_space<hbm>> -> memref<10000x128xf32, #tpu.memory_space<hbm>>
      tpu.wait_indirect_dma semaphore(%arg10 : memref<!tpu.dma_semaphore, #tpu.memory_space<semaphore_mem>>) src(%dma_wait3A_170 : memref<10000x128xf32, #tpu.memory_space<hbm>>) dst(%arg7 : memref<128x128xf32, #tpu.memory_space<vmem>>)
      %dma_start3A_171 = arith.constant 4 : i32
      %dma_start3A_172 = arith.constant 0 : i32
      %dma_start3A_173 = tpu.memref_slice %arg6[%dma_start3A_171, %dma_start3A_172] : memref<8x128xi32, #tpu.memory_space<vmem>> -> memref<1x128xi32, #tpu.memory_space<vmem>>
      %dma_start3A_174 = tpu.memref_squeeze %dma_start3A_173 : memref<1x128xi32, #tpu.memory_space<vmem>> -> memref<128xi32, #tpu.memory_space<vmem>>
      %dma_start3A_175 = arith.constant 0 : i32
      %dma_start3A_176 = arith.constant 0 : i32
      %dma_start3A_177 = tpu.memref_slice %arg9[%dma_start3A_175, %dma_start3A_176] : memref<10240x128xf32, #tpu.memory_space<vmem_shared>> -> memref<10240x128xf32, #tpu.memory_space<vmem_shared>>
      tpu.enqueue_indirect_dma source(%arg7 : memref<128x128xf32, #tpu.memory_space<vmem>>) target(%dma_start3A_177 : memref<10240x128xf32, #tpu.memory_space<vmem_shared>>) offsets(%dma_start3A_174 : memref<128xi32, #tpu.memory_space<vmem>>) semaphore(%arg12 : memref<!tpu.dma_semaphore, #tpu.memory_space<semaphore_mem>>) {add = true}
      %dma_wait3A_178 = arith.constant 4 : i32
      %dma_wait3A_179 = arith.constant 0 : i32
      %dma_wait3A_180 = tpu.memref_slice %arg6[%dma_wait3A_178, %dma_wait3A_179] : memref<8x128xi32, #tpu.memory_space<vmem>> -> memref<1x128xi32, #tpu.memory_space<vmem>>
      %dma_wait3A_181 = tpu.memref_squeeze %dma_wait3A_180 : memref<1x128xi32, #tpu.memory_space<vmem>> -> memref<128xi32, #tpu.memory_space<vmem>>
      %dma_wait3A_182 = arith.constant 0 : i32
      %dma_wait3A_183 = arith.constant 0 : i32
      %dma_wait3A_184 = tpu.memref_slice %arg9[%dma_wait3A_182, %dma_wait3A_183] : memref<10240x128xf32, #tpu.memory_space<vmem_shared>> -> memref<10240x128xf32, #tpu.memory_space<vmem_shared>>
      tpu.wait_indirect_dma semaphore(%arg12 : memref<!tpu.dma_semaphore, #tpu.memory_space<semaphore_mem>>) src(%arg7 : memref<128x128xf32, #tpu.memory_space<vmem>>) dst(%dma_wait3A_184 : memref<10240x128xf32, #tpu.memory_space<vmem_shared>>)
      %dma_start3A_185 = arith.constant 6 : i32
      %dma_start3A_186 = arith.constant 0 : i32
      %dma_start3A_187 = tpu.memref_slice %arg5[%dma_start3A_185, %dma_start3A_186] : memref<8x128xi32, #tpu.memory_space<vmem>> -> memref<1x128xi32, #tpu.memory_space<vmem>>
      %dma_start3A_188 = tpu.memref_squeeze %dma_start3A_187 : memref<1x128xi32, #tpu.memory_space<vmem>> -> memref<128xi32, #tpu.memory_space<vmem>>
      %dma_start3A_189 = arith.constant 0 : i32
      %dma_start3A_190 = arith.constant 0 : i32
      %dma_start3A_191 = tpu.memref_slice %arg2[%dma_start3A_189, %dma_start3A_190] : memref<10000x128xf32, #tpu.memory_space<hbm>> -> memref<10000x128xf32, #tpu.memory_space<hbm>>
      tpu.enqueue_indirect_dma source(%dma_start3A_191 : memref<10000x128xf32, #tpu.memory_space<hbm>>) target(%arg7 : memref<128x128xf32, #tpu.memory_space<vmem>>) offsets(%dma_start3A_188 : memref<128xi32, #tpu.memory_space<vmem>>) semaphore(%arg10 : memref<!tpu.dma_semaphore, #tpu.memory_space<semaphore_mem>>)
      %dma_wait3A_192 = arith.constant 5 : i32
      %dma_wait3A_193 = arith.constant 0 : i32
      %dma_wait3A_194 = tpu.memref_slice %arg5[%dma_wait3A_192, %dma_wait3A_193] : memref<8x128xi32, #tpu.memory_space<vmem>> -> memref<1x128xi32, #tpu.memory_space<vmem>>
      %dma_wait3A_195 = tpu.memref_squeeze %dma_wait3A_194 : memref<1x128xi32, #tpu.memory_space<vmem>> -> memref<128xi32, #tpu.memory_space<vmem>>
      %dma_wait3A_196 = arith.constant 0 : i32
      %dma_wait3A_197 = arith.constant 0 : i32
      %dma_wait3A_198 = tpu.memref_slice %arg2[%dma_wait3A_196, %dma_wait3A_197] : memref<10000x128xf32, #tpu.memory_space<hbm>> -> memref<10000x128xf32, #tpu.memory_space<hbm>>
      tpu.wait_indirect_dma semaphore(%arg11 : memref<!tpu.dma_semaphore, #tpu.memory_space<semaphore_mem>>) src(%dma_wait3A_198 : memref<10000x128xf32, #tpu.memory_space<hbm>>) dst(%arg8 : memref<128x128xf32, #tpu.memory_space<vmem>>)
      %dma_start3A_199 = arith.constant 5 : i32
      %dma_start3A_200 = arith.constant 0 : i32
      %dma_start3A_201 = tpu.memref_slice %arg6[%dma_start3A_199, %dma_start3A_200] : memref<8x128xi32, #tpu.memory_space<vmem>> -> memref<1x128xi32, #tpu.memory_space<vmem>>
      %dma_start3A_202 = tpu.memref_squeeze %dma_start3A_201 : memref<1x128xi32, #tpu.memory_space<vmem>> -> memref<128xi32, #tpu.memory_space<vmem>>
      %dma_start3A_203 = arith.constant 0 : i32
      %dma_start3A_204 = arith.constant 0 : i32
      %dma_start3A_205 = tpu.memref_slice %arg9[%dma_start3A_203, %dma_start3A_204] : memref<10240x128xf32, #tpu.memory_space<vmem_shared>> -> memref<10240x128xf32, #tpu.memory_space<vmem_shared>>
      tpu.enqueue_indirect_dma source(%arg8 : memref<128x128xf32, #tpu.memory_space<vmem>>) target(%dma_start3A_205 : memref<10240x128xf32, #tpu.memory_space<vmem_shared>>) offsets(%dma_start3A_202 : memref<128xi32, #tpu.memory_space<vmem>>) semaphore(%arg13 : memref<!tpu.dma_semaphore, #tpu.memory_space<semaphore_mem>>) {add = true}
      %dma_wait3A_206 = arith.constant 5 : i32
      %dma_wait3A_207 = arith.constant 0 : i32
      %dma_wait3A_208 = tpu.memref_slice %arg6[%dma_wait3A_206, %dma_wait3A_207] : memref<8x128xi32, #tpu.memory_space<vmem>> -> memref<1x128xi32, #tpu.memory_space<vmem>>
      %dma_wait3A_209 = tpu.memref_squeeze %dma_wait3A_208 : memref<1x128xi32, #tpu.memory_space<vmem>> -> memref<128xi32, #tpu.memory_space<vmem>>
      %dma_wait3A_210 = arith.constant 0 : i32
      %dma_wait3A_211 = arith.constant 0 : i32
      %dma_wait3A_212 = tpu.memref_slice %arg9[%dma_wait3A_210, %dma_wait3A_211] : memref<10240x128xf32, #tpu.memory_space<vmem_shared>> -> memref<10240x128xf32, #tpu.memory_space<vmem_shared>>
      tpu.wait_indirect_dma semaphore(%arg13 : memref<!tpu.dma_semaphore, #tpu.memory_space<semaphore_mem>>) src(%arg8 : memref<128x128xf32, #tpu.memory_space<vmem>>) dst(%dma_wait3A_212 : memref<10240x128xf32, #tpu.memory_space<vmem_shared>>)
      %dma_start3A_213 = arith.constant 7 : i32
      %dma_start3A_214 = arith.constant 0 : i32
      %dma_start3A_215 = tpu.memref_slice %arg5[%dma_start3A_213, %dma_start3A_214] : memref<8x128xi32, #tpu.memory_space<vmem>> -> memref<1x128xi32, #tpu.memory_space<vmem>>
      %dma_start3A_216 = tpu.memref_squeeze %dma_start3A_215 : memref<1x128xi32, #tpu.memory_space<vmem>> -> memref<128xi32, #tpu.memory_space<vmem>>
      %dma_start3A_217 = arith.constant 0 : i32
      %dma_start3A_218 = arith.constant 0 : i32
      %dma_start3A_219 = tpu.memref_slice %arg2[%dma_start3A_217, %dma_start3A_218] : memref<10000x128xf32, #tpu.memory_space<hbm>> -> memref<10000x128xf32, #tpu.memory_space<hbm>>
      tpu.enqueue_indirect_dma source(%dma_start3A_219 : memref<10000x128xf32, #tpu.memory_space<hbm>>) target(%arg8 : memref<128x128xf32, #tpu.memory_space<vmem>>) offsets(%dma_start3A_216 : memref<128xi32, #tpu.memory_space<vmem>>) semaphore(%arg11 : memref<!tpu.dma_semaphore, #tpu.memory_space<semaphore_mem>>)
      %dma_wait3A_220 = arith.constant 6 : i32
      %dma_wait3A_221 = arith.constant 0 : i32
      %dma_wait3A_222 = tpu.memref_slice %arg5[%dma_wait3A_220, %dma_wait3A_221] : memref<8x128xi32, #tpu.memory_space<vmem>> -> memref<1x128xi32, #tpu.memory_space<vmem>>
      %dma_wait3A_223 = tpu.memref_squeeze %dma_wait3A_222 : memref<1x128xi32, #tpu.memory_space<vmem>> -> memref<128xi32, #tpu.memory_space<vmem>>
      %dma_wait3A_224 = arith.constant 0 : i32
      %dma_wait3A_225 = arith.constant 0 : i32
      %dma_wait3A_226 = tpu.memref_slice %arg2[%dma_wait3A_224, %dma_wait3A_225] : memref<10000x128xf32, #tpu.memory_space<hbm>> -> memref<10000x128xf32, #tpu.memory_space<hbm>>
      tpu.wait_indirect_dma semaphore(%arg10 : memref<!tpu.dma_semaphore, #tpu.memory_space<semaphore_mem>>) src(%dma_wait3A_226 : memref<10000x128xf32, #tpu.memory_space<hbm>>) dst(%arg7 : memref<128x128xf32, #tpu.memory_space<vmem>>)
      %dma_start3A_227 = arith.constant 6 : i32
      %dma_start3A_228 = arith.constant 0 : i32
      %dma_start3A_229 = tpu.memref_slice %arg6[%dma_start3A_227, %dma_start3A_228] : memref<8x128xi32, #tpu.memory_space<vmem>> -> memref<1x128xi32, #tpu.memory_space<vmem>>
      %dma_start3A_230 = tpu.memref_squeeze %dma_start3A_229 : memref<1x128xi32, #tpu.memory_space<vmem>> -> memref<128xi32, #tpu.memory_space<vmem>>
      %dma_start3A_231 = arith.constant 0 : i32
      %dma_start3A_232 = arith.constant 0 : i32
      %dma_start3A_233 = tpu.memref_slice %arg9[%dma_start3A_231, %dma_start3A_232] : memref<10240x128xf32, #tpu.memory_space<vmem_shared>> -> memref<10240x128xf32, #tpu.memory_space<vmem_shared>>
      tpu.enqueue_indirect_dma source(%arg7 : memref<128x128xf32, #tpu.memory_space<vmem>>) target(%dma_start3A_233 : memref<10240x128xf32, #tpu.memory_space<vmem_shared>>) offsets(%dma_start3A_230 : memref<128xi32, #tpu.memory_space<vmem>>) semaphore(%arg12 : memref<!tpu.dma_semaphore, #tpu.memory_space<semaphore_mem>>) {add = true}
      %dma_wait3A_234 = arith.constant 7 : i32
      %dma_wait3A_235 = arith.constant 0 : i32
      %dma_wait3A_236 = tpu.memref_slice %arg5[%dma_wait3A_234, %dma_wait3A_235] : memref<8x128xi32, #tpu.memory_space<vmem>> -> memref<1x128xi32, #tpu.memory_space<vmem>>
      %dma_wait3A_237 = tpu.memref_squeeze %dma_wait3A_236 : memref<1x128xi32, #tpu.memory_space<vmem>> -> memref<128xi32, #tpu.memory_space<vmem>>
      %dma_wait3A_238 = arith.constant 0 : i32
      %dma_wait3A_239 = arith.constant 0 : i32
      %dma_wait3A_240 = tpu.memref_slice %arg2[%dma_wait3A_238, %dma_wait3A_239] : memref<10000x128xf32, #tpu.memory_space<hbm>> -> memref<10000x128xf32, #tpu.memory_space<hbm>>
      tpu.wait_indirect_dma semaphore(%arg11 : memref<!tpu.dma_semaphore, #tpu.memory_space<semaphore_mem>>) src(%dma_wait3A_240 : memref<10000x128xf32, #tpu.memory_space<hbm>>) dst(%arg8 : memref<128x128xf32, #tpu.memory_space<vmem>>)
      %dma_wait3A_241 = arith.constant 6 : i32
      %dma_wait3A_242 = arith.constant 0 : i32
      %dma_wait3A_243 = tpu.memref_slice %arg6[%dma_wait3A_241, %dma_wait3A_242] : memref<8x128xi32, #tpu.memory_space<vmem>> -> memref<1x128xi32, #tpu.memory_space<vmem>>
      %dma_wait3A_244 = tpu.memref_squeeze %dma_wait3A_243 : memref<1x128xi32, #tpu.memory_space<vmem>> -> memref<128xi32, #tpu.memory_space<vmem>>
      %dma_wait3A_245 = arith.constant 0 : i32
      %dma_wait3A_246 = arith.constant 0 : i32
      %dma_wait3A_247 = tpu.memref_slice %arg9[%dma_wait3A_245, %dma_wait3A_246] : memref<10240x128xf32, #tpu.memory_space<vmem_shared>> -> memref<10240x128xf32, #tpu.memory_space<vmem_shared>>
      tpu.wait_indirect_dma semaphore(%arg12 : memref<!tpu.dma_semaphore, #tpu.memory_space<semaphore_mem>>) src(%arg7 : memref<128x128xf32, #tpu.memory_space<vmem>>) dst(%dma_wait3A_247 : memref<10240x128xf32, #tpu.memory_space<vmem_shared>>)
      %dma_start3A_248 = arith.constant 7 : i32
      %dma_start3A_249 = arith.constant 0 : i32
      %dma_start3A_250 = tpu.memref_slice %arg6[%dma_start3A_248, %dma_start3A_249] : memref<8x128xi32, #tpu.memory_space<vmem>> -> memref<1x128xi32, #tpu.memory_space<vmem>>
      %dma_start3A_251 = tpu.memref_squeeze %dma_start3A_250 : memref<1x128xi32, #tpu.memory_space<vmem>> -> memref<128xi32, #tpu.memory_space<vmem>>
      %dma_start3A_252 = arith.constant 0 : i32
      %dma_start3A_253 = arith.constant 0 : i32
      %dma_start3A_254 = tpu.memref_slice %arg9[%dma_start3A_252, %dma_start3A_253] : memref<10240x128xf32, #tpu.memory_space<vmem_shared>> -> memref<10240x128xf32, #tpu.memory_space<vmem_shared>>
      tpu.enqueue_indirect_dma source(%arg8 : memref<128x128xf32, #tpu.memory_space<vmem>>) target(%dma_start3A_254 : memref<10240x128xf32, #tpu.memory_space<vmem_shared>>) offsets(%dma_start3A_251 : memref<128xi32, #tpu.memory_space<vmem>>) semaphore(%arg13 : memref<!tpu.dma_semaphore, #tpu.memory_space<semaphore_mem>>) {add = true}
      %dma_wait3A_255 = arith.constant 7 : i32
      %dma_wait3A_256 = arith.constant 0 : i32
      %dma_wait3A_257 = tpu.memref_slice %arg6[%dma_wait3A_255, %dma_wait3A_256] : memref<8x128xi32, #tpu.memory_space<vmem>> -> memref<1x128xi32, #tpu.memory_space<vmem>>
      %dma_wait3A_258 = tpu.memref_squeeze %dma_wait3A_257 : memref<1x128xi32, #tpu.memory_space<vmem>> -> memref<128xi32, #tpu.memory_space<vmem>>
      %dma_wait3A_259 = arith.constant 0 : i32
      %dma_wait3A_260 = arith.constant 0 : i32
      %dma_wait3A_261 = tpu.memref_slice %arg9[%dma_wait3A_259, %dma_wait3A_260] : memref<10240x128xf32, #tpu.memory_space<vmem_shared>> -> memref<10240x128xf32, #tpu.memory_space<vmem_shared>>
      tpu.wait_indirect_dma semaphore(%arg13 : memref<!tpu.dma_semaphore, #tpu.memory_space<semaphore_mem>>) src(%arg8 : memref<128x128xf32, #tpu.memory_space<vmem>>) dst(%dma_wait3A_261 : memref<10240x128xf32, #tpu.memory_space<vmem_shared>>)
      %scan3A_262 = arith.constant 0 : i32
      scf.yield %scan3A_262 : i32
    }
    %scan3A_22 = arith.constant 9 : i32
    %lt3A = arith.constant 24 : i32
    %lt3A_23 = arith.cmpi slt, %add3A, %lt3A : i32
    %convert_element_type3A = arith.extui %lt3A_23 : i1 to i32
    %cond3A = arith.constant 0 : i32
    %cond3A_24 = arith.cmpi ne, %convert_element_type3A, %cond3A : i32
    scf.if %cond3A_24 {
      %mul3A_34 = arith.constant 8 : i32
      %mul3A_35 = arith.muli %mul3A_34, %add3A : i32
      %add3A_36 = arith.constant 2304 : i32
      %add3A_37 = arith.addi %add3A_36, %mul3A_35 : i32
      %run_scoped3A = arith.constant 0 : i32
      "tpu.region"() ({
        %run_scoped3A_261 = tpu.sem_alloc : memref<!tpu.dma_semaphore, #tpu.memory_space<semaphore_mem>>
        %dma_start3A_262 = arith.constant 0 : i32
        %dma_start3A_263 = arith.constant 0 : i32
        %dma_start3A_264 = tpu.memref_slice %arg5[%dma_start3A_262, %dma_start3A_263] : memref<8x128xi32, #tpu.memory_space<vmem>> -> memref<8x128xi32, #tpu.memory_space<vmem>>
        %dma_start3A_265 = arith.constant 0 : i32
        %dma_start3A_266 = tpu.memref_slice %arg3[%run_scoped3A, %add3A_37, %dma_start3A_265] : memref<2x2500x128xi32, #tpu.memory_space<hbm>> -> memref<1x8x128xi32, #tpu.memory_space<hbm>>
        %dma_start3A_267 = tpu.memref_squeeze %dma_start3A_266 : memref<1x8x128xi32, #tpu.memory_space<hbm>> -> memref<8x128xi32, #tpu.memory_space<hbm>>
        %dma_start3A_268 = arith.constant 0 : i32
        %dma_start3A_269 = arith.constant 0 : i32
        %dma_start3A_270 = tpu.memref_slice %arg5[%dma_start3A_268, %dma_start3A_269] : memref<8x128xi32, #tpu.memory_space<vmem>> -> memref<8x128xi32, #tpu.memory_space<vmem>>
        %dma_start3A_271 = arith.constant 0 : i32
        %dma_start3A_272 = tpu.memref_slice %arg3[%run_scoped3A, %add3A_37, %dma_start3A_271] : memref<2x2500x128xi32, #tpu.memory_space<hbm>> -> memref<1x8x128xi32, #tpu.memory_space<hbm>>
        %dma_start3A_273 = tpu.memref_squeeze %dma_start3A_272 : memref<1x8x128xi32, #tpu.memory_space<hbm>> -> memref<8x128xi32, #tpu.memory_space<hbm>>
        tpu.enqueue_dma source(%dma_start3A_273 : memref<8x128xi32, #tpu.memory_space<hbm>>) target(%dma_start3A_270 : memref<8x128xi32, #tpu.memory_space<vmem>>) target_semaphore(%run_scoped3A_261 : memref<!tpu.dma_semaphore, #tpu.memory_space<semaphore_mem>>)
        %dma_wait3A_274 = arith.constant 0 : i32
        %dma_wait3A_275 = arith.constant 0 : i32
        %dma_wait3A_276 = tpu.memref_slice %arg5[%dma_wait3A_274, %dma_wait3A_275] : memref<8x128xi32, #tpu.memory_space<vmem>> -> memref<8x128xi32, #tpu.memory_space<vmem>>
        %dma_wait3A_277 = arith.constant 0 : i32
        %dma_wait3A_278 = tpu.memref_slice %arg3[%run_scoped3A, %add3A_37, %dma_wait3A_277] : memref<2x2500x128xi32, #tpu.memory_space<hbm>> -> memref<1x8x128xi32, #tpu.memory_space<hbm>>
        %dma_wait3A_279 = tpu.memref_squeeze %dma_wait3A_278 : memref<1x8x128xi32, #tpu.memory_space<hbm>> -> memref<8x128xi32, #tpu.memory_space<hbm>>
        %dma_wait3A_280 = arith.constant 0 : i32
        %dma_wait3A_281 = arith.constant 0 : i32
        %dma_wait3A_282 = tpu.memref_slice %arg5[%dma_wait3A_280, %dma_wait3A_281] : memref<8x128xi32, #tpu.memory_space<vmem>> -> memref<8x128xi32, #tpu.memory_space<vmem>>
        %dma_wait3A_283 = arith.constant 0 : i32
        %dma_wait3A_284 = tpu.memref_slice %arg3[%run_scoped3A, %add3A_37, %dma_wait3A_283] : memref<2x2500x128xi32, #tpu.memory_space<hbm>> -> memref<1x8x128xi32, #tpu.memory_space<hbm>>
        %dma_wait3A_285 = tpu.memref_squeeze %dma_wait3A_284 : memref<1x8x128xi32, #tpu.memory_space<hbm>> -> memref<8x128xi32, #tpu.memory_space<hbm>>
        tpu.wait_dma2 semaphore(%run_scoped3A_261 : memref<!tpu.dma_semaphore, #tpu.memory_space<semaphore_mem>>) src(%dma_wait3A_285 : memref<8x128xi32, #tpu.memory_space<hbm>>) dst(%dma_wait3A_282 : memref<8x128xi32, #tpu.memory_space<vmem>>)
        tpu.yield
      }) : () -> ()
      %run_scoped3A_38 = arith.constant 1 : i32
      "tpu.region"() ({
        %run_scoped3A_261 = tpu.sem_alloc : memref<!tpu.dma_semaphore, #tpu.memory_space<semaphore_mem>>
        %dma_start3A_262 = arith.constant 0 : i32
        %dma_start3A_263 = arith.constant 0 : i32
        %dma_start3A_264 = tpu.memref_slice %arg6[%dma_start3A_262, %dma_start3A_263] : memref<8x128xi32, #tpu.memory_space<vmem>> -> memref<8x128xi32, #tpu.memory_space<vmem>>
        %dma_start3A_265 = arith.constant 0 : i32
        %dma_start3A_266 = tpu.memref_slice %arg3[%run_scoped3A_38, %add3A_37, %dma_start3A_265] : memref<2x2500x128xi32, #tpu.memory_space<hbm>> -> memref<1x8x128xi32, #tpu.memory_space<hbm>>
        %dma_start3A_267 = tpu.memref_squeeze %dma_start3A_266 : memref<1x8x128xi32, #tpu.memory_space<hbm>> -> memref<8x128xi32, #tpu.memory_space<hbm>>
        %dma_start3A_268 = arith.constant 0 : i32
        %dma_start3A_269 = arith.constant 0 : i32
        %dma_start3A_270 = tpu.memref_slice %arg6[%dma_start3A_268, %dma_start3A_269] : memref<8x128xi32, #tpu.memory_space<vmem>> -> memref<8x128xi32, #tpu.memory_space<vmem>>
        %dma_start3A_271 = arith.constant 0 : i32
        %dma_start3A_272 = tpu.memref_slice %arg3[%run_scoped3A_38, %add3A_37, %dma_start3A_271] : memref<2x2500x128xi32, #tpu.memory_space<hbm>> -> memref<1x8x128xi32, #tpu.memory_space<hbm>>
        %dma_start3A_273 = tpu.memref_squeeze %dma_start3A_272 : memref<1x8x128xi32, #tpu.memory_space<hbm>> -> memref<8x128xi32, #tpu.memory_space<hbm>>
        tpu.enqueue_dma source(%dma_start3A_273 : memref<8x128xi32, #tpu.memory_space<hbm>>) target(%dma_start3A_270 : memref<8x128xi32, #tpu.memory_space<vmem>>) target_semaphore(%run_scoped3A_261 : memref<!tpu.dma_semaphore, #tpu.memory_space<semaphore_mem>>)
        %dma_wait3A_274 = arith.constant 0 : i32
        %dma_wait3A_275 = arith.constant 0 : i32
        %dma_wait3A_276 = tpu.memref_slice %arg6[%dma_wait3A_274, %dma_wait3A_275] : memref<8x128xi32, #tpu.memory_space<vmem>> -> memref<8x128xi32, #tpu.memory_space<vmem>>
        %dma_wait3A_277 = arith.constant 0 : i32
        %dma_wait3A_278 = tpu.memref_slice %arg3[%run_scoped3A_38, %add3A_37, %dma_wait3A_277] : memref<2x2500x128xi32, #tpu.memory_space<hbm>> -> memref<1x8x128xi32, #tpu.memory_space<hbm>>
        %dma_wait3A_279 = tpu.memref_squeeze %dma_wait3A_278 : memref<1x8x128xi32, #tpu.memory_space<hbm>> -> memref<8x128xi32, #tpu.memory_space<hbm>>
        %dma_wait3A_280 = arith.constant 0 : i32
        %dma_wait3A_281 = arith.constant 0 : i32
        %dma_wait3A_282 = tpu.memref_slice %arg6[%dma_wait3A_280, %dma_wait3A_281] : memref<8x128xi32, #tpu.memory_space<vmem>> -> memref<8x128xi32, #tpu.memory_space<vmem>>
        %dma_wait3A_283 = arith.constant 0 : i32
        %dma_wait3A_284 = tpu.memref_slice %arg3[%run_scoped3A_38, %add3A_37, %dma_wait3A_283] : memref<2x2500x128xi32, #tpu.memory_space<hbm>> -> memref<1x8x128xi32, #tpu.memory_space<hbm>>
        %dma_wait3A_285 = tpu.memref_squeeze %dma_wait3A_284 : memref<1x8x128xi32, #tpu.memory_space<hbm>> -> memref<8x128xi32, #tpu.memory_space<hbm>>
        tpu.wait_dma2 semaphore(%run_scoped3A_261 : memref<!tpu.dma_semaphore, #tpu.memory_space<semaphore_mem>>) src(%dma_wait3A_285 : memref<8x128xi32, #tpu.memory_space<hbm>>) dst(%dma_wait3A_282 : memref<8x128xi32, #tpu.memory_space<vmem>>)
        tpu.yield
      }) : () -> ()
      %dma_start3A = arith.constant 0 : i32
      %dma_start3A_39 = arith.constant 0 : i32
      %dma_start3A_40 = tpu.memref_slice %arg5[%dma_start3A, %dma_start3A_39] : memref<8x128xi32, #tpu.memory_space<vmem>> -> memref<1x128xi32, #tpu.memory_space<vmem>>
      %dma_start3A_41 = tpu.memref_squeeze %dma_start3A_40 : memref<1x128xi32, #tpu.memory_space<vmem>> -> memref<128xi32, #tpu.memory_space<vmem>>
      %dma_start3A_42 = arith.constant 0 : i32
      %dma_start3A_43 = arith.constant 0 : i32
      %dma_start3A_44 = tpu.memref_slice %arg2[%dma_start3A_42, %dma_start3A_43] : memref<10000x128xf32, #tpu.memory_space<hbm>> -> memref<10000x128xf32, #tpu.memory_space<hbm>>
      tpu.enqueue_indirect_dma source(%dma_start3A_44 : memref<10000x128xf32, #tpu.memory_space<hbm>>) target(%arg7 : memref<128x128xf32, #tpu.memory_space<vmem>>) offsets(%dma_start3A_41 : memref<128xi32, #tpu.memory_space<vmem>>) semaphore(%arg10 : memref<!tpu.dma_semaphore, #tpu.memory_space<semaphore_mem>>)
      %dma_start3A_45 = arith.constant 1 : i32
      %dma_start3A_46 = arith.constant 0 : i32
      %dma_start3A_47 = tpu.memref_slice %arg5[%dma_start3A_45, %dma_start3A_46] : memref<8x128xi32, #tpu.memory_space<vmem>> -> memref<1x128xi32, #tpu.memory_space<vmem>>
      %dma_start3A_48 = tpu.memref_squeeze %dma_start3A_47 : memref<1x128xi32, #tpu.memory_space<vmem>> -> memref<128xi32, #tpu.memory_space<vmem>>
      %dma_start3A_49 = arith.constant 0 : i32
      %dma_start3A_50 = arith.constant 0 : i32
      %dma_start3A_51 = tpu.memref_slice %arg2[%dma_start3A_49, %dma_start3A_50] : memref<10000x128xf32, #tpu.memory_space<hbm>> -> memref<10000x128xf32, #tpu.memory_space<hbm>>
      tpu.enqueue_indirect_dma source(%dma_start3A_51 : memref<10000x128xf32, #tpu.memory_space<hbm>>) target(%arg8 : memref<128x128xf32, #tpu.memory_space<vmem>>) offsets(%dma_start3A_48 : memref<128xi32, #tpu.memory_space<vmem>>) semaphore(%arg11 : memref<!tpu.dma_semaphore, #tpu.memory_space<semaphore_mem>>)
      %dma_wait3A = arith.constant 0 : i32
      %dma_wait3A_52 = arith.constant 0 : i32
      %dma_wait3A_53 = tpu.memref_slice %arg5[%dma_wait3A, %dma_wait3A_52] : memref<8x128xi32, #tpu.memory_space<vmem>> -> memref<1x128xi32, #tpu.memory_space<vmem>>
      %dma_wait3A_54 = tpu.memref_squeeze %dma_wait3A_53 : memref<1x128xi32, #tpu.memory_space<vmem>> -> memref<128xi32, #tpu.memory_space<vmem>>
      %dma_wait3A_55 = arith.constant 0 : i32
      %dma_wait3A_56 = arith.constant 0 : i32
      %dma_wait3A_57 = tpu.memref_slice %arg2[%dma_wait3A_55, %dma_wait3A_56] : memref<10000x128xf32, #tpu.memory_space<hbm>> -> memref<10000x128xf32, #tpu.memory_space<hbm>>
      tpu.wait_indirect_dma semaphore(%arg10 : memref<!tpu.dma_semaphore, #tpu.memory_space<semaphore_mem>>) src(%dma_wait3A_57 : memref<10000x128xf32, #tpu.memory_space<hbm>>) dst(%arg7 : memref<128x128xf32, #tpu.memory_space<vmem>>)
      %dma_start3A_58 = arith.constant 0 : i32
      %dma_start3A_59 = arith.constant 0 : i32
      %dma_start3A_60 = tpu.memref_slice %arg6[%dma_start3A_58, %dma_start3A_59] : memref<8x128xi32, #tpu.memory_space<vmem>> -> memref<1x128xi32, #tpu.memory_space<vmem>>
      %dma_start3A_61 = tpu.memref_squeeze %dma_start3A_60 : memref<1x128xi32, #tpu.memory_space<vmem>> -> memref<128xi32, #tpu.memory_space<vmem>>
      %dma_start3A_62 = arith.constant 0 : i32
      %dma_start3A_63 = arith.constant 0 : i32
      %dma_start3A_64 = tpu.memref_slice %arg9[%dma_start3A_62, %dma_start3A_63] : memref<10240x128xf32, #tpu.memory_space<vmem_shared>> -> memref<10240x128xf32, #tpu.memory_space<vmem_shared>>
      tpu.enqueue_indirect_dma source(%arg7 : memref<128x128xf32, #tpu.memory_space<vmem>>) target(%dma_start3A_64 : memref<10240x128xf32, #tpu.memory_space<vmem_shared>>) offsets(%dma_start3A_61 : memref<128xi32, #tpu.memory_space<vmem>>) semaphore(%arg12 : memref<!tpu.dma_semaphore, #tpu.memory_space<semaphore_mem>>) {add = true}
      %dma_wait3A_65 = arith.constant 0 : i32
      %dma_wait3A_66 = arith.constant 0 : i32
      %dma_wait3A_67 = tpu.memref_slice %arg6[%dma_wait3A_65, %dma_wait3A_66] : memref<8x128xi32, #tpu.memory_space<vmem>> -> memref<1x128xi32, #tpu.memory_space<vmem>>
      %dma_wait3A_68 = tpu.memref_squeeze %dma_wait3A_67 : memref<1x128xi32, #tpu.memory_space<vmem>> -> memref<128xi32, #tpu.memory_space<vmem>>
      %dma_wait3A_69 = arith.constant 0 : i32
      %dma_wait3A_70 = arith.constant 0 : i32
      %dma_wait3A_71 = tpu.memref_slice %arg9[%dma_wait3A_69, %dma_wait3A_70] : memref<10240x128xf32, #tpu.memory_space<vmem_shared>> -> memref<10240x128xf32, #tpu.memory_space<vmem_shared>>
      tpu.wait_indirect_dma semaphore(%arg12 : memref<!tpu.dma_semaphore, #tpu.memory_space<semaphore_mem>>) src(%arg7 : memref<128x128xf32, #tpu.memory_space<vmem>>) dst(%dma_wait3A_71 : memref<10240x128xf32, #tpu.memory_space<vmem_shared>>)
      %dma_start3A_72 = arith.constant 2 : i32
      %dma_start3A_73 = arith.constant 0 : i32
      %dma_start3A_74 = tpu.memref_slice %arg5[%dma_start3A_72, %dma_start3A_73] : memref<8x128xi32, #tpu.memory_space<vmem>> -> memref<1x128xi32, #tpu.memory_space<vmem>>
      %dma_start3A_75 = tpu.memref_squeeze %dma_start3A_74 : memref<1x128xi32, #tpu.memory_space<vmem>> -> memref<128xi32, #tpu.memory_space<vmem>>
      %dma_start3A_76 = arith.constant 0 : i32
      %dma_start3A_77 = arith.constant 0 : i32
      %dma_start3A_78 = tpu.memref_slice %arg2[%dma_start3A_76, %dma_start3A_77] : memref<10000x128xf32, #tpu.memory_space<hbm>> -> memref<10000x128xf32, #tpu.memory_space<hbm>>
      tpu.enqueue_indirect_dma source(%dma_start3A_78 : memref<10000x128xf32, #tpu.memory_space<hbm>>) target(%arg7 : memref<128x128xf32, #tpu.memory_space<vmem>>) offsets(%dma_start3A_75 : memref<128xi32, #tpu.memory_space<vmem>>) semaphore(%arg10 : memref<!tpu.dma_semaphore, #tpu.memory_space<semaphore_mem>>)
      %dma_wait3A_79 = arith.constant 1 : i32
      %dma_wait3A_80 = arith.constant 0 : i32
      %dma_wait3A_81 = tpu.memref_slice %arg5[%dma_wait3A_79, %dma_wait3A_80] : memref<8x128xi32, #tpu.memory_space<vmem>> -> memref<1x128xi32, #tpu.memory_space<vmem>>
      %dma_wait3A_82 = tpu.memref_squeeze %dma_wait3A_81 : memref<1x128xi32, #tpu.memory_space<vmem>> -> memref<128xi32, #tpu.memory_space<vmem>>
      %dma_wait3A_83 = arith.constant 0 : i32
      %dma_wait3A_84 = arith.constant 0 : i32
      %dma_wait3A_85 = tpu.memref_slice %arg2[%dma_wait3A_83, %dma_wait3A_84] : memref<10000x128xf32, #tpu.memory_space<hbm>> -> memref<10000x128xf32, #tpu.memory_space<hbm>>
      tpu.wait_indirect_dma semaphore(%arg11 : memref<!tpu.dma_semaphore, #tpu.memory_space<semaphore_mem>>) src(%dma_wait3A_85 : memref<10000x128xf32, #tpu.memory_space<hbm>>) dst(%arg8 : memref<128x128xf32, #tpu.memory_space<vmem>>)
      %dma_start3A_86 = arith.constant 1 : i32
      %dma_start3A_87 = arith.constant 0 : i32
      %dma_start3A_88 = tpu.memref_slice %arg6[%dma_start3A_86, %dma_start3A_87] : memref<8x128xi32, #tpu.memory_space<vmem>> -> memref<1x128xi32, #tpu.memory_space<vmem>>
      %dma_start3A_89 = tpu.memref_squeeze %dma_start3A_88 : memref<1x128xi32, #tpu.memory_space<vmem>> -> memref<128xi32, #tpu.memory_space<vmem>>
      %dma_start3A_90 = arith.constant 0 : i32
      %dma_start3A_91 = arith.constant 0 : i32
      %dma_start3A_92 = tpu.memref_slice %arg9[%dma_start3A_90, %dma_start3A_91] : memref<10240x128xf32, #tpu.memory_space<vmem_shared>> -> memref<10240x128xf32, #tpu.memory_space<vmem_shared>>
      tpu.enqueue_indirect_dma source(%arg8 : memref<128x128xf32, #tpu.memory_space<vmem>>) target(%dma_start3A_92 : memref<10240x128xf32, #tpu.memory_space<vmem_shared>>) offsets(%dma_start3A_89 : memref<128xi32, #tpu.memory_space<vmem>>) semaphore(%arg13 : memref<!tpu.dma_semaphore, #tpu.memory_space<semaphore_mem>>) {add = true}
      %dma_wait3A_93 = arith.constant 1 : i32
      %dma_wait3A_94 = arith.constant 0 : i32
      %dma_wait3A_95 = tpu.memref_slice %arg6[%dma_wait3A_93, %dma_wait3A_94] : memref<8x128xi32, #tpu.memory_space<vmem>> -> memref<1x128xi32, #tpu.memory_space<vmem>>
      %dma_wait3A_96 = tpu.memref_squeeze %dma_wait3A_95 : memref<1x128xi32, #tpu.memory_space<vmem>> -> memref<128xi32, #tpu.memory_space<vmem>>
      %dma_wait3A_97 = arith.constant 0 : i32
      %dma_wait3A_98 = arith.constant 0 : i32
      %dma_wait3A_99 = tpu.memref_slice %arg9[%dma_wait3A_97, %dma_wait3A_98] : memref<10240x128xf32, #tpu.memory_space<vmem_shared>> -> memref<10240x128xf32, #tpu.memory_space<vmem_shared>>
      tpu.wait_indirect_dma semaphore(%arg13 : memref<!tpu.dma_semaphore, #tpu.memory_space<semaphore_mem>>) src(%arg8 : memref<128x128xf32, #tpu.memory_space<vmem>>) dst(%dma_wait3A_99 : memref<10240x128xf32, #tpu.memory_space<vmem_shared>>)
      %dma_start3A_100 = arith.constant 3 : i32
      %dma_start3A_101 = arith.constant 0 : i32
      %dma_start3A_102 = tpu.memref_slice %arg5[%dma_start3A_100, %dma_start3A_101] : memref<8x128xi32, #tpu.memory_space<vmem>> -> memref<1x128xi32, #tpu.memory_space<vmem>>
      %dma_start3A_103 = tpu.memref_squeeze %dma_start3A_102 : memref<1x128xi32, #tpu.memory_space<vmem>> -> memref<128xi32, #tpu.memory_space<vmem>>
      %dma_start3A_104 = arith.constant 0 : i32
      %dma_start3A_105 = arith.constant 0 : i32
      %dma_start3A_106 = tpu.memref_slice %arg2[%dma_start3A_104, %dma_start3A_105] : memref<10000x128xf32, #tpu.memory_space<hbm>> -> memref<10000x128xf32, #tpu.memory_space<hbm>>
      tpu.enqueue_indirect_dma source(%dma_start3A_106 : memref<10000x128xf32, #tpu.memory_space<hbm>>) target(%arg8 : memref<128x128xf32, #tpu.memory_space<vmem>>) offsets(%dma_start3A_103 : memref<128xi32, #tpu.memory_space<vmem>>) semaphore(%arg11 : memref<!tpu.dma_semaphore, #tpu.memory_space<semaphore_mem>>)
      %dma_wait3A_107 = arith.constant 2 : i32
      %dma_wait3A_108 = arith.constant 0 : i32
      %dma_wait3A_109 = tpu.memref_slice %arg5[%dma_wait3A_107, %dma_wait3A_108] : memref<8x128xi32, #tpu.memory_space<vmem>> -> memref<1x128xi32, #tpu.memory_space<vmem>>
      %dma_wait3A_110 = tpu.memref_squeeze %dma_wait3A_109 : memref<1x128xi32, #tpu.memory_space<vmem>> -> memref<128xi32, #tpu.memory_space<vmem>>
      %dma_wait3A_111 = arith.constant 0 : i32
      %dma_wait3A_112 = arith.constant 0 : i32
      %dma_wait3A_113 = tpu.memref_slice %arg2[%dma_wait3A_111, %dma_wait3A_112] : memref<10000x128xf32, #tpu.memory_space<hbm>> -> memref<10000x128xf32, #tpu.memory_space<hbm>>
      tpu.wait_indirect_dma semaphore(%arg10 : memref<!tpu.dma_semaphore, #tpu.memory_space<semaphore_mem>>) src(%dma_wait3A_113 : memref<10000x128xf32, #tpu.memory_space<hbm>>) dst(%arg7 : memref<128x128xf32, #tpu.memory_space<vmem>>)
      %dma_start3A_114 = arith.constant 2 : i32
      %dma_start3A_115 = arith.constant 0 : i32
      %dma_start3A_116 = tpu.memref_slice %arg6[%dma_start3A_114, %dma_start3A_115] : memref<8x128xi32, #tpu.memory_space<vmem>> -> memref<1x128xi32, #tpu.memory_space<vmem>>
      %dma_start3A_117 = tpu.memref_squeeze %dma_start3A_116 : memref<1x128xi32, #tpu.memory_space<vmem>> -> memref<128xi32, #tpu.memory_space<vmem>>
      %dma_start3A_118 = arith.constant 0 : i32
      %dma_start3A_119 = arith.constant 0 : i32
      %dma_start3A_120 = tpu.memref_slice %arg9[%dma_start3A_118, %dma_start3A_119] : memref<10240x128xf32, #tpu.memory_space<vmem_shared>> -> memref<10240x128xf32, #tpu.memory_space<vmem_shared>>
      tpu.enqueue_indirect_dma source(%arg7 : memref<128x128xf32, #tpu.memory_space<vmem>>) target(%dma_start3A_120 : memref<10240x128xf32, #tpu.memory_space<vmem_shared>>) offsets(%dma_start3A_117 : memref<128xi32, #tpu.memory_space<vmem>>) semaphore(%arg12 : memref<!tpu.dma_semaphore, #tpu.memory_space<semaphore_mem>>) {add = true}
      %dma_wait3A_121 = arith.constant 2 : i32
      %dma_wait3A_122 = arith.constant 0 : i32
      %dma_wait3A_123 = tpu.memref_slice %arg6[%dma_wait3A_121, %dma_wait3A_122] : memref<8x128xi32, #tpu.memory_space<vmem>> -> memref<1x128xi32, #tpu.memory_space<vmem>>
      %dma_wait3A_124 = tpu.memref_squeeze %dma_wait3A_123 : memref<1x128xi32, #tpu.memory_space<vmem>> -> memref<128xi32, #tpu.memory_space<vmem>>
      %dma_wait3A_125 = arith.constant 0 : i32
      %dma_wait3A_126 = arith.constant 0 : i32
      %dma_wait3A_127 = tpu.memref_slice %arg9[%dma_wait3A_125, %dma_wait3A_126] : memref<10240x128xf32, #tpu.memory_space<vmem_shared>> -> memref<10240x128xf32, #tpu.memory_space<vmem_shared>>
      tpu.wait_indirect_dma semaphore(%arg12 : memref<!tpu.dma_semaphore, #tpu.memory_space<semaphore_mem>>) src(%arg7 : memref<128x128xf32, #tpu.memory_space<vmem>>) dst(%dma_wait3A_127 : memref<10240x128xf32, #tpu.memory_space<vmem_shared>>)
      %dma_start3A_128 = arith.constant 4 : i32
      %dma_start3A_129 = arith.constant 0 : i32
      %dma_start3A_130 = tpu.memref_slice %arg5[%dma_start3A_128, %dma_start3A_129] : memref<8x128xi32, #tpu.memory_space<vmem>> -> memref<1x128xi32, #tpu.memory_space<vmem>>
      %dma_start3A_131 = tpu.memref_squeeze %dma_start3A_130 : memref<1x128xi32, #tpu.memory_space<vmem>> -> memref<128xi32, #tpu.memory_space<vmem>>
      %dma_start3A_132 = arith.constant 0 : i32
      %dma_start3A_133 = arith.constant 0 : i32
      %dma_start3A_134 = tpu.memref_slice %arg2[%dma_start3A_132, %dma_start3A_133] : memref<10000x128xf32, #tpu.memory_space<hbm>> -> memref<10000x128xf32, #tpu.memory_space<hbm>>
      tpu.enqueue_indirect_dma source(%dma_start3A_134 : memref<10000x128xf32, #tpu.memory_space<hbm>>) target(%arg7 : memref<128x128xf32, #tpu.memory_space<vmem>>) offsets(%dma_start3A_131 : memref<128xi32, #tpu.memory_space<vmem>>) semaphore(%arg10 : memref<!tpu.dma_semaphore, #tpu.memory_space<semaphore_mem>>)
      %dma_wait3A_135 = arith.constant 3 : i32
      %dma_wait3A_136 = arith.constant 0 : i32
      %dma_wait3A_137 = tpu.memref_slice %arg5[%dma_wait3A_135, %dma_wait3A_136] : memref<8x128xi32, #tpu.memory_space<vmem>> -> memref<1x128xi32, #tpu.memory_space<vmem>>
      %dma_wait3A_138 = tpu.memref_squeeze %dma_wait3A_137 : memref<1x128xi32, #tpu.memory_space<vmem>> -> memref<128xi32, #tpu.memory_space<vmem>>
      %dma_wait3A_139 = arith.constant 0 : i32
      %dma_wait3A_140 = arith.constant 0 : i32
      %dma_wait3A_141 = tpu.memref_slice %arg2[%dma_wait3A_139, %dma_wait3A_140] : memref<10000x128xf32, #tpu.memory_space<hbm>> -> memref<10000x128xf32, #tpu.memory_space<hbm>>
      tpu.wait_indirect_dma semaphore(%arg11 : memref<!tpu.dma_semaphore, #tpu.memory_space<semaphore_mem>>) src(%dma_wait3A_141 : memref<10000x128xf32, #tpu.memory_space<hbm>>) dst(%arg8 : memref<128x128xf32, #tpu.memory_space<vmem>>)
      %dma_start3A_142 = arith.constant 3 : i32
      %dma_start3A_143 = arith.constant 0 : i32
      %dma_start3A_144 = tpu.memref_slice %arg6[%dma_start3A_142, %dma_start3A_143] : memref<8x128xi32, #tpu.memory_space<vmem>> -> memref<1x128xi32, #tpu.memory_space<vmem>>
      %dma_start3A_145 = tpu.memref_squeeze %dma_start3A_144 : memref<1x128xi32, #tpu.memory_space<vmem>> -> memref<128xi32, #tpu.memory_space<vmem>>
      %dma_start3A_146 = arith.constant 0 : i32
      %dma_start3A_147 = arith.constant 0 : i32
      %dma_start3A_148 = tpu.memref_slice %arg9[%dma_start3A_146, %dma_start3A_147] : memref<10240x128xf32, #tpu.memory_space<vmem_shared>> -> memref<10240x128xf32, #tpu.memory_space<vmem_shared>>
      tpu.enqueue_indirect_dma source(%arg8 : memref<128x128xf32, #tpu.memory_space<vmem>>) target(%dma_start3A_148 : memref<10240x128xf32, #tpu.memory_space<vmem_shared>>) offsets(%dma_start3A_145 : memref<128xi32, #tpu.memory_space<vmem>>) semaphore(%arg13 : memref<!tpu.dma_semaphore, #tpu.memory_space<semaphore_mem>>) {add = true}
      %dma_wait3A_149 = arith.constant 3 : i32
      %dma_wait3A_150 = arith.constant 0 : i32
      %dma_wait3A_151 = tpu.memref_slice %arg6[%dma_wait3A_149, %dma_wait3A_150] : memref<8x128xi32, #tpu.memory_space<vmem>> -> memref<1x128xi32, #tpu.memory_space<vmem>>
      %dma_wait3A_152 = tpu.memref_squeeze %dma_wait3A_151 : memref<1x128xi32, #tpu.memory_space<vmem>> -> memref<128xi32, #tpu.memory_space<vmem>>
      %dma_wait3A_153 = arith.constant 0 : i32
      %dma_wait3A_154 = arith.constant 0 : i32
      %dma_wait3A_155 = tpu.memref_slice %arg9[%dma_wait3A_153, %dma_wait3A_154] : memref<10240x128xf32, #tpu.memory_space<vmem_shared>> -> memref<10240x128xf32, #tpu.memory_space<vmem_shared>>
      tpu.wait_indirect_dma semaphore(%arg13 : memref<!tpu.dma_semaphore, #tpu.memory_space<semaphore_mem>>) src(%arg8 : memref<128x128xf32, #tpu.memory_space<vmem>>) dst(%dma_wait3A_155 : memref<10240x128xf32, #tpu.memory_space<vmem_shared>>)
      %dma_start3A_156 = arith.constant 5 : i32
      %dma_start3A_157 = arith.constant 0 : i32
      %dma_start3A_158 = tpu.memref_slice %arg5[%dma_start3A_156, %dma_start3A_157] : memref<8x128xi32, #tpu.memory_space<vmem>> -> memref<1x128xi32, #tpu.memory_space<vmem>>
      %dma_start3A_159 = tpu.memref_squeeze %dma_start3A_158 : memref<1x128xi32, #tpu.memory_space<vmem>> -> memref<128xi32, #tpu.memory_space<vmem>>
      %dma_start3A_160 = arith.constant 0 : i32
      %dma_start3A_161 = arith.constant 0 : i32
      %dma_start3A_162 = tpu.memref_slice %arg2[%dma_start3A_160, %dma_start3A_161] : memref<10000x128xf32, #tpu.memory_space<hbm>> -> memref<10000x128xf32, #tpu.memory_space<hbm>>
      tpu.enqueue_indirect_dma source(%dma_start3A_162 : memref<10000x128xf32, #tpu.memory_space<hbm>>) target(%arg8 : memref<128x128xf32, #tpu.memory_space<vmem>>) offsets(%dma_start3A_159 : memref<128xi32, #tpu.memory_space<vmem>>) semaphore(%arg11 : memref<!tpu.dma_semaphore, #tpu.memory_space<semaphore_mem>>)
      %dma_wait3A_163 = arith.constant 4 : i32
      %dma_wait3A_164 = arith.constant 0 : i32
      %dma_wait3A_165 = tpu.memref_slice %arg5[%dma_wait3A_163, %dma_wait3A_164] : memref<8x128xi32, #tpu.memory_space<vmem>> -> memref<1x128xi32, #tpu.memory_space<vmem>>
      %dma_wait3A_166 = tpu.memref_squeeze %dma_wait3A_165 : memref<1x128xi32, #tpu.memory_space<vmem>> -> memref<128xi32, #tpu.memory_space<vmem>>
      %dma_wait3A_167 = arith.constant 0 : i32
      %dma_wait3A_168 = arith.constant 0 : i32
      %dma_wait3A_169 = tpu.memref_slice %arg2[%dma_wait3A_167, %dma_wait3A_168] : memref<10000x128xf32, #tpu.memory_space<hbm>> -> memref<10000x128xf32, #tpu.memory_space<hbm>>
      tpu.wait_indirect_dma semaphore(%arg10 : memref<!tpu.dma_semaphore, #tpu.memory_space<semaphore_mem>>) src(%dma_wait3A_169 : memref<10000x128xf32, #tpu.memory_space<hbm>>) dst(%arg7 : memref<128x128xf32, #tpu.memory_space<vmem>>)
      %dma_start3A_170 = arith.constant 4 : i32
      %dma_start3A_171 = arith.constant 0 : i32
      %dma_start3A_172 = tpu.memref_slice %arg6[%dma_start3A_170, %dma_start3A_171] : memref<8x128xi32, #tpu.memory_space<vmem>> -> memref<1x128xi32, #tpu.memory_space<vmem>>
      %dma_start3A_173 = tpu.memref_squeeze %dma_start3A_172 : memref<1x128xi32, #tpu.memory_space<vmem>> -> memref<128xi32, #tpu.memory_space<vmem>>
      %dma_start3A_174 = arith.constant 0 : i32
      %dma_start3A_175 = arith.constant 0 : i32
      %dma_start3A_176 = tpu.memref_slice %arg9[%dma_start3A_174, %dma_start3A_175] : memref<10240x128xf32, #tpu.memory_space<vmem_shared>> -> memref<10240x128xf32, #tpu.memory_space<vmem_shared>>
      tpu.enqueue_indirect_dma source(%arg7 : memref<128x128xf32, #tpu.memory_space<vmem>>) target(%dma_start3A_176 : memref<10240x128xf32, #tpu.memory_space<vmem_shared>>) offsets(%dma_start3A_173 : memref<128xi32, #tpu.memory_space<vmem>>) semaphore(%arg12 : memref<!tpu.dma_semaphore, #tpu.memory_space<semaphore_mem>>) {add = true}
      %dma_wait3A_177 = arith.constant 4 : i32
      %dma_wait3A_178 = arith.constant 0 : i32
      %dma_wait3A_179 = tpu.memref_slice %arg6[%dma_wait3A_177, %dma_wait3A_178] : memref<8x128xi32, #tpu.memory_space<vmem>> -> memref<1x128xi32, #tpu.memory_space<vmem>>
      %dma_wait3A_180 = tpu.memref_squeeze %dma_wait3A_179 : memref<1x128xi32, #tpu.memory_space<vmem>> -> memref<128xi32, #tpu.memory_space<vmem>>
      %dma_wait3A_181 = arith.constant 0 : i32
      %dma_wait3A_182 = arith.constant 0 : i32
      %dma_wait3A_183 = tpu.memref_slice %arg9[%dma_wait3A_181, %dma_wait3A_182] : memref<10240x128xf32, #tpu.memory_space<vmem_shared>> -> memref<10240x128xf32, #tpu.memory_space<vmem_shared>>
      tpu.wait_indirect_dma semaphore(%arg12 : memref<!tpu.dma_semaphore, #tpu.memory_space<semaphore_mem>>) src(%arg7 : memref<128x128xf32, #tpu.memory_space<vmem>>) dst(%dma_wait3A_183 : memref<10240x128xf32, #tpu.memory_space<vmem_shared>>)
      %dma_start3A_184 = arith.constant 6 : i32
      %dma_start3A_185 = arith.constant 0 : i32
      %dma_start3A_186 = tpu.memref_slice %arg5[%dma_start3A_184, %dma_start3A_185] : memref<8x128xi32, #tpu.memory_space<vmem>> -> memref<1x128xi32, #tpu.memory_space<vmem>>
      %dma_start3A_187 = tpu.memref_squeeze %dma_start3A_186 : memref<1x128xi32, #tpu.memory_space<vmem>> -> memref<128xi32, #tpu.memory_space<vmem>>
      %dma_start3A_188 = arith.constant 0 : i32
      %dma_start3A_189 = arith.constant 0 : i32
      %dma_start3A_190 = tpu.memref_slice %arg2[%dma_start3A_188, %dma_start3A_189] : memref<10000x128xf32, #tpu.memory_space<hbm>> -> memref<10000x128xf32, #tpu.memory_space<hbm>>
      tpu.enqueue_indirect_dma source(%dma_start3A_190 : memref<10000x128xf32, #tpu.memory_space<hbm>>) target(%arg7 : memref<128x128xf32, #tpu.memory_space<vmem>>) offsets(%dma_start3A_187 : memref<128xi32, #tpu.memory_space<vmem>>) semaphore(%arg10 : memref<!tpu.dma_semaphore, #tpu.memory_space<semaphore_mem>>)
      %dma_wait3A_191 = arith.constant 5 : i32
      %dma_wait3A_192 = arith.constant 0 : i32
      %dma_wait3A_193 = tpu.memref_slice %arg5[%dma_wait3A_191, %dma_wait3A_192] : memref<8x128xi32, #tpu.memory_space<vmem>> -> memref<1x128xi32, #tpu.memory_space<vmem>>
      %dma_wait3A_194 = tpu.memref_squeeze %dma_wait3A_193 : memref<1x128xi32, #tpu.memory_space<vmem>> -> memref<128xi32, #tpu.memory_space<vmem>>
      %dma_wait3A_195 = arith.constant 0 : i32
      %dma_wait3A_196 = arith.constant 0 : i32
      %dma_wait3A_197 = tpu.memref_slice %arg2[%dma_wait3A_195, %dma_wait3A_196] : memref<10000x128xf32, #tpu.memory_space<hbm>> -> memref<10000x128xf32, #tpu.memory_space<hbm>>
      tpu.wait_indirect_dma semaphore(%arg11 : memref<!tpu.dma_semaphore, #tpu.memory_space<semaphore_mem>>) src(%dma_wait3A_197 : memref<10000x128xf32, #tpu.memory_space<hbm>>) dst(%arg8 : memref<128x128xf32, #tpu.memory_space<vmem>>)
      %dma_start3A_198 = arith.constant 5 : i32
      %dma_start3A_199 = arith.constant 0 : i32
      %dma_start3A_200 = tpu.memref_slice %arg6[%dma_start3A_198, %dma_start3A_199] : memref<8x128xi32, #tpu.memory_space<vmem>> -> memref<1x128xi32, #tpu.memory_space<vmem>>
      %dma_start3A_201 = tpu.memref_squeeze %dma_start3A_200 : memref<1x128xi32, #tpu.memory_space<vmem>> -> memref<128xi32, #tpu.memory_space<vmem>>
      %dma_start3A_202 = arith.constant 0 : i32
      %dma_start3A_203 = arith.constant 0 : i32
      %dma_start3A_204 = tpu.memref_slice %arg9[%dma_start3A_202, %dma_start3A_203] : memref<10240x128xf32, #tpu.memory_space<vmem_shared>> -> memref<10240x128xf32, #tpu.memory_space<vmem_shared>>
      tpu.enqueue_indirect_dma source(%arg8 : memref<128x128xf32, #tpu.memory_space<vmem>>) target(%dma_start3A_204 : memref<10240x128xf32, #tpu.memory_space<vmem_shared>>) offsets(%dma_start3A_201 : memref<128xi32, #tpu.memory_space<vmem>>) semaphore(%arg13 : memref<!tpu.dma_semaphore, #tpu.memory_space<semaphore_mem>>) {add = true}
      %dma_wait3A_205 = arith.constant 5 : i32
      %dma_wait3A_206 = arith.constant 0 : i32
      %dma_wait3A_207 = tpu.memref_slice %arg6[%dma_wait3A_205, %dma_wait3A_206] : memref<8x128xi32, #tpu.memory_space<vmem>> -> memref<1x128xi32, #tpu.memory_space<vmem>>
      %dma_wait3A_208 = tpu.memref_squeeze %dma_wait3A_207 : memref<1x128xi32, #tpu.memory_space<vmem>> -> memref<128xi32, #tpu.memory_space<vmem>>
      %dma_wait3A_209 = arith.constant 0 : i32
      %dma_wait3A_210 = arith.constant 0 : i32
      %dma_wait3A_211 = tpu.memref_slice %arg9[%dma_wait3A_209, %dma_wait3A_210] : memref<10240x128xf32, #tpu.memory_space<vmem_shared>> -> memref<10240x128xf32, #tpu.memory_space<vmem_shared>>
      tpu.wait_indirect_dma semaphore(%arg13 : memref<!tpu.dma_semaphore, #tpu.memory_space<semaphore_mem>>) src(%arg8 : memref<128x128xf32, #tpu.memory_space<vmem>>) dst(%dma_wait3A_211 : memref<10240x128xf32, #tpu.memory_space<vmem_shared>>)
      %dma_start3A_212 = arith.constant 7 : i32
      %dma_start3A_213 = arith.constant 0 : i32
      %dma_start3A_214 = tpu.memref_slice %arg5[%dma_start3A_212, %dma_start3A_213] : memref<8x128xi32, #tpu.memory_space<vmem>> -> memref<1x128xi32, #tpu.memory_space<vmem>>
      %dma_start3A_215 = tpu.memref_squeeze %dma_start3A_214 : memref<1x128xi32, #tpu.memory_space<vmem>> -> memref<128xi32, #tpu.memory_space<vmem>>
      %dma_start3A_216 = arith.constant 0 : i32
      %dma_start3A_217 = arith.constant 0 : i32
      %dma_start3A_218 = tpu.memref_slice %arg2[%dma_start3A_216, %dma_start3A_217] : memref<10000x128xf32, #tpu.memory_space<hbm>> -> memref<10000x128xf32, #tpu.memory_space<hbm>>
      tpu.enqueue_indirect_dma source(%dma_start3A_218 : memref<10000x128xf32, #tpu.memory_space<hbm>>) target(%arg8 : memref<128x128xf32, #tpu.memory_space<vmem>>) offsets(%dma_start3A_215 : memref<128xi32, #tpu.memory_space<vmem>>) semaphore(%arg11 : memref<!tpu.dma_semaphore, #tpu.memory_space<semaphore_mem>>)
      %dma_wait3A_219 = arith.constant 6 : i32
      %dma_wait3A_220 = arith.constant 0 : i32
      %dma_wait3A_221 = tpu.memref_slice %arg5[%dma_wait3A_219, %dma_wait3A_220] : memref<8x128xi32, #tpu.memory_space<vmem>> -> memref<1x128xi32, #tpu.memory_space<vmem>>
      %dma_wait3A_222 = tpu.memref_squeeze %dma_wait3A_221 : memref<1x128xi32, #tpu.memory_space<vmem>> -> memref<128xi32, #tpu.memory_space<vmem>>
      %dma_wait3A_223 = arith.constant 0 : i32
      %dma_wait3A_224 = arith.constant 0 : i32
      %dma_wait3A_225 = tpu.memref_slice %arg2[%dma_wait3A_223, %dma_wait3A_224] : memref<10000x128xf32, #tpu.memory_space<hbm>> -> memref<10000x128xf32, #tpu.memory_space<hbm>>
      tpu.wait_indirect_dma semaphore(%arg10 : memref<!tpu.dma_semaphore, #tpu.memory_space<semaphore_mem>>) src(%dma_wait3A_225 : memref<10000x128xf32, #tpu.memory_space<hbm>>) dst(%arg7 : memref<128x128xf32, #tpu.memory_space<vmem>>)
      %dma_start3A_226 = arith.constant 6 : i32
      %dma_start3A_227 = arith.constant 0 : i32
      %dma_start3A_228 = tpu.memref_slice %arg6[%dma_start3A_226, %dma_start3A_227] : memref<8x128xi32, #tpu.memory_space<vmem>> -> memref<1x128xi32, #tpu.memory_space<vmem>>
      %dma_start3A_229 = tpu.memref_squeeze %dma_start3A_228 : memref<1x128xi32, #tpu.memory_space<vmem>> -> memref<128xi32, #tpu.memory_space<vmem>>
      %dma_start3A_230 = arith.constant 0 : i32
      %dma_start3A_231 = arith.constant 0 : i32
      %dma_start3A_232 = tpu.memref_slice %arg9[%dma_start3A_230, %dma_start3A_231] : memref<10240x128xf32, #tpu.memory_space<vmem_shared>> -> memref<10240x128xf32, #tpu.memory_space<vmem_shared>>
      tpu.enqueue_indirect_dma source(%arg7 : memref<128x128xf32, #tpu.memory_space<vmem>>) target(%dma_start3A_232 : memref<10240x128xf32, #tpu.memory_space<vmem_shared>>) offsets(%dma_start3A_229 : memref<128xi32, #tpu.memory_space<vmem>>) semaphore(%arg12 : memref<!tpu.dma_semaphore, #tpu.memory_space<semaphore_mem>>) {add = true}
      %dma_wait3A_233 = arith.constant 7 : i32
      %dma_wait3A_234 = arith.constant 0 : i32
      %dma_wait3A_235 = tpu.memref_slice %arg5[%dma_wait3A_233, %dma_wait3A_234] : memref<8x128xi32, #tpu.memory_space<vmem>> -> memref<1x128xi32, #tpu.memory_space<vmem>>
      %dma_wait3A_236 = tpu.memref_squeeze %dma_wait3A_235 : memref<1x128xi32, #tpu.memory_space<vmem>> -> memref<128xi32, #tpu.memory_space<vmem>>
      %dma_wait3A_237 = arith.constant 0 : i32
      %dma_wait3A_238 = arith.constant 0 : i32
      %dma_wait3A_239 = tpu.memref_slice %arg2[%dma_wait3A_237, %dma_wait3A_238] : memref<10000x128xf32, #tpu.memory_space<hbm>> -> memref<10000x128xf32, #tpu.memory_space<hbm>>
      tpu.wait_indirect_dma semaphore(%arg11 : memref<!tpu.dma_semaphore, #tpu.memory_space<semaphore_mem>>) src(%dma_wait3A_239 : memref<10000x128xf32, #tpu.memory_space<hbm>>) dst(%arg8 : memref<128x128xf32, #tpu.memory_space<vmem>>)
      %dma_wait3A_240 = arith.constant 6 : i32
      %dma_wait3A_241 = arith.constant 0 : i32
      %dma_wait3A_242 = tpu.memref_slice %arg6[%dma_wait3A_240, %dma_wait3A_241] : memref<8x128xi32, #tpu.memory_space<vmem>> -> memref<1x128xi32, #tpu.memory_space<vmem>>
      %dma_wait3A_243 = tpu.memref_squeeze %dma_wait3A_242 : memref<1x128xi32, #tpu.memory_space<vmem>> -> memref<128xi32, #tpu.memory_space<vmem>>
      %dma_wait3A_244 = arith.constant 0 : i32
      %dma_wait3A_245 = arith.constant 0 : i32
      %dma_wait3A_246 = tpu.memref_slice %arg9[%dma_wait3A_244, %dma_wait3A_245] : memref<10240x128xf32, #tpu.memory_space<vmem_shared>> -> memref<10240x128xf32, #tpu.memory_space<vmem_shared>>
      tpu.wait_indirect_dma semaphore(%arg12 : memref<!tpu.dma_semaphore, #tpu.memory_space<semaphore_mem>>) src(%arg7 : memref<128x128xf32, #tpu.memory_space<vmem>>) dst(%dma_wait3A_246 : memref<10240x128xf32, #tpu.memory_space<vmem_shared>>)
      %dma_start3A_247 = arith.constant 7 : i32
      %dma_start3A_248 = arith.constant 0 : i32
      %dma_start3A_249 = tpu.memref_slice %arg6[%dma_start3A_247, %dma_start3A_248] : memref<8x128xi32, #tpu.memory_space<vmem>> -> memref<1x128xi32, #tpu.memory_space<vmem>>
      %dma_start3A_250 = tpu.memref_squeeze %dma_start3A_249 : memref<1x128xi32, #tpu.memory_space<vmem>> -> memref<128xi32, #tpu.memory_space<vmem>>
      %dma_start3A_251 = arith.constant 0 : i32
      %dma_start3A_252 = arith.constant 0 : i32
      %dma_start3A_253 = tpu.memref_slice %arg9[%dma_start3A_251, %dma_start3A_252] : memref<10240x128xf32, #tpu.memory_space<vmem_shared>> -> memref<10240x128xf32, #tpu.memory_space<vmem_shared>>
      tpu.enqueue_indirect_dma source(%arg8 : memref<128x128xf32, #tpu.memory_space<vmem>>) target(%dma_start3A_253 : memref<10240x128xf32, #tpu.memory_space<vmem_shared>>) offsets(%dma_start3A_250 : memref<128xi32, #tpu.memory_space<vmem>>) semaphore(%arg13 : memref<!tpu.dma_semaphore, #tpu.memory_space<semaphore_mem>>) {add = true}
      %dma_wait3A_254 = arith.constant 7 : i32
      %dma_wait3A_255 = arith.constant 0 : i32
      %dma_wait3A_256 = tpu.memref_slice %arg6[%dma_wait3A_254, %dma_wait3A_255] : memref<8x128xi32, #tpu.memory_space<vmem>> -> memref<1x128xi32, #tpu.memory_space<vmem>>
      %dma_wait3A_257 = tpu.memref_squeeze %dma_wait3A_256 : memref<1x128xi32, #tpu.memory_space<vmem>> -> memref<128xi32, #tpu.memory_space<vmem>>
      %dma_wait3A_258 = arith.constant 0 : i32
      %dma_wait3A_259 = arith.constant 0 : i32
      %dma_wait3A_260 = tpu.memref_slice %arg9[%dma_wait3A_258, %dma_wait3A_259] : memref<10240x128xf32, #tpu.memory_space<vmem_shared>> -> memref<10240x128xf32, #tpu.memory_space<vmem_shared>>
      tpu.wait_indirect_dma semaphore(%arg13 : memref<!tpu.dma_semaphore, #tpu.memory_space<semaphore_mem>>) src(%arg8 : memref<128x128xf32, #tpu.memory_space<vmem>>) dst(%dma_wait3A_260 : memref<10240x128xf32, #tpu.memory_space<vmem_shared>>)
    } else {
    }
    %eq3A = arith.constant 24 : i32
    %eq3A_25 = arith.cmpi eq, %add3A, %eq3A : i32
    %convert_element_type3A_26 = arith.extui %eq3A_25 : i1 to i32
    %cond3A_27 = arith.constant 0 : i32
    %cond3A_28 = arith.cmpi ne, %convert_element_type3A_26, %cond3A_27 : i32
    scf.if %cond3A_28 {
      %run_scoped3A = arith.constant 0 : i32
      "tpu.region"() ({
        %run_scoped3A_145 = tpu.sem_alloc : memref<!tpu.dma_semaphore, #tpu.memory_space<semaphore_mem>>
        %dma_start3A_146 = arith.constant 0 : i32
        %dma_start3A_147 = arith.constant 0 : i32
        %dma_start3A_148 = tpu.memref_slice %arg5[%dma_start3A_146, %dma_start3A_147] : memref<8x128xi32, #tpu.memory_space<vmem>> -> memref<4x128xi32, #tpu.memory_space<vmem>>
        %dma_start3A_149 = arith.constant 2496 : i32
        %dma_start3A_150 = arith.constant 0 : i32
        %dma_start3A_151 = tpu.memref_slice %arg3[%run_scoped3A, %dma_start3A_149, %dma_start3A_150] : memref<2x2500x128xi32, #tpu.memory_space<hbm>> -> memref<1x4x128xi32, #tpu.memory_space<hbm>>
        %dma_start3A_152 = tpu.memref_squeeze %dma_start3A_151 : memref<1x4x128xi32, #tpu.memory_space<hbm>> -> memref<4x128xi32, #tpu.memory_space<hbm>>
        %dma_start3A_153 = arith.constant 0 : i32
        %dma_start3A_154 = arith.constant 0 : i32
        %dma_start3A_155 = tpu.memref_slice %arg5[%dma_start3A_153, %dma_start3A_154] : memref<8x128xi32, #tpu.memory_space<vmem>> -> memref<4x128xi32, #tpu.memory_space<vmem>>
        %dma_start3A_156 = arith.constant 2496 : i32
        %dma_start3A_157 = arith.constant 0 : i32
        %dma_start3A_158 = tpu.memref_slice %arg3[%run_scoped3A, %dma_start3A_156, %dma_start3A_157] : memref<2x2500x128xi32, #tpu.memory_space<hbm>> -> memref<1x4x128xi32, #tpu.memory_space<hbm>>
        %dma_start3A_159 = tpu.memref_squeeze %dma_start3A_158 : memref<1x4x128xi32, #tpu.memory_space<hbm>> -> memref<4x128xi32, #tpu.memory_space<hbm>>
        tpu.enqueue_dma source(%dma_start3A_159 : memref<4x128xi32, #tpu.memory_space<hbm>>) target(%dma_start3A_155 : memref<4x128xi32, #tpu.memory_space<vmem>>) target_semaphore(%run_scoped3A_145 : memref<!tpu.dma_semaphore, #tpu.memory_space<semaphore_mem>>)
        %dma_wait3A_160 = arith.constant 0 : i32
        %dma_wait3A_161 = arith.constant 0 : i32
        %dma_wait3A_162 = tpu.memref_slice %arg5[%dma_wait3A_160, %dma_wait3A_161] : memref<8x128xi32, #tpu.memory_space<vmem>> -> memref<4x128xi32, #tpu.memory_space<vmem>>
        %dma_wait3A_163 = arith.constant 2496 : i32
        %dma_wait3A_164 = arith.constant 0 : i32
        %dma_wait3A_165 = tpu.memref_slice %arg3[%run_scoped3A, %dma_wait3A_163, %dma_wait3A_164] : memref<2x2500x128xi32, #tpu.memory_space<hbm>> -> memref<1x4x128xi32, #tpu.memory_space<hbm>>
        %dma_wait3A_166 = tpu.memref_squeeze %dma_wait3A_165 : memref<1x4x128xi32, #tpu.memory_space<hbm>> -> memref<4x128xi32, #tpu.memory_space<hbm>>
        %dma_wait3A_167 = arith.constant 0 : i32
        %dma_wait3A_168 = arith.constant 0 : i32
        %dma_wait3A_169 = tpu.memref_slice %arg5[%dma_wait3A_167, %dma_wait3A_168] : memref<8x128xi32, #tpu.memory_space<vmem>> -> memref<4x128xi32, #tpu.memory_space<vmem>>
        %dma_wait3A_170 = arith.constant 2496 : i32
        %dma_wait3A_171 = arith.constant 0 : i32
        %dma_wait3A_172 = tpu.memref_slice %arg3[%run_scoped3A, %dma_wait3A_170, %dma_wait3A_171] : memref<2x2500x128xi32, #tpu.memory_space<hbm>> -> memref<1x4x128xi32, #tpu.memory_space<hbm>>
        %dma_wait3A_173 = tpu.memref_squeeze %dma_wait3A_172 : memref<1x4x128xi32, #tpu.memory_space<hbm>> -> memref<4x128xi32, #tpu.memory_space<hbm>>
        tpu.wait_dma2 semaphore(%run_scoped3A_145 : memref<!tpu.dma_semaphore, #tpu.memory_space<semaphore_mem>>) src(%dma_wait3A_173 : memref<4x128xi32, #tpu.memory_space<hbm>>) dst(%dma_wait3A_169 : memref<4x128xi32, #tpu.memory_space<vmem>>)
        tpu.yield
      }) : () -> ()
      %run_scoped3A_34 = arith.constant 1 : i32
      "tpu.region"() ({
        %run_scoped3A_145 = tpu.sem_alloc : memref<!tpu.dma_semaphore, #tpu.memory_space<semaphore_mem>>
        %dma_start3A_146 = arith.constant 0 : i32
        %dma_start3A_147 = arith.constant 0 : i32
        %dma_start3A_148 = tpu.memref_slice %arg6[%dma_start3A_146, %dma_start3A_147] : memref<8x128xi32, #tpu.memory_space<vmem>> -> memref<4x128xi32, #tpu.memory_space<vmem>>
        %dma_start3A_149 = arith.constant 2496 : i32
        %dma_start3A_150 = arith.constant 0 : i32
        %dma_start3A_151 = tpu.memref_slice %arg3[%run_scoped3A_34, %dma_start3A_149, %dma_start3A_150] : memref<2x2500x128xi32, #tpu.memory_space<hbm>> -> memref<1x4x128xi32, #tpu.memory_space<hbm>>
        %dma_start3A_152 = tpu.memref_squeeze %dma_start3A_151 : memref<1x4x128xi32, #tpu.memory_space<hbm>> -> memref<4x128xi32, #tpu.memory_space<hbm>>
        %dma_start3A_153 = arith.constant 0 : i32
        %dma_start3A_154 = arith.constant 0 : i32
        %dma_start3A_155 = tpu.memref_slice %arg6[%dma_start3A_153, %dma_start3A_154] : memref<8x128xi32, #tpu.memory_space<vmem>> -> memref<4x128xi32, #tpu.memory_space<vmem>>
        %dma_start3A_156 = arith.constant 2496 : i32
        %dma_start3A_157 = arith.constant 0 : i32
        %dma_start3A_158 = tpu.memref_slice %arg3[%run_scoped3A_34, %dma_start3A_156, %dma_start3A_157] : memref<2x2500x128xi32, #tpu.memory_space<hbm>> -> memref<1x4x128xi32, #tpu.memory_space<hbm>>
        %dma_start3A_159 = tpu.memref_squeeze %dma_start3A_158 : memref<1x4x128xi32, #tpu.memory_space<hbm>> -> memref<4x128xi32, #tpu.memory_space<hbm>>
        tpu.enqueue_dma source(%dma_start3A_159 : memref<4x128xi32, #tpu.memory_space<hbm>>) target(%dma_start3A_155 : memref<4x128xi32, #tpu.memory_space<vmem>>) target_semaphore(%run_scoped3A_145 : memref<!tpu.dma_semaphore, #tpu.memory_space<semaphore_mem>>)
        %dma_wait3A_160 = arith.constant 0 : i32
        %dma_wait3A_161 = arith.constant 0 : i32
        %dma_wait3A_162 = tpu.memref_slice %arg6[%dma_wait3A_160, %dma_wait3A_161] : memref<8x128xi32, #tpu.memory_space<vmem>> -> memref<4x128xi32, #tpu.memory_space<vmem>>
        %dma_wait3A_163 = arith.constant 2496 : i32
        %dma_wait3A_164 = arith.constant 0 : i32
        %dma_wait3A_165 = tpu.memref_slice %arg3[%run_scoped3A_34, %dma_wait3A_163, %dma_wait3A_164] : memref<2x2500x128xi32, #tpu.memory_space<hbm>> -> memref<1x4x128xi32, #tpu.memory_space<hbm>>
        %dma_wait3A_166 = tpu.memref_squeeze %dma_wait3A_165 : memref<1x4x128xi32, #tpu.memory_space<hbm>> -> memref<4x128xi32, #tpu.memory_space<hbm>>
        %dma_wait3A_167 = arith.constant 0 : i32
        %dma_wait3A_168 = arith.constant 0 : i32
        %dma_wait3A_169 = tpu.memref_slice %arg6[%dma_wait3A_167, %dma_wait3A_168] : memref<8x128xi32, #tpu.memory_space<vmem>> -> memref<4x128xi32, #tpu.memory_space<vmem>>
        %dma_wait3A_170 = arith.constant 2496 : i32
        %dma_wait3A_171 = arith.constant 0 : i32
        %dma_wait3A_172 = tpu.memref_slice %arg3[%run_scoped3A_34, %dma_wait3A_170, %dma_wait3A_171] : memref<2x2500x128xi32, #tpu.memory_space<hbm>> -> memref<1x4x128xi32, #tpu.memory_space<hbm>>
        %dma_wait3A_173 = tpu.memref_squeeze %dma_wait3A_172 : memref<1x4x128xi32, #tpu.memory_space<hbm>> -> memref<4x128xi32, #tpu.memory_space<hbm>>
        tpu.wait_dma2 semaphore(%run_scoped3A_145 : memref<!tpu.dma_semaphore, #tpu.memory_space<semaphore_mem>>) src(%dma_wait3A_173 : memref<4x128xi32, #tpu.memory_space<hbm>>) dst(%dma_wait3A_169 : memref<4x128xi32, #tpu.memory_space<vmem>>)
        tpu.yield
      }) : () -> ()
      %dma_start3A = arith.constant 0 : i32
      %dma_start3A_35 = arith.constant 0 : i32
      %dma_start3A_36 = tpu.memref_slice %arg5[%dma_start3A, %dma_start3A_35] : memref<8x128xi32, #tpu.memory_space<vmem>> -> memref<1x128xi32, #tpu.memory_space<vmem>>
      %dma_start3A_37 = tpu.memref_squeeze %dma_start3A_36 : memref<1x128xi32, #tpu.memory_space<vmem>> -> memref<128xi32, #tpu.memory_space<vmem>>
      %dma_start3A_38 = arith.constant 0 : i32
      %dma_start3A_39 = arith.constant 0 : i32
      %dma_start3A_40 = tpu.memref_slice %arg2[%dma_start3A_38, %dma_start3A_39] : memref<10000x128xf32, #tpu.memory_space<hbm>> -> memref<10000x128xf32, #tpu.memory_space<hbm>>
      tpu.enqueue_indirect_dma source(%dma_start3A_40 : memref<10000x128xf32, #tpu.memory_space<hbm>>) target(%arg7 : memref<128x128xf32, #tpu.memory_space<vmem>>) offsets(%dma_start3A_37 : memref<128xi32, #tpu.memory_space<vmem>>) semaphore(%arg10 : memref<!tpu.dma_semaphore, #tpu.memory_space<semaphore_mem>>)
      %dma_start3A_41 = arith.constant 1 : i32
      %dma_start3A_42 = arith.constant 0 : i32
      %dma_start3A_43 = tpu.memref_slice %arg5[%dma_start3A_41, %dma_start3A_42] : memref<8x128xi32, #tpu.memory_space<vmem>> -> memref<1x128xi32, #tpu.memory_space<vmem>>
      %dma_start3A_44 = tpu.memref_squeeze %dma_start3A_43 : memref<1x128xi32, #tpu.memory_space<vmem>> -> memref<128xi32, #tpu.memory_space<vmem>>
      %dma_start3A_45 = arith.constant 0 : i32
      %dma_start3A_46 = arith.constant 0 : i32
      %dma_start3A_47 = tpu.memref_slice %arg2[%dma_start3A_45, %dma_start3A_46] : memref<10000x128xf32, #tpu.memory_space<hbm>> -> memref<10000x128xf32, #tpu.memory_space<hbm>>
      tpu.enqueue_indirect_dma source(%dma_start3A_47 : memref<10000x128xf32, #tpu.memory_space<hbm>>) target(%arg8 : memref<128x128xf32, #tpu.memory_space<vmem>>) offsets(%dma_start3A_44 : memref<128xi32, #tpu.memory_space<vmem>>) semaphore(%arg11 : memref<!tpu.dma_semaphore, #tpu.memory_space<semaphore_mem>>)
      %dma_wait3A = arith.constant 0 : i32
      %dma_wait3A_48 = arith.constant 0 : i32
      %dma_wait3A_49 = tpu.memref_slice %arg5[%dma_wait3A, %dma_wait3A_48] : memref<8x128xi32, #tpu.memory_space<vmem>> -> memref<1x128xi32, #tpu.memory_space<vmem>>
      %dma_wait3A_50 = tpu.memref_squeeze %dma_wait3A_49 : memref<1x128xi32, #tpu.memory_space<vmem>> -> memref<128xi32, #tpu.memory_space<vmem>>
      %dma_wait3A_51 = arith.constant 0 : i32
      %dma_wait3A_52 = arith.constant 0 : i32
      %dma_wait3A_53 = tpu.memref_slice %arg2[%dma_wait3A_51, %dma_wait3A_52] : memref<10000x128xf32, #tpu.memory_space<hbm>> -> memref<10000x128xf32, #tpu.memory_space<hbm>>
      tpu.wait_indirect_dma semaphore(%arg10 : memref<!tpu.dma_semaphore, #tpu.memory_space<semaphore_mem>>) src(%dma_wait3A_53 : memref<10000x128xf32, #tpu.memory_space<hbm>>) dst(%arg7 : memref<128x128xf32, #tpu.memory_space<vmem>>)
      %dma_start3A_54 = arith.constant 0 : i32
      %dma_start3A_55 = arith.constant 0 : i32
      %dma_start3A_56 = tpu.memref_slice %arg6[%dma_start3A_54, %dma_start3A_55] : memref<8x128xi32, #tpu.memory_space<vmem>> -> memref<1x128xi32, #tpu.memory_space<vmem>>
      %dma_start3A_57 = tpu.memref_squeeze %dma_start3A_56 : memref<1x128xi32, #tpu.memory_space<vmem>> -> memref<128xi32, #tpu.memory_space<vmem>>
      %dma_start3A_58 = arith.constant 0 : i32
      %dma_start3A_59 = arith.constant 0 : i32
      %dma_start3A_60 = tpu.memref_slice %arg9[%dma_start3A_58, %dma_start3A_59] : memref<10240x128xf32, #tpu.memory_space<vmem_shared>> -> memref<10240x128xf32, #tpu.memory_space<vmem_shared>>
      tpu.enqueue_indirect_dma source(%arg7 : memref<128x128xf32, #tpu.memory_space<vmem>>) target(%dma_start3A_60 : memref<10240x128xf32, #tpu.memory_space<vmem_shared>>) offsets(%dma_start3A_57 : memref<128xi32, #tpu.memory_space<vmem>>) semaphore(%arg12 : memref<!tpu.dma_semaphore, #tpu.memory_space<semaphore_mem>>) {add = true}
      %dma_wait3A_61 = arith.constant 0 : i32
      %dma_wait3A_62 = arith.constant 0 : i32
      %dma_wait3A_63 = tpu.memref_slice %arg6[%dma_wait3A_61, %dma_wait3A_62] : memref<8x128xi32, #tpu.memory_space<vmem>> -> memref<1x128xi32, #tpu.memory_space<vmem>>
      %dma_wait3A_64 = tpu.memref_squeeze %dma_wait3A_63 : memref<1x128xi32, #tpu.memory_space<vmem>> -> memref<128xi32, #tpu.memory_space<vmem>>
      %dma_wait3A_65 = arith.constant 0 : i32
      %dma_wait3A_66 = arith.constant 0 : i32
      %dma_wait3A_67 = tpu.memref_slice %arg9[%dma_wait3A_65, %dma_wait3A_66] : memref<10240x128xf32, #tpu.memory_space<vmem_shared>> -> memref<10240x128xf32, #tpu.memory_space<vmem_shared>>
      tpu.wait_indirect_dma semaphore(%arg12 : memref<!tpu.dma_semaphore, #tpu.memory_space<semaphore_mem>>) src(%arg7 : memref<128x128xf32, #tpu.memory_space<vmem>>) dst(%dma_wait3A_67 : memref<10240x128xf32, #tpu.memory_space<vmem_shared>>)
      %dma_start3A_68 = arith.constant 2 : i32
      %dma_start3A_69 = arith.constant 0 : i32
      %dma_start3A_70 = tpu.memref_slice %arg5[%dma_start3A_68, %dma_start3A_69] : memref<8x128xi32, #tpu.memory_space<vmem>> -> memref<1x128xi32, #tpu.memory_space<vmem>>
      %dma_start3A_71 = tpu.memref_squeeze %dma_start3A_70 : memref<1x128xi32, #tpu.memory_space<vmem>> -> memref<128xi32, #tpu.memory_space<vmem>>
      %dma_start3A_72 = arith.constant 0 : i32
      %dma_start3A_73 = arith.constant 0 : i32
      %dma_start3A_74 = tpu.memref_slice %arg2[%dma_start3A_72, %dma_start3A_73] : memref<10000x128xf32, #tpu.memory_space<hbm>> -> memref<10000x128xf32, #tpu.memory_space<hbm>>
      tpu.enqueue_indirect_dma source(%dma_start3A_74 : memref<10000x128xf32, #tpu.memory_space<hbm>>) target(%arg7 : memref<128x128xf32, #tpu.memory_space<vmem>>) offsets(%dma_start3A_71 : memref<128xi32, #tpu.memory_space<vmem>>) semaphore(%arg10 : memref<!tpu.dma_semaphore, #tpu.memory_space<semaphore_mem>>)
      %dma_wait3A_75 = arith.constant 1 : i32
      %dma_wait3A_76 = arith.constant 0 : i32
      %dma_wait3A_77 = tpu.memref_slice %arg5[%dma_wait3A_75, %dma_wait3A_76] : memref<8x128xi32, #tpu.memory_space<vmem>> -> memref<1x128xi32, #tpu.memory_space<vmem>>
      %dma_wait3A_78 = tpu.memref_squeeze %dma_wait3A_77 : memref<1x128xi32, #tpu.memory_space<vmem>> -> memref<128xi32, #tpu.memory_space<vmem>>
      %dma_wait3A_79 = arith.constant 0 : i32
      %dma_wait3A_80 = arith.constant 0 : i32
      %dma_wait3A_81 = tpu.memref_slice %arg2[%dma_wait3A_79, %dma_wait3A_80] : memref<10000x128xf32, #tpu.memory_space<hbm>> -> memref<10000x128xf32, #tpu.memory_space<hbm>>
      tpu.wait_indirect_dma semaphore(%arg11 : memref<!tpu.dma_semaphore, #tpu.memory_space<semaphore_mem>>) src(%dma_wait3A_81 : memref<10000x128xf32, #tpu.memory_space<hbm>>) dst(%arg8 : memref<128x128xf32, #tpu.memory_space<vmem>>)
      %dma_start3A_82 = arith.constant 1 : i32
      %dma_start3A_83 = arith.constant 0 : i32
      %dma_start3A_84 = tpu.memref_slice %arg6[%dma_start3A_82, %dma_start3A_83] : memref<8x128xi32, #tpu.memory_space<vmem>> -> memref<1x128xi32, #tpu.memory_space<vmem>>
      %dma_start3A_85 = tpu.memref_squeeze %dma_start3A_84 : memref<1x128xi32, #tpu.memory_space<vmem>> -> memref<128xi32, #tpu.memory_space<vmem>>
      %dma_start3A_86 = arith.constant 0 : i32
      %dma_start3A_87 = arith.constant 0 : i32
      %dma_start3A_88 = tpu.memref_slice %arg9[%dma_start3A_86, %dma_start3A_87] : memref<10240x128xf32, #tpu.memory_space<vmem_shared>> -> memref<10240x128xf32, #tpu.memory_space<vmem_shared>>
      tpu.enqueue_indirect_dma source(%arg8 : memref<128x128xf32, #tpu.memory_space<vmem>>) target(%dma_start3A_88 : memref<10240x128xf32, #tpu.memory_space<vmem_shared>>) offsets(%dma_start3A_85 : memref<128xi32, #tpu.memory_space<vmem>>) semaphore(%arg13 : memref<!tpu.dma_semaphore, #tpu.memory_space<semaphore_mem>>) {add = true}
      %dma_wait3A_89 = arith.constant 1 : i32
      %dma_wait3A_90 = arith.constant 0 : i32
      %dma_wait3A_91 = tpu.memref_slice %arg6[%dma_wait3A_89, %dma_wait3A_90] : memref<8x128xi32, #tpu.memory_space<vmem>> -> memref<1x128xi32, #tpu.memory_space<vmem>>
      %dma_wait3A_92 = tpu.memref_squeeze %dma_wait3A_91 : memref<1x128xi32, #tpu.memory_space<vmem>> -> memref<128xi32, #tpu.memory_space<vmem>>
      %dma_wait3A_93 = arith.constant 0 : i32
      %dma_wait3A_94 = arith.constant 0 : i32
      %dma_wait3A_95 = tpu.memref_slice %arg9[%dma_wait3A_93, %dma_wait3A_94] : memref<10240x128xf32, #tpu.memory_space<vmem_shared>> -> memref<10240x128xf32, #tpu.memory_space<vmem_shared>>
      tpu.wait_indirect_dma semaphore(%arg13 : memref<!tpu.dma_semaphore, #tpu.memory_space<semaphore_mem>>) src(%arg8 : memref<128x128xf32, #tpu.memory_space<vmem>>) dst(%dma_wait3A_95 : memref<10240x128xf32, #tpu.memory_space<vmem_shared>>)
      %dma_start3A_96 = arith.constant 3 : i32
      %dma_start3A_97 = arith.constant 0 : i32
      %dma_start3A_98 = tpu.memref_slice %arg5[%dma_start3A_96, %dma_start3A_97] : memref<8x128xi32, #tpu.memory_space<vmem>> -> memref<1x128xi32, #tpu.memory_space<vmem>>
      %dma_start3A_99 = tpu.memref_squeeze %dma_start3A_98 : memref<1x128xi32, #tpu.memory_space<vmem>> -> memref<128xi32, #tpu.memory_space<vmem>>
      %dma_start3A_100 = arith.constant 0 : i32
      %dma_start3A_101 = arith.constant 0 : i32
      %dma_start3A_102 = tpu.memref_slice %arg2[%dma_start3A_100, %dma_start3A_101] : memref<10000x128xf32, #tpu.memory_space<hbm>> -> memref<10000x128xf32, #tpu.memory_space<hbm>>
      tpu.enqueue_indirect_dma source(%dma_start3A_102 : memref<10000x128xf32, #tpu.memory_space<hbm>>) target(%arg8 : memref<128x128xf32, #tpu.memory_space<vmem>>) offsets(%dma_start3A_99 : memref<128xi32, #tpu.memory_space<vmem>>) semaphore(%arg11 : memref<!tpu.dma_semaphore, #tpu.memory_space<semaphore_mem>>)
      %dma_wait3A_103 = arith.constant 2 : i32
      %dma_wait3A_104 = arith.constant 0 : i32
      %dma_wait3A_105 = tpu.memref_slice %arg5[%dma_wait3A_103, %dma_wait3A_104] : memref<8x128xi32, #tpu.memory_space<vmem>> -> memref<1x128xi32, #tpu.memory_space<vmem>>
      %dma_wait3A_106 = tpu.memref_squeeze %dma_wait3A_105 : memref<1x128xi32, #tpu.memory_space<vmem>> -> memref<128xi32, #tpu.memory_space<vmem>>
      %dma_wait3A_107 = arith.constant 0 : i32
      %dma_wait3A_108 = arith.constant 0 : i32
      %dma_wait3A_109 = tpu.memref_slice %arg2[%dma_wait3A_107, %dma_wait3A_108] : memref<10000x128xf32, #tpu.memory_space<hbm>> -> memref<10000x128xf32, #tpu.memory_space<hbm>>
      tpu.wait_indirect_dma semaphore(%arg10 : memref<!tpu.dma_semaphore, #tpu.memory_space<semaphore_mem>>) src(%dma_wait3A_109 : memref<10000x128xf32, #tpu.memory_space<hbm>>) dst(%arg7 : memref<128x128xf32, #tpu.memory_space<vmem>>)
      %dma_start3A_110 = arith.constant 2 : i32
      %dma_start3A_111 = arith.constant 0 : i32
      %dma_start3A_112 = tpu.memref_slice %arg6[%dma_start3A_110, %dma_start3A_111] : memref<8x128xi32, #tpu.memory_space<vmem>> -> memref<1x128xi32, #tpu.memory_space<vmem>>
      %dma_start3A_113 = tpu.memref_squeeze %dma_start3A_112 : memref<1x128xi32, #tpu.memory_space<vmem>> -> memref<128xi32, #tpu.memory_space<vmem>>
      %dma_start3A_114 = arith.constant 0 : i32
      %dma_start3A_115 = arith.constant 0 : i32
      %dma_start3A_116 = tpu.memref_slice %arg9[%dma_start3A_114, %dma_start3A_115] : memref<10240x128xf32, #tpu.memory_space<vmem_shared>> -> memref<10240x128xf32, #tpu.memory_space<vmem_shared>>
      tpu.enqueue_indirect_dma source(%arg7 : memref<128x128xf32, #tpu.memory_space<vmem>>) target(%dma_start3A_116 : memref<10240x128xf32, #tpu.memory_space<vmem_shared>>) offsets(%dma_start3A_113 : memref<128xi32, #tpu.memory_space<vmem>>) semaphore(%arg12 : memref<!tpu.dma_semaphore, #tpu.memory_space<semaphore_mem>>) {add = true}
      %dma_wait3A_117 = arith.constant 3 : i32
      %dma_wait3A_118 = arith.constant 0 : i32
      %dma_wait3A_119 = tpu.memref_slice %arg5[%dma_wait3A_117, %dma_wait3A_118] : memref<8x128xi32, #tpu.memory_space<vmem>> -> memref<1x128xi32, #tpu.memory_space<vmem>>
      %dma_wait3A_120 = tpu.memref_squeeze %dma_wait3A_119 : memref<1x128xi32, #tpu.memory_space<vmem>> -> memref<128xi32, #tpu.memory_space<vmem>>
      %dma_wait3A_121 = arith.constant 0 : i32
      %dma_wait3A_122 = arith.constant 0 : i32
      %dma_wait3A_123 = tpu.memref_slice %arg2[%dma_wait3A_121, %dma_wait3A_122] : memref<10000x128xf32, #tpu.memory_space<hbm>> -> memref<10000x128xf32, #tpu.memory_space<hbm>>
      tpu.wait_indirect_dma semaphore(%arg11 : memref<!tpu.dma_semaphore, #tpu.memory_space<semaphore_mem>>) src(%dma_wait3A_123 : memref<10000x128xf32, #tpu.memory_space<hbm>>) dst(%arg8 : memref<128x128xf32, #tpu.memory_space<vmem>>)
      %dma_wait3A_124 = arith.constant 2 : i32
      %dma_wait3A_125 = arith.constant 0 : i32
      %dma_wait3A_126 = tpu.memref_slice %arg6[%dma_wait3A_124, %dma_wait3A_125] : memref<8x128xi32, #tpu.memory_space<vmem>> -> memref<1x128xi32, #tpu.memory_space<vmem>>
      %dma_wait3A_127 = tpu.memref_squeeze %dma_wait3A_126 : memref<1x128xi32, #tpu.memory_space<vmem>> -> memref<128xi32, #tpu.memory_space<vmem>>
      %dma_wait3A_128 = arith.constant 0 : i32
      %dma_wait3A_129 = arith.constant 0 : i32
      %dma_wait3A_130 = tpu.memref_slice %arg9[%dma_wait3A_128, %dma_wait3A_129] : memref<10240x128xf32, #tpu.memory_space<vmem_shared>> -> memref<10240x128xf32, #tpu.memory_space<vmem_shared>>
      tpu.wait_indirect_dma semaphore(%arg12 : memref<!tpu.dma_semaphore, #tpu.memory_space<semaphore_mem>>) src(%arg7 : memref<128x128xf32, #tpu.memory_space<vmem>>) dst(%dma_wait3A_130 : memref<10240x128xf32, #tpu.memory_space<vmem_shared>>)
      %dma_start3A_131 = arith.constant 3 : i32
      %dma_start3A_132 = arith.constant 0 : i32
      %dma_start3A_133 = tpu.memref_slice %arg6[%dma_start3A_131, %dma_start3A_132] : memref<8x128xi32, #tpu.memory_space<vmem>> -> memref<1x128xi32, #tpu.memory_space<vmem>>
      %dma_start3A_134 = tpu.memref_squeeze %dma_start3A_133 : memref<1x128xi32, #tpu.memory_space<vmem>> -> memref<128xi32, #tpu.memory_space<vmem>>
      %dma_start3A_135 = arith.constant 0 : i32
      %dma_start3A_136 = arith.constant 0 : i32
      %dma_start3A_137 = tpu.memref_slice %arg9[%dma_start3A_135, %dma_start3A_136] : memref<10240x128xf32, #tpu.memory_space<vmem_shared>> -> memref<10240x128xf32, #tpu.memory_space<vmem_shared>>
      tpu.enqueue_indirect_dma source(%arg8 : memref<128x128xf32, #tpu.memory_space<vmem>>) target(%dma_start3A_137 : memref<10240x128xf32, #tpu.memory_space<vmem_shared>>) offsets(%dma_start3A_134 : memref<128xi32, #tpu.memory_space<vmem>>) semaphore(%arg13 : memref<!tpu.dma_semaphore, #tpu.memory_space<semaphore_mem>>) {add = true}
      %dma_wait3A_138 = arith.constant 3 : i32
      %dma_wait3A_139 = arith.constant 0 : i32
      %dma_wait3A_140 = tpu.memref_slice %arg6[%dma_wait3A_138, %dma_wait3A_139] : memref<8x128xi32, #tpu.memory_space<vmem>> -> memref<1x128xi32, #tpu.memory_space<vmem>>
      %dma_wait3A_141 = tpu.memref_squeeze %dma_wait3A_140 : memref<1x128xi32, #tpu.memory_space<vmem>> -> memref<128xi32, #tpu.memory_space<vmem>>
      %dma_wait3A_142 = arith.constant 0 : i32
      %dma_wait3A_143 = arith.constant 0 : i32
      %dma_wait3A_144 = tpu.memref_slice %arg9[%dma_wait3A_142, %dma_wait3A_143] : memref<10240x128xf32, #tpu.memory_space<vmem_shared>> -> memref<10240x128xf32, #tpu.memory_space<vmem_shared>>
      tpu.wait_indirect_dma semaphore(%arg13 : memref<!tpu.dma_semaphore, #tpu.memory_space<semaphore_mem>>) src(%arg8 : memref<128x128xf32, #tpu.memory_space<vmem>>) dst(%dma_wait3A_144 : memref<10240x128xf32, #tpu.memory_space<vmem_shared>>)
    } else {
    }
    %barrier3A_29 = arith.constant 0 : index
    tpu.barrier barrier_id(%barrier3A_29)
    %mul3A_30 = arith.constant 640 : i32
    %mul3A_31 = arith.muli %arg1, %mul3A_30 : i32
    %mul3A_32 = arith.constant 640 : i32
    %mul3A_33 = arith.muli %arg1, %mul3A_32 : i32
    "tpu.region"() ({
      %run_scoped3A = tpu.sem_alloc : memref<!tpu.dma_semaphore, #tpu.memory_space<semaphore_mem>>
      %dma_start3A = arith.constant 0 : i32
      %dma_start3A_34 = tpu.memref_slice %arg4[%arg0, %mul3A_33, %dma_start3A] : memref<2x10240x128xf32, #tpu.memory_space<hbm>> -> memref<1x640x128xf32, #tpu.memory_space<hbm>>
      %dma_start3A_35 = tpu.memref_squeeze %dma_start3A_34 : memref<1x640x128xf32, #tpu.memory_space<hbm>> -> memref<640x128xf32, #tpu.memory_space<hbm>>
      %dma_start3A_36 = arith.constant 0 : i32
      %dma_start3A_37 = tpu.memref_slice %arg9[%mul3A_31, %dma_start3A_36] : memref<10240x128xf32, #tpu.memory_space<vmem_shared>> -> memref<640x128xf32, #tpu.memory_space<vmem_shared>>
      tpu.enqueue_dma source(%dma_start3A_37 : memref<640x128xf32, #tpu.memory_space<vmem_shared>>) target(%dma_start3A_35 : memref<640x128xf32, #tpu.memory_space<hbm>>) target_semaphore(%run_scoped3A : memref<!tpu.dma_semaphore, #tpu.memory_space<semaphore_mem>>)
      %dma_wait3A = arith.constant 0 : i32
      %dma_wait3A_38 = tpu.memref_slice %arg4[%arg0, %mul3A_33, %dma_wait3A] : memref<2x10240x128xf32, #tpu.memory_space<hbm>> -> memref<1x640x128xf32, #tpu.memory_space<hbm>>
      %dma_wait3A_39 = tpu.memref_squeeze %dma_wait3A_38 : memref<1x640x128xf32, #tpu.memory_space<hbm>> -> memref<640x128xf32, #tpu.memory_space<hbm>>
      %dma_wait3A_40 = arith.constant 0 : i32
      %dma_wait3A_41 = tpu.memref_slice %arg9[%mul3A_31, %dma_wait3A_40] : memref<10240x128xf32, #tpu.memory_space<vmem_shared>> -> memref<640x128xf32, #tpu.memory_space<vmem_shared>>
      tpu.wait_dma2 semaphore(%run_scoped3A : memref<!tpu.dma_semaphore, #tpu.memory_space<semaphore_mem>>) src(%dma_wait3A_41 : memref<640x128xf32, #tpu.memory_space<vmem_shared>>) dst(%dma_wait3A_39 : memref<640x128xf32, #tpu.memory_space<hbm>>)
      tpu.yield
    }) : () -> ()
    return
  }
}

module attributes {stable_mosaic.version = 14 : i64} {
  func.func @_mm_body(%arg0: i32, %arg1: memref<2000x128xf32, #tpu.memory_space<vmem>>, %arg2: memref<128x128xf32, #tpu.memory_space<vmem>>, %arg3: memref<2000x128xf32, #tpu.memory_space<vmem>>) attributes {dimension_semantics = [#tpu.dimension_semantics<arbitrary>], iteration_bounds = array<i64: 5>, scalar_prefetch = 0 : i64, scratch_operands = 0 : i64, tpu.core_type = #tpu.core_type<tc>, window_params = [{transform_indices = @transform_0, window_bounds = array<i64: 2000, 128>}, {pipeline_mode = #tpu.pipeline_mode<synchronous>, transform_indices = @transform_1, window_bounds = array<i64: 128, 128>}, {transform_indices = @transform_2, window_bounds = array<i64: 2000, 128>}]} {
    %get3A = arith.constant 0 : index
    %get3A_0 = arith.constant 0 : index
    %get3A_1 = vector.load %arg1[%get3A, %get3A_0] : memref<2000x128xf32, #tpu.memory_space<vmem>>, vector<2000x128xf32>
    %get3A_2 = arith.constant 0 : index
    %get3A_3 = arith.constant 0 : index
    %get3A_4 = vector.load %arg2[%get3A_2, %get3A_3] : memref<128x128xf32, #tpu.memory_space<vmem>>, vector<128x128xf32>
    %dot_general3A = arith.constant dense<0.000000e+00> : vector<2000x128xf32>
    %dot_general3A_5 = tpu.matmul %get3A_1, %get3A_4, %dot_general3A {dimension_numbers = #tpu.dot_dimension_numbers<[1], [0], [0], [1], [0, 0, 1, 1], [], []>, transpose_lhs_hint = false} : vector<2000x128xf32>, vector<128x128xf32>, vector<2000x128xf32> -> vector<2000x128xf32>
    %swap3A = arith.constant 0 : index
    %swap3A_6 = arith.constant 0 : index
    %swap3A_7 = vector.load %arg3[%swap3A, %swap3A_6] : memref<2000x128xf32, #tpu.memory_space<vmem>>, vector<2000x128xf32>
    tpu.vector_store %arg3[%swap3A, %swap3A_6], %dot_general3A_5 {strides = array<i32>} : memref<2000x128xf32, #tpu.memory_space<vmem>>, vector<2000x128xf32>,
    return
  }
  func.func @transform_0(%arg0: i32) -> (i32, i32) {
    %c0_i32 = arith.constant 0 : i32
    %c0_i32_0 = arith.constant 0 : i32
    return %arg0, %c0_i32 : i32, i32
  }
  func.func @transform_1(%arg0: i32) -> (i32, i32) {
    %c0_i32 = arith.constant 0 : i32
    %c0_i32_0 = arith.constant 0 : i32
    %c0_i32_1 = arith.constant 0 : i32
    return %c0_i32, %c0_i32_0 : i32, i32
  }
  func.func @transform_2(%arg0: i32) -> (i32, i32) {
    %c0_i32 = arith.constant 0 : i32
    %c0_i32_0 = arith.constant 0 : i32
    return %arg0, %c0_i32 : i32, i32
  }
}

module attributes {stable_mosaic.version = 14 : i64} {
  func.func @_comb_body(%arg0: i32, %arg1: memref<2000x128xf32, #tpu.memory_space<vmem>>, %arg2: memref<2000x1xf32, #tpu.memory_space<vmem>>, %arg3: memref<2000x1xf32, #tpu.memory_space<vmem>>, %arg4: memref<2000x128xf32, #tpu.memory_space<vmem>>, %arg5: memref<2000x1xf32, #tpu.memory_space<vmem>>) attributes {dimension_semantics = [#tpu.dimension_semantics<arbitrary>], iteration_bounds = array<i64: 5>, scalar_prefetch = 0 : i64, scratch_operands = 0 : i64, tpu.core_type = #tpu.core_type<tc>, window_params = [{transform_indices = @transform_0, window_bounds = array<i64: 2000, 128>}, {transform_indices = @transform_1, window_bounds = array<i64: 2000, 1>}, {transform_indices = @transform_2, window_bounds = array<i64: 2000, 1>}, {transform_indices = @transform_3, window_bounds = array<i64: 2000, 128>}, {transform_indices = @transform_4, window_bounds = array<i64: 2000, 1>}]} {
    %get3A = arith.constant 0 : index
    %get3A_0 = arith.constant 0 : index
    %get3A_1 = vector.load %arg2[%get3A, %get3A_0] : memref<2000x1xf32, #tpu.memory_space<vmem>>, vector<2000x1xf32>
    %get3A_2 = arith.constant 0 : index
    %get3A_3 = arith.constant 0 : index
    %get3A_4 = vector.load %arg3[%get3A_2, %get3A_3] : memref<2000x1xf32, #tpu.memory_space<vmem>>, vector<2000x1xf32>
    %add3A = arith.addf %get3A_1, %get3A_4 : vector<2000x1xf32>
    %add3A_5 = arith.constant 1.000000e+00 : f32
    %add3A_6 = vector.broadcast %add3A_5 : f32 to vector<2000x1xf32>
    %add3A_7 = arith.addf %add3A, %add3A_6 : vector<2000x1xf32>
    %rsqrt3A = math.rsqrt %add3A_7 : vector<2000x1xf32>
    %get3A_8 = arith.constant 0 : index
    %get3A_9 = arith.constant 0 : index
    %get3A_10 = vector.load %arg1[%get3A_8, %get3A_9] : memref<2000x128xf32, #tpu.memory_space<vmem>>, vector<2000x128xf32>
    %mul3A = vector.broadcast %rsqrt3A : vector<2000x1xf32> to vector<2000x128xf32>
    %mul3A_11 = arith.mulf %get3A_10, %mul3A : vector<2000x128xf32>
    %swap3A = arith.constant 0 : index
    %swap3A_12 = arith.constant 0 : index
    %swap3A_13 = vector.load %arg4[%swap3A, %swap3A_12] : memref<2000x128xf32, #tpu.memory_space<vmem>>, vector<2000x128xf32>
    tpu.vector_store %arg4[%swap3A, %swap3A_12], %mul3A_11 {strides = array<i32>} : memref<2000x128xf32, #tpu.memory_space<vmem>>, vector<2000x128xf32>,
    %swap3A_14 = arith.constant 0 : index
    %swap3A_15 = arith.constant 0 : index
    %swap3A_16 = vector.load %arg5[%swap3A_14, %swap3A_15] : memref<2000x1xf32, #tpu.memory_space<vmem>>, vector<2000x1xf32>
    tpu.vector_store %arg5[%swap3A_14, %swap3A_15], %rsqrt3A {strides = array<i32>} : memref<2000x1xf32, #tpu.memory_space<vmem>>, vector<2000x1xf32>,
    return
  }
  func.func @transform_0(%arg0: i32) -> (i32, i32) {
    %c0_i32 = arith.constant 0 : i32
    %c0_i32_0 = arith.constant 0 : i32
    return %arg0, %c0_i32 : i32, i32
  }
  func.func @transform_1(%arg0: i32) -> (i32, i32) {
    %c0_i32 = arith.constant 0 : i32
    %c0_i32_0 = arith.constant 0 : i32
    return %arg0, %c0_i32 : i32, i32
  }
  func.func @transform_2(%arg0: i32) -> (i32, i32) {
    %c0_i32 = arith.constant 0 : i32
    %c0_i32_0 = arith.constant 0 : i32
    return %arg0, %c0_i32 : i32, i32
  }
  func.func @transform_3(%arg0: i32) -> (i32, i32) {
    %c0_i32 = arith.constant 0 : i32
    %c0_i32_0 = arith.constant 0 : i32
    return %arg0, %c0_i32 : i32, i32
  }
  func.func @transform_4(%arg0: i32) -> (i32, i32) {
    %c0_i32 = arith.constant 0 : i32
    %c0_i32_0 = arith.constant 0 : i32
    return %arg0, %c0_i32 : i32, i32
  }
}

module attributes {stable_mosaic.version = 14 : i64} {
  func.func @_mid_body(%arg0: i32, %arg1: memref<2x2000x128xf32, #tpu.memory_space<vmem>>, %arg2: memref<2000x128xf32, #tpu.memory_space<vmem>>, %arg3: memref<2000x1xf32, #tpu.memory_space<vmem>>, %arg4: memref<1x128xf32, #tpu.memory_space<vmem>>, %arg5: memref<128x128xf32, #tpu.memory_space<vmem>>, %arg6: memref<2000x128xf32, #tpu.memory_space<vmem>>) attributes {dimension_semantics = [#tpu.dimension_semantics<arbitrary>], iteration_bounds = array<i64: 5>, scalar_prefetch = 0 : i64, scratch_operands = 0 : i64, tpu.core_type = #tpu.core_type<tc>, window_params = [{transform_indices = @transform_0, window_bounds = array<i64: 2, 2000, 128>}, {transform_indices = @transform_1, window_bounds = array<i64: 2000, 128>}, {transform_indices = @transform_2, window_bounds = array<i64: 2000, 1>}, {pipeline_mode = #tpu.pipeline_mode<synchronous>, transform_indices = @transform_3, window_bounds = array<i64: 1, 128>}, {pipeline_mode = #tpu.pipeline_mode<synchronous>, transform_indices = @transform_4, window_bounds = array<i64: 128, 128>}, {transform_indices = @transform_5, window_bounds = array<i64: 2000, 128>}]} {
    %get3A = arith.constant 0 : index
    %get3A_0 = arith.constant 0 : index
    %get3A_1 = vector.load %arg3[%get3A, %get3A_0] : memref<2000x1xf32, #tpu.memory_space<vmem>>, vector<2000x1xf32>
    %get3A_2 = arith.constant 0 : index
    %get3A_3 = arith.constant 0 : index
    %get3A_4 = arith.constant 0 : index
    %get3A_5 = vector.load %arg1[%get3A_2, %get3A_3, %get3A_4] : memref<2x2000x128xf32, #tpu.memory_space<vmem>>, vector<1x2000x128xf32>
    %get3A_6 = vector.shape_cast %get3A_5 : vector<1x2000x128xf32> to vector<2000x128xf32>
    %get3A_7 = arith.constant 1 : index
    %get3A_8 = arith.constant 0 : index
    %get3A_9 = arith.constant 0 : index
    %get3A_10 = vector.load %arg1[%get3A_7, %get3A_8, %get3A_9] : memref<2x2000x128xf32, #tpu.memory_space<vmem>>, vector<1x2000x128xf32>
    %get3A_11 = vector.shape_cast %get3A_10 : vector<1x2000x128xf32> to vector<2000x128xf32>
    %add3A = arith.addf %get3A_6, %get3A_11 : vector<2000x128xf32>
    %get3A_12 = arith.constant 0 : index
    %get3A_13 = arith.constant 0 : index
    %get3A_14 = vector.load %arg2[%get3A_12, %get3A_13] : memref<2000x128xf32, #tpu.memory_space<vmem>>, vector<2000x128xf32>
    %add3A_15 = arith.addf %add3A, %get3A_14 : vector<2000x128xf32>
    %mul3A = vector.broadcast %get3A_1 : vector<2000x1xf32> to vector<2000x128xf32>
    %mul3A_16 = arith.mulf %mul3A, %add3A_15 : vector<2000x128xf32>
    %get3A_17 = arith.constant 0 : index
    %get3A_18 = arith.constant 0 : index
    %get3A_19 = vector.load %arg4[%get3A_17, %get3A_18] : memref<1x128xf32, #tpu.memory_space<vmem>>, vector<1x128xf32>
    %add3A_20 = vector.broadcast %get3A_19 : vector<1x128xf32> to vector<2000x128xf32>
    %add3A_21 = arith.addf %mul3A_16, %add3A_20 : vector<2000x128xf32>
    %max3A = arith.constant 0.000000e+00 : f32
    %max3A_22 = vector.broadcast %max3A : f32 to vector<2000x128xf32>
    %max3A_23 = arith.maximumf %add3A_21, %max3A_22 : vector<2000x128xf32>
    %get3A_24 = arith.constant 0 : index
    %get3A_25 = arith.constant 0 : index
    %get3A_26 = vector.load %arg5[%get3A_24, %get3A_25] : memref<128x128xf32, #tpu.memory_space<vmem>>, vector<128x128xf32>
    %dot_general3A = arith.constant dense<0.000000e+00> : vector<2000x128xf32>
    %dot_general3A_27 = tpu.matmul %max3A_23, %get3A_26, %dot_general3A {dimension_numbers = #tpu.dot_dimension_numbers<[1], [0], [0], [1], [0, 0, 1, 1], [], []>, transpose_lhs_hint = false} : vector<2000x128xf32>, vector<128x128xf32>, vector<2000x128xf32> -> vector<2000x128xf32>
    %mul3A_28 = vector.broadcast %get3A_1 : vector<2000x1xf32> to vector<2000x128xf32>
    %mul3A_29 = arith.mulf %dot_general3A_27, %mul3A_28 : vector<2000x128xf32>
    %swap3A = arith.constant 0 : index
    %swap3A_30 = arith.constant 0 : index
    %swap3A_31 = vector.load %arg6[%swap3A, %swap3A_30] : memref<2000x128xf32, #tpu.memory_space<vmem>>, vector<2000x128xf32>
    tpu.vector_store %arg6[%swap3A, %swap3A_30], %mul3A_29 {strides = array<i32>} : memref<2000x128xf32, #tpu.memory_space<vmem>>, vector<2000x128xf32>,
    return
  }
  func.func @transform_0(%arg0: i32) -> (i32, i32, i32) {
    %c0_i32 = arith.constant 0 : i32
    %c0_i32_0 = arith.constant 0 : i32
    %c0_i32_1 = arith.constant 0 : i32
    return %c0_i32, %arg0, %c0_i32_0 : i32, i32, i32
  }
  func.func @transform_1(%arg0: i32) -> (i32, i32) {
    %c0_i32 = arith.constant 0 : i32
    %c0_i32_0 = arith.constant 0 : i32
    return %arg0, %c0_i32 : i32, i32
  }
  func.func @transform_2(%arg0: i32) -> (i32, i32) {
    %c0_i32 = arith.constant 0 : i32
    %c0_i32_0 = arith.constant 0 : i32
    return %arg0, %c0_i32 : i32, i32
  }
  func.func @transform_3(%arg0: i32) -> (i32, i32) {
    %c0_i32 = arith.constant 0 : i32
    %c0_i32_0 = arith.constant 0 : i32
    %c0_i32_1 = arith.constant 0 : i32
    return %c0_i32, %c0_i32_0 : i32, i32
  }
  func.func @transform_4(%arg0: i32) -> (i32, i32) {
    %c0_i32 = arith.constant 0 : i32
    %c0_i32_0 = arith.constant 0 : i32
    %c0_i32_1 = arith.constant 0 : i32
    return %c0_i32, %c0_i32_0 : i32, i32
  }
  func.func @transform_5(%arg0: i32) -> (i32, i32) {
    %c0_i32 = arith.constant 0 : i32
    %c0_i32_0 = arith.constant 0 : i32
    return %arg0, %c0_i32 : i32, i32
  }
}

module attributes {stable_mosaic.version = 14 : i64} {
  func.func @_fin_body(%arg0: i32, %arg1: memref<2x2000x128xf32, #tpu.memory_space<vmem>>, %arg2: memref<2000x128xf32, #tpu.memory_space<vmem>>, %arg3: memref<2000x1xf32, #tpu.memory_space<vmem>>, %arg4: memref<1x128xf32, #tpu.memory_space<vmem>>, %arg5: memref<2000x128xf32, #tpu.memory_space<vmem>>) attributes {dimension_semantics = [#tpu.dimension_semantics<arbitrary>], iteration_bounds = array<i64: 5>, scalar_prefetch = 0 : i64, scratch_operands = 0 : i64, tpu.core_type = #tpu.core_type<tc>, window_params = [{transform_indices = @transform_0, window_bounds = array<i64: 2, 2000, 128>}, {transform_indices = @transform_1, window_bounds = array<i64: 2000, 128>}, {transform_indices = @transform_2, window_bounds = array<i64: 2000, 1>}, {pipeline_mode = #tpu.pipeline_mode<synchronous>, transform_indices = @transform_3, window_bounds = array<i64: 1, 128>}, {transform_indices = @transform_4, window_bounds = array<i64: 2000, 128>}]} {
    %get3A = arith.constant 0 : index
    %get3A_0 = arith.constant 0 : index
    %get3A_1 = vector.load %arg3[%get3A, %get3A_0] : memref<2000x1xf32, #tpu.memory_space<vmem>>, vector<2000x1xf32>
    %get3A_2 = arith.constant 0 : index
    %get3A_3 = arith.constant 0 : index
    %get3A_4 = arith.constant 0 : index
    %get3A_5 = vector.load %arg1[%get3A_2, %get3A_3, %get3A_4] : memref<2x2000x128xf32, #tpu.memory_space<vmem>>, vector<1x2000x128xf32>
    %get3A_6 = vector.shape_cast %get3A_5 : vector<1x2000x128xf32> to vector<2000x128xf32>
    %get3A_7 = arith.constant 1 : index
    %get3A_8 = arith.constant 0 : index
    %get3A_9 = arith.constant 0 : index
    %get3A_10 = vector.load %arg1[%get3A_7, %get3A_8, %get3A_9] : memref<2x2000x128xf32, #tpu.memory_space<vmem>>, vector<1x2000x128xf32>
    %get3A_11 = vector.shape_cast %get3A_10 : vector<1x2000x128xf32> to vector<2000x128xf32>
    %add3A = arith.addf %get3A_6, %get3A_11 : vector<2000x128xf32>
    %get3A_12 = arith.constant 0 : index
    %get3A_13 = arith.constant 0 : index
    %get3A_14 = vector.load %arg2[%get3A_12, %get3A_13] : memref<2000x128xf32, #tpu.memory_space<vmem>>, vector<2000x128xf32>
    %add3A_15 = arith.addf %add3A, %get3A_14 : vector<2000x128xf32>
    %mul3A = vector.broadcast %get3A_1 : vector<2000x1xf32> to vector<2000x128xf32>
    %mul3A_16 = arith.mulf %mul3A, %add3A_15 : vector<2000x128xf32>
    %get3A_17 = arith.constant 0 : index
    %get3A_18 = arith.constant 0 : index
    %get3A_19 = vector.load %arg4[%get3A_17, %get3A_18] : memref<1x128xf32, #tpu.memory_space<vmem>>, vector<1x128xf32>
    %add3A_20 = vector.broadcast %get3A_19 : vector<1x128xf32> to vector<2000x128xf32>
    %add3A_21 = arith.addf %mul3A_16, %add3A_20 : vector<2000x128xf32>
    %max3A = arith.constant 0.000000e+00 : f32
    %max3A_22 = vector.broadcast %max3A : f32 to vector<2000x128xf32>
    %max3A_23 = arith.maximumf %add3A_21, %max3A_22 : vector<2000x128xf32>
    %swap3A = arith.constant 0 : index
    %swap3A_24 = arith.constant 0 : index
    %swap3A_25 = vector.load %arg5[%swap3A, %swap3A_24] : memref<2000x128xf32, #tpu.memory_space<vmem>>, vector<2000x128xf32>
    tpu.vector_store %arg5[%swap3A, %swap3A_24], %max3A_23 {strides = array<i32>} : memref<2000x128xf32, #tpu.memory_space<vmem>>, vector<2000x128xf32>,
    return
  }
  func.func @transform_0(%arg0: i32) -> (i32, i32, i32) {
    %c0_i32 = arith.constant 0 : i32
    %c0_i32_0 = arith.constant 0 : i32
    %c0_i32_1 = arith.constant 0 : i32
    return %c0_i32, %arg0, %c0_i32_0 : i32, i32, i32
  }
  func.func @transform_1(%arg0: i32) -> (i32, i32) {
    %c0_i32 = arith.constant 0 : i32
    %c0_i32_0 = arith.constant 0 : i32
    return %arg0, %c0_i32 : i32, i32
  }
  func.func @transform_2(%arg0: i32) -> (i32, i32) {
    %c0_i32 = arith.constant 0 : i32
    %c0_i32_0 = arith.constant 0 : i32
    return %arg0, %c0_i32 : i32, i32
  }
  func.func @transform_3(%arg0: i32) -> (i32, i32) {
    %c0_i32 = arith.constant 0 : i32
    %c0_i32_0 = arith.constant 0 : i32
    %c0_i32_1 = arith.constant 0 : i32
    return %c0_i32, %c0_i32_0 : i32, i32
  }
  func.func @transform_4(%arg0: i32) -> (i32, i32) {
    %c0_i32 = arith.constant 0 : i32
    %c0_i32_0 = arith.constant 0 : i32
    return %arg0, %c0_i32 : i32, i32
  }
}

</mosaic_0001>

<sc_bundles>
// kernel: kernel.12.cloned.1.call-start
scs
__scs_entry_jumppad:
0x0: {  	(pc) =	sbr.rel $0x88, $3  }
0x1: {  	(tag) =	ssettag $0x0;
	lr =	simm.s32 $0x1  }
0x2: {  	[smem:$0x3F9B] =	sst lr;
	_ =	strace $0xD0000000  }
0x3: {  	_ = 	snop  }
0x4: {  	_ = 	snop  }
0x5: {  	_ = 	snop  }
0x6: {  	_ = 	snop  }
0x7: {  	_ = 	snop  }
__scs_overlays_trampoline_lowered:
0x8: {  	[smem:$0x3FAA] =	sst s0  }
0x9: {  	[smem:$0x3FAB] =	sst s1  }
0xa: {  	[smem:$0x3FAC] =	sst s2  }
0xb: {  	[smem:$0x3FAD] =	sst s3  }
0xc: {  	[smem:$0x3FAE] =	sst s4  }
0xd: {  	[smem:$0x3FAF] =	sst s5  }
0xe: {  	[smem:$0x3FB0] =	sst s6  }
0xf: {  	[smem:$0x3FB1] =	sst s7  }
0x10: {  	[smem:$0x3FB2] =	sst s8  }
0x11: {  	[smem:$0x3FB3] =	sst s9;
	s0 =	simm.s32 @!p0 $0x0  }
0x12: {  	s1 =	sld [smem:$0x3F99];
	s0 =	simm.s32 @p0 $0x1  }
0x13: {  	[smem:$0x3FB4] =	sst s0;
	s0 =	simm.s32 @!p1 $0x0  }
0x14: {  	s2 =	sld [smem:$0x3F98];
	s0 =	simm.s32 @p1 $0x1  }
0x15: {  	[smem:$0x3FB5] =	sst s0;
	s0 =	simm.s32 @!p2 $0x0  }
0x16: {  	s3 =	sld [smem:$0x3FDB];
	s0 =	simm.s32 @p2 $0x1  }
0x17: {  	s4 =	simm.s32 $0x1BF5;
	[smem:$0x3FB7] =	sst s0  }
0x18: {  	s0 =	sld [smem:$0x3F9A];
	_ =	swait.ge [sflag:s4], $0x0  }
0x19: {  	s7 =	sld [smem:$0x3F9B]  }
0x1a: {  	s8 =	sadd.s32 $0xFFFFE003, lr  }
0x1b: {  	s9 =	sadd.s32 $0xFFFFFEF7, lr;
	s5 =	simm.s32 $0xFFFFFFFF;
	p2 =	slt.u32 s8, $0xFFFFF086  }
0x1c: {  	p1 =	slt.u32 s9, $0xF7A;
	s5 =	simm.s32 @!p2 $0x0  }
0x1d: {  	s5 =	simm.s32 @p1 $0x1;
	p0 =	seq.s32 s7, s2  }
0x1e: {  	s7 =	smul.u32 @!p0 $0xF7A, s2;
	p2 =	seq.s32 @!p0 s5, $0x0  }
0x1f: {  	s9 =	smul.u32 $0xF7A, s1;
	s8 =	simm.s32 @!p0 $0x1BF5;
	p2 =	por !p2, p0  }
0x20: {  	[sflag:s8] =	ssyncset.s32 @!p0 $0xFFFFF086;
	s6 =	sadd.s32 @!p0 s3, s7;
	s7 =	simm.s32 @!p0 $0x108  }
0x21: {  	s3 =	sadd.s32 s3, s9;
	s6 =	sadd.s32 @!p0 $0x88, s6;
	s7 =	simm.s32 @p2 $0x1082  }
0x22: {  	[simem:s7], [sflag:s8] =	dma.local @!p0 [hbm:s6], $0xF7A  }
0x23: {  	s9 =	sor.u32 $0xD0000000, s2;
	s6 =	simm.s32 $0x108;
	_ =	swait.ge @!p0 [sflag:s8], $0x0  }
0x24: {  	s3 =	sadd.s32 $0x88, s3;
	s6 =	simm.s32 @!p1 $0x1082;
	[sflag:s4] =	ssyncset.s32 $0xFFFFF086  }
0x25: {  	[simem:s6], [sflag:s4] =	dma.local [hbm:s3], $0xF7A  }
0x26: {  	[smem:$0x3F9B] =	sst s1;
	(tag) =	ssettag s2;
	_ =	strace s9  }
0x27: {  	s1 =	sld [smem:$0x3FAB]  }
0x28: {  	s2 =	sld [smem:$0x3FAC]  }
0x29: {  	s4 =	sld [smem:$0x3FAE]  }
0x2a: {  	p0 =	seq.s32 s5, $0x0;
	s5 =	sld [smem:$0x3FAF]  }
0x2b: {  	s6 =	sld [smem:$0x3FB0]  }
0x2c: {  	s7 =	sld [smem:$0x3FB1]  }
0x2d: {  	s3 =	simm.s32 $0x108;
	s8 =	sld [smem:$0x3FB2]  }
0x2e: {  	s3 =	simm.s32 @!p0 $0x1082;
	s9 =	sld [smem:$0x3FB3]  }
0x2f: {  	lr =	sadd.s32 s0, s3;
	s0 =	sld [smem:$0x3FAA]  }
0x30: {  	s3 =	sld [smem:$0x3FAD]  }
0x31: {  	[smem:$0x3FB6] =	sst s10  }
0x32: {  	s10 =	sld [smem:$0x3FB4];
	_ =	sdelay $0x3  }
0x33: {  	p0 =	seq.s32 s10, $0x1;
	s10 =	sld [smem:$0x3FB6];
	_ =	sdelay $0x3  }
0x34: {  	[smem:$0x3FB6] =	sst s10  }
0x35: {  	s10 =	sld [smem:$0x3FB5];
	_ =	sdelay $0x3  }
0x36: {  	p1 =	seq.s32 s10, $0x1;
	s10 =	sld [smem:$0x3FB6];
	_ =	sdelay $0x3  }
0x37: {  	[smem:$0x3FB6] =	sst s10  }
0x38: {  	s10 =	sld [smem:$0x3FB7]  }
0x39: {  	_ = 	snop;
	(pc) =	sbr.ind lr, $3  }
0x3a: {  	_ = 	snop  }
0x3b: {  	_ = 	snop  }
0x3c: {  	p2 =	seq.s32 s10, $0x1;
	s10 =	sld [smem:$0x3FB6]  }
0x3d: {  	_ =	shalt  }
0x3e: {  	_ =	shalt  }
0x3f: {  	_ =	shalt  }
0x40: {  	_ =	shalt  }
0x41: {  	_ =	shalt  }
0x42: {  	_ =	shalt  }
0x43: {  	_ =	shalt  }
0x44: {  	_ =	shalt  }
0x45: {  	_ =	shalt  }
0x46: {  	_ =	shalt  }
0x47: {  	_ =	shalt  }
0x48: {  	_ =	shalt  }
0x49: {  	_ =	shalt  }
0x4a: {  	_ =	shalt  }
0x4b: {  	_ =	shalt  }
0x4c: {  	_ =	shalt  }
0x4d: {  	_ =	shalt  }
0x4e: {  	_ =	shalt  }
0x4f: {  	_ =	shalt  }
0x50: {  	_ =	shalt  }
0x51: {  	_ =	shalt  }
0x52: {  	_ =	shalt  }
0x53: {  	_ =	shalt  }
0x54: {  	_ =	shalt  }
0x55: {  	_ =	shalt  }
0x56: {  	_ =	shalt  }
0x57: {  	_ =	shalt  }
0x58: {  	_ =	shalt  }
0x59: {  	_ =	shalt  }
0x5a: {  	_ =	shalt  }
0x5b: {  	_ =	shalt  }
0x5c: {  	_ =	shalt  }
0x5d: {  	_ =	shalt  }
0x5e: {  	_ =	shalt  }
0x5f: {  	_ =	shalt  }
0x60: {  	_ =	shalt  }
0x61: {  	_ =	shalt  }
0x62: {  	_ =	shalt  }
0x63: {  	_ =	shalt  }
0x64: {  	_ =	shalt  }
0x65: {  	_ =	shalt  }
0x66: {  	_ =	shalt  }
0x67: {  	_ =	shalt  }
0x68: {  	_ =	shalt  }
0x69: {  	_ =	shalt  }
0x6a: {  	_ =	shalt  }
0x6b: {  	_ =	shalt  }
0x6c: {  	_ =	shalt  }
0x6d: {  	_ =	shalt  }
0x6e: {  	_ =	shalt  }
0x6f: {  	_ =	shalt  }
0x70: {  	_ =	shalt  }
0x71: {  	_ =	shalt  }
0x72: {  	_ =	shalt  }
0x73: {  	_ =	shalt  }
0x74: {  	_ =	shalt  }
0x75: {  	_ =	shalt  }
0x76: {  	_ =	shalt  }
0x77: {  	_ =	shalt  }
0x78: {  	_ =	shalt  }
0x79: {  	_ =	shalt  }
0x7a: {  	_ =	shalt  }
0x7b: {  	_ =	shalt  }
0x7c: {  	_ =	shalt  }
0x7d: {  	_ =	shalt  }
0x7e: {  	_ =	shalt  }
0x7f: {  	_ =	shalt  }
0x80: {  	_ =	shalt  }
0x81: {  	_ =	shalt  }
0x82: {  	_ =	shalt  }
0x83: {  	_ =	shalt  }
0x84: {  	_ =	shalt  }
0x85: {  	_ =	shalt  }
0x86: {  	_ =	shalt  }
0x87: {  	_ =	shalt  }
.Lfunc_end0:
.L_simem_size_0:
called_computation.1_lowered:
.L_overlay_start_0:
0x88: {  	s2 =	sld [smem:$0x3FD9]  }
0x89: {  	s3 =	sld [smem:$0x3FFE];
	_ =	sdelay $0x1  }
0x8a: {  	s1 =	srdreg.scid  }
0x8b: {  	s0 =	sand.u32 $0x1, s1  }
0x8c: {  	s17 =	sshll.u32 s0, $0xA;
	s2 =	sadd.s32 s3, s2  }
0x8d: {  	s2 =	sadd.s32 s2, s17  }
0x8e: {  	[smem:$0x3FC2] =	sst s2  }
0x8f: {  	_ = 	snop  }
0x90: {  	s2 =	sld [smem:$0x3FD0];
	(tm) =	ssettm $0x1  }
0x91: {  	s18 =	sld [smem:$0x3FFB];
	_ =	sdelay $0x3  }
0x92: {  	_ =	strace s18  }
0x93: {  	s3 =	sld [smem:$0x3FFC];
	_ =	sdelay $0x3  }
0x94: {  	_ =	strace s3  }
0x95: {  	s3 =	sld [smem:$0x3FFD];
	_ =	sdelay $0x3  }
0x96: {  	_ =	strace s3  }
0x97: {  	_ =	strace $0x8FFFFFFF  }
0x98: {  	s19 =	sld [smem:$0x3FDB];
	_ =	sdelay $0x1  }
0x99: {  	s4 =	simm.s32 $_scs_section_size  }
0x9a: {  	s5 =	simm.s32 $_size__tile_overlayer_lowered;
	s6 =	simm.s32 $_tile_overlayer_lowered  }
0x9b: {  	s22 =	simm.s32 $0x1BFF;
	s21 =	sshll.u32 s6, $0x1;
	s3 =	sadd.s32 s4, s19  }
0x9c: {  	s7 =	simm.s32 $0x0;
	s20 =	sshll.u32 s5, $0x1;
	s5 =	sadd.s32 s21, s3  }
0x9d: {  	[timem:s7], [sflag:s22] =	dma.local [hbm:s5], s20  }
0x9e: {  	_ =	swait.ge [sflag:s22], s20  }
0x9f: {  	s4 =	ssub.s32 $0x0, s20;
	[sflag:s22] =	ssyncset.done $0x0  }
0xa0: {  	[sflag:s22] =	ssyncadd.s32 s4;
	_ =	sdelay $0x1  }
0xa1: {  	s23 =	simm.s32 $0x1B8B  }
0xa2: {  	_ =	swait.ge [sflag:s23], $0x1  }
0xa3: {  	[sflag:s23] =	ssyncset.done $0x0  }
0xa4: {  	s25 =	simm.s32 $0x1B8E;
	s24 =	sld [smem:$0x3FFE];
	[sflag:s23] =	ssyncadd.s32 $0xFFFFFFFF  }
0xa5: {  	s26 =	simm.s32 $execute0_lowered;
	[smem:$0x3FD2] =	sst s25  }
0xa6: {  	s5 =	sshll.u32 s26, $0x1;
	_ =	strace $0x80000049;
	[dreg:$0x1] =	wrdreg $0xFFFFFFFF  }
0xa7: {  	s28 =	simm.s32 $_size_execute0_lowered;
	s3 =	sadd.s32 s3, s5;
	[dreg:$0x0] =	wrdreg $0x0  }
0xa8: {  	s5 =	sshll.u32 s28, $0x1;
	[dreg:$0x2] =	wrdreg s3  }
0xa9: {  	[dreg:$0x3] =	wrdreg s5  }
0xaa: {  	[dreg:$0x4] =	wrdreg $0xC0  }
0xab: {  	_ =	task [dreg:s7], $0x5FFFF  }
0xac: {  	[dreg:$0x1] =	wrdreg $0xFFFFFFFF  }
0xad: {  	[dreg:$0x0] =	wrdreg $0x60  }
0xae: {  	[dreg:$0x2] =	wrdreg s2  }
0xaf: {  	[dreg:$0x3] =	wrdreg s24  }
0xb0: {  	[dreg:$0x4] =	wrdreg $0x88000  }
0xb1: {  	[dreg:$0x5] =	wrdreg $0x9  }
0xb2: {  	_ =	task.clear_ibuf [dreg:s7], $0x6FFFF;
	_ =	strace $0x90000049  }
0xb3: {  	s29 =	simm.s32 $0x9;
	_ =	strace $0x8000004B  }
0xb4: {  	_ =	swait.ge [sflag:s29], $0x1  }
0xb5: {  	[sflag:s29] =	ssyncadd.s32 $0xFFFFFFFF  }
0xb6: {  	_ =	strace $0x9000004B  }
0xb7: {  	_ =	sfence  }
0xb8: {  	s30 =	sld [smem:$0x0];
	_ =	sdelay $0x2  }
0xb9: {  	s31 =	sshll.u32 s1, $0xD;
	s1 =	sshrl.u32 s1, $0x2  }
0xba: {  	s3 =	sand.u32 $0x4000, s31;
	s1 =	sadd.s32 s1, s30  }
0xbb: {  	s0 =	sor.u32 s3, s0;
	s1 =	sshll.u32 s1, $0x11  }
0xbc: {  	s0 =	sor.u32 s1, s0  }
0xbd: {  	s0 =	sadd.s32 $0x8F2B, s0  }
0xbe: {  	[sflag:s0] =	ssyncadd.remote.s32 $0x1  }
0xbf: {  	_ =	sfence.sel $0xFFFF  }
0xc0: {  	[dreg:$0x0] =	wrdreg $0xFFFFFFFF;
	(pc) =	sbr.abs _section_cstart, $3  }
0xc1: {  	[dreg:$0x1] =	wrdreg $0xFFFFFFFF  }
0xc2: {  	_ =	task.clear_ibuf [dreg:s7], $0x2FFFF;
	_ =	strace $0x9FFFFFFF  }
0xc3: {  	(tm) =	ssettm $0x7FFFFFFF  }
tec
execute0_lowered:
.L_overlay_start_1:
0x0: {  	(tag) =	ssettag $0x1  }
0x1: {  	s0 =	rddreg [dreg:$0x0]  }
0x2: {  	s1 =	rddreg [dreg:$0x1]  }
0x3: {  	s2 =	srdreg.scid;
	s3 =	rddreg [dreg:$0x2]  }
0x4: {  	s12 =	stileid.u32;
	s4 =	simm.s32 $0x0;
	s28 =	simm.s32 $0x4  }
0x5: {  	s29 =	simm.s32 $0x180;
	s30 =	simm.s32 $0x500;
	s6 =	smul.u32 $0x14000, s12  }
0x6: {  	s31 =	simm.s32 $0x200;
	s2 =	sand.u32 $0x1, s2;
	s8 =	smul.u32 $0x50000, s12  }
0x7: {  	[smem:$0x7FF] =	sst s4;
	s7 =	sadd.s32 $0x2A00, s1;
	s23 =	smul.u32 $0x480, s12  }
0x8: {  	s16 =	sadd.s32 $0xC600, s1;
	s5 =	smul.u32 $0x140000, s2;
	_ =	strace $0x8000004A  }
0x9: {  	s13 =	sshll.u32 s2, $0x4;
	s9 =	ssub.s32 $0x2, s2;
	[dreg:$0x5] =	wrdreg s16  }
0xa: {  	s20 =	smul.u32 $0x4800, s2;
	s2 =	simm.s32 $0x380;
	s10 =	sshrl.u32 s9, $0x1  }
0xb: {  	s8 =	sshrl.u32 s8, $0x2;
	s5 =	sadd.s32 s6, s5;
	s6 =	sor.u32 s12, s13  }
0xc: {  	s9 =	ssub.s32 s9, s10;
	s15 =	sadd.s32 s8, s3;
	s8 =	simm.s32 $0x300  }
0xd: {  	s10 =	simm.s32 $0x700;
	s5 =	sshrl.u32 s5, $0x3;
	s11 =	sshll.u32 s6, $0x7  }
0xe: {  	s21 =	smax.u32 s9, $0x1;
	s22 =	sadd.s32 $0x4000, s15;
	[dreg:$0x4] =	wrdreg s15  }
0xf: {  	s24 =	sadd.s32 $0x8000, s15;
	s25 =	sadd.s32 $0xC000, s15;
	[dreg:$0xa] =	wrdreg s21  }
0x10: {  	s26 =	sadd.s32 $0x10000, s15;
	p0 =	sgt.u32 s6, $0x17;
	[dreg:$0xb] =	wrdreg s22  }
0x11: {  	p1 =	sne.s32 s6, $0x18;
	s6 =	simm.s32 $0x280;
	[dreg:$0xc] =	wrdreg s24  }
0x12: {  	s9 =	simm.s32 $0x680;
	s5 =	sadd.s32 s5, s1;
	[dreg:$0xd] =	wrdreg s25  }
0x13: {  	s14 =	sadd.s32 s11, s7;
	s1 =	sadd.s32 $0x16280, s1;
	[dreg:$0xe] =	wrdreg s26  }
0x14: {  	s21 =	simm.s32 $0x4800;
	s22 =	simm.s32 $0x1;
	s24 =	simm.s32 $0x100  }
0x15: {  	s25 =	simm.s32 $0x2;
	s26 =	simm.s32 $0x480;
	s11 =	simm.s32 $0x780  }
0x16: {  	[dreg:$0x6] =	wrdreg s1;
	s17 =	sadd.s32 $0x9000, s14;
	s18 =	sadd.s32 $0x12C80, s14  }
.Ltmp0:
0x17: {  	s19 =	sadd.s32 $0x16400, s5;
	[dreg:$0x7] =	wrdreg s17;
	(pc) =	sbr.rel .LBB2_1-.Ltmp0, $4  }
0x18: {  	s1 =	sadd.s32 s20, s7;
	s20 =	simm.s32 $0x80;
	[dreg:$0x8] =	wrdreg s18  }
0x19: {  	s7 =	simm.s32 $0x600;
	s14 =	simm.s32 $0x0;
	[dreg:$0x9] =	wrdreg s19  }
0x1a: {  	s16 =	sadd.s32 s23, s1;
	s17 =	simm.s32 $0x800;
	s18 =	simm.s32 $0x5  }
0x1b: {  	v0 =	vimm.f32 $0.0e+00;
	s19 =	simm.s32 $0x400;
	s23 =	simm.s32 $0x3;
	s1 =	simm.s32 $0x580  }
.LBB2_6:
0x1c: {  	s5 =	rddreg [dreg:$0x7]  }
0x1d: {  	[tilespmem:s4], [sflag:$0x5] =	stream.linear.gather [hbm4b:s5+s4], $0x400, $0x38;
	[tilespmem:$0x1C800] =	vst v63  }
0x1e: {  	_ =	swait.ge [sflag:s18], $0x400  }
0x1f: {  	[sflag:s18] =	ssyncset.done $0x0  }
0x20: {  	s13 =	rddreg [dreg:$0x8];
	[sflag:s18] =	ssyncadd.s32 $0xFFFFFC00  }
0x21: {  	[tilespmem:s19], [sflag:$0x5] =	stream.linear.gather [hbm4b:s13+s4], $0x400, $0x38;
	[tilespmem:$0x1C800] =	vst v63  }
0x22: {  	_ =	swait.ge [sflag:s18], $0x400  }
0x23: {  	[sflag:s18] =	ssyncset.done $0x0  }
0x24: {  	[sflag:s18] =	ssyncadd.s32 $0xFFFFFC00  }
0x25: {  	[tilespmem:s17], [sflag:$0x1] =	stream.indirect.gather [hbm4b:s0+s20], $0x80, s4, s20, $0xb8;
	[tilespmem:$0x1C800] =	vst v63  }
0x26: {  	_ = 	snop  }
0x27: {  	[tilespmem:s21], [sflag:$0x2] =	stream.indirect.gather [hbm4b:s0+s20], $0x80, s20, s20, $0xb8;
	[tilespmem:$0x1C800] =	vst v63  }
0x28: {  	_ =	swait.ge [sflag:s22], $0x4000  }
0x29: {  	[sflag:s22] =	ssyncset.done $0x0  }
0x2a: {  	[sflag:s22] =	ssyncadd.s32 $0xFFFFC000  }
0x2b: {  	[spmem:s3] =	stream.indirect.scatter.add.f32 [tilespmem:s17], [sflag:$0x3], $0x80, s19, s20, $0xb8;
	[tilespmem:$0x1C800] =	vst v63  }
0x2c: {  	_ =	swait.ge [sflag:s23], $0x4000  }
0x2d: {  	[sflag:s23] =	ssyncset.done $0x0  }
0x2e: {  	[sflag:s23] =	ssyncadd.s32 $0xFFFFC000  }
0x2f: {  	[tilespmem:s17], [sflag:$0x1] =	stream.indirect.gather [hbm4b:s0+s20], $0x80, s24, s20, $0xb8;
	[tilespmem:$0x1C800] =	vst v63  }
0x30: {  	_ =	swait.ge [sflag:s25], $0x4000  }
0x31: {  	[sflag:s25] =	ssyncset.done $0x0  }
0x32: {  	[sflag:s25] =	ssyncadd.s32 $0xFFFFC000  }
0x33: {  	[spmem:s3] =	stream.indirect.scatter.add.f32 [tilespmem:s21], [sflag:$0x4], $0x80, s26, s20, $0xb8;
	[tilespmem:$0x1C800] =	vst v63  }
0x34: {  	_ =	swait.ge [sflag:s28], $0x4000  }
0x35: {  	[sflag:s28] =	ssyncset.done $0x0  }
0x36: {  	[sflag:s28] =	ssyncadd.s32 $0xFFFFC000  }
0x37: {  	[tilespmem:s21], [sflag:$0x2] =	stream.indirect.gather [hbm4b:s0+s20], $0x80, s29, s20, $0xb8;
	[tilespmem:$0x1C800] =	vst v63  }
0x38: {  	_ =	swait.ge [sflag:s22], $0x4000  }
0x39: {  	[sflag:s22] =	ssyncset.done $0x0  }
0x3a: {  	[sflag:s22] =	ssyncadd.s32 $0xFFFFC000  }
0x3b: {  	[spmem:s3] =	stream.indirect.scatter.add.f32 [tilespmem:s17], [sflag:$0x3], $0x80, s30, s20, $0xb8;
	[tilespmem:$0x1C800] =	vst v63  }
0x3c: {  	_ =	swait.ge [sflag:s23], $0x4000  }
0x3d: {  	[sflag:s23] =	ssyncset.done $0x0  }
0x3e: {  	[sflag:s23] =	ssyncadd.s32 $0xFFFFC000  }
0x3f: {  	[tilespmem:s17], [sflag:$0x1] =	stream.indirect.gather [hbm4b:s0+s20], $0x80, s31, s20, $0xb8;
	[tilespmem:$0x1C800] =	vst v63  }
0x40: {  	_ =	swait.ge [sflag:s25], $0x4000  }
0x41: {  	s14 =	simm.s32 $0x780;
	[sflag:s25] =	ssyncset.done $0x0  }
0x42: {  	s15 =	simm.s32 $0x700;
	s12 =	simm.s32 $0x680;
	[sflag:s25] =	ssyncadd.s32 $0xFFFFC000  }
0x43: {  	[spmem:s3] =	stream.indirect.scatter.add.f32 [tilespmem:s21], [sflag:$0x4], $0x80, s1, s20, $0xb8;
	[tilespmem:$0x1C800] =	vst v63  }
0x44: {  	s5 =	simm.s32 $0x600;
	_ =	swait.ge [sflag:s28], $0x4000;
	[dreg:$0x10] =	wrdreg s14  }
0x45: {  	s13 =	simm.s32 $0x300;
	[dreg:$0x11] =	wrdreg s15;
	[sflag:s28] =	ssyncset.done $0x0  }
0x46: {  	s15 =	simm.s32 $0x380;
	s14 =	simm.s32 $0x280;
	[sflag:s28] =	ssyncadd.s32 $0xFFFFC000  }
.LBB2_9:
0x47: {  	[tilespmem:s21], [sflag:$0x2] =	stream.indirect.gather [hbm4b:s0+s20], $0x80, s14, s20, $0xb8;
	[tilespmem:$0x1C800] =	vst v63  }
0x48: {  	_ =	swait.ge [sflag:s22], $0x4000  }
0x49: {  	[sflag:s22] =	ssyncset.done $0x0  }
0x4a: {  	[sflag:s22] =	ssyncadd.s32 $0xFFFFC000  }
0x4b: {  	[spmem:s3] =	stream.indirect.scatter.add.f32 [tilespmem:s17], [sflag:$0x3], $0x80, s5, s20, $0xb8;
	[tilespmem:$0x1C800] =	vst v63  }
0x4c: {  	_ =	swait.ge [sflag:s23], $0x4000  }
0x4d: {  	[sflag:s23] =	ssyncset.done $0x0  }
0x4e: {  	[sflag:s23] =	ssyncadd.s32 $0xFFFFC000  }
0x4f: {  	[tilespmem:s17], [sflag:$0x1] =	stream.indirect.gather [hbm4b:s0+s20], $0x80, s13, s20, $0xb8;
	[tilespmem:$0x1C800] =	vst v63  }
0x50: {  	_ =	swait.ge [sflag:s25], $0x4000  }
0x51: {  	[sflag:s25] =	ssyncset.done $0x0  }
0x52: {  	[sflag:s25] =	ssyncadd.s32 $0xFFFFC000  }
0x53: {  	[spmem:s3] =	stream.indirect.scatter.add.f32 [tilespmem:s21], [sflag:$0x4], $0x80, s12, s20, $0xb8;
	[tilespmem:$0x1C800] =	vst v63  }
0x54: {  	_ =	swait.ge [sflag:s28], $0x4000  }
0x55: {  	[sflag:s28] =	ssyncset.done $0x0  }
0x56: {  	[sflag:s28] =	ssyncadd.s32 $0xFFFFC000  }
0x57: {  	[tilespmem:s21], [sflag:$0x2] =	stream.indirect.gather [hbm4b:s0+s20], $0x80, s15, s20, $0xb8;
	[tilespmem:$0x1C800] =	vst v63  }
0x58: {  	_ =	swait.ge [sflag:s22], $0x4000  }
0x59: {  	[sflag:s22] =	ssyncset.done $0x0  }
0x5a: {  	s14 =	rddreg [dreg:$0x11];
	[sflag:s22] =	ssyncadd.s32 $0xFFFFC000  }
0x5b: {  	[spmem:s3] =	stream.indirect.scatter.add.f32 [tilespmem:s17], [sflag:$0x3], $0x80, s14, s20, $0xb8;
	[tilespmem:$0x1C800] =	vst v63  }
0x5c: {  	_ =	swait.ge [sflag:s25], $0x4000  }
0x5d: {  	[sflag:s25] =	ssyncset.done $0x0  }
0x5e: {  	[sflag:s25] =	ssyncadd.s32 $0xFFFFC000  }
0x5f: {  	_ =	swait.ge [sflag:s23], $0x4000  }
0x60: {  	[sflag:s23] =	ssyncset.done $0x0  }
0x61: {  	s15 =	rddreg [dreg:$0x10];
	[sflag:s23] =	ssyncadd.s32 $0xFFFFC000  }
0x62: {  	[spmem:s3] =	stream.indirect.scatter.add.f32 [tilespmem:s21], [sflag:$0x4], $0x80, s15, s20, $0xb8;
	[tilespmem:$0x1C800] =	vst v63  }
0x63: {  	_ =	swait.ge [sflag:s28], $0x4000  }
0x64: {  	[sflag:s28] =	ssyncset.done $0x0;
	s15 =	rddreg [dreg:$0x4]  }
0x65: {  	s14 =	rddreg [dreg:$0xf];
	[sflag:s28] =	ssyncadd.s32 $0xFFFFC000  }
.LBB2_10:
0x66: {  	s5 =	stileid.u32  }
0x67: {  	[bflag:$0x0] =	sbarrier.arrive $0xFFFF;
	s5 =	sshll.u32 s5, $0x6  }
0x68: {  	s12 =	sshrl.u32 s15, $0x3;
	s13 =	rddreg [dreg:$0x9];
	s5 =	sor.u32 $0x1C05, s5  }
0x69: {  	[hbm:s13], [sflag:s5] =	dma.local [spmem:s12], $0x2800  }
0x6a: {  	_ =	swait.ge [sflag:s18], $0x2800  }
0x6b: {  	s14 =	sadd.s32 $0x1, s14;
	s13 =	rddreg [dreg:$0xa]  }
0x6c: {  	p2 =	sne.s32 s14, s13  }
.Ltmp1:
0x6d: {  	_ = 	snop;
	(pc) =	sbr.rel @!p2 .LBB2_11-.Ltmp1, $3  }
0x6e: {  	_ =	sdelay $0x1  }
0x6f: {  	[sflag:s18] =	ssyncset.done $0x0  }
0x70: {  	[sflag:s18] =	ssyncadd.s32 $0xFFFFD800  }
.LBB2_1:
0x71: {  	[dreg:$0xf] =	wrdreg s14;
	s13 =	simm.s32 $0x0;
	s14 =	simm.s32 $0x200  }
.LBB2_2:
0x72: {  	p2 =	sne.s32 s14, $0xFE00;
	[tilespmem:s13+$0x4870] =	vst v0  }
0x73: {  	[tilespmem:s13+$0x800] =	vst v0  }
0x74: {  	[tilespmem:s13+$0x4800] =	vst v0  }
0x75: {  	[tilespmem:s13+$0x810] =	vst v0  }
0x76: {  	[tilespmem:s13+$0x4810] =	vst v0  }
0x77: {  	[tilespmem:s13+$0x820] =	vst v0  }
0x78: {  	[tilespmem:s13+$0x4820] =	vst v0  }
0x79: {  	[tilespmem:s13+$0x830] =	vst v0  }
0x7a: {  	[tilespmem:s13+$0x4830] =	vst v0  }
0x7b: {  	[tilespmem:s13+$0x840] =	vst v0  }
0x7c: {  	[tilespmem:s13+$0x4840] =	vst v0  }
.Ltmp2:
0x7d: {  	[tilespmem:s13+$0x850] =	vst v0;
	(pc) =	sbr.rel @p2 .LBB2_2-.Ltmp2, $4  }
0x7e: {  	[tilespmem:s13+$0x4850] =	vst v0  }
0x7f: {  	[tilespmem:s13+$0x860] =	vst v0  }
0x80: {  	[tilespmem:s13+$0x4860] =	vst v0  }
0x81: {  	[tilespmem:s13+$0x870] =	vst v0;
	s13 =	sshra.s32 s14, $0x2;
	s14 =	sadd.s32 $0x200, s14  }
0x82: {  	[tilespmem:s13+$0x4870] =	vst v0  }
0x83: {  	[tilespmem:s13+$0x800] =	vst v0  }
0x84: {  	[tilespmem:s13+$0x4800] =	vst v0  }
0x85: {  	[tilespmem:s13+$0x810] =	vst v0  }
0x86: {  	[tilespmem:s13+$0x4810] =	vst v0  }
0x87: {  	[tilespmem:s13+$0x820] =	vst v0  }
0x88: {  	[tilespmem:s13+$0x4820] =	vst v0  }
0x89: {  	[tilespmem:s13+$0x830] =	vst v0  }
0x8a: {  	[tilespmem:s13+$0x4830] =	vst v0  }
0x8b: {  	[tilespmem:s13+$0x840] =	vst v0  }
0x8c: {  	[tilespmem:s13+$0x4840] =	vst v0  }
0x8d: {  	[tilespmem:s13+$0x850] =	vst v0  }
0x8e: {  	[tilespmem:s13+$0x4850] =	vst v0  }
0x8f: {  	[tilespmem:s13+$0x860] =	vst v0  }
0x90: {  	[tilespmem:s13+$0x4860] =	vst v0  }
0x91: {  	[tilespmem:s13+$0x870] =	vst v0  }
0x92: {  	[spmem:s15] =	stream.linear.scatter [tilespmem:s17], [sflag:$0x5], $0x4000, $0x38;
	[tilespmem:$0x1C800] =	vst v63  }
0x93: {  	_ =	swait.ge [sflag:s18], $0x4000  }
0x94: {  	[sflag:s18] =	ssyncset.done $0x0  }
0x95: {  	s5 =	rddreg [dreg:$0xb];
	[sflag:s18] =	ssyncadd.s32 $0xFFFFC000  }
0x96: {  	[spmem:s5] =	stream.linear.scatter [tilespmem:s17], [sflag:$0x5], $0x4000, $0x38;
	[tilespmem:$0x1C800] =	vst v63  }
0x97: {  	_ =	swait.ge [sflag:s18], $0x4000  }
0x98: {  	[sflag:s18] =	ssyncset.done $0x0  }
0x99: {  	s14 =	rddreg [dreg:$0xc];
	[sflag:s18] =	ssyncadd.s32 $0xFFFFC000  }
0x9a: {  	[spmem:s14] =	stream.linear.scatter [tilespmem:s17], [sflag:$0x5], $0x4000, $0x38;
	[tilespmem:$0x1C800] =	vst v63  }
0x9b: {  	_ =	swait.ge [sflag:s18], $0x4000  }
0x9c: {  	[sflag:s18] =	ssyncset.done $0x0  }
0x9d: {  	s12 =	rddreg [dreg:$0xd];
	[sflag:s18] =	ssyncadd.s32 $0xFFFFC000  }
0x9e: {  	[spmem:s12] =	stream.linear.scatter [tilespmem:s17], [sflag:$0x5], $0x4000, $0x38;
	[tilespmem:$0x1C800] =	vst v63  }
0x9f: {  	_ =	swait.ge [sflag:s18], $0x4000  }
0xa0: {  	[sflag:s18] =	ssyncset.done $0x0  }
0xa1: {  	s13 =	rddreg [dreg:$0xe];
	[sflag:s18] =	ssyncadd.s32 $0xFFFFC000  }
0xa2: {  	[spmem:s13] =	stream.linear.scatter [tilespmem:s17], [sflag:$0x5], $0x4000, $0x38;
	[tilespmem:$0x1C800] =	vst v63  }
0xa3: {  	_ =	swait.ge [sflag:s18], $0x4000  }
0xa4: {  	[sflag:s18] =	ssyncset.done $0x0  }
0xa5: {  	[sflag:s18] =	ssyncadd.s32 $0xFFFFC000  }
0xa6: {  	s14 =	sadd.s32 $0x0, s16;
	[bflag:$0x0] =	sbarrier.arrive $0xFFFF  }
0xa7: {  	[tilespmem:s4], [sflag:$0x5] =	stream.linear.gather [hbm4b:s14+s4], $0x400, $0x38;
	[tilespmem:$0x1C800] =	vst v63  }
0xa8: {  	_ =	swait.ge [sflag:s18], $0x400  }
0xa9: {  	[sflag:s18] =	ssyncset.done $0x0  }
0xaa: {  	s5 =	sadd.s32 $0x9C80, s14;
	[sflag:s18] =	ssyncadd.s32 $0xFFFFFC00  }
0xab: {  	[tilespmem:s19], [sflag:$0x5] =	stream.linear.gather [hbm4b:s5+s4], $0x400, $0x38;
	[tilespmem:$0x1C800] =	vst v63  }
0xac: {  	_ =	swait.ge [sflag:s18], $0x400  }
0xad: {  	[sflag:s18] =	ssyncset.done $0x0  }
0xae: {  	[sflag:s18] =	ssyncadd.s32 $0xFFFFFC00  }
0xaf: {  	[tilespmem:s17], [sflag:$0x1] =	stream.indirect.gather [hbm4b:s0+s20], $0x80, s4, s20, $0xb8;
	[tilespmem:$0x1C800] =	vst v63  }
0xb0: {  	_ = 	snop  }
0xb1: {  	[tilespmem:s21], [sflag:$0x2] =	stream.indirect.gather [hbm4b:s0+s20], $0x80, s20, s20, $0xb8;
	[tilespmem:$0x1C800] =	vst v63  }
0xb2: {  	_ =	swait.ge [sflag:s22], $0x4000  }
0xb3: {  	[sflag:s22] =	ssyncset.done $0x0  }
0xb4: {  	[sflag:s22] =	ssyncadd.s32 $0xFFFFC000  }
0xb5: {  	[spmem:s3] =	stream.indirect.scatter.add.f32 [tilespmem:s17], [sflag:$0x3], $0x80, s19, s20, $0xb8;
	[tilespmem:$0x1C800] =	vst v63  }
0xb6: {  	_ =	swait.ge [sflag:s23], $0x4000  }
0xb7: {  	[sflag:s23] =	ssyncset.done $0x0  }
0xb8: {  	[sflag:s23] =	ssyncadd.s32 $0xFFFFC000  }
0xb9: {  	[tilespmem:s17], [sflag:$0x1] =	stream.indirect.gather [hbm4b:s0+s20], $0x80, s24, s20, $0xb8;
	[tilespmem:$0x1C800] =	vst v63  }
0xba: {  	_ =	swait.ge [sflag:s25], $0x4000  }
0xbb: {  	[sflag:s25] =	ssyncset.done $0x0  }
0xbc: {  	[sflag:s25] =	ssyncadd.s32 $0xFFFFC000  }
0xbd: {  	[spmem:s3] =	stream.indirect.scatter.add.f32 [tilespmem:s21], [sflag:$0x4], $0x80, s26, s20, $0xb8;
	[tilespmem:$0x1C800] =	vst v63  }
0xbe: {  	_ =	swait.ge [sflag:s28], $0x4000  }
0xbf: {  	[sflag:s28] =	ssyncset.done $0x0  }
0xc0: {  	[sflag:s28] =	ssyncadd.s32 $0xFFFFC000  }
0xc1: {  	[tilespmem:s21], [sflag:$0x2] =	stream.indirect.gather [hbm4b:s0+s20], $0x80, s29, s20, $0xb8;
	[tilespmem:$0x1C800] =	vst v63  }
0xc2: {  	_ =	swait.ge [sflag:s22], $0x4000  }
0xc3: {  	[sflag:s22] =	ssyncset.done $0x0  }
0xc4: {  	[sflag:s22] =	ssyncadd.s32 $0xFFFFC000  }
0xc5: {  	[spmem:s3] =	stream.indirect.scatter.add.f32 [tilespmem:s17], [sflag:$0x3], $0x80, s30, s20, $0xb8;
	[tilespmem:$0x1C800] =	vst v63  }
0xc6: {  	_ =	swait.ge [sflag:s23], $0x4000  }
0xc7: {  	[sflag:s23] =	ssyncset.done $0x0  }
0xc8: {  	[sflag:s23] =	ssyncadd.s32 $0xFFFFC000  }
0xc9: {  	[tilespmem:s17], [sflag:$0x1] =	stream.indirect.gather [hbm4b:s0+s20], $0x80, s31, s20, $0xb8;
	[tilespmem:$0x1C800] =	vst v63  }
0xca: {  	_ =	swait.ge [sflag:s25], $0x4000  }
0xcb: {  	[sflag:s25] =	ssyncset.done $0x0  }
0xcc: {  	[sflag:s25] =	ssyncadd.s32 $0xFFFFC000  }
0xcd: {  	[spmem:s3] =	stream.indirect.scatter.add.f32 [tilespmem:s21], [sflag:$0x4], $0x80, s1, s20, $0xb8;
	[tilespmem:$0x1C800] =	vst v63  }
0xce: {  	_ =	swait.ge [sflag:s28], $0x4000  }
0xcf: {  	[sflag:s28] =	ssyncset.done $0x0  }
0xd0: {  	[sflag:s28] =	ssyncadd.s32 $0xFFFFC000  }
0xd1: {  	[tilespmem:s21], [sflag:$0x2] =	stream.indirect.gather [hbm4b:s0+s20], $0x80, s6, s20, $0xb8;
	[tilespmem:$0x1C800] =	vst v63  }
0xd2: {  	_ =	swait.ge [sflag:s22], $0x4000  }
0xd3: {  	[sflag:s22] =	ssyncset.done $0x0  }
0xd4: {  	[sflag:s22] =	ssyncadd.s32 $0xFFFFC000  }
0xd5: {  	[spmem:s3] =	stream.indirect.scatter.add.f32 [tilespmem:s17], [sflag:$0x3], $0x80, s7, s20, $0xb8;
	[tilespmem:$0x1C800] =	vst v63  }
0xd6: {  	_ =	swait.ge [sflag:s23], $0x4000  }
0xd7: {  	[sflag:s23] =	ssyncset.done $0x0  }
0xd8: {  	[sflag:s23] =	ssyncadd.s32 $0xFFFFC000  }
0xd9: {  	[tilespmem:s17], [sflag:$0x1] =	stream.indirect.gather [hbm4b:s0+s20], $0x80, s8, s20, $0xb8;
	[tilespmem:$0x1C800] =	vst v63  }
0xda: {  	_ =	swait.ge [sflag:s25], $0x4000  }
0xdb: {  	[sflag:s25] =	ssyncset.done $0x0  }
0xdc: {  	[sflag:s25] =	ssyncadd.s32 $0xFFFFC000  }
0xdd: {  	[spmem:s3] =	stream.indirect.scatter.add.f32 [tilespmem:s21], [sflag:$0x4], $0x80, s9, s20, $0xb8;
	[tilespmem:$0x1C800] =	vst v63  }
0xde: {  	_ =	swait.ge [sflag:s28], $0x4000  }
0xdf: {  	[sflag:s28] =	ssyncset.done $0x0  }
0xe0: {  	[sflag:s28] =	ssyncadd.s32 $0xFFFFC000  }
0xe1: {  	[tilespmem:s21], [sflag:$0x2] =	stream.indirect.gather [hbm4b:s0+s20], $0x80, s2, s20, $0xb8;
	[tilespmem:$0x1C800] =	vst v63  }
0xe2: {  	_ =	swait.ge [sflag:s22], $0x4000  }
0xe3: {  	[sflag:s22] =	ssyncset.done $0x0  }
0xe4: {  	[sflag:s22] =	ssyncadd.s32 $0xFFFFC000  }
0xe5: {  	[spmem:s3] =	stream.indirect.scatter.add.f32 [tilespmem:s17], [sflag:$0x3], $0x80, s10, s20, $0xb8;
	[tilespmem:$0x1C800] =	vst v63  }
0xe6: {  	_ =	swait.ge [sflag:s25], $0x4000  }
0xe7: {  	[sflag:s25] =	ssyncset.done $0x0  }
0xe8: {  	[sflag:s25] =	ssyncadd.s32 $0xFFFFC000  }
0xe9: {  	_ =	swait.ge [sflag:s23], $0x4000  }
0xea: {  	[sflag:s23] =	ssyncset.done $0x0  }
0xeb: {  	[sflag:s23] =	ssyncadd.s32 $0xFFFFC000  }
0xec: {  	[spmem:s3] =	stream.indirect.scatter.add.f32 [tilespmem:s21], [sflag:$0x4], $0x80, s11, s20, $0xb8;
	[tilespmem:$0x1C800] =	vst v63  }
0xed: {  	_ =	swait.ge [sflag:s28], $0x4000  }
0xee: {  	s13 =	simm.s32 $0x80;
	s5 =	simm.s32 $0x100;
	[sflag:s28] =	ssyncset.done $0x0  }
.LBB2_4:
0xef: {  	s12 =	sadd.s32 s13, s16  }
0xf0: {  	[sflag:s28] =	ssyncadd.s32 $0xFFFFC000;
	s13 =	smov.u32 s5;
	s14 =	sadd.s32 $0x80, s5  }
0xf1: {  	[tilespmem:s4], [sflag:$0x5] =	stream.linear.gather [hbm4b:s12+s4], $0x400, $0x38;
	[tilespmem:$0x1C800] =	vst v63  }
0xf2: {  	p2 =	sne.s32 s5, $0x400;
	_ =	swait.ge [sflag:s18], $0x400  }
0xf3: {  	[sflag:s18] =	ssyncset.done $0x0  }
0xf4: {  	s5 =	sadd.s32 $0x9C80, s12;
	[sflag:s18] =	ssyncadd.s32 $0xFFFFFC00  }
0xf5: {  	[tilespmem:s19], [sflag:$0x5] =	stream.linear.gather [hbm4b:s5+s4], $0x400, $0x38;
	[tilespmem:$0x1C800] =	vst v63  }
0xf6: {  	_ =	swait.ge [sflag:s18], $0x400  }
0xf7: {  	[sflag:s18] =	ssyncset.done $0x0  }
0xf8: {  	[sflag:s18] =	ssyncadd.s32 $0xFFFFFC00  }
0xf9: {  	[tilespmem:s17], [sflag:$0x1] =	stream.indirect.gather [hbm4b:s0+s20], $0x80, s4, s20, $0xb8;
	[tilespmem:$0x1C800] =	vst v63  }
0xfa: {  	_ = 	snop  }
0xfb: {  	[tilespmem:s21], [sflag:$0x2] =	stream.indirect.gather [hbm4b:s0+s20], $0x80, s20, s20, $0xb8;
	[tilespmem:$0x1C800] =	vst v63  }
0xfc: {  	_ =	swait.ge [sflag:s22], $0x4000  }
0xfd: {  	[sflag:s22] =	ssyncset.done $0x0  }
0xfe: {  	[sflag:s22] =	ssyncadd.s32 $0xFFFFC000  }
0xff: {  	[spmem:s3] =	stream.indirect.scatter.add.f32 [tilespmem:s17], [sflag:$0x3], $0x80, s19, s20, $0xb8;
	[tilespmem:$0x1C800] =	vst v63  }
0x100: {  	_ =	swait.ge [sflag:s23], $0x4000  }
0x101: {  	[sflag:s23] =	ssyncset.done $0x0  }
0x102: {  	[sflag:s23] =	ssyncadd.s32 $0xFFFFC000  }
0x103: {  	[tilespmem:s17], [sflag:$0x1] =	stream.indirect.gather [hbm4b:s0+s20], $0x80, s24, s20, $0xb8;
	[tilespmem:$0x1C800] =	vst v63  }
0x104: {  	_ =	swait.ge [sflag:s25], $0x4000  }
0x105: {  	[sflag:s25] =	ssyncset.done $0x0  }
0x106: {  	[sflag:s25] =	ssyncadd.s32 $0xFFFFC000  }
0x107: {  	[spmem:s3] =	stream.indirect.scatter.add.f32 [tilespmem:s21], [sflag:$0x4], $0x80, s26, s20, $0xb8;
	[tilespmem:$0x1C800] =	vst v63  }
0x108: {  	_ =	swait.ge [sflag:s28], $0x4000  }
0x109: {  	[sflag:s28] =	ssyncset.done $0x0  }
0x10a: {  	[sflag:s28] =	ssyncadd.s32 $0xFFFFC000  }
0x10b: {  	[tilespmem:s21], [sflag:$0x2] =	stream.indirect.gather [hbm4b:s0+s20], $0x80, s29, s20, $0xb8;
	[tilespmem:$0x1C800] =	vst v63  }
0x10c: {  	_ =	swait.ge [sflag:s22], $0x4000  }
0x10d: {  	[sflag:s22] =	ssyncset.done $0x0  }
0x10e: {  	[sflag:s22] =	ssyncadd.s32 $0xFFFFC000  }
0x10f: {  	[spmem:s3] =	stream.indirect.scatter.add.f32 [tilespmem:s17], [sflag:$0x3], $0x80, s30, s20, $0xb8;
	[tilespmem:$0x1C800] =	vst v63  }
0x110: {  	_ =	swait.ge [sflag:s23], $0x4000  }
0x111: {  	[sflag:s23] =	ssyncset.done $0x0  }
0x112: {  	[sflag:s23] =	ssyncadd.s32 $0xFFFFC000  }
0x113: {  	[tilespmem:s17], [sflag:$0x1] =	stream.indirect.gather [hbm4b:s0+s20], $0x80, s31, s20, $0xb8;
	[tilespmem:$0x1C800] =	vst v63  }
0x114: {  	_ =	swait.ge [sflag:s25], $0x4000  }
0x115: {  	[sflag:s25] =	ssyncset.done $0x0  }
0x116: {  	[sflag:s25] =	ssyncadd.s32 $0xFFFFC000  }
0x117: {  	[spmem:s3] =	stream.indirect.scatter.add.f32 [tilespmem:s21], [sflag:$0x4], $0x80, s1, s20, $0xb8;
	[tilespmem:$0x1C800] =	vst v63  }
0x118: {  	_ =	swait.ge [sflag:s28], $0x4000  }
0x119: {  	[sflag:s28] =	ssyncset.done $0x0  }
0x11a: {  	[sflag:s28] =	ssyncadd.s32 $0xFFFFC000  }
0x11b: {  	[tilespmem:s21], [sflag:$0x2] =	stream.indirect.gather [hbm4b:s0+s20], $0x80, s6, s20, $0xb8;
	[tilespmem:$0x1C800] =	vst v63  }
0x11c: {  	_ =	swait.ge [sflag:s22], $0x4000  }
0x11d: {  	[sflag:s22] =	ssyncset.done $0x0  }
0x11e: {  	[sflag:s22] =	ssyncadd.s32 $0xFFFFC000  }
0x11f: {  	[spmem:s3] =	stream.indirect.scatter.add.f32 [tilespmem:s17], [sflag:$0x3], $0x80, s7, s20, $0xb8;
	[tilespmem:$0x1C800] =	vst v63  }
0x120: {  	_ =	swait.ge [sflag:s23], $0x4000  }
0x121: {  	[sflag:s23] =	ssyncset.done $0x0  }
0x122: {  	[sflag:s23] =	ssyncadd.s32 $0xFFFFC000  }
0x123: {  	[tilespmem:s17], [sflag:$0x1] =	stream.indirect.gather [hbm4b:s0+s20], $0x80, s8, s20, $0xb8;
	[tilespmem:$0x1C800] =	vst v63  }
0x124: {  	_ =	swait.ge [sflag:s25], $0x4000  }
0x125: {  	[sflag:s25] =	ssyncset.done $0x0  }
0x126: {  	[sflag:s25] =	ssyncadd.s32 $0xFFFFC000  }
0x127: {  	[spmem:s3] =	stream.indirect.scatter.add.f32 [tilespmem:s21], [sflag:$0x4], $0x80, s9, s20, $0xb8;
	[tilespmem:$0x1C800] =	vst v63  }
0x128: {  	_ =	swait.ge [sflag:s28], $0x4000  }
0x129: {  	[sflag:s28] =	ssyncset.done $0x0  }
0x12a: {  	[sflag:s28] =	ssyncadd.s32 $0xFFFFC000  }
0x12b: {  	[tilespmem:s21], [sflag:$0x2] =	stream.indirect.gather [hbm4b:s0+s20], $0x80, s2, s20, $0xb8;
	[tilespmem:$0x1C800] =	vst v63  }
0x12c: {  	_ =	swait.ge [sflag:s22], $0x4000  }
0x12d: {  	[sflag:s22] =	ssyncset.done $0x0  }
0x12e: {  	[sflag:s22] =	ssyncadd.s32 $0xFFFFC000  }
0x12f: {  	[spmem:s3] =	stream.indirect.scatter.add.f32 [tilespmem:s17], [sflag:$0x3], $0x80, s10, s20, $0xb8;
	[tilespmem:$0x1C800] =	vst v63  }
0x130: {  	_ =	swait.ge [sflag:s25], $0x4000  }
0x131: {  	[sflag:s25] =	ssyncset.done $0x0  }
0x132: {  	[sflag:s25] =	ssyncadd.s32 $0xFFFFC000  }
0x133: {  	_ =	swait.ge [sflag:s23], $0x4000  }
.Ltmp3:
0x134: {  	[sflag:s23] =	ssyncset.done $0x0;
	(pc) =	sbr.rel @p2 .LBB2_4-.Ltmp3, $4  }
0x135: {  	[sflag:s23] =	ssyncadd.s32 $0xFFFFC000  }
0x136: {  	[spmem:s3] =	stream.indirect.scatter.add.f32 [tilespmem:s21], [sflag:$0x4], $0x80, s11, s20, $0xb8;
	[tilespmem:$0x1C800] =	vst v63  }
0x137: {  	_ =	swait.ge [sflag:s28], $0x4000  }
0x138: {  	s5 =	smov.u32 s14;
	[sflag:s28] =	ssyncset.done $0x0  }
0x139: {  	s5 =	sadd.s32 s13, s16;
	[sflag:s28] =	ssyncadd.s32 $0xFFFFC000  }
0x13a: {  	[tilespmem:s4], [sflag:$0x5] =	stream.linear.gather [hbm4b:s5+s4], $0x400, $0x38;
	[tilespmem:$0x1C800] =	vst v63  }
0x13b: {  	_ =	swait.ge [sflag:s18], $0x400  }
0x13c: {  	[sflag:s18] =	ssyncset.done $0x0  }
0x13d: {  	s5 =	sadd.s32 $0x9C80, s5;
	[sflag:s18] =	ssyncadd.s32 $0xFFFFFC00  }
0x13e: {  	[tilespmem:s19], [sflag:$0x5] =	stream.linear.gather [hbm4b:s5+s4], $0x400, $0x38;
	[tilespmem:$0x1C800] =	vst v63  }
0x13f: {  	_ =	swait.ge [sflag:s18], $0x400  }
0x140: {  	[sflag:s18] =	ssyncset.done $0x0  }
0x141: {  	[sflag:s18] =	ssyncadd.s32 $0xFFFFFC00  }
0x142: {  	[tilespmem:s17], [sflag:$0x1] =	stream.indirect.gather [hbm4b:s0+s20], $0x80, s4, s20, $0xb8;
	[tilespmem:$0x1C800] =	vst v63  }
0x143: {  	_ = 	snop  }
0x144: {  	[tilespmem:s21], [sflag:$0x2] =	stream.indirect.gather [hbm4b:s0+s20], $0x80, s20, s20, $0xb8;
	[tilespmem:$0x1C800] =	vst v63  }
0x145: {  	_ =	swait.ge [sflag:s22], $0x4000  }
0x146: {  	[sflag:s22] =	ssyncset.done $0x0  }
0x147: {  	[sflag:s22] =	ssyncadd.s32 $0xFFFFC000  }
0x148: {  	[spmem:s3] =	stream.indirect.scatter.add.f32 [tilespmem:s17], [sflag:$0x3], $0x80, s19, s20, $0xb8;
	[tilespmem:$0x1C800] =	vst v63  }
0x149: {  	_ =	swait.ge [sflag:s23], $0x4000  }
0x14a: {  	[sflag:s23] =	ssyncset.done $0x0  }
0x14b: {  	[sflag:s23] =	ssyncadd.s32 $0xFFFFC000  }
0x14c: {  	[tilespmem:s17], [sflag:$0x1] =	stream.indirect.gather [hbm4b:s0+s20], $0x80, s24, s20, $0xb8;
	[tilespmem:$0x1C800] =	vst v63  }
0x14d: {  	_ =	swait.ge [sflag:s25], $0x4000  }
0x14e: {  	[sflag:s25] =	ssyncset.done $0x0  }
0x14f: {  	[sflag:s25] =	ssyncadd.s32 $0xFFFFC000  }
0x150: {  	[spmem:s3] =	stream.indirect.scatter.add.f32 [tilespmem:s21], [sflag:$0x4], $0x80, s26, s20, $0xb8;
	[tilespmem:$0x1C800] =	vst v63  }
0x151: {  	_ =	swait.ge [sflag:s28], $0x4000  }
0x152: {  	[sflag:s28] =	ssyncset.done $0x0  }
0x153: {  	[sflag:s28] =	ssyncadd.s32 $0xFFFFC000  }
0x154: {  	[tilespmem:s21], [sflag:$0x2] =	stream.indirect.gather [hbm4b:s0+s20], $0x80, s29, s20, $0xb8;
	[tilespmem:$0x1C800] =	vst v63  }
0x155: {  	_ =	swait.ge [sflag:s22], $0x4000  }
0x156: {  	[sflag:s22] =	ssyncset.done $0x0  }
0x157: {  	[sflag:s22] =	ssyncadd.s32 $0xFFFFC000  }
0x158: {  	[spmem:s3] =	stream.indirect.scatter.add.f32 [tilespmem:s17], [sflag:$0x3], $0x80, s30, s20, $0xb8;
	[tilespmem:$0x1C800] =	vst v63  }
0x159: {  	_ =	swait.ge [sflag:s23], $0x4000  }
0x15a: {  	[sflag:s23] =	ssyncset.done $0x0  }
0x15b: {  	[sflag:s23] =	ssyncadd.s32 $0xFFFFC000  }
0x15c: {  	[tilespmem:s17], [sflag:$0x1] =	stream.indirect.gather [hbm4b:s0+s20], $0x80, s31, s20, $0xb8;
	[tilespmem:$0x1C800] =	vst v63  }
0x15d: {  	_ =	swait.ge [sflag:s25], $0x4000  }
0x15e: {  	[sflag:s25] =	ssyncset.done $0x0  }
0x15f: {  	[sflag:s25] =	ssyncadd.s32 $0xFFFFC000  }
0x160: {  	[spmem:s3] =	stream.indirect.scatter.add.f32 [tilespmem:s21], [sflag:$0x4], $0x80, s1, s20, $0xb8;
	[tilespmem:$0x1C800] =	vst v63  }
0x161: {  	_ =	swait.ge [sflag:s28], $0x4000  }
0x162: {  	[sflag:s28] =	ssyncset.done $0x0  }
0x163: {  	[sflag:s28] =	ssyncadd.s32 $0xFFFFC000  }
0x164: {  	[tilespmem:s21], [sflag:$0x2] =	stream.indirect.gather [hbm4b:s0+s20], $0x80, s6, s20, $0xb8;
	[tilespmem:$0x1C800] =	vst v63  }
0x165: {  	_ =	swait.ge [sflag:s22], $0x4000  }
0x166: {  	[sflag:s22] =	ssyncset.done $0x0  }
0x167: {  	[sflag:s22] =	ssyncadd.s32 $0xFFFFC000  }
0x168: {  	[spmem:s3] =	stream.indirect.scatter.add.f32 [tilespmem:s17], [sflag:$0x3], $0x80, s7, s20, $0xb8;
	[tilespmem:$0x1C800] =	vst v63  }
0x169: {  	_ =	swait.ge [sflag:s23], $0x4000  }
0x16a: {  	[sflag:s23] =	ssyncset.done $0x0  }
0x16b: {  	[sflag:s23] =	ssyncadd.s32 $0xFFFFC000  }
0x16c: {  	[tilespmem:s17], [sflag:$0x1] =	stream.indirect.gather [hbm4b:s0+s20], $0x80, s8, s20, $0xb8;
	[tilespmem:$0x1C800] =	vst v63  }
0x16d: {  	_ =	swait.ge [sflag:s25], $0x4000  }
0x16e: {  	[sflag:s25] =	ssyncset.done $0x0  }
0x16f: {  	[sflag:s25] =	ssyncadd.s32 $0xFFFFC000  }
0x170: {  	[spmem:s3] =	stream.indirect.scatter.add.f32 [tilespmem:s21], [sflag:$0x4], $0x80, s9, s20, $0xb8;
	[tilespmem:$0x1C800] =	vst v63  }
0x171: {  	_ =	swait.ge [sflag:s28], $0x4000  }
0x172: {  	[sflag:s28] =	ssyncset.done $0x0  }
0x173: {  	[sflag:s28] =	ssyncadd.s32 $0xFFFFC000  }
0x174: {  	[tilespmem:s21], [sflag:$0x2] =	stream.indirect.gather [hbm4b:s0+s20], $0x80, s2, s20, $0xb8;
	[tilespmem:$0x1C800] =	vst v63  }
0x175: {  	_ =	swait.ge [sflag:s22], $0x4000  }
0x176: {  	[sflag:s22] =	ssyncset.done $0x0  }
0x177: {  	[sflag:s22] =	ssyncadd.s32 $0xFFFFC000  }
0x178: {  	[spmem:s3] =	stream.indirect.scatter.add.f32 [tilespmem:s17], [sflag:$0x3], $0x80, s10, s20, $0xb8;
	[tilespmem:$0x1C800] =	vst v63  }
0x179: {  	_ =	swait.ge [sflag:s25], $0x4000  }
0x17a: {  	[sflag:s25] =	ssyncset.done $0x0  }
0x17b: {  	[sflag:s25] =	ssyncadd.s32 $0xFFFFC000  }
0x17c: {  	_ =	swait.ge [sflag:s23], $0x4000  }
0x17d: {  	[sflag:s23] =	ssyncset.done $0x0  }
.Ltmp4:
0x17e: {  	[sflag:s23] =	ssyncadd.s32 $0xFFFFC000;
	(pc) =	sbr.rel @!p0 .LBB2_6-.Ltmp4, $4  }
0x17f: {  	[spmem:s3] =	stream.indirect.scatter.add.f32 [tilespmem:s21], [sflag:$0x4], $0x80, s11, s20, $0xb8;
	[tilespmem:$0x1C800] =	vst v63  }
0x180: {  	_ =	swait.ge [sflag:s28], $0x4000  }
0x181: {  	[sflag:s28] =	ssyncset.done $0x0  }
0x182: {  	[sflag:s28] =	ssyncadd.s32 $0xFFFFC000  }
.Ltmp5:
0x183: {  	(pc) =	sbr.rel @p1 .LBB2_10-.Ltmp5, $2  }
0x184: {  	_ =	sdelay $0x2  }
0x185: {  	s14 =	rddreg [dreg:$0xf]  }
0x186: {  	s5 =	rddreg [dreg:$0x5]  }
0x187: {  	[tilespmem:s4], [sflag:$0x5] =	stream.linear.gather [hbm4b:s5+s4], $0x200, $0x38;
	[tilespmem:$0x1C800] =	vst v63  }
0x188: {  	_ =	swait.ge [sflag:s18], $0x200  }
0x189: {  	[sflag:s18] =	ssyncset.done $0x0  }
0x18a: {  	s5 =	simm.s32 $0x400;
	s12 =	rddreg [dreg:$0x6];
	[sflag:s18] =	ssyncadd.s32 $0xFFFFFE00  }
0x18b: {  	[tilespmem:s5], [sflag:$0x5] =	stream.linear.gather [hbm4b:s12+s4], $0x200, $0x38;
	[tilespmem:$0x1C800] =	vst v63  }
.Ltmp6:
0x18c: {  	s14 =	simm.s32 $0x80;
	s13 =	simm.s32 $0x580;
	(pc) =	sbr.rel .LBB2_9-.Ltmp6, $4  }
0x18d: {  	s15 =	simm.s32 $0x500;
	_ =	swait.ge [sflag:s18], $0x200;
	[dreg:$0x10] =	wrdreg s13  }
0x18e: {  	s12 =	simm.s32 $0x480;
	[dreg:$0x11] =	wrdreg s15;
	[sflag:s18] =	ssyncset.done $0x0  }
0x18f: {  	s15 =	simm.s32 $0x180;
	s13 =	simm.s32 $0x100;
	[sflag:s18] =	ssyncadd.s32 $0xFFFFFE00  }
0x190: {  	[tilespmem:s17], [sflag:$0x1] =	stream.indirect.gather [hbm4b:s0+s14], $0x80, s4, s14, $0xb8;
	[tilespmem:$0x1C800] =	vst v63  }
.LBB2_11:
0x191: {  	_ =	sfence.sel $0x180000  }
0x192: {  	[bflag:$0x0] =	sbarrier.arrive $0xFFFF  }
0x193: {  	_ =	strace $0x9000004A  }
0x194: {  	s0 =	stileid.u32;
	[bflag:$0x2] =	sbarrier.arrive $0xFFFF  }
0x195: {  	p0 =	sne.s32 s0, $0x0;
	s0 =	rddreg [dreg:$0x3]  }
0x196: {  	s0 =	sadd.s32 @!p0 $0x100000, s0  }
0x197: {  	[sflag:s0] =	ssyncadd.tile.s32 @!p0 $0x1;
	_ =	shalt  }
.Lfunc_end2:
_tile_overlayer_lowered:
.L_overlay_start_2:
0x198: {  	(tag) =	ssettag $0x2  }
0x199: {  	s0 =	rddreg [dreg:$0x0];
	s2 =	stileid.u32  }
0x19a: {  	s1 =	rddreg [dreg:$0x1];
	p0 =	sne.s32 s2, $0x0  }
0x19b: {  	s3 =	rddreg [dreg:$0x2];
	[bflag:$0x3] =	sbarrier.arrive $0xFFFF;
	s2 =	simm.s32 @!p0 $0x1C05  }
0x19c: {  	[timem:s3], [sflag:s2] =	dma.local @!p0 [hbm:s0], s1  }
0x19d: {  	s0 =	simm.s32 @!p0 $0x5  }
0x19e: {  	_ =	swait.ge @!p0 [sflag:s0], s1  }
0x19f: {  	s1 =	ssub.s32 @!p0 $0x0, s1;
	[sflag:s0] =	ssyncset.done @!p0 $0x0  }
0x1a0: {  	[sflag:s0] =	ssyncadd.s32 @!p0 s1  }
0x1a1: {  	[bflag:$0x3] =	sbarrier.arrive $0xFFFF  }
0x1a2: {  	_ =	shalt  }

// kernel: kernel.15.cloned.1.call-start
scs
__scs_entry_jumppad:
0x0: {  	(pc) =	sbr.rel $0x88, $3  }
0x1: {  	(tag) =	ssettag $0x0;
	lr =	simm.s32 $0x1  }
0x2: {  	[smem:$0x3F9B] =	sst lr;
	_ =	strace $0xD0000000  }
0x3: {  	_ = 	snop  }
0x4: {  	_ = 	snop  }
0x5: {  	_ = 	snop  }
0x6: {  	_ = 	snop  }
0x7: {  	_ = 	snop  }
__scs_overlays_trampoline_lowered:
0x8: {  	[smem:$0x3FAA] =	sst s0  }
0x9: {  	[smem:$0x3FAB] =	sst s1  }
0xa: {  	[smem:$0x3FAC] =	sst s2  }
0xb: {  	[smem:$0x3FAD] =	sst s3  }
0xc: {  	[smem:$0x3FAE] =	sst s4  }
0xd: {  	[smem:$0x3FAF] =	sst s5  }
0xe: {  	[smem:$0x3FB0] =	sst s6  }
0xf: {  	[smem:$0x3FB1] =	sst s7  }
0x10: {  	[smem:$0x3FB2] =	sst s8  }
0x11: {  	[smem:$0x3FB3] =	sst s9;
	s0 =	simm.s32 @!p0 $0x0  }
0x12: {  	s1 =	sld [smem:$0x3F99];
	s0 =	simm.s32 @p0 $0x1  }
0x13: {  	[smem:$0x3FB4] =	sst s0;
	s0 =	simm.s32 @!p1 $0x0  }
0x14: {  	s2 =	sld [smem:$0x3F98];
	s0 =	simm.s32 @p1 $0x1  }
0x15: {  	[smem:$0x3FB5] =	sst s0;
	s0 =	simm.s32 @!p2 $0x0  }
0x16: {  	s3 =	sld [smem:$0x3FDB];
	s0 =	simm.s32 @p2 $0x1  }
0x17: {  	s4 =	simm.s32 $0x1BF5;
	[smem:$0x3FB7] =	sst s0  }
0x18: {  	s0 =	sld [smem:$0x3F9A];
	_ =	swait.ge [sflag:s4], $0x0  }
0x19: {  	s7 =	sld [smem:$0x3F9B]  }
0x1a: {  	s8 =	sadd.s32 $0xFFFFE003, lr  }
0x1b: {  	s9 =	sadd.s32 $0xFFFFFEF7, lr;
	s5 =	simm.s32 $0xFFFFFFFF;
	p2 =	slt.u32 s8, $0xFFFFF086  }
0x1c: {  	p1 =	slt.u32 s9, $0xF7A;
	s5 =	simm.s32 @!p2 $0x0  }
0x1d: {  	s5 =	simm.s32 @p1 $0x1;
	p0 =	seq.s32 s7, s2  }
0x1e: {  	s7 =	smul.u32 @!p0 $0xF7A, s2;
	p2 =	seq.s32 @!p0 s5, $0x0  }
0x1f: {  	s9 =	smul.u32 $0xF7A, s1;
	s8 =	simm.s32 @!p0 $0x1BF5;
	p2 =	por !p2, p0  }
0x20: {  	[sflag:s8] =	ssyncset.s32 @!p0 $0xFFFFF086;
	s6 =	sadd.s32 @!p0 s3, s7;
	s7 =	simm.s32 @!p0 $0x108  }
0x21: {  	s3 =	sadd.s32 s3, s9;
	s6 =	sadd.s32 @!p0 $0x88, s6;
	s7 =	simm.s32 @p2 $0x1082  }
0x22: {  	[simem:s7], [sflag:s8] =	dma.local @!p0 [hbm:s6], $0xF7A  }
0x23: {  	s9 =	sor.u32 $0xD0000000, s2;
	s6 =	simm.s32 $0x108;
	_ =	swait.ge @!p0 [sflag:s8], $0x0  }
0x24: {  	s3 =	sadd.s32 $0x88, s3;
	s6 =	simm.s32 @!p1 $0x1082;
	[sflag:s4] =	ssyncset.s32 $0xFFFFF086  }
0x25: {  	[simem:s6], [sflag:s4] =	dma.local [hbm:s3], $0xF7A  }
0x26: {  	[smem:$0x3F9B] =	sst s1;
	(tag) =	ssettag s2;
	_ =	strace s9  }
0x27: {  	s1 =	sld [smem:$0x3FAB]  }
0x28: {  	s2 =	sld [smem:$0x3FAC]  }
0x29: {  	s4 =	sld [smem:$0x3FAE]  }
0x2a: {  	p0 =	seq.s32 s5, $0x0;
	s5 =	sld [smem:$0x3FAF]  }
0x2b: {  	s6 =	sld [smem:$0x3FB0]  }
0x2c: {  	s7 =	sld [smem:$0x3FB1]  }
0x2d: {  	s3 =	simm.s32 $0x108;
	s8 =	sld [smem:$0x3FB2]  }
0x2e: {  	s3 =	simm.s32 @!p0 $0x1082;
	s9 =	sld [smem:$0x3FB3]  }
0x2f: {  	lr =	sadd.s32 s0, s3;
	s0 =	sld [smem:$0x3FAA]  }
0x30: {  	s3 =	sld [smem:$0x3FAD]  }
0x31: {  	[smem:$0x3FB6] =	sst s10  }
0x32: {  	s10 =	sld [smem:$0x3FB4];
	_ =	sdelay $0x3  }
0x33: {  	p0 =	seq.s32 s10, $0x1;
	s10 =	sld [smem:$0x3FB6];
	_ =	sdelay $0x3  }
0x34: {  	[smem:$0x3FB6] =	sst s10  }
0x35: {  	s10 =	sld [smem:$0x3FB5];
	_ =	sdelay $0x3  }
0x36: {  	p1 =	seq.s32 s10, $0x1;
	s10 =	sld [smem:$0x3FB6];
	_ =	sdelay $0x3  }
0x37: {  	[smem:$0x3FB6] =	sst s10  }
0x38: {  	s10 =	sld [smem:$0x3FB7]  }
0x39: {  	_ = 	snop;
	(pc) =	sbr.ind lr, $3  }
0x3a: {  	_ = 	snop  }
0x3b: {  	_ = 	snop  }
0x3c: {  	p2 =	seq.s32 s10, $0x1;
	s10 =	sld [smem:$0x3FB6]  }
0x3d: {  	_ =	shalt  }
0x3e: {  	_ =	shalt  }
0x3f: {  	_ =	shalt  }
0x40: {  	_ =	shalt  }
0x41: {  	_ =	shalt  }
0x42: {  	_ =	shalt  }
0x43: {  	_ =	shalt  }
0x44: {  	_ =	shalt  }
0x45: {  	_ =	shalt  }
0x46: {  	_ =	shalt  }
0x47: {  	_ =	shalt  }
0x48: {  	_ =	shalt  }
0x49: {  	_ =	shalt  }
0x4a: {  	_ =	shalt  }
0x4b: {  	_ =	shalt  }
0x4c: {  	_ =	shalt  }
0x4d: {  	_ =	shalt  }
0x4e: {  	_ =	shalt  }
0x4f: {  	_ =	shalt  }
0x50: {  	_ =	shalt  }
0x51: {  	_ =	shalt  }
0x52: {  	_ =	shalt  }
0x53: {  	_ =	shalt  }
0x54: {  	_ =	shalt  }
0x55: {  	_ =	shalt  }
0x56: {  	_ =	shalt  }
0x57: {  	_ =	shalt  }
0x58: {  	_ =	shalt  }
0x59: {  	_ =	shalt  }
0x5a: {  	_ =	shalt  }
0x5b: {  	_ =	shalt  }
0x5c: {  	_ =	shalt  }
0x5d: {  	_ =	shalt  }
0x5e: {  	_ =	shalt  }
0x5f: {  	_ =	shalt  }
0x60: {  	_ =	shalt  }
0x61: {  	_ =	shalt  }
0x62: {  	_ =	shalt  }
0x63: {  	_ =	shalt  }
0x64: {  	_ =	shalt  }
0x65: {  	_ =	shalt  }
0x66: {  	_ =	shalt  }
0x67: {  	_ =	shalt  }
0x68: {  	_ =	shalt  }
0x69: {  	_ =	shalt  }
0x6a: {  	_ =	shalt  }
0x6b: {  	_ =	shalt  }
0x6c: {  	_ =	shalt  }
0x6d: {  	_ =	shalt  }
0x6e: {  	_ =	shalt  }
0x6f: {  	_ =	shalt  }
0x70: {  	_ =	shalt  }
0x71: {  	_ =	shalt  }
0x72: {  	_ =	shalt  }
0x73: {  	_ =	shalt  }
0x74: {  	_ =	shalt  }
0x75: {  	_ =	shalt  }
0x76: {  	_ =	shalt  }
0x77: {  	_ =	shalt  }
0x78: {  	_ =	shalt  }
0x79: {  	_ =	shalt  }
0x7a: {  	_ =	shalt  }
0x7b: {  	_ =	shalt  }
0x7c: {  	_ =	shalt  }
0x7d: {  	_ =	shalt  }
0x7e: {  	_ =	shalt  }
0x7f: {  	_ =	shalt  }
0x80: {  	_ =	shalt  }
0x81: {  	_ =	shalt  }
0x82: {  	_ =	shalt  }
0x83: {  	_ =	shalt  }
0x84: {  	_ =	shalt  }
0x85: {  	_ =	shalt  }
0x86: {  	_ =	shalt  }
0x87: {  	_ =	shalt  }
.Lfunc_end0:
.L_simem_size_0:
called_computation.2_lowered:
.L_overlay_start_0:
0x88: {  	s2 =	sld [smem:$0x3FD9]  }
0x89: {  	s3 =	sld [smem:$0x3FFE];
	_ =	sdelay $0x1  }
0x8a: {  	s1 =	srdreg.scid  }
0x8b: {  	s0 =	sand.u32 $0x1, s1  }
0x8c: {  	s17 =	sshll.u32 s0, $0xA;
	s2 =	sadd.s32 s3, s2  }
0x8d: {  	s2 =	sadd.s32 s2, s17  }
0x8e: {  	[smem:$0x3FC2] =	sst s2  }
0x8f: {  	_ = 	snop  }
0x90: {  	s2 =	sld [smem:$0x3FD0];
	(tm) =	ssettm $0x1  }
0x91: {  	s18 =	sld [smem:$0x3FFB];
	_ =	sdelay $0x3  }
0x92: {  	_ =	strace s18  }
0x93: {  	s3 =	sld [smem:$0x3FFC];
	_ =	sdelay $0x3  }
0x94: {  	_ =	strace s3  }
0x95: {  	s3 =	sld [smem:$0x3FFD];
	_ =	sdelay $0x3  }
0x96: {  	_ =	strace s3  }
0x97: {  	_ =	strace $0x8FFFFFFF  }
0x98: {  	s19 =	sld [smem:$0x3FDB];
	_ =	sdelay $0x1  }
0x99: {  	s4 =	simm.s32 $_scs_section_size  }
0x9a: {  	s5 =	simm.s32 $_size__tile_overlayer_lowered;
	s6 =	simm.s32 $_tile_overlayer_lowered  }
0x9b: {  	s22 =	simm.s32 $0x1BFF;
	s21 =	sshll.u32 s6, $0x1;
	s3 =	sadd.s32 s4, s19  }
0x9c: {  	s7 =	simm.s32 $0x0;
	s20 =	sshll.u32 s5, $0x1;
	s5 =	sadd.s32 s21, s3  }
0x9d: {  	[timem:s7], [sflag:s22] =	dma.local [hbm:s5], s20  }
0x9e: {  	_ =	swait.ge [sflag:s22], s20  }
0x9f: {  	s4 =	ssub.s32 $0x0, s20;
	[sflag:s22] =	ssyncset.done $0x0  }
0xa0: {  	[sflag:s22] =	ssyncadd.s32 s4;
	_ =	sdelay $0x1  }
0xa1: {  	s23 =	simm.s32 $0x1B8B  }
0xa2: {  	_ =	swait.ge [sflag:s23], $0x1  }
0xa3: {  	[sflag:s23] =	ssyncset.done $0x0  }
0xa4: {  	s25 =	simm.s32 $0x1B8E;
	s24 =	sld [smem:$0x3FFE];
	[sflag:s23] =	ssyncadd.s32 $0xFFFFFFFF  }
0xa5: {  	s26 =	simm.s32 $execute0_lowered;
	[smem:$0x3FD2] =	sst s25  }
0xa6: {  	s5 =	sshll.u32 s26, $0x1;
	_ =	strace $0x8000004C;
	[dreg:$0x1] =	wrdreg $0xFFFFFFFF  }
0xa7: {  	s28 =	simm.s32 $_size_execute0_lowered;
	s3 =	sadd.s32 s3, s5;
	[dreg:$0x0] =	wrdreg $0x0  }
0xa8: {  	s5 =	sshll.u32 s28, $0x1;
	[dreg:$0x2] =	wrdreg s3  }
0xa9: {  	[dreg:$0x3] =	wrdreg s5  }
0xaa: {  	[dreg:$0x4] =	wrdreg $0xC0  }
0xab: {  	_ =	task [dreg:s7], $0x5FFFF  }
0xac: {  	[dreg:$0x1] =	wrdreg $0xFFFFFFFF  }
0xad: {  	[dreg:$0x0] =	wrdreg $0x60  }
0xae: {  	[dreg:$0x2] =	wrdreg s2  }
0xaf: {  	[dreg:$0x3] =	wrdreg s24  }
0xb0: {  	[dreg:$0x4] =	wrdreg $0x88000  }
0xb1: {  	[dreg:$0x5] =	wrdreg $0x9  }
0xb2: {  	_ =	task.clear_ibuf [dreg:s7], $0x6FFFF;
	_ =	strace $0x9000004C  }
0xb3: {  	s29 =	simm.s32 $0x9;
	_ =	strace $0x8000004E  }
0xb4: {  	_ =	swait.ge [sflag:s29], $0x1  }
0xb5: {  	[sflag:s29] =	ssyncadd.s32 $0xFFFFFFFF  }
0xb6: {  	_ =	strace $0x9000004E  }
0xb7: {  	_ =	sfence  }
0xb8: {  	s30 =	sld [smem:$0x0];
	_ =	sdelay $0x2  }
0xb9: {  	s31 =	sshll.u32 s1, $0xD;
	s1 =	sshrl.u32 s1, $0x2  }
0xba: {  	s3 =	sand.u32 $0x4000, s31;
	s1 =	sadd.s32 s1, s30  }
0xbb: {  	s0 =	sor.u32 s3, s0;
	s1 =	sshll.u32 s1, $0x11  }
0xbc: {  	s0 =	sor.u32 s1, s0  }
0xbd: {  	s0 =	sadd.s32 $0x8F2B, s0  }
0xbe: {  	[sflag:s0] =	ssyncadd.remote.s32 $0x1  }
0xbf: {  	_ =	sfence.sel $0xFFFF  }
0xc0: {  	[dreg:$0x0] =	wrdreg $0xFFFFFFFF;
	(pc) =	sbr.abs _section_cstart, $3  }
0xc1: {  	[dreg:$0x1] =	wrdreg $0xFFFFFFFF  }
0xc2: {  	_ =	task.clear_ibuf [dreg:s7], $0x2FFFF;
	_ =	strace $0x9FFFFFFF  }
0xc3: {  	(tm) =	ssettm $0x7FFFFFFF  }
tec
execute0_lowered:
.L_overlay_start_1:
0x0: {  	(tag) =	ssettag $0x1  }
0x1: {  	s0 =	rddreg [dreg:$0x0]  }
0x2: {  	s1 =	rddreg [dreg:$0x1]  }
0x3: {  	s2 =	srdreg.scid;
	s3 =	rddreg [dreg:$0x2]  }
0x4: {  	s12 =	stileid.u32;
	s4 =	simm.s32 $0x0;
	s28 =	simm.s32 $0x4  }
0x5: {  	s29 =	simm.s32 $0x180;
	s30 =	simm.s32 $0x500;
	s6 =	smul.u32 $0x14000, s12  }
0x6: {  	s31 =	simm.s32 $0x200;
	s2 =	sand.u32 $0x1, s2;
	s8 =	smul.u32 $0x50000, s12  }
0x7: {  	[smem:$0x7FF] =	sst s4;
	s7 =	sadd.s32 $0x2A00, s1;
	s23 =	smul.u32 $0x480, s12  }
0x8: {  	s16 =	sadd.s32 $0xC600, s1;
	s5 =	smul.u32 $0x140000, s2;
	_ =	strace $0x8000004D  }
0x9: {  	s13 =	sshll.u32 s2, $0x4;
	s9 =	ssub.s32 $0x2, s2;
	[dreg:$0x5] =	wrdreg s16  }
0xa: {  	s20 =	smul.u32 $0x4800, s2;
	s2 =	simm.s32 $0x380;
	s10 =	sshrl.u32 s9, $0x1  }
0xb: {  	s8 =	sshrl.u32 s8, $0x2;
	s5 =	sadd.s32 s6, s5;
	s6 =	sor.u32 s12, s13  }
0xc: {  	s9 =	ssub.s32 s9, s10;
	s15 =	sadd.s32 s8, s3;
	s8 =	simm.s32 $0x300  }
0xd: {  	s10 =	simm.s32 $0x700;
	s5 =	sshrl.u32 s5, $0x3;
	s11 =	sshll.u32 s6, $0x7  }
0xe: {  	s21 =	smax.u32 s9, $0x1;
	s22 =	sadd.s32 $0x4000, s15;
	[dreg:$0x4] =	wrdreg s15  }
0xf: {  	s24 =	sadd.s32 $0x8000, s15;
	s25 =	sadd.s32 $0xC000, s15;
	[dreg:$0xa] =	wrdreg s21  }
0x10: {  	s26 =	sadd.s32 $0x10000, s15;
	p0 =	sgt.u32 s6, $0x17;
	[dreg:$0xb] =	wrdreg s22  }
0x11: {  	p1 =	sne.s32 s6, $0x18;
	s6 =	simm.s32 $0x280;
	[dreg:$0xc] =	wrdreg s24  }
0x12: {  	s9 =	simm.s32 $0x680;
	s5 =	sadd.s32 s5, s1;
	[dreg:$0xd] =	wrdreg s25  }
0x13: {  	s14 =	sadd.s32 s11, s7;
	s1 =	sadd.s32 $0x16280, s1;
	[dreg:$0xe] =	wrdreg s26  }
0x14: {  	s21 =	simm.s32 $0x4800;
	s22 =	simm.s32 $0x1;
	s24 =	simm.s32 $0x100  }
0x15: {  	s25 =	simm.s32 $0x2;
	s26 =	simm.s32 $0x480;
	s11 =	simm.s32 $0x780  }
0x16: {  	[dreg:$0x6] =	wrdreg s1;
	s17 =	sadd.s32 $0x9000, s14;
	s18 =	sadd.s32 $0x12C80, s14  }
.Ltmp0:
0x17: {  	s19 =	sadd.s32 $0x16400, s5;
	[dreg:$0x7] =	wrdreg s17;
	(pc) =	sbr.rel .LBB2_1-.Ltmp0, $4  }
0x18: {  	s1 =	sadd.s32 s20, s7;
	s20 =	simm.s32 $0x80;
	[dreg:$0x8] =	wrdreg s18  }
0x19: {  	s7 =	simm.s32 $0x600;
	s14 =	simm.s32 $0x0;
	[dreg:$0x9] =	wrdreg s19  }
0x1a: {  	s16 =	sadd.s32 s23, s1;
	s17 =	simm.s32 $0x800;
	s18 =	simm.s32 $0x5  }
0x1b: {  	v0 =	vimm.f32 $0.0e+00;
	s19 =	simm.s32 $0x400;
	s23 =	simm.s32 $0x3;
	s1 =	simm.s32 $0x580  }
.LBB2_6:
0x1c: {  	s5 =	rddreg [dreg:$0x7]  }
0x1d: {  	[tilespmem:s4], [sflag:$0x5] =	stream.linear.gather [hbm4b:s5+s4], $0x400, $0x38;
	[tilespmem:$0x1C800] =	vst v63  }
0x1e: {  	_ =	swait.ge [sflag:s18], $0x400  }
0x1f: {  	[sflag:s18] =	ssyncset.done $0x0  }
0x20: {  	s13 =	rddreg [dreg:$0x8];
	[sflag:s18] =	ssyncadd.s32 $0xFFFFFC00  }
0x21: {  	[tilespmem:s19], [sflag:$0x5] =	stream.linear.gather [hbm4b:s13+s4], $0x400, $0x38;
	[tilespmem:$0x1C800] =	vst v63  }
0x22: {  	_ =	swait.ge [sflag:s18], $0x400  }
0x23: {  	[sflag:s18] =	ssyncset.done $0x0  }
0x24: {  	[sflag:s18] =	ssyncadd.s32 $0xFFFFFC00  }
0x25: {  	[tilespmem:s17], [sflag:$0x1] =	stream.indirect.gather [hbm4b:s0+s20], $0x80, s4, s20, $0xb8;
	[tilespmem:$0x1C800] =	vst v63  }
0x26: {  	_ = 	snop  }
0x27: {  	[tilespmem:s21], [sflag:$0x2] =	stream.indirect.gather [hbm4b:s0+s20], $0x80, s20, s20, $0xb8;
	[tilespmem:$0x1C800] =	vst v63  }
0x28: {  	_ =	swait.ge [sflag:s22], $0x4000  }
0x29: {  	[sflag:s22] =	ssyncset.done $0x0  }
0x2a: {  	[sflag:s22] =	ssyncadd.s32 $0xFFFFC000  }
0x2b: {  	[spmem:s3] =	stream.indirect.scatter.add.f32 [tilespmem:s17], [sflag:$0x3], $0x80, s19, s20, $0xb8;
	[tilespmem:$0x1C800] =	vst v63  }
0x2c: {  	_ =	swait.ge [sflag:s23], $0x4000  }
0x2d: {  	[sflag:s23] =	ssyncset.done $0x0  }
0x2e: {  	[sflag:s23] =	ssyncadd.s32 $0xFFFFC000  }
0x2f: {  	[tilespmem:s17], [sflag:$0x1] =	stream.indirect.gather [hbm4b:s0+s20], $0x80, s24, s20, $0xb8;
	[tilespmem:$0x1C800] =	vst v63  }
0x30: {  	_ =	swait.ge [sflag:s25], $0x4000  }
0x31: {  	[sflag:s25] =	ssyncset.done $0x0  }
0x32: {  	[sflag:s25] =	ssyncadd.s32 $0xFFFFC000  }
0x33: {  	[spmem:s3] =	stream.indirect.scatter.add.f32 [tilespmem:s21], [sflag:$0x4], $0x80, s26, s20, $0xb8;
	[tilespmem:$0x1C800] =	vst v63  }
0x34: {  	_ =	swait.ge [sflag:s28], $0x4000  }
0x35: {  	[sflag:s28] =	ssyncset.done $0x0  }
0x36: {  	[sflag:s28] =	ssyncadd.s32 $0xFFFFC000  }
0x37: {  	[tilespmem:s21], [sflag:$0x2] =	stream.indirect.gather [hbm4b:s0+s20], $0x80, s29, s20, $0xb8;
	[tilespmem:$0x1C800] =	vst v63  }
0x38: {  	_ =	swait.ge [sflag:s22], $0x4000  }
0x39: {  	[sflag:s22] =	ssyncset.done $0x0  }
0x3a: {  	[sflag:s22] =	ssyncadd.s32 $0xFFFFC000  }
0x3b: {  	[spmem:s3] =	stream.indirect.scatter.add.f32 [tilespmem:s17], [sflag:$0x3], $0x80, s30, s20, $0xb8;
	[tilespmem:$0x1C800] =	vst v63  }
0x3c: {  	_ =	swait.ge [sflag:s23], $0x4000  }
0x3d: {  	[sflag:s23] =	ssyncset.done $0x0  }
0x3e: {  	[sflag:s23] =	ssyncadd.s32 $0xFFFFC000  }
0x3f: {  	[tilespmem:s17], [sflag:$0x1] =	stream.indirect.gather [hbm4b:s0+s20], $0x80, s31, s20, $0xb8;
	[tilespmem:$0x1C800] =	vst v63  }
0x40: {  	_ =	swait.ge [sflag:s25], $0x4000  }
0x41: {  	s14 =	simm.s32 $0x780;
	[sflag:s25] =	ssyncset.done $0x0  }
0x42: {  	s15 =	simm.s32 $0x700;
	s12 =	simm.s32 $0x680;
	[sflag:s25] =	ssyncadd.s32 $0xFFFFC000  }
0x43: {  	[spmem:s3] =	stream.indirect.scatter.add.f32 [tilespmem:s21], [sflag:$0x4], $0x80, s1, s20, $0xb8;
	[tilespmem:$0x1C800] =	vst v63  }
0x44: {  	s5 =	simm.s32 $0x600;
	_ =	swait.ge [sflag:s28], $0x4000;
	[dreg:$0x10] =	wrdreg s14  }
0x45: {  	s13 =	simm.s32 $0x300;
	[dreg:$0x11] =	wrdreg s15;
	[sflag:s28] =	ssyncset.done $0x0  }
0x46: {  	s15 =	simm.s32 $0x380;
	s14 =	simm.s32 $0x280;
	[sflag:s28] =	ssyncadd.s32 $0xFFFFC000  }
.LBB2_9:
0x47: {  	[tilespmem:s21], [sflag:$0x2] =	stream.indirect.gather [hbm4b:s0+s20], $0x80, s14, s20, $0xb8;
	[tilespmem:$0x1C800] =	vst v63  }
0x48: {  	_ =	swait.ge [sflag:s22], $0x4000  }
0x49: {  	[sflag:s22] =	ssyncset.done $0x0  }
0x4a: {  	[sflag:s22] =	ssyncadd.s32 $0xFFFFC000  }
0x4b: {  	[spmem:s3] =	stream.indirect.scatter.add.f32 [tilespmem:s17], [sflag:$0x3], $0x80, s5, s20, $0xb8;
	[tilespmem:$0x1C800] =	vst v63  }
0x4c: {  	_ =	swait.ge [sflag:s23], $0x4000  }
0x4d: {  	[sflag:s23] =	ssyncset.done $0x0  }
0x4e: {  	[sflag:s23] =	ssyncadd.s32 $0xFFFFC000  }
0x4f: {  	[tilespmem:s17], [sflag:$0x1] =	stream.indirect.gather [hbm4b:s0+s20], $0x80, s13, s20, $0xb8;
	[tilespmem:$0x1C800] =	vst v63  }
0x50: {  	_ =	swait.ge [sflag:s25], $0x4000  }
0x51: {  	[sflag:s25] =	ssyncset.done $0x0  }
0x52: {  	[sflag:s25] =	ssyncadd.s32 $0xFFFFC000  }
0x53: {  	[spmem:s3] =	stream.indirect.scatter.add.f32 [tilespmem:s21], [sflag:$0x4], $0x80, s12, s20, $0xb8;
	[tilespmem:$0x1C800] =	vst v63  }
0x54: {  	_ =	swait.ge [sflag:s28], $0x4000  }
0x55: {  	[sflag:s28] =	ssyncset.done $0x0  }
0x56: {  	[sflag:s28] =	ssyncadd.s32 $0xFFFFC000  }
0x57: {  	[tilespmem:s21], [sflag:$0x2] =	stream.indirect.gather [hbm4b:s0+s20], $0x80, s15, s20, $0xb8;
	[tilespmem:$0x1C800] =	vst v63  }
0x58: {  	_ =	swait.ge [sflag:s22], $0x4000  }
0x59: {  	[sflag:s22] =	ssyncset.done $0x0  }
0x5a: {  	s14 =	rddreg [dreg:$0x11];
	[sflag:s22] =	ssyncadd.s32 $0xFFFFC000  }
0x5b: {  	[spmem:s3] =	stream.indirect.scatter.add.f32 [tilespmem:s17], [sflag:$0x3], $0x80, s14, s20, $0xb8;
	[tilespmem:$0x1C800] =	vst v63  }
0x5c: {  	_ =	swait.ge [sflag:s25], $0x4000  }
0x5d: {  	[sflag:s25] =	ssyncset.done $0x0  }
0x5e: {  	[sflag:s25] =	ssyncadd.s32 $0xFFFFC000  }
0x5f: {  	_ =	swait.ge [sflag:s23], $0x4000  }
0x60: {  	[sflag:s23] =	ssyncset.done $0x0  }
0x61: {  	s15 =	rddreg [dreg:$0x10];
	[sflag:s23] =	ssyncadd.s32 $0xFFFFC000  }
0x62: {  	[spmem:s3] =	stream.indirect.scatter.add.f32 [tilespmem:s21], [sflag:$0x4], $0x80, s15, s20, $0xb8;
	[tilespmem:$0x1C800] =	vst v63  }
0x63: {  	_ =	swait.ge [sflag:s28], $0x4000  }
0x64: {  	[sflag:s28] =	ssyncset.done $0x0;
	s15 =	rddreg [dreg:$0x4]  }
0x65: {  	s14 =	rddreg [dreg:$0xf];
	[sflag:s28] =	ssyncadd.s32 $0xFFFFC000  }
.LBB2_10:
0x66: {  	s5 =	stileid.u32  }
0x67: {  	[bflag:$0x0] =	sbarrier.arrive $0xFFFF;
	s5 =	sshll.u32 s5, $0x6  }
0x68: {  	s12 =	sshrl.u32 s15, $0x3;
	s13 =	rddreg [dreg:$0x9];
	s5 =	sor.u32 $0x1C05, s5  }
0x69: {  	[hbm:s13], [sflag:s5] =	dma.local [spmem:s12], $0x2800  }
0x6a: {  	_ =	swait.ge [sflag:s18], $0x2800  }
0x6b: {  	s14 =	sadd.s32 $0x1, s14;
	s13 =	rddreg [dreg:$0xa]  }
0x6c: {  	p2 =	sne.s32 s14, s13  }
.Ltmp1:
0x6d: {  	_ = 	snop;
	(pc) =	sbr.rel @!p2 .LBB2_11-.Ltmp1, $3  }
0x6e: {  	_ =	sdelay $0x1  }
0x6f: {  	[sflag:s18] =	ssyncset.done $0x0  }
0x70: {  	[sflag:s18] =	ssyncadd.s32 $0xFFFFD800  }
.LBB2_1:
0x71: {  	[dreg:$0xf] =	wrdreg s14;
	s13 =	simm.s32 $0x0;
	s14 =	simm.s32 $0x200  }
.LBB2_2:
0x72: {  	p2 =	sne.s32 s14, $0xFE00;
	[tilespmem:s13+$0x4870] =	vst v0  }
0x73: {  	[tilespmem:s13+$0x800] =	vst v0  }
0x74: {  	[tilespmem:s13+$0x4800] =	vst v0  }
0x75: {  	[tilespmem:s13+$0x810] =	vst v0  }
0x76: {  	[tilespmem:s13+$0x4810] =	vst v0  }
0x77: {  	[tilespmem:s13+$0x820] =	vst v0  }
0x78: {  	[tilespmem:s13+$0x4820] =	vst v0  }
0x79: {  	[tilespmem:s13+$0x830] =	vst v0  }
0x7a: {  	[tilespmem:s13+$0x4830] =	vst v0  }
0x7b: {  	[tilespmem:s13+$0x840] =	vst v0  }
0x7c: {  	[tilespmem:s13+$0x4840] =	vst v0  }
.Ltmp2:
0x7d: {  	[tilespmem:s13+$0x850] =	vst v0;
	(pc) =	sbr.rel @p2 .LBB2_2-.Ltmp2, $4  }
0x7e: {  	[tilespmem:s13+$0x4850] =	vst v0  }
0x7f: {  	[tilespmem:s13+$0x860] =	vst v0  }
0x80: {  	[tilespmem:s13+$0x4860] =	vst v0  }
0x81: {  	[tilespmem:s13+$0x870] =	vst v0;
	s13 =	sshra.s32 s14, $0x2;
	s14 =	sadd.s32 $0x200, s14  }
0x82: {  	[tilespmem:s13+$0x4870] =	vst v0  }
0x83: {  	[tilespmem:s13+$0x800] =	vst v0  }
0x84: {  	[tilespmem:s13+$0x4800] =	vst v0  }
0x85: {  	[tilespmem:s13+$0x810] =	vst v0  }
0x86: {  	[tilespmem:s13+$0x4810] =	vst v0  }
0x87: {  	[tilespmem:s13+$0x820] =	vst v0  }
0x88: {  	[tilespmem:s13+$0x4820] =	vst v0  }
0x89: {  	[tilespmem:s13+$0x830] =	vst v0  }
0x8a: {  	[tilespmem:s13+$0x4830] =	vst v0  }
0x8b: {  	[tilespmem:s13+$0x840] =	vst v0  }
0x8c: {  	[tilespmem:s13+$0x4840] =	vst v0  }
0x8d: {  	[tilespmem:s13+$0x850] =	vst v0  }
0x8e: {  	[tilespmem:s13+$0x4850] =	vst v0  }
0x8f: {  	[tilespmem:s13+$0x860] =	vst v0  }
0x90: {  	[tilespmem:s13+$0x4860] =	vst v0  }
0x91: {  	[tilespmem:s13+$0x870] =	vst v0  }
0x92: {  	[spmem:s15] =	stream.linear.scatter [tilespmem:s17], [sflag:$0x5], $0x4000, $0x38;
	[tilespmem:$0x1C800] =	vst v63  }
0x93: {  	_ =	swait.ge [sflag:s18], $0x4000  }
0x94: {  	[sflag:s18] =	ssyncset.done $0x0  }
0x95: {  	s5 =	rddreg [dreg:$0xb];
	[sflag:s18] =	ssyncadd.s32 $0xFFFFC000  }
0x96: {  	[spmem:s5] =	stream.linear.scatter [tilespmem:s17], [sflag:$0x5], $0x4000, $0x38;
	[tilespmem:$0x1C800] =	vst v63  }
0x97: {  	_ =	swait.ge [sflag:s18], $0x4000  }
0x98: {  	[sflag:s18] =	ssyncset.done $0x0  }
0x99: {  	s14 =	rddreg [dreg:$0xc];
	[sflag:s18] =	ssyncadd.s32 $0xFFFFC000  }
0x9a: {  	[spmem:s14] =	stream.linear.scatter [tilespmem:s17], [sflag:$0x5], $0x4000, $0x38;
	[tilespmem:$0x1C800] =	vst v63  }
0x9b: {  	_ =	swait.ge [sflag:s18], $0x4000  }
0x9c: {  	[sflag:s18] =	ssyncset.done $0x0  }
0x9d: {  	s12 =	rddreg [dreg:$0xd];
	[sflag:s18] =	ssyncadd.s32 $0xFFFFC000  }
0x9e: {  	[spmem:s12] =	stream.linear.scatter [tilespmem:s17], [sflag:$0x5], $0x4000, $0x38;
	[tilespmem:$0x1C800] =	vst v63  }
0x9f: {  	_ =	swait.ge [sflag:s18], $0x4000  }
0xa0: {  	[sflag:s18] =	ssyncset.done $0x0  }
0xa1: {  	s13 =	rddreg [dreg:$0xe];
	[sflag:s18] =	ssyncadd.s32 $0xFFFFC000  }
0xa2: {  	[spmem:s13] =	stream.linear.scatter [tilespmem:s17], [sflag:$0x5], $0x4000, $0x38;
	[tilespmem:$0x1C800] =	vst v63  }
0xa3: {  	_ =	swait.ge [sflag:s18], $0x4000  }
0xa4: {  	[sflag:s18] =	ssyncset.done $0x0  }
0xa5: {  	[sflag:s18] =	ssyncadd.s32 $0xFFFFC000  }
0xa6: {  	s14 =	sadd.s32 $0x0, s16;
	[bflag:$0x0] =	sbarrier.arrive $0xFFFF  }
0xa7: {  	[tilespmem:s4], [sflag:$0x5] =	stream.linear.gather [hbm4b:s14+s4], $0x400, $0x38;
	[tilespmem:$0x1C800] =	vst v63  }
0xa8: {  	_ =	swait.ge [sflag:s18], $0x400  }
0xa9: {  	[sflag:s18] =	ssyncset.done $0x0  }
0xaa: {  	s5 =	sadd.s32 $0x9C80, s14;
	[sflag:s18] =	ssyncadd.s32 $0xFFFFFC00  }
0xab: {  	[tilespmem:s19], [sflag:$0x5] =	stream.linear.gather [hbm4b:s5+s4], $0x400, $0x38;
	[tilespmem:$0x1C800] =	vst v63  }
0xac: {  	_ =	swait.ge [sflag:s18], $0x400  }
0xad: {  	[sflag:s18] =	ssyncset.done $0x0  }
0xae: {  	[sflag:s18] =	ssyncadd.s32 $0xFFFFFC00  }
0xaf: {  	[tilespmem:s17], [sflag:$0x1] =	stream.indirect.gather [hbm4b:s0+s20], $0x80, s4, s20, $0xb8;
	[tilespmem:$0x1C800] =	vst v63  }
0xb0: {  	_ = 	snop  }
0xb1: {  	[tilespmem:s21], [sflag:$0x2] =	stream.indirect.gather [hbm4b:s0+s20], $0x80, s20, s20, $0xb8;
	[tilespmem:$0x1C800] =	vst v63  }
0xb2: {  	_ =	swait.ge [sflag:s22], $0x4000  }
0xb3: {  	[sflag:s22] =	ssyncset.done $0x0  }
0xb4: {  	[sflag:s22] =	ssyncadd.s32 $0xFFFFC000  }
0xb5: {  	[spmem:s3] =	stream.indirect.scatter.add.f32 [tilespmem:s17], [sflag:$0x3], $0x80, s19, s20, $0xb8;
	[tilespmem:$0x1C800] =	vst v63  }
0xb6: {  	_ =	swait.ge [sflag:s23], $0x4000  }
0xb7: {  	[sflag:s23] =	ssyncset.done $0x0  }
0xb8: {  	[sflag:s23] =	ssyncadd.s32 $0xFFFFC000  }
0xb9: {  	[tilespmem:s17], [sflag:$0x1] =	stream.indirect.gather [hbm4b:s0+s20], $0x80, s24, s20, $0xb8;
	[tilespmem:$0x1C800] =	vst v63  }
0xba: {  	_ =	swait.ge [sflag:s25], $0x4000  }
0xbb: {  	[sflag:s25] =	ssyncset.done $0x0  }
0xbc: {  	[sflag:s25] =	ssyncadd.s32 $0xFFFFC000  }
0xbd: {  	[spmem:s3] =	stream.indirect.scatter.add.f32 [tilespmem:s21], [sflag:$0x4], $0x80, s26, s20, $0xb8;
	[tilespmem:$0x1C800] =	vst v63  }
0xbe: {  	_ =	swait.ge [sflag:s28], $0x4000  }
0xbf: {  	[sflag:s28] =	ssyncset.done $0x0  }
0xc0: {  	[sflag:s28] =	ssyncadd.s32 $0xFFFFC000  }
0xc1: {  	[tilespmem:s21], [sflag:$0x2] =	stream.indirect.gather [hbm4b:s0+s20], $0x80, s29, s20, $0xb8;
	[tilespmem:$0x1C800] =	vst v63  }
0xc2: {  	_ =	swait.ge [sflag:s22], $0x4000  }
0xc3: {  	[sflag:s22] =	ssyncset.done $0x0  }
0xc4: {  	[sflag:s22] =	ssyncadd.s32 $0xFFFFC000  }
0xc5: {  	[spmem:s3] =	stream.indirect.scatter.add.f32 [tilespmem:s17], [sflag:$0x3], $0x80, s30, s20, $0xb8;
	[tilespmem:$0x1C800] =	vst v63  }
0xc6: {  	_ =	swait.ge [sflag:s23], $0x4000  }
0xc7: {  	[sflag:s23] =	ssyncset.done $0x0  }
0xc8: {  	[sflag:s23] =	ssyncadd.s32 $0xFFFFC000  }
0xc9: {  	[tilespmem:s17], [sflag:$0x1] =	stream.indirect.gather [hbm4b:s0+s20], $0x80, s31, s20, $0xb8;
	[tilespmem:$0x1C800] =	vst v63  }
0xca: {  	_ =	swait.ge [sflag:s25], $0x4000  }
0xcb: {  	[sflag:s25] =	ssyncset.done $0x0  }
0xcc: {  	[sflag:s25] =	ssyncadd.s32 $0xFFFFC000  }
0xcd: {  	[spmem:s3] =	stream.indirect.scatter.add.f32 [tilespmem:s21], [sflag:$0x4], $0x80, s1, s20, $0xb8;
	[tilespmem:$0x1C800] =	vst v63  }
0xce: {  	_ =	swait.ge [sflag:s28], $0x4000  }
0xcf: {  	[sflag:s28] =	ssyncset.done $0x0  }
0xd0: {  	[sflag:s28] =	ssyncadd.s32 $0xFFFFC000  }
0xd1: {  	[tilespmem:s21], [sflag:$0x2] =	stream.indirect.gather [hbm4b:s0+s20], $0x80, s6, s20, $0xb8;
	[tilespmem:$0x1C800] =	vst v63  }
0xd2: {  	_ =	swait.ge [sflag:s22], $0x4000  }
0xd3: {  	[sflag:s22] =	ssyncset.done $0x0  }
0xd4: {  	[sflag:s22] =	ssyncadd.s32 $0xFFFFC000  }
0xd5: {  	[spmem:s3] =	stream.indirect.scatter.add.f32 [tilespmem:s17], [sflag:$0x3], $0x80, s7, s20, $0xb8;
	[tilespmem:$0x1C800] =	vst v63  }
0xd6: {  	_ =	swait.ge [sflag:s23], $0x4000  }
0xd7: {  	[sflag:s23] =	ssyncset.done $0x0  }
0xd8: {  	[sflag:s23] =	ssyncadd.s32 $0xFFFFC000  }
0xd9: {  	[tilespmem:s17], [sflag:$0x1] =	stream.indirect.gather [hbm4b:s0+s20], $0x80, s8, s20, $0xb8;
	[tilespmem:$0x1C800] =	vst v63  }
0xda: {  	_ =	swait.ge [sflag:s25], $0x4000  }
0xdb: {  	[sflag:s25] =	ssyncset.done $0x0  }
0xdc: {  	[sflag:s25] =	ssyncadd.s32 $0xFFFFC000  }
0xdd: {  	[spmem:s3] =	stream.indirect.scatter.add.f32 [tilespmem:s21], [sflag:$0x4], $0x80, s9, s20, $0xb8;
	[tilespmem:$0x1C800] =	vst v63  }
0xde: {  	_ =	swait.ge [sflag:s28], $0x4000  }
0xdf: {  	[sflag:s28] =	ssyncset.done $0x0  }
0xe0: {  	[sflag:s28] =	ssyncadd.s32 $0xFFFFC000  }
0xe1: {  	[tilespmem:s21], [sflag:$0x2] =	stream.indirect.gather [hbm4b:s0+s20], $0x80, s2, s20, $0xb8;
	[tilespmem:$0x1C800] =	vst v63  }
0xe2: {  	_ =	swait.ge [sflag:s22], $0x4000  }
0xe3: {  	[sflag:s22] =	ssyncset.done $0x0  }
0xe4: {  	[sflag:s22] =	ssyncadd.s32 $0xFFFFC000  }
0xe5: {  	[spmem:s3] =	stream.indirect.scatter.add.f32 [tilespmem:s17], [sflag:$0x3], $0x80, s10, s20, $0xb8;
	[tilespmem:$0x1C800] =	vst v63  }
0xe6: {  	_ =	swait.ge [sflag:s25], $0x4000  }
0xe7: {  	[sflag:s25] =	ssyncset.done $0x0  }
0xe8: {  	[sflag:s25] =	ssyncadd.s32 $0xFFFFC000  }
0xe9: {  	_ =	swait.ge [sflag:s23], $0x4000  }
0xea: {  	[sflag:s23] =	ssyncset.done $0x0  }
0xeb: {  	[sflag:s23] =	ssyncadd.s32 $0xFFFFC000  }
0xec: {  	[spmem:s3] =	stream.indirect.scatter.add.f32 [tilespmem:s21], [sflag:$0x4], $0x80, s11, s20, $0xb8;
	[tilespmem:$0x1C800] =	vst v63  }
0xed: {  	_ =	swait.ge [sflag:s28], $0x4000  }
0xee: {  	s13 =	simm.s32 $0x80;
	s5 =	simm.s32 $0x100;
	[sflag:s28] =	ssyncset.done $0x0  }
.LBB2_4:
0xef: {  	s12 =	sadd.s32 s13, s16  }
0xf0: {  	[sflag:s28] =	ssyncadd.s32 $0xFFFFC000;
	s13 =	smov.u32 s5;
	s14 =	sadd.s32 $0x80, s5  }
0xf1: {  	[tilespmem:s4], [sflag:$0x5] =	stream.linear.gather [hbm4b:s12+s4], $0x400, $0x38;
	[tilespmem:$0x1C800] =	vst v63  }
0xf2: {  	p2 =	sne.s32 s5, $0x400;
	_ =	swait.ge [sflag:s18], $0x400  }
0xf3: {  	[sflag:s18] =	ssyncset.done $0x0  }
0xf4: {  	s5 =	sadd.s32 $0x9C80, s12;
	[sflag:s18] =	ssyncadd.s32 $0xFFFFFC00  }
0xf5: {  	[tilespmem:s19], [sflag:$0x5] =	stream.linear.gather [hbm4b:s5+s4], $0x400, $0x38;
	[tilespmem:$0x1C800] =	vst v63  }
0xf6: {  	_ =	swait.ge [sflag:s18], $0x400  }
0xf7: {  	[sflag:s18] =	ssyncset.done $0x0  }
0xf8: {  	[sflag:s18] =	ssyncadd.s32 $0xFFFFFC00  }
0xf9: {  	[tilespmem:s17], [sflag:$0x1] =	stream.indirect.gather [hbm4b:s0+s20], $0x80, s4, s20, $0xb8;
	[tilespmem:$0x1C800] =	vst v63  }
0xfa: {  	_ = 	snop  }
0xfb: {  	[tilespmem:s21], [sflag:$0x2] =	stream.indirect.gather [hbm4b:s0+s20], $0x80, s20, s20, $0xb8;
	[tilespmem:$0x1C800] =	vst v63  }
0xfc: {  	_ =	swait.ge [sflag:s22], $0x4000  }
0xfd: {  	[sflag:s22] =	ssyncset.done $0x0  }
0xfe: {  	[sflag:s22] =	ssyncadd.s32 $0xFFFFC000  }
0xff: {  	[spmem:s3] =	stream.indirect.scatter.add.f32 [tilespmem:s17], [sflag:$0x3], $0x80, s19, s20, $0xb8;
	[tilespmem:$0x1C800] =	vst v63  }
0x100: {  	_ =	swait.ge [sflag:s23], $0x4000  }
0x101: {  	[sflag:s23] =	ssyncset.done $0x0  }
0x102: {  	[sflag:s23] =	ssyncadd.s32 $0xFFFFC000  }
0x103: {  	[tilespmem:s17], [sflag:$0x1] =	stream.indirect.gather [hbm4b:s0+s20], $0x80, s24, s20, $0xb8;
	[tilespmem:$0x1C800] =	vst v63  }
0x104: {  	_ =	swait.ge [sflag:s25], $0x4000  }
0x105: {  	[sflag:s25] =	ssyncset.done $0x0  }
0x106: {  	[sflag:s25] =	ssyncadd.s32 $0xFFFFC000  }
0x107: {  	[spmem:s3] =	stream.indirect.scatter.add.f32 [tilespmem:s21], [sflag:$0x4], $0x80, s26, s20, $0xb8;
	[tilespmem:$0x1C800] =	vst v63  }
0x108: {  	_ =	swait.ge [sflag:s28], $0x4000  }
0x109: {  	[sflag:s28] =	ssyncset.done $0x0  }
0x10a: {  	[sflag:s28] =	ssyncadd.s32 $0xFFFFC000  }
0x10b: {  	[tilespmem:s21], [sflag:$0x2] =	stream.indirect.gather [hbm4b:s0+s20], $0x80, s29, s20, $0xb8;
	[tilespmem:$0x1C800] =	vst v63  }
0x10c: {  	_ =	swait.ge [sflag:s22], $0x4000  }
0x10d: {  	[sflag:s22] =	ssyncset.done $0x0  }
0x10e: {  	[sflag:s22] =	ssyncadd.s32 $0xFFFFC000  }
0x10f: {  	[spmem:s3] =	stream.indirect.scatter.add.f32 [tilespmem:s17], [sflag:$0x3], $0x80, s30, s20, $0xb8;
	[tilespmem:$0x1C800] =	vst v63  }
0x110: {  	_ =	swait.ge [sflag:s23], $0x4000  }
0x111: {  	[sflag:s23] =	ssyncset.done $0x0  }
0x112: {  	[sflag:s23] =	ssyncadd.s32 $0xFFFFC000  }
0x113: {  	[tilespmem:s17], [sflag:$0x1] =	stream.indirect.gather [hbm4b:s0+s20], $0x80, s31, s20, $0xb8;
	[tilespmem:$0x1C800] =	vst v63  }
0x114: {  	_ =	swait.ge [sflag:s25], $0x4000  }
0x115: {  	[sflag:s25] =	ssyncset.done $0x0  }
0x116: {  	[sflag:s25] =	ssyncadd.s32 $0xFFFFC000  }
0x117: {  	[spmem:s3] =	stream.indirect.scatter.add.f32 [tilespmem:s21], [sflag:$0x4], $0x80, s1, s20, $0xb8;
	[tilespmem:$0x1C800] =	vst v63  }
0x118: {  	_ =	swait.ge [sflag:s28], $0x4000  }
0x119: {  	[sflag:s28] =	ssyncset.done $0x0  }
0x11a: {  	[sflag:s28] =	ssyncadd.s32 $0xFFFFC000  }
0x11b: {  	[tilespmem:s21], [sflag:$0x2] =	stream.indirect.gather [hbm4b:s0+s20], $0x80, s6, s20, $0xb8;
	[tilespmem:$0x1C800] =	vst v63  }
0x11c: {  	_ =	swait.ge [sflag:s22], $0x4000  }
0x11d: {  	[sflag:s22] =	ssyncset.done $0x0  }
0x11e: {  	[sflag:s22] =	ssyncadd.s32 $0xFFFFC000  }
0x11f: {  	[spmem:s3] =	stream.indirect.scatter.add.f32 [tilespmem:s17], [sflag:$0x3], $0x80, s7, s20, $0xb8;
	[tilespmem:$0x1C800] =	vst v63  }
0x120: {  	_ =	swait.ge [sflag:s23], $0x4000  }
0x121: {  	[sflag:s23] =	ssyncset.done $0x0  }
0x122: {  	[sflag:s23] =	ssyncadd.s32 $0xFFFFC000  }
0x123: {  	[tilespmem:s17], [sflag:$0x1] =	stream.indirect.gather [hbm4b:s0+s20], $0x80, s8, s20, $0xb8;
	[tilespmem:$0x1C800] =	vst v63  }
0x124: {  	_ =	swait.ge [sflag:s25], $0x4000  }
0x125: {  	[sflag:s25] =	ssyncset.done $0x0  }
0x126: {  	[sflag:s25] =	ssyncadd.s32 $0xFFFFC000  }
0x127: {  	[spmem:s3] =	stream.indirect.scatter.add.f32 [tilespmem:s21], [sflag:$0x4], $0x80, s9, s20, $0xb8;
	[tilespmem:$0x1C800] =	vst v63  }
0x128: {  	_ =	swait.ge [sflag:s28], $0x4000  }
0x129: {  	[sflag:s28] =	ssyncset.done $0x0  }
0x12a: {  	[sflag:s28] =	ssyncadd.s32 $0xFFFFC000  }
0x12b: {  	[tilespmem:s21], [sflag:$0x2] =	stream.indirect.gather [hbm4b:s0+s20], $0x80, s2, s20, $0xb8;
	[tilespmem:$0x1C800] =	vst v63  }
0x12c: {  	_ =	swait.ge [sflag:s22], $0x4000  }
0x12d: {  	[sflag:s22] =	ssyncset.done $0x0  }
0x12e: {  	[sflag:s22] =	ssyncadd.s32 $0xFFFFC000  }
0x12f: {  	[spmem:s3] =	stream.indirect.scatter.add.f32 [tilespmem:s17], [sflag:$0x3], $0x80, s10, s20, $0xb8;
	[tilespmem:$0x1C800] =	vst v63  }
0x130: {  	_ =	swait.ge [sflag:s25], $0x4000  }
0x131: {  	[sflag:s25] =	ssyncset.done $0x0  }
0x132: {  	[sflag:s25] =	ssyncadd.s32 $0xFFFFC000  }
0x133: {  	_ =	swait.ge [sflag:s23], $0x4000  }
.Ltmp3:
0x134: {  	[sflag:s23] =	ssyncset.done $0x0;
	(pc) =	sbr.rel @p2 .LBB2_4-.Ltmp3, $4  }
0x135: {  	[sflag:s23] =	ssyncadd.s32 $0xFFFFC000  }
0x136: {  	[spmem:s3] =	stream.indirect.scatter.add.f32 [tilespmem:s21], [sflag:$0x4], $0x80, s11, s20, $0xb8;
	[tilespmem:$0x1C800] =	vst v63  }
0x137: {  	_ =	swait.ge [sflag:s28], $0x4000  }
0x138: {  	s5 =	smov.u32 s14;
	[sflag:s28] =	ssyncset.done $0x0  }
0x139: {  	s5 =	sadd.s32 s13, s16;
	[sflag:s28] =	ssyncadd.s32 $0xFFFFC000  }
0x13a: {  	[tilespmem:s4], [sflag:$0x5] =	stream.linear.gather [hbm4b:s5+s4], $0x400, $0x38;
	[tilespmem:$0x1C800] =	vst v63  }
0x13b: {  	_ =	swait.ge [sflag:s18], $0x400  }
0x13c: {  	[sflag:s18] =	ssyncset.done $0x0  }
0x13d: {  	s5 =	sadd.s32 $0x9C80, s5;
	[sflag:s18] =	ssyncadd.s32 $0xFFFFFC00  }
0x13e: {  	[tilespmem:s19], [sflag:$0x5] =	stream.linear.gather [hbm4b:s5+s4], $0x400, $0x38;
	[tilespmem:$0x1C800] =	vst v63  }
0x13f: {  	_ =	swait.ge [sflag:s18], $0x400  }
0x140: {  	[sflag:s18] =	ssyncset.done $0x0  }
0x141: {  	[sflag:s18] =	ssyncadd.s32 $0xFFFFFC00  }
0x142: {  	[tilespmem:s17], [sflag:$0x1] =	stream.indirect.gather [hbm4b:s0+s20], $0x80, s4, s20, $0xb8;
	[tilespmem:$0x1C800] =	vst v63  }
0x143: {  	_ = 	snop  }
0x144: {  	[tilespmem:s21], [sflag:$0x2] =	stream.indirect.gather [hbm4b:s0+s20], $0x80, s20, s20, $0xb8;
	[tilespmem:$0x1C800] =	vst v63  }
0x145: {  	_ =	swait.ge [sflag:s22], $0x4000  }
0x146: {  	[sflag:s22] =	ssyncset.done $0x0  }
0x147: {  	[sflag:s22] =	ssyncadd.s32 $0xFFFFC000  }
0x148: {  	[spmem:s3] =	stream.indirect.scatter.add.f32 [tilespmem:s17], [sflag:$0x3], $0x80, s19, s20, $0xb8;
	[tilespmem:$0x1C800] =	vst v63  }
0x149: {  	_ =	swait.ge [sflag:s23], $0x4000  }
0x14a: {  	[sflag:s23] =	ssyncset.done $0x0  }
0x14b: {  	[sflag:s23] =	ssyncadd.s32 $0xFFFFC000  }
0x14c: {  	[tilespmem:s17], [sflag:$0x1] =	stream.indirect.gather [hbm4b:s0+s20], $0x80, s24, s20, $0xb8;
	[tilespmem:$0x1C800] =	vst v63  }
0x14d: {  	_ =	swait.ge [sflag:s25], $0x4000  }
0x14e: {  	[sflag:s25] =	ssyncset.done $0x0  }
0x14f: {  	[sflag:s25] =	ssyncadd.s32 $0xFFFFC000  }
0x150: {  	[spmem:s3] =	stream.indirect.scatter.add.f32 [tilespmem:s21], [sflag:$0x4], $0x80, s26, s20, $0xb8;
	[tilespmem:$0x1C800] =	vst v63  }
0x151: {  	_ =	swait.ge [sflag:s28], $0x4000  }
0x152: {  	[sflag:s28] =	ssyncset.done $0x0  }
0x153: {  	[sflag:s28] =	ssyncadd.s32 $0xFFFFC000  }
0x154: {  	[tilespmem:s21], [sflag:$0x2] =	stream.indirect.gather [hbm4b:s0+s20], $0x80, s29, s20, $0xb8;
	[tilespmem:$0x1C800] =	vst v63  }
0x155: {  	_ =	swait.ge [sflag:s22], $0x4000  }
0x156: {  	[sflag:s22] =	ssyncset.done $0x0  }
0x157: {  	[sflag:s22] =	ssyncadd.s32 $0xFFFFC000  }
0x158: {  	[spmem:s3] =	stream.indirect.scatter.add.f32 [tilespmem:s17], [sflag:$0x3], $0x80, s30, s20, $0xb8;
	[tilespmem:$0x1C800] =	vst v63  }
0x159: {  	_ =	swait.ge [sflag:s23], $0x4000  }
0x15a: {  	[sflag:s23] =	ssyncset.done $0x0  }
0x15b: {  	[sflag:s23] =	ssyncadd.s32 $0xFFFFC000  }
0x15c: {  	[tilespmem:s17], [sflag:$0x1] =	stream.indirect.gather [hbm4b:s0+s20], $0x80, s31, s20, $0xb8;
	[tilespmem:$0x1C800] =	vst v63  }
0x15d: {  	_ =	swait.ge [sflag:s25], $0x4000  }
0x15e: {  	[sflag:s25] =	ssyncset.done $0x0  }
0x15f: {  	[sflag:s25] =	ssyncadd.s32 $0xFFFFC000  }
0x160: {  	[spmem:s3] =	stream.indirect.scatter.add.f32 [tilespmem:s21], [sflag:$0x4], $0x80, s1, s20, $0xb8;
	[tilespmem:$0x1C800] =	vst v63  }
0x161: {  	_ =	swait.ge [sflag:s28], $0x4000  }
0x162: {  	[sflag:s28] =	ssyncset.done $0x0  }
0x163: {  	[sflag:s28] =	ssyncadd.s32 $0xFFFFC000  }
0x164: {  	[tilespmem:s21], [sflag:$0x2] =	stream.indirect.gather [hbm4b:s0+s20], $0x80, s6, s20, $0xb8;
	[tilespmem:$0x1C800] =	vst v63  }
0x165: {  	_ =	swait.ge [sflag:s22], $0x4000  }
0x166: {  	[sflag:s22] =	ssyncset.done $0x0  }
0x167: {  	[sflag:s22] =	ssyncadd.s32 $0xFFFFC000  }
0x168: {  	[spmem:s3] =	stream.indirect.scatter.add.f32 [tilespmem:s17], [sflag:$0x3], $0x80, s7, s20, $0xb8;
	[tilespmem:$0x1C800] =	vst v63  }
0x169: {  	_ =	swait.ge [sflag:s23], $0x4000  }
0x16a: {  	[sflag:s23] =	ssyncset.done $0x0  }
0x16b: {  	[sflag:s23] =	ssyncadd.s32 $0xFFFFC000  }
0x16c: {  	[tilespmem:s17], [sflag:$0x1] =	stream.indirect.gather [hbm4b:s0+s20], $0x80, s8, s20, $0xb8;
	[tilespmem:$0x1C800] =	vst v63  }
0x16d: {  	_ =	swait.ge [sflag:s25], $0x4000  }
0x16e: {  	[sflag:s25] =	ssyncset.done $0x0  }
0x16f: {  	[sflag:s25] =	ssyncadd.s32 $0xFFFFC000  }
0x170: {  	[spmem:s3] =	stream.indirect.scatter.add.f32 [tilespmem:s21], [sflag:$0x4], $0x80, s9, s20, $0xb8;
	[tilespmem:$0x1C800] =	vst v63  }
0x171: {  	_ =	swait.ge [sflag:s28], $0x4000  }
0x172: {  	[sflag:s28] =	ssyncset.done $0x0  }
0x173: {  	[sflag:s28] =	ssyncadd.s32 $0xFFFFC000  }
0x174: {  	[tilespmem:s21], [sflag:$0x2] =	stream.indirect.gather [hbm4b:s0+s20], $0x80, s2, s20, $0xb8;
	[tilespmem:$0x1C800] =	vst v63  }
0x175: {  	_ =	swait.ge [sflag:s22], $0x4000  }
0x176: {  	[sflag:s22] =	ssyncset.done $0x0  }
0x177: {  	[sflag:s22] =	ssyncadd.s32 $0xFFFFC000  }
0x178: {  	[spmem:s3] =	stream.indirect.scatter.add.f32 [tilespmem:s17], [sflag:$0x3], $0x80, s10, s20, $0xb8;
	[tilespmem:$0x1C800] =	vst v63  }
0x179: {  	_ =	swait.ge [sflag:s25], $0x4000  }
0x17a: {  	[sflag:s25] =	ssyncset.done $0x0  }
0x17b: {  	[sflag:s25] =	ssyncadd.s32 $0xFFFFC000  }
0x17c: {  	_ =	swait.ge [sflag:s23], $0x4000  }
0x17d: {  	[sflag:s23] =	ssyncset.done $0x0  }
.Ltmp4:
0x17e: {  	[sflag:s23] =	ssyncadd.s32 $0xFFFFC000;
	(pc) =	sbr.rel @!p0 .LBB2_6-.Ltmp4, $4  }
0x17f: {  	[spmem:s3] =	stream.indirect.scatter.add.f32 [tilespmem:s21], [sflag:$0x4], $0x80, s11, s20, $0xb8;
	[tilespmem:$0x1C800] =	vst v63  }
0x180: {  	_ =	swait.ge [sflag:s28], $0x4000  }
0x181: {  	[sflag:s28] =	ssyncset.done $0x0  }
0x182: {  	[sflag:s28] =	ssyncadd.s32 $0xFFFFC000  }
.Ltmp5:
0x183: {  	(pc) =	sbr.rel @p1 .LBB2_10-.Ltmp5, $2  }
0x184: {  	_ =	sdelay $0x2  }
0x185: {  	s14 =	rddreg [dreg:$0xf]  }
0x186: {  	s5 =	rddreg [dreg:$0x5]  }
0x187: {  	[tilespmem:s4], [sflag:$0x5] =	stream.linear.gather [hbm4b:s5+s4], $0x200, $0x38;
	[tilespmem:$0x1C800] =	vst v63  }
0x188: {  	_ =	swait.ge [sflag:s18], $0x200  }
0x189: {  	[sflag:s18] =	ssyncset.done $0x0  }
0x18a: {  	s5 =	simm.s32 $0x400;
	s12 =	rddreg [dreg:$0x6];
	[sflag:s18] =	ssyncadd.s32 $0xFFFFFE00  }
0x18b: {  	[tilespmem:s5], [sflag:$0x5] =	stream.linear.gather [hbm4b:s12+s4], $0x200, $0x38;
	[tilespmem:$0x1C800] =	vst v63  }
.Ltmp6:
0x18c: {  	s14 =	simm.s32 $0x80;
	s13 =	simm.s32 $0x580;
	(pc) =	sbr.rel .LBB2_9-.Ltmp6, $4  }
0x18d: {  	s15 =	simm.s32 $0x500;
	_ =	swait.ge [sflag:s18], $0x200;
	[dreg:$0x10] =	wrdreg s13  }
0x18e: {  	s12 =	simm.s32 $0x480;
	[dreg:$0x11] =	wrdreg s15;
	[sflag:s18] =	ssyncset.done $0x0  }
0x18f: {  	s15 =	simm.s32 $0x180;
	s13 =	simm.s32 $0x100;
	[sflag:s18] =	ssyncadd.s32 $0xFFFFFE00  }
0x190: {  	[tilespmem:s17], [sflag:$0x1] =	stream.indirect.gather [hbm4b:s0+s14], $0x80, s4, s14, $0xb8;
	[tilespmem:$0x1C800] =	vst v63  }
.LBB2_11:
0x191: {  	_ =	sfence.sel $0x180000  }
0x192: {  	[bflag:$0x0] =	sbarrier.arrive $0xFFFF  }
0x193: {  	_ =	strace $0x9000004D  }
0x194: {  	s0 =	stileid.u32;
	[bflag:$0x2] =	sbarrier.arrive $0xFFFF  }
0x195: {  	p0 =	sne.s32 s0, $0x0;
	s0 =	rddreg [dreg:$0x3]  }
0x196: {  	s0 =	sadd.s32 @!p0 $0x100000, s0  }
0x197: {  	[sflag:s0] =	ssyncadd.tile.s32 @!p0 $0x1;
	_ =	shalt  }
.Lfunc_end2:
_tile_overlayer_lowered:
.L_overlay_start_2:
0x198: {  	(tag) =	ssettag $0x2  }
0x199: {  	s0 =	rddreg [dreg:$0x0];
	s2 =	stileid.u32  }
0x19a: {  	s1 =	rddreg [dreg:$0x1];
	p0 =	sne.s32 s2, $0x0  }
0x19b: {  	s3 =	rddreg [dreg:$0x2];
	[bflag:$0x3] =	sbarrier.arrive $0xFFFF;
	s2 =	simm.s32 @!p0 $0x1C05  }
0x19c: {  	[timem:s3], [sflag:s2] =	dma.local @!p0 [hbm:s0], s1  }
0x19d: {  	s0 =	simm.s32 @!p0 $0x5  }
0x19e: {  	_ =	swait.ge @!p0 [sflag:s0], s1  }
0x19f: {  	s1 =	ssub.s32 @!p0 $0x0, s1;
	[sflag:s0] =	ssyncset.done @!p0 $0x0  }
0x1a0: {  	[sflag:s0] =	ssyncadd.s32 @!p0 s1  }
0x1a1: {  	[bflag:$0x3] =	sbarrier.arrive $0xFFFF  }
0x1a2: {  	_ =	shalt  }

// kernel: kernel.9.cloned.1.call-start
scs
__scs_entry_jumppad:
0x0: {  	(pc) =	sbr.rel $0x88, $3  }
0x1: {  	(tag) =	ssettag $0x0;
	lr =	simm.s32 $0x1  }
0x2: {  	[smem:$0x3F9B] =	sst lr;
	_ =	strace $0xD0000000  }
0x3: {  	_ = 	snop  }
0x4: {  	_ = 	snop  }
0x5: {  	_ = 	snop  }
0x6: {  	_ = 	snop  }
0x7: {  	_ = 	snop  }
__scs_overlays_trampoline_lowered:
0x8: {  	[smem:$0x3FAA] =	sst s0  }
0x9: {  	[smem:$0x3FAB] =	sst s1  }
0xa: {  	[smem:$0x3FAC] =	sst s2  }
0xb: {  	[smem:$0x3FAD] =	sst s3  }
0xc: {  	[smem:$0x3FAE] =	sst s4  }
0xd: {  	[smem:$0x3FAF] =	sst s5  }
0xe: {  	[smem:$0x3FB0] =	sst s6  }
0xf: {  	[smem:$0x3FB1] =	sst s7  }
0x10: {  	[smem:$0x3FB2] =	sst s8  }
0x11: {  	[smem:$0x3FB3] =	sst s9;
	s0 =	simm.s32 @!p0 $0x0  }
0x12: {  	s1 =	sld [smem:$0x3F99];
	s0 =	simm.s32 @p0 $0x1  }
0x13: {  	[smem:$0x3FB4] =	sst s0;
	s0 =	simm.s32 @!p1 $0x0  }
0x14: {  	s2 =	sld [smem:$0x3F98];
	s0 =	simm.s32 @p1 $0x1  }
0x15: {  	[smem:$0x3FB5] =	sst s0;
	s0 =	simm.s32 @!p2 $0x0  }
0x16: {  	s3 =	sld [smem:$0x3FDB];
	s0 =	simm.s32 @p2 $0x1  }
0x17: {  	s4 =	simm.s32 $0x1BF5;
	[smem:$0x3FB7] =	sst s0  }
0x18: {  	s0 =	sld [smem:$0x3F9A];
	_ =	swait.ge [sflag:s4], $0x0  }
0x19: {  	s7 =	sld [smem:$0x3F9B]  }
0x1a: {  	s8 =	sadd.s32 $0xFFFFE003, lr  }
0x1b: {  	s9 =	sadd.s32 $0xFFFFFEF7, lr;
	s5 =	simm.s32 $0xFFFFFFFF;
	p2 =	slt.u32 s8, $0xFFFFF086  }
0x1c: {  	p1 =	slt.u32 s9, $0xF7A;
	s5 =	simm.s32 @!p2 $0x0  }
0x1d: {  	s5 =	simm.s32 @p1 $0x1;
	p0 =	seq.s32 s7, s2  }
0x1e: {  	s7 =	smul.u32 @!p0 $0xF7A, s2;
	p2 =	seq.s32 @!p0 s5, $0x0  }
0x1f: {  	s9 =	smul.u32 $0xF7A, s1;
	s8 =	simm.s32 @!p0 $0x1BF5;
	p2 =	por !p2, p0  }
0x20: {  	[sflag:s8] =	ssyncset.s32 @!p0 $0xFFFFF086;
	s6 =	sadd.s32 @!p0 s3, s7;
	s7 =	simm.s32 @!p0 $0x108  }
0x21: {  	s3 =	sadd.s32 s3, s9;
	s6 =	sadd.s32 @!p0 $0x88, s6;
	s7 =	simm.s32 @p2 $0x1082  }
0x22: {  	[simem:s7], [sflag:s8] =	dma.local @!p0 [hbm:s6], $0xF7A  }
0x23: {  	s9 =	sor.u32 $0xD0000000, s2;
	s6 =	simm.s32 $0x108;
	_ =	swait.ge @!p0 [sflag:s8], $0x0  }
0x24: {  	s3 =	sadd.s32 $0x88, s3;
	s6 =	simm.s32 @!p1 $0x1082;
	[sflag:s4] =	ssyncset.s32 $0xFFFFF086  }
0x25: {  	[simem:s6], [sflag:s4] =	dma.local [hbm:s3], $0xF7A  }
0x26: {  	[smem:$0x3F9B] =	sst s1;
	(tag) =	ssettag s2;
	_ =	strace s9  }
0x27: {  	s1 =	sld [smem:$0x3FAB]  }
0x28: {  	s2 =	sld [smem:$0x3FAC]  }
0x29: {  	s4 =	sld [smem:$0x3FAE]  }
0x2a: {  	p0 =	seq.s32 s5, $0x0;
	s5 =	sld [smem:$0x3FAF]  }
0x2b: {  	s6 =	sld [smem:$0x3FB0]  }
0x2c: {  	s7 =	sld [smem:$0x3FB1]  }
0x2d: {  	s3 =	simm.s32 $0x108;
	s8 =	sld [smem:$0x3FB2]  }
0x2e: {  	s3 =	simm.s32 @!p0 $0x1082;
	s9 =	sld [smem:$0x3FB3]  }
0x2f: {  	lr =	sadd.s32 s0, s3;
	s0 =	sld [smem:$0x3FAA]  }
0x30: {  	s3 =	sld [smem:$0x3FAD]  }
0x31: {  	[smem:$0x3FB6] =	sst s10  }
0x32: {  	s10 =	sld [smem:$0x3FB4];
	_ =	sdelay $0x3  }
0x33: {  	p0 =	seq.s32 s10, $0x1;
	s10 =	sld [smem:$0x3FB6];
	_ =	sdelay $0x3  }
0x34: {  	[smem:$0x3FB6] =	sst s10  }
0x35: {  	s10 =	sld [smem:$0x3FB5];
	_ =	sdelay $0x3  }
0x36: {  	p1 =	seq.s32 s10, $0x1;
	s10 =	sld [smem:$0x3FB6];
	_ =	sdelay $0x3  }
0x37: {  	[smem:$0x3FB6] =	sst s10  }
0x38: {  	s10 =	sld [smem:$0x3FB7]  }
0x39: {  	_ = 	snop;
	(pc) =	sbr.ind lr, $3  }
0x3a: {  	_ = 	snop  }
0x3b: {  	_ = 	snop  }
0x3c: {  	p2 =	seq.s32 s10, $0x1;
	s10 =	sld [smem:$0x3FB6]  }
0x3d: {  	_ =	shalt  }
0x3e: {  	_ =	shalt  }
0x3f: {  	_ =	shalt  }
0x40: {  	_ =	shalt  }
0x41: {  	_ =	shalt  }
0x42: {  	_ =	shalt  }
0x43: {  	_ =	shalt  }
0x44: {  	_ =	shalt  }
0x45: {  	_ =	shalt  }
0x46: {  	_ =	shalt  }
0x47: {  	_ =	shalt  }
0x48: {  	_ =	shalt  }
0x49: {  	_ =	shalt  }
0x4a: {  	_ =	shalt  }
0x4b: {  	_ =	shalt  }
0x4c: {  	_ =	shalt  }
0x4d: {  	_ =	shalt  }
0x4e: {  	_ =	shalt  }
0x4f: {  	_ =	shalt  }
0x50: {  	_ =	shalt  }
0x51: {  	_ =	shalt  }
0x52: {  	_ =	shalt  }
0x53: {  	_ =	shalt  }
0x54: {  	_ =	shalt  }
0x55: {  	_ =	shalt  }
0x56: {  	_ =	shalt  }
0x57: {  	_ =	shalt  }
0x58: {  	_ =	shalt  }
0x59: {  	_ =	shalt  }
0x5a: {  	_ =	shalt  }
0x5b: {  	_ =	shalt  }
0x5c: {  	_ =	shalt  }
0x5d: {  	_ =	shalt  }
0x5e: {  	_ =	shalt  }
0x5f: {  	_ =	shalt  }
0x60: {  	_ =	shalt  }
0x61: {  	_ =	shalt  }
0x62: {  	_ =	shalt  }
0x63: {  	_ =	shalt  }
0x64: {  	_ =	shalt  }
0x65: {  	_ =	shalt  }
0x66: {  	_ =	shalt  }
0x67: {  	_ =	shalt  }
0x68: {  	_ =	shalt  }
0x69: {  	_ =	shalt  }
0x6a: {  	_ =	shalt  }
0x6b: {  	_ =	shalt  }
0x6c: {  	_ =	shalt  }
0x6d: {  	_ =	shalt  }
0x6e: {  	_ =	shalt  }
0x6f: {  	_ =	shalt  }
0x70: {  	_ =	shalt  }
0x71: {  	_ =	shalt  }
0x72: {  	_ =	shalt  }
0x73: {  	_ =	shalt  }
0x74: {  	_ =	shalt  }
0x75: {  	_ =	shalt  }
0x76: {  	_ =	shalt  }
0x77: {  	_ =	shalt  }
0x78: {  	_ =	shalt  }
0x79: {  	_ =	shalt  }
0x7a: {  	_ =	shalt  }
0x7b: {  	_ =	shalt  }
0x7c: {  	_ =	shalt  }
0x7d: {  	_ =	shalt  }
0x7e: {  	_ =	shalt  }
0x7f: {  	_ =	shalt  }
0x80: {  	_ =	shalt  }
0x81: {  	_ =	shalt  }
0x82: {  	_ =	shalt  }
0x83: {  	_ =	shalt  }
0x84: {  	_ =	shalt  }
0x85: {  	_ =	shalt  }
0x86: {  	_ =	shalt  }
0x87: {  	_ =	shalt  }
.Lfunc_end0:
.L_simem_size_0:
called_computation_lowered:
.L_overlay_start_0:
0x88: {  	s2 =	sld [smem:$0x3FD9]  }
0x89: {  	s3 =	sld [smem:$0x3FFE];
	_ =	sdelay $0x1  }
0x8a: {  	s1 =	srdreg.scid  }
0x8b: {  	s0 =	sand.u32 $0x1, s1  }
0x8c: {  	s17 =	sshll.u32 s0, $0xA;
	s2 =	sadd.s32 s3, s2  }
0x8d: {  	s2 =	sadd.s32 s2, s17  }
0x8e: {  	[smem:$0x3FC2] =	sst s2  }
0x8f: {  	_ = 	snop  }
0x90: {  	s2 =	sld [smem:$0x3FD0];
	(tm) =	ssettm $0x1  }
0x91: {  	s18 =	sld [smem:$0x3FFB];
	_ =	sdelay $0x3  }
0x92: {  	_ =	strace s18  }
0x93: {  	s3 =	sld [smem:$0x3FFC];
	_ =	sdelay $0x3  }
0x94: {  	_ =	strace s3  }
0x95: {  	s3 =	sld [smem:$0x3FFD];
	_ =	sdelay $0x3  }
0x96: {  	_ =	strace s3  }
0x97: {  	_ =	strace $0x8FFFFFFF  }
0x98: {  	s19 =	sld [smem:$0x3FDB];
	_ =	sdelay $0x1  }
0x99: {  	s4 =	simm.s32 $_scs_section_size  }
0x9a: {  	s5 =	simm.s32 $_size__tile_overlayer_lowered;
	s6 =	simm.s32 $_tile_overlayer_lowered  }
0x9b: {  	s22 =	simm.s32 $0x1BFF;
	s21 =	sshll.u32 s6, $0x1;
	s3 =	sadd.s32 s4, s19  }
0x9c: {  	s7 =	simm.s32 $0x0;
	s20 =	sshll.u32 s5, $0x1;
	s5 =	sadd.s32 s21, s3  }
0x9d: {  	[timem:s7], [sflag:s22] =	dma.local [hbm:s5], s20  }
0x9e: {  	_ =	swait.ge [sflag:s22], s20  }
0x9f: {  	s4 =	ssub.s32 $0x0, s20;
	[sflag:s22] =	ssyncset.done $0x0  }
0xa0: {  	[sflag:s22] =	ssyncadd.s32 s4;
	_ =	sdelay $0x1  }
0xa1: {  	s23 =	simm.s32 $0x1B8B  }
0xa2: {  	_ =	swait.ge [sflag:s23], $0x1  }
0xa3: {  	[sflag:s23] =	ssyncset.done $0x0  }
0xa4: {  	s25 =	simm.s32 $0x1B8E;
	s24 =	sld [smem:$0x3FFE];
	[sflag:s23] =	ssyncadd.s32 $0xFFFFFFFF  }
0xa5: {  	s26 =	simm.s32 $execute0_lowered;
	[smem:$0x3FD2] =	sst s25  }
0xa6: {  	s5 =	sshll.u32 s26, $0x1;
	_ =	strace $0x80000046;
	[dreg:$0x1] =	wrdreg $0xFFFFFFFF  }
0xa7: {  	s28 =	simm.s32 $_size_execute0_lowered;
	s3 =	sadd.s32 s3, s5;
	[dreg:$0x0] =	wrdreg $0x0  }
0xa8: {  	s5 =	sshll.u32 s28, $0x1;
	[dreg:$0x2] =	wrdreg s3  }
0xa9: {  	[dreg:$0x3] =	wrdreg s5  }
0xaa: {  	[dreg:$0x4] =	wrdreg $0xC0  }
0xab: {  	_ =	task [dreg:s7], $0x5FFFF  }
0xac: {  	[dreg:$0x1] =	wrdreg $0xFFFFFFFF  }
0xad: {  	[dreg:$0x0] =	wrdreg $0x60  }
0xae: {  	[dreg:$0x2] =	wrdreg s24  }
0xaf: {  	[dreg:$0x3] =	wrdreg s2  }
0xb0: {  	[dreg:$0x4] =	wrdreg $0x27000  }
0xb1: {  	[dreg:$0x5] =	wrdreg $0x9  }
0xb2: {  	_ =	task.clear_ibuf [dreg:s7], $0x6FFFF;
	_ =	strace $0x90000046  }
0xb3: {  	s29 =	simm.s32 $0x9;
	_ =	strace $0x80000048  }
0xb4: {  	_ =	swait.ge [sflag:s29], $0x1  }
0xb5: {  	[sflag:s29] =	ssyncadd.s32 $0xFFFFFFFF  }
0xb6: {  	_ =	strace $0x90000048  }
0xb7: {  	_ =	sfence  }
0xb8: {  	s30 =	sld [smem:$0x0];
	_ =	sdelay $0x2  }
0xb9: {  	s31 =	sshll.u32 s1, $0xD;
	s1 =	sshrl.u32 s1, $0x2  }
0xba: {  	s3 =	sand.u32 $0x4000, s31;
	s1 =	sadd.s32 s1, s30  }
0xbb: {  	s0 =	sor.u32 s3, s0;
	s1 =	sshll.u32 s1, $0x11  }
0xbc: {  	s0 =	sor.u32 s1, s0  }
0xbd: {  	s0 =	sadd.s32 $0x8F2B, s0  }
0xbe: {  	[sflag:s0] =	ssyncadd.remote.s32 $0x1  }
0xbf: {  	_ =	sfence.sel $0xFFFF  }
0xc0: {  	[dreg:$0x0] =	wrdreg $0xFFFFFFFF;
	(pc) =	sbr.abs _section_cstart, $3  }
0xc1: {  	[dreg:$0x1] =	wrdreg $0xFFFFFFFF  }
0xc2: {  	_ =	task.clear_ibuf [dreg:s7], $0x2FFFF;
	_ =	strace $0x9FFFFFFF  }
0xc3: {  	(tm) =	ssettm $0x7FFFFFFF  }
tec
execute0_lowered:
.L_overlay_start_1:
0x0: {  	(tag) =	ssettag $0x1  }
0x1: {  	s6 =	rddreg [dreg:$0x0]  }
0x2: {  	s8 =	rddreg [dreg:$0x1]  }
0x3: {  	s1 =	rddreg [dreg:$0x2]  }
0x4: {  	s2 =	srdreg.scid;
	s0 =	rddreg [dreg:$0x3]  }
0x5: {  	s3 =	simm.s32 $0x0;
	s14 =	simm.s32 $0x1;
	s15 =	simm.s32 $0x2  }
0x6: {  	s16 =	simm.s32 $0x100;
	s17 =	simm.s32 $0x180;
	s20 =	simm.s32 $0x20  }
0x7: {  	s21 =	simm.s32 $0x10;
	s5 =	sand.u32 $0x1, s2;
	[smem:$0x7FF] =	sst s3  }
0x8: {  	s2 =	stileid.u32;
	s11 =	sadd.s32 $0x2A00, s6;
	s6 =	sadd.s32 $0x16280, s6  }
0x9: {  	s4 =	sshll.u32 s5, $0x4;
	s7 =	ssub.s32 $0x2, s5;
	s28 =	smul.u32 $0xA00, s2  }
0xa: {  	_ =	strace $0x80000047;
	s30 =	smul.u32 $0x500, s2;
	s13 =	sshll.u32 s5, $0x7  }
0xb: {  	s18 =	sshll.u32 s2, $0x6;
	s22 =	sor.u32 s2, s4;
	s9 =	sshrl.u32 s7, $0x1  }
0xc: {  	s18 =	sor.u32 $0x1C03, s18;
	s10 =	smul.u32 $0x2400, s22;
	s9 =	ssub.s32 s7, s9  }
0xd: {  	s4 =	sshrl.u32 s28, $0x2;
	s12 =	sshll.u32 s22, $0x7;
	p0 =	sgt.u32 s22, $0x17  }
0xe: {  	p1 =	sne.s32 s22, $0x18;
	s22 =	simm.s32 $0x0;
	s4 =	sadd.s32 s4, s1  }
.Ltmp0:
0xf: {  	s31 =	sadd.s32 s12, s11;
	s9 =	smax.u32 s9, $0x1;
	(pc) =	sbr.rel .LBB2_1-.Ltmp0, $4  }
0x10: {  	s12 =	simm.s32 $0x80;
	s29 =	sshrl.u32 s10, $0x3;
	s10 =	sor.u32 s13, s30  }
0x11: {  	s13 =	simm.s32 $0x2400;
	s19 =	sshrl.u32 s4, $0x3;
	s7 =	sadd.s32 s11, s29  }
0x12: {  	s10 =	sshrl.u32 s10, $0x3;
	s11 =	simm.s32 $0x3;
	s5 =	sadd.s32 $0x9C80, s7  }
0x13: {  	v0 =	vimm.f32 $0.0e+00;
	v1 =	vimm.f32 $1.000000000e+00;
	s7 =	sadd.s32 $0x12C80, s31;
	s8 =	sadd.s32 s8, s10;
	s10 =	simm.s32 $0x2480  }
.LBB2_4:
0x14: {  	[tilespmem:s3], [sflag:$0x3] =	stream.linear.gather [hbm4b:s7+s3], $0x400, $0x38;
	[tilespmem:$0x2980] =	vst v63  }
0x15: {  	_ =	swait.ge [sflag:s11], $0x400  }
0x16: {  	[sflag:s11] =	ssyncset.done $0x0  }
0x17: {  	[sflag:s11] =	ssyncadd.s32 $0xFFFFFC00  }
0x18: {  	[spmem:s1] =	stream.indirect.scatter.add.f32 [tilespmem:s13], [sflag:$0x3], $0x1, s3, s12, $0xb8;
	[tilespmem:$0x2980] =	vst v63  }
0x19: {  	_ =	swait.ge [sflag:s11], $0x80  }
0x1a: {  	[sflag:s11] =	ssyncset.done $0x0  }
0x1b: {  	[sflag:s11] =	ssyncadd.s32 $0xFFFFFF80  }
0x1c: {  	[spmem:s1] =	stream.indirect.scatter.add.f32 [tilespmem:s13], [sflag:$0x3], $0x1, s12, s12, $0xb8;
	[tilespmem:$0x2980] =	vst v63  }
0x1d: {  	_ =	swait.ge [sflag:s11], $0x80  }
0x1e: {  	[sflag:s11] =	ssyncset.done $0x0  }
0x1f: {  	[sflag:s11] =	ssyncadd.s32 $0xFFFFFF80  }
0x20: {  	[spmem:s1] =	stream.indirect.scatter.add.f32 [tilespmem:s13], [sflag:$0x3], $0x1, s16, s12, $0xb8;
	[tilespmem:$0x2980] =	vst v63  }
0x21: {  	_ =	swait.ge [sflag:s11], $0x80  }
0x22: {  	[sflag:s11] =	ssyncset.done $0x0  }
0x23: {  	[sflag:s11] =	ssyncadd.s32 $0xFFFFFF80  }
0x24: {  	[spmem:s1] =	stream.indirect.scatter.add.f32 [tilespmem:s13], [sflag:$0x3], $0x1, s17, s12, $0xb8;
	[tilespmem:$0x2980] =	vst v63  }
0x25: {  	_ =	swait.ge [sflag:s11], $0x80  }
0x26: {  	s23 =	simm.s32 $0x380;
	s24 =	simm.s32 $0x300;
	[sflag:s11] =	ssyncset.done $0x0  }
0x27: {  	s26 =	simm.s32 $0x280;
	s25 =	simm.s32 $0x200;
	[sflag:s11] =	ssyncadd.s32 $0xFFFFFF80  }
.LBB2_7:
0x28: {  	[spmem:s1] =	stream.indirect.scatter.add.f32 [tilespmem:s13], [sflag:$0x3], $0x1, s25, s12, $0xb8;
	[tilespmem:$0x2980] =	vst v63  }
0x29: {  	_ =	swait.ge [sflag:s11], $0x80  }
0x2a: {  	[sflag:s11] =	ssyncset.done $0x0  }
0x2b: {  	[sflag:s11] =	ssyncadd.s32 $0xFFFFFF80  }
0x2c: {  	[spmem:s1] =	stream.indirect.scatter.add.f32 [tilespmem:s13], [sflag:$0x3], $0x1, s26, s12, $0xb8;
	[tilespmem:$0x2980] =	vst v63  }
0x2d: {  	_ =	swait.ge [sflag:s11], $0x80  }
0x2e: {  	[sflag:s11] =	ssyncset.done $0x0  }
0x2f: {  	[sflag:s11] =	ssyncadd.s32 $0xFFFFFF80  }
0x30: {  	[spmem:s1] =	stream.indirect.scatter.add.f32 [tilespmem:s13], [sflag:$0x3], $0x1, s24, s12, $0xb8;
	[tilespmem:$0x2980] =	vst v63  }
0x31: {  	_ =	swait.ge [sflag:s11], $0x80  }
0x32: {  	[sflag:s11] =	ssyncset.done $0x0  }
0x33: {  	[sflag:s11] =	ssyncadd.s32 $0xFFFFFF80  }
0x34: {  	[spmem:s1] =	stream.indirect.scatter.add.f32 [tilespmem:s13], [sflag:$0x3], $0x1, s23, s12, $0xb8;
	[tilespmem:$0x2980] =	vst v63  }
0x35: {  	_ =	swait.ge [sflag:s11], $0x80  }
0x36: {  	[sflag:s11] =	ssyncset.done $0x0  }
0x37: {  	[sflag:s11] =	ssyncadd.s32 $0xFFFFFF80  }
.LBB2_8:
0x38: {  	s22 =	sadd.s32 $0x1, s22  }
0x39: {  	p2 =	sne.s32 s22, s9  }
.Ltmp1:
0x3a: {  	[bflag:$0x0] =	sbarrier.arrive $0xFFFF;
	(pc) =	sbr.rel @!p2 .LBB2_9-.Ltmp1, $4  }
0x3b: {  	[hbm:s8@s20], [sflag:s18] =	dma.strided [spmem:s19@s21], $0x50, s14, $0x10   }
0x3c: {  	_ =	swait.ge [sflag:s11], $0x50  }
0x3d: {  	[sflag:s11] =	ssyncset.done $0x0  }
0x3e: {  	[sflag:s11] =	ssyncadd.s32 $0xFFFFFFB0  }
.LBB2_1:
0x3f: {  	[tilespmem:$0x2480] =	vst v0  }
0x40: {  	[tilespmem:$0x2490] =	vst v0  }
0x41: {  	[tilespmem:$0x24A0] =	vst v0  }
0x42: {  	[tilespmem:$0x24B0] =	vst v0  }
0x43: {  	[tilespmem:$0x24C0] =	vst v0  }
0x44: {  	[tilespmem:$0x24D0] =	vst v0  }
0x45: {  	[tilespmem:$0x24E0] =	vst v0  }
0x46: {  	[tilespmem:$0x24F0] =	vst v0  }
0x47: {  	[tilespmem:$0x2500] =	vst v0  }
0x48: {  	[tilespmem:$0x2510] =	vst v0  }
0x49: {  	[tilespmem:$0x2520] =	vst v0  }
0x4a: {  	[tilespmem:$0x2530] =	vst v0  }
0x4b: {  	[tilespmem:$0x2540] =	vst v0  }
0x4c: {  	[tilespmem:$0x2550] =	vst v0  }
0x4d: {  	[tilespmem:$0x2560] =	vst v0  }
0x4e: {  	[tilespmem:$0x2570] =	vst v0  }
0x4f: {  	[tilespmem:$0x2580] =	vst v0  }
0x50: {  	[tilespmem:$0x2590] =	vst v0  }
0x51: {  	[tilespmem:$0x25A0] =	vst v0  }
0x52: {  	[tilespmem:$0x25B0] =	vst v0  }
0x53: {  	[tilespmem:$0x25C0] =	vst v0  }
0x54: {  	[tilespmem:$0x25D0] =	vst v0  }
0x55: {  	[tilespmem:$0x25E0] =	vst v0  }
0x56: {  	[tilespmem:$0x25F0] =	vst v0  }
0x57: {  	[tilespmem:$0x2600] =	vst v0  }
0x58: {  	[tilespmem:$0x2610] =	vst v0  }
0x59: {  	[tilespmem:$0x2620] =	vst v0  }
0x5a: {  	[tilespmem:$0x2630] =	vst v0  }
0x5b: {  	[tilespmem:$0x2640] =	vst v0  }
0x5c: {  	[tilespmem:$0x2650] =	vst v0  }
0x5d: {  	[tilespmem:$0x2660] =	vst v0  }
0x5e: {  	[tilespmem:$0x2670] =	vst v0  }
0x5f: {  	[tilespmem:$0x2680] =	vst v0  }
0x60: {  	[tilespmem:$0x2690] =	vst v0  }
0x61: {  	[tilespmem:$0x26A0] =	vst v0  }
0x62: {  	[tilespmem:$0x26B0] =	vst v0  }
0x63: {  	[tilespmem:$0x26C0] =	vst v0  }
0x64: {  	[tilespmem:$0x26D0] =	vst v0  }
0x65: {  	[tilespmem:$0x26E0] =	vst v0  }
0x66: {  	[tilespmem:$0x26F0] =	vst v0  }
0x67: {  	[tilespmem:$0x2400] =	vst v1  }
0x68: {  	[tilespmem:$0x2410] =	vst v1  }
0x69: {  	[tilespmem:$0x2420] =	vst v1  }
0x6a: {  	[tilespmem:$0x2430] =	vst v1  }
0x6b: {  	[tilespmem:$0x2440] =	vst v1  }
0x6c: {  	[tilespmem:$0x2450] =	vst v1  }
0x6d: {  	[tilespmem:$0x2460] =	vst v1  }
0x6e: {  	[tilespmem:$0x2470] =	vst v1  }
0x6f: {  	[spmem:s4] =	stream.linear.scatter [tilespmem:s10], [sflag:$0x3], $0x280, $0x38;
	[tilespmem:$0x2980] =	vst v63  }
0x70: {  	_ =	swait.ge [sflag:s11], $0x280  }
0x71: {  	[sflag:s11] =	ssyncset.done $0x0  }
0x72: {  	[sflag:s11] =	ssyncadd.s32 $0xFFFFFD80  }
0x73: {  	[tilespmem:s3], [sflag:$0x3] =	stream.linear.gather [hbm4b:s5+s3], $0x2400, $0x38;
	[tilespmem:$0x2980] =	vst v63  }
0x74: {  	_ =	swait.ge [sflag:s11], $0x2400  }
0x75: {  	[sflag:s11] =	ssyncset.done $0x0  }
0x76: {  	[sflag:s11] =	ssyncadd.s32 $0xFFFFDC00  }
0x77: {  	s23 =	simm.s32 $0x0;
	[bflag:$0x0] =	sbarrier.arrive $0xFFFF  }
0x78: {  	[spmem:s1] =	stream.indirect.scatter.add.f32 [tilespmem:s13], [sflag:$0x1], $0x1, s23, s12, $0xb8;
	[tilespmem:$0x2980] =	vst v63  }
0x79: {  	s31 =	simm.s32 $0x80  }
0x7a: {  	[spmem:s1] =	stream.indirect.scatter.add.f32 [tilespmem:s13], [sflag:$0x2], $0x1, s31, s12, $0xb8;
	[tilespmem:$0x2980] =	vst v63  }
0x7b: {  	_ =	swait.ge [sflag:s14], $0x80  }
0x7c: {  	[sflag:s14] =	ssyncset.done $0x0  }
0x7d: {  	[sflag:s14] =	ssyncadd.s32 $0xFFFFFF80  }
0x7e: {  	_ =	swait.ge [sflag:s15], $0x80  }
0x7f: {  	s24 =	simm.s32 $0x800;
	s23 =	simm.s32 $0x400;
	[sflag:s15] =	ssyncset.done $0x0  }
.LBB2_2:
0x80: {  	s25 =	sshra.s32 s23, $0x2  }
0x81: {  	[sflag:s15] =	ssyncadd.s32 $0xFFFFFF80;
	s23 =	smov.u32 s24;
	s26 =	sadd.s32 $0x400, s24  }
0x82: {  	[spmem:s1] =	stream.indirect.scatter.add.f32 [tilespmem:s13], [sflag:$0x1], $0x1, s25, s12, $0xb8;
	[tilespmem:$0x2980] =	vst v63  }
0x83: {  	p2 =	sne.s32 s24, $0x8C00;
	s24 =	sadd.s32 $0x80, s25  }
0x84: {  	[spmem:s1] =	stream.indirect.scatter.add.f32 [tilespmem:s13], [sflag:$0x2], $0x1, s24, s12, $0xb8;
	[tilespmem:$0x2980] =	vst v63  }
.Ltmp2:
0x85: {  	_ =	swait.ge [sflag:s14], $0x80;
	(pc) =	sbr.rel @p2 .LBB2_2-.Ltmp2, $4  }
0x86: {  	[sflag:s14] =	ssyncset.done $0x0  }
0x87: {  	[sflag:s14] =	ssyncadd.s32 $0xFFFFFF80  }
0x88: {  	_ =	swait.ge [sflag:s15], $0x80  }
0x89: {  	s24 =	smov.u32 s26;
	[sflag:s15] =	ssyncset.done $0x0  }
0x8a: {  	s23 =	sshra.s32 s23, $0x2;
	[sflag:s15] =	ssyncadd.s32 $0xFFFFFF80  }
0x8b: {  	[spmem:s1] =	stream.indirect.scatter.add.f32 [tilespmem:s13], [sflag:$0x1], $0x1, s23, s12, $0xb8;
	[tilespmem:$0x2980] =	vst v63  }
0x8c: {  	s23 =	sadd.s32 $0x80, s23  }
0x8d: {  	[spmem:s1] =	stream.indirect.scatter.add.f32 [tilespmem:s13], [sflag:$0x2], $0x1, s23, s12, $0xb8;
	[tilespmem:$0x2980] =	vst v63  }
0x8e: {  	_ =	swait.ge [sflag:s14], $0x80  }
.Ltmp3:
0x8f: {  	[sflag:s14] =	ssyncset.done $0x0;
	(pc) =	sbr.rel @!p0 .LBB2_4-.Ltmp3, $4  }
0x90: {  	[sflag:s14] =	ssyncadd.s32 $0xFFFFFF80  }
0x91: {  	_ =	swait.ge [sflag:s15], $0x80  }
0x92: {  	[sflag:s15] =	ssyncset.done $0x0  }
0x93: {  	[sflag:s15] =	ssyncadd.s32 $0xFFFFFF80  }
.Ltmp4:
0x94: {  	(pc) =	sbr.rel @p1 .LBB2_8-.Ltmp4, $1  }
0x95: {  	_ =	sdelay $0x3  }
.Ltmp5:
0x96: {  	s25 =	simm.s32 $0x0;
	(pc) =	sbr.rel .LBB2_7-.Ltmp5, $4  }
0x97: {  	[tilespmem:s25], [sflag:$0x3] =	stream.linear.gather [hbm4b:s6+s25], $0x200, $0x38;
	[tilespmem:$0x2980] =	vst v63  }
0x98: {  	_ =	swait.ge [sflag:s11], $0x200  }
0x99: {  	s23 =	simm.s32 $0x180;
	[sflag:s11] =	ssyncset.done $0x0  }
0x9a: {  	s24 =	simm.s32 $0x100;
	s26 =	simm.s32 $0x80;
	[sflag:s11] =	ssyncadd.s32 $0xFFFFFE00  }
.LBB2_9:
0x9b: {  	_ =	sfence.sel $0x180000  }
0x9c: {  	[bflag:$0x0] =	sbarrier.arrive $0xFFFF  }
0x9d: {  	p0 =	sne.s32 s2, $0x0;
	_ =	strace $0x90000047  }
0x9e: {  	s0 =	sadd.s32 @!p0 $0x100000, s0;
	[bflag:$0x2] =	sbarrier.arrive $0xFFFF  }
0x9f: {  	[sflag:s0] =	ssyncadd.tile.s32 @!p0 $0x1;
	_ =	shalt  }
.Lfunc_end2:
_tile_overlayer_lowered:
.L_overlay_start_2:
0xa0: {  	(tag) =	ssettag $0x2  }
0xa1: {  	s0 =	rddreg [dreg:$0x0];
	s2 =	stileid.u32  }
0xa2: {  	s1 =	rddreg [dreg:$0x1];
	p0 =	sne.s32 s2, $0x0  }
0xa3: {  	s3 =	rddreg [dreg:$0x2];
	[bflag:$0x3] =	sbarrier.arrive $0xFFFF;
	s2 =	simm.s32 @!p0 $0x1C03  }
0xa4: {  	[timem:s3], [sflag:s2] =	dma.local @!p0 [hbm:s0], s1  }
0xa5: {  	s0 =	simm.s32 @!p0 $0x3  }
0xa6: {  	_ =	swait.ge @!p0 [sflag:s0], s1  }
0xa7: {  	s1 =	ssub.s32 @!p0 $0x0, s1;
	[sflag:s0] =	ssyncset.done @!p0 $0x0  }
0xa8: {  	[sflag:s0] =	ssyncadd.s32 @!p0 s1  }
0xa9: {  	[bflag:$0x3] =	sbarrier.arrive $0xFFFF  }
0xaa: {  	_ =	shalt  }

</sc_bundles>
